<compile_context>
chip_gen: v7x
topology: tpu7x:2x2x1
jax: 0.10.2.dev20260603
libtpu: 0.0.44.dev20260713+nightly
codegen_flags: <defaults>
</compile_context>

<pallas_src>
import functools

import jax
import jax.numpy as jnp
from jax import lax
from jax.experimental import pallas as pl
from jax.experimental.pallas import tpu as pltpu
from jax.experimental.pallas import tpu_sc as plsc

N_NODES = 10000
N_EDGES = 320000
ND = 128
NLAYERS = 3
EPS_BN = 1e-5

NC = 2
NS = 16
HD = ND // NC
CHUNK = 128
CHUNKS_PER_TILE = 158
E_PAD = NS * CHUNKS_PER_TILE * CHUNK
ACC_ROWS = 10112
ROWS_PER_TILE = ACC_ROWS // NS


def _agg_body(h_hbm, src_hbm, dst_hbm, out_hbm,
              acc_sh, src_v, dst_v, buf0, buf1, *gsems):
    H = CHUNK // 8
    c = lax.axis_index("c")
    s = lax.axis_index("s")

    pltpu.sync_copy(src_hbm.at[c, s], src_v)
    pltpu.sync_copy(dst_hbm.at[s], dst_v)

    def zrow(r, carry):
        for jj in range(HD // 16):
            buf0[r, pl.ds(jj * 16, 16)] = jnp.zeros((16,), jnp.float32)
        return carry
    lax.fori_loop(0, CHUNK, zrow, 0)
    base = s * ROWS_PER_TILE
    for k in range(ROWS_PER_TILE // CHUNK):
        pltpu.sync_copy(buf0, acc_sh.at[pl.ds(base + k * CHUNK, CHUNK)])
    rem = ROWS_PER_TILE % CHUNK
    if rem:
        pltpu.sync_copy(buf0.at[pl.ds(0, rem)],
                        acc_sh.at[pl.ds(base + ROWS_PER_TILE - rem, rem)])
    plsc.subcore_barrier()

    def issue(j, buf, sems):
        for q in range(8):
            pltpu.async_copy(h_hbm.at[src_v.at[j, pl.ds(q * H, H)]],
                             buf.at[pl.ds(q * H, H)], sems[q])

    def drain(j, buf, sems):
        for q in range(8):
            pltpu.make_async_copy(h_hbm.at[src_v.at[j, pl.ds(q * H, H)]],
                                  buf.at[pl.ds(q * H, H)], sems[q]).wait()

    sems0 = gsems[:8]
    sems1 = gsems[8:]
    issue(0, buf0, sems0)
    issue(1, buf1, sems1)

    def body(i, carry):
        j0 = 2 * i
        drain(j0, buf0, sems0)
        pltpu.sync_copy(buf0, acc_sh.at[dst_v.at[j0]], add=True)
        issue(j0 + 2, buf0, sems0)
        j1 = j0 + 1
        drain(j1, buf1, sems1)
        pltpu.sync_copy(buf1, acc_sh.at[dst_v.at[j1]], add=True)
        issue(j1 + 2, buf1, sems1)
        return carry
    lax.fori_loop(0, CHUNKS_PER_TILE // 2, body, 0)

    drain(CHUNKS_PER_TILE, buf0, sems0)
    drain(CHUNKS_PER_TILE + 1, buf1, sems1)
    plsc.subcore_barrier()

    pltpu.sync_copy(acc_sh.at[pl.ds(base, ROWS_PER_TILE)],
                    out_hbm.at[c, pl.ds(base, ROWS_PER_TILE)])


@functools.cache
def _agg_kernel():
    return pl.kernel(
        _agg_body,
        out_type=jax.ShapeDtypeStruct((NC, ACC_ROWS, HD), jnp.float32),
        mesh=plsc.VectorSubcoreMesh(core_axis_name="c", subcore_axis_name="s",
                                    num_cores=NC, num_subcores=NS),
        compiler_params=pltpu.CompilerParams(use_tc_tiling_on_sc=False),
        scratch_types=(
            [pltpu.VMEM_SHARED((ACC_ROWS, HD), jnp.float32)]
            + [pltpu.VMEM((CHUNKS_PER_TILE + 2, CHUNK), jnp.int32),
               pltpu.VMEM((CHUNKS_PER_TILE, CHUNK), jnp.int32)]
            + [pltpu.VMEM((CHUNK, HD), jnp.float32)] * 2
            + [pltpu.SemaphoreType.DMA] * 16
        ),
    )


def _dense_body(h_ref, agg_ref, w_ref, b_ref, g_ref, be_ref, o_ref):
    agg = jnp.concatenate(
        [agg_ref[0, :N_NODES, :], agg_ref[1, :N_NODES, :]], axis=1)
    hsum = h_ref[...] + agg
    z = jnp.dot(hsum, w_ref[...], preferred_element_type=jnp.float32) + b_ref[...]
    mean = jnp.mean(z, axis=0, keepdims=True)
    zc = z - mean
    var = jnp.mean(zc * zc, axis=0, keepdims=True)
    out = zc * lax.rsqrt(var + EPS_BN) * g_ref[...] + be_ref[...]
    o_ref[...] = jnp.maximum(out, 0.0)


_dense_kernel = pl.pallas_call(
    _dense_body,
    out_shape=jax.ShapeDtypeStruct((N_NODES, ND), jnp.float32),
)


def kernel(x, edge_index, Ws, bs, gammas, betas):
    src = edge_index[0].astype(jnp.int32)
    dst = edge_index[1].astype(jnp.int32)
    pad = E_PAD - N_EDGES
    src_p = jnp.concatenate([src, jnp.zeros((pad,), jnp.int32)])
    dst_p = jnp.concatenate([dst, jnp.full((pad,), N_NODES, jnp.int32)])
    src_slabs = jnp.stack(
        [(2 * src_p).reshape(NS, CHUNKS_PER_TILE, CHUNK),
         (2 * src_p + 1).reshape(NS, CHUNKS_PER_TILE, CHUNK)])
    src_slabs = jnp.concatenate(
        [src_slabs, jnp.zeros((NC, NS, 2, CHUNK), jnp.int32)], axis=2)
    dst_slabs = dst_p.reshape(NS, CHUNKS_PER_TILE, CHUNK)

    h = x
    for l in range(NLAYERS):
        h2 = h.reshape(NC * N_NODES, HD)
        agg = _agg_kernel()(h2, src_slabs, dst_slabs)
        h = _dense_kernel(h, agg, Ws[l], bs[l].reshape(1, ND),
                          gammas[l].reshape(1, ND), betas[l].reshape(1, ND))
    return h

# --- scband reference (transcript-rebuilt; emitter-appended) ---
"""Pipeline reference for scband-graph-net-72653666779609 (READ-ONLY COPY).

The authoritative reference and input builder live on the scoring server;
editing this copy changes nothing except your own understanding.
"""

import jax, jax.numpy as jnp
import numpy as np

N_NODES = 10000
N_EDGES = 320000
ND = 128
NLAYERS = 3
EPS_BN = 1e-5


def setup_inputs(seed: int = 0) -> dict:
    key = jax.random.key(seed)
    k_x, k_ei, k_w, k_b, k_g, k_be = jax.random.split(key, 6)
    x = jax.random.normal(k_x, (N_NODES, ND), dtype=jnp.float32)
    edge_index = jax.random.randint(k_ei, (2, N_EDGES), 0, N_NODES, dtype=jnp.int64)
    # GIN layer linear weights (Linear(nd, nd)) per layer, stacked
    Ws = jax.random.normal(k_w, (NLAYERS, ND, ND), dtype=jnp.float32) * (1.0 / np.sqrt(ND))
    bs = jax.random.normal(k_b, (NLAYERS, ND), dtype=jnp.float32) * 0.01
    # BatchNorm affine params per layer
    gammas = jnp.ones((NLAYERS, ND), dtype=jnp.float32) + 0.01 * jax.random.normal(k_g, (NLAYERS, ND), dtype=jnp.float32)
    betas = 0.01 * jax.random.normal(k_be, (NLAYERS, ND), dtype=jnp.float32)
    return {"x": x, "edge_index": edge_index, "Ws": Ws, "bs": bs, "gammas": gammas, "betas": betas}


def _gin_conv(x, src, dst, W, b):
    # GINConv with nn = Linear(nd, nd), eps = 0 (default), aggr='add':
    #   out = Linear((1 + eps) * x_i + sum_{j in N(i)} x_j)
    msgs = jnp.take(x, src, axis=0)
    agg = jnp.zeros_like(x).at[dst].add(msgs)
    h = x + agg
    return h @ W + b


def _batch_norm(h, gamma, beta):
    # PyG BatchNorm == BatchNorm1d over nodes, training-mode batch stats,
    # biased variance for normalization
    mean = jnp.mean(h, axis=0)
    var = jnp.var(h, axis=0)
    return (h - mean) / jnp.sqrt(var + EPS_BN) * gamma + beta


def reference(x, edge_index, Ws, bs, gammas, betas):
    src = edge_index[0]
    dst = edge_index[1]
    h = x
    for l in range(NLAYERS):
        h = _gin_conv(h, src, dst, Ws[l], bs[l])
        h = _batch_norm(h, gammas[l], betas[l])
        h = jax.nn.relu(h)
    return h

if __name__ == "__main__":
    import jax
    _d = setup_inputs()
    print(jax.jit(kernel)(*tuple(_d.values())))

</pallas_src>

<mosaic_0001>
#map = affine_map<(d0, d1) -> (0, 0)>
#map1 = affine_map<(d0, d1) -> (0, 0, 0, 0)>
#map2 = affine_map<(d0, d1) -> (0, 0, 0)>
module attributes {stable_mosaic.version = 14 : i64} {
  func.func @_agg_body(%arg0: i32, %arg1: i32, %arg2: memref<20000x64xf32, #tpu.memory_space<hbm>>, %arg3: memref<2x16x160x128xi32, #tpu.memory_space<hbm>>, %arg4: memref<16x158x128xi32, #tpu.memory_space<hbm>>, %arg5: memref<2x10112x64xf32, #tpu.memory_space<hbm>>, %arg6: memref<10112x64xf32, #tpu.memory_space<vmem_shared>>, %arg7: memref<160x128xi32, #tpu.memory_space<vmem>>, %arg8: memref<158x128xi32, #tpu.memory_space<vmem>>, %arg9: memref<128x64xf32, #tpu.memory_space<vmem>>, %arg10: memref<128x64xf32, #tpu.memory_space<vmem>>, %arg11: memref<!tpu.dma_semaphore, #tpu.memory_space<semaphore_mem>>, %arg12: memref<!tpu.dma_semaphore, #tpu.memory_space<semaphore_mem>>, %arg13: memref<!tpu.dma_semaphore, #tpu.memory_space<semaphore_mem>>, %arg14: memref<!tpu.dma_semaphore, #tpu.memory_space<semaphore_mem>>, %arg15: memref<!tpu.dma_semaphore, #tpu.memory_space<semaphore_mem>>, %arg16: memref<!tpu.dma_semaphore, #tpu.memory_space<semaphore_mem>>, %arg17: memref<!tpu.dma_semaphore, #tpu.memory_space<semaphore_mem>>, %arg18: memref<!tpu.dma_semaphore, #tpu.memory_space<semaphore_mem>>, %arg19: memref<!tpu.dma_semaphore, #tpu.memory_space<semaphore_mem>>, %arg20: memref<!tpu.dma_semaphore, #tpu.memory_space<semaphore_mem>>, %arg21: memref<!tpu.dma_semaphore, #tpu.memory_space<semaphore_mem>>, %arg22: memref<!tpu.dma_semaphore, #tpu.memory_space<semaphore_mem>>, %arg23: memref<!tpu.dma_semaphore, #tpu.memory_space<semaphore_mem>>, %arg24: memref<!tpu.dma_semaphore, #tpu.memory_space<semaphore_mem>>, %arg25: memref<!tpu.dma_semaphore, #tpu.memory_space<semaphore_mem>>, %arg26: memref<!tpu.dma_semaphore, #tpu.memory_space<semaphore_mem>>) attributes {dimension_semantics = [#tpu.dimension_semantics<core_parallel>, #tpu.dimension_semantics<subcore_parallel>], iteration_bounds = array<i64: 2, 16>, scalar_prefetch = 0 : i64, scratch_operands = 21 : i64, tpu.core_type = #tpu.core_type<sc_vector_subcore>, window_params = [{transform_indices = #map}, {transform_indices = #map1}, {transform_indices = #map2}, {transform_indices = #map2}]} {
    "tpu.region"() ({
      %run_scoped3A = tpu.sem_alloc : memref<!tpu.dma_semaphore, #tpu.memory_space<semaphore_mem>>
      %dma_start3A_341 = arith.constant 0 : i32
      %dma_start3A_342 = arith.constant 0 : i32
      %dma_start3A_343 = tpu.memref_slice %arg3[%arg0, %arg1, %dma_start3A_341, %dma_start3A_342] : memref<2x16x160x128xi32, #tpu.memory_space<hbm>> -> memref<1x1x160x128xi32, #tpu.memory_space<hbm>>
      %dma_start3A_344 = tpu.memref_squeeze %dma_start3A_343 : memref<1x1x160x128xi32, #tpu.memory_space<hbm>> -> memref<160x128xi32, #tpu.memory_space<hbm>>
      %dma_start3A_345 = arith.constant 0 : i32
      %dma_start3A_346 = arith.constant 0 : i32
      %dma_start3A_347 = tpu.memref_slice %arg3[%arg0, %arg1, %dma_start3A_345, %dma_start3A_346] : memref<2x16x160x128xi32, #tpu.memory_space<hbm>> -> memref<1x1x160x128xi32, #tpu.memory_space<hbm>>
      %dma_start3A_348 = tpu.memref_squeeze %dma_start3A_347 : memref<1x1x160x128xi32, #tpu.memory_space<hbm>> -> memref<160x128xi32, #tpu.memory_space<hbm>>
      tpu.enqueue_dma source(%dma_start3A_348 : memref<160x128xi32, #tpu.memory_space<hbm>>) target(%arg7 : memref<160x128xi32, #tpu.memory_space<vmem>>) target_semaphore(%run_scoped3A : memref<!tpu.dma_semaphore, #tpu.memory_space<semaphore_mem>>)
      %dma_wait3A_349 = arith.constant 0 : i32
      %dma_wait3A_350 = arith.constant 0 : i32
      %dma_wait3A_351 = tpu.memref_slice %arg3[%arg0, %arg1, %dma_wait3A_349, %dma_wait3A_350] : memref<2x16x160x128xi32, #tpu.memory_space<hbm>> -> memref<1x1x160x128xi32, #tpu.memory_space<hbm>>
      %dma_wait3A_352 = tpu.memref_squeeze %dma_wait3A_351 : memref<1x1x160x128xi32, #tpu.memory_space<hbm>> -> memref<160x128xi32, #tpu.memory_space<hbm>>
      %dma_wait3A_353 = arith.constant 0 : i32
      %dma_wait3A_354 = arith.constant 0 : i32
      %dma_wait3A_355 = tpu.memref_slice %arg3[%arg0, %arg1, %dma_wait3A_353, %dma_wait3A_354] : memref<2x16x160x128xi32, #tpu.memory_space<hbm>> -> memref<1x1x160x128xi32, #tpu.memory_space<hbm>>
      %dma_wait3A_356 = tpu.memref_squeeze %dma_wait3A_355 : memref<1x1x160x128xi32, #tpu.memory_space<hbm>> -> memref<160x128xi32, #tpu.memory_space<hbm>>
      tpu.wait_dma2 semaphore(%run_scoped3A : memref<!tpu.dma_semaphore, #tpu.memory_space<semaphore_mem>>) src(%dma_wait3A_356 : memref<160x128xi32, #tpu.memory_space<hbm>>) dst(%arg7 : memref<160x128xi32, #tpu.memory_space<vmem>>)
      tpu.yield
    }) : () -> ()
    "tpu.region"() ({
      %run_scoped3A = tpu.sem_alloc : memref<!tpu.dma_semaphore, #tpu.memory_space<semaphore_mem>>
      %dma_start3A_341 = arith.constant 0 : i32
      %dma_start3A_342 = arith.constant 0 : i32
      %dma_start3A_343 = tpu.memref_slice %arg4[%arg1, %dma_start3A_341, %dma_start3A_342] : memref<16x158x128xi32, #tpu.memory_space<hbm>> -> memref<1x158x128xi32, #tpu.memory_space<hbm>>
      %dma_start3A_344 = tpu.memref_squeeze %dma_start3A_343 : memref<1x158x128xi32, #tpu.memory_space<hbm>> -> memref<158x128xi32, #tpu.memory_space<hbm>>
      %dma_start3A_345 = arith.constant 0 : i32
      %dma_start3A_346 = arith.constant 0 : i32
      %dma_start3A_347 = tpu.memref_slice %arg4[%arg1, %dma_start3A_345, %dma_start3A_346] : memref<16x158x128xi32, #tpu.memory_space<hbm>> -> memref<1x158x128xi32, #tpu.memory_space<hbm>>
      %dma_start3A_348 = tpu.memref_squeeze %dma_start3A_347 : memref<1x158x128xi32, #tpu.memory_space<hbm>> -> memref<158x128xi32, #tpu.memory_space<hbm>>
      tpu.enqueue_dma source(%dma_start3A_348 : memref<158x128xi32, #tpu.memory_space<hbm>>) target(%arg8 : memref<158x128xi32, #tpu.memory_space<vmem>>) target_semaphore(%run_scoped3A : memref<!tpu.dma_semaphore, #tpu.memory_space<semaphore_mem>>)
      %dma_wait3A_349 = arith.constant 0 : i32
      %dma_wait3A_350 = arith.constant 0 : i32
      %dma_wait3A_351 = tpu.memref_slice %arg4[%arg1, %dma_wait3A_349, %dma_wait3A_350] : memref<16x158x128xi32, #tpu.memory_space<hbm>> -> memref<1x158x128xi32, #tpu.memory_space<hbm>>
      %dma_wait3A_352 = tpu.memref_squeeze %dma_wait3A_351 : memref<1x158x128xi32, #tpu.memory_space<hbm>> -> memref<158x128xi32, #tpu.memory_space<hbm>>
      %dma_wait3A_353 = arith.constant 0 : i32
      %dma_wait3A_354 = arith.constant 0 : i32
      %dma_wait3A_355 = tpu.memref_slice %arg4[%arg1, %dma_wait3A_353, %dma_wait3A_354] : memref<16x158x128xi32, #tpu.memory_space<hbm>> -> memref<1x158x128xi32, #tpu.memory_space<hbm>>
      %dma_wait3A_356 = tpu.memref_squeeze %dma_wait3A_355 : memref<1x158x128xi32, #tpu.memory_space<hbm>> -> memref<158x128xi32, #tpu.memory_space<hbm>>
      tpu.wait_dma2 semaphore(%run_scoped3A : memref<!tpu.dma_semaphore, #tpu.memory_space<semaphore_mem>>) src(%dma_wait3A_356 : memref<158x128xi32, #tpu.memory_space<hbm>>) dst(%arg8 : memref<158x128xi32, #tpu.memory_space<vmem>>)
      tpu.yield
    }) : () -> ()
    %scan3A = arith.constant 0 : i32
    %scan3A_0 = arith.constant 0 : i32
    %scan3A_1 = arith.constant 128 : i32
    %scan3A_2 = arith.addi %scan3A_0, %scan3A_1 : i32
    %scan3A_3 = arith.constant 1 : i32
    scf.for %scan3A_341 = %scan3A_0 to %scan3A_2 step %scan3A_3  : i32 {
      %broadcast_in_dim3A = arith.constant 0.000000e+00 : f32
      %broadcast_in_dim3A_342 = vector.broadcast %broadcast_in_dim3A : f32 to vector<16xf32>
      %swap3A = arith.index_cast %scan3A_341 : i32 to index
      %swap3A_343 = arith.constant 0 : index
      %swap3A_344 = tpu.vector_load %arg9[%swap3A, %swap3A_343] {strides = array<i32>} : memref<128x64xf32, #tpu.memory_space<vmem>>, vector<1x16xf32>,
      %swap3A_345 = vector.shape_cast %swap3A_344 : vector<1x16xf32> to vector<16xf32>
      %swap3A_346 = vector.shape_cast %broadcast_in_dim3A_342 : vector<16xf32> to vector<1x16xf32>
      tpu.vector_store %arg9[%swap3A, %swap3A_343], %swap3A_346 {strides = array<i32>} : memref<128x64xf32, #tpu.memory_space<vmem>>, vector<1x16xf32>,
      %broadcast_in_dim3A_347 = arith.constant 0.000000e+00 : f32
      %broadcast_in_dim3A_348 = vector.broadcast %broadcast_in_dim3A_347 : f32 to vector<16xf32>
      %swap3A_349 = arith.index_cast %scan3A_341 : i32 to index
      %swap3A_350 = arith.constant 16 : index
      %swap3A_351 = tpu.vector_load %arg9[%swap3A_349, %swap3A_350] {strides = array<i32>} : memref<128x64xf32, #tpu.memory_space<vmem>>, vector<1x16xf32>,
      %swap3A_352 = vector.shape_cast %swap3A_351 : vector<1x16xf32> to vector<16xf32>
      %swap3A_353 = vector.shape_cast %broadcast_in_dim3A_348 : vector<16xf32> to vector<1x16xf32>
      tpu.vector_store %arg9[%swap3A_349, %swap3A_350], %swap3A_353 {strides = array<i32>} : memref<128x64xf32, #tpu.memory_space<vmem>>, vector<1x16xf32>,
      %broadcast_in_dim3A_354 = arith.constant 0.000000e+00 : f32
      %broadcast_in_dim3A_355 = vector.broadcast %broadcast_in_dim3A_354 : f32 to vector<16xf32>
      %swap3A_356 = arith.index_cast %scan3A_341 : i32 to index
      %swap3A_357 = arith.constant 32 : index
      %swap3A_358 = tpu.vector_load %arg9[%swap3A_356, %swap3A_357] {strides = array<i32>} : memref<128x64xf32, #tpu.memory_space<vmem>>, vector<1x16xf32>,
      %swap3A_359 = vector.shape_cast %swap3A_358 : vector<1x16xf32> to vector<16xf32>
      %swap3A_360 = vector.shape_cast %broadcast_in_dim3A_355 : vector<16xf32> to vector<1x16xf32>
      tpu.vector_store %arg9[%swap3A_356, %swap3A_357], %swap3A_360 {strides = array<i32>} : memref<128x64xf32, #tpu.memory_space<vmem>>, vector<1x16xf32>,
      %broadcast_in_dim3A_361 = arith.constant 0.000000e+00 : f32
      %broadcast_in_dim3A_362 = vector.broadcast %broadcast_in_dim3A_361 : f32 to vector<16xf32>
      %swap3A_363 = arith.index_cast %scan3A_341 : i32 to index
      %swap3A_364 = arith.constant 48 : index
      %swap3A_365 = tpu.vector_load %arg9[%swap3A_363, %swap3A_364] {strides = array<i32>} : memref<128x64xf32, #tpu.memory_space<vmem>>, vector<1x16xf32>,
      %swap3A_366 = vector.shape_cast %swap3A_365 : vector<1x16xf32> to vector<16xf32>
      %swap3A_367 = vector.shape_cast %broadcast_in_dim3A_362 : vector<16xf32> to vector<1x16xf32>
      tpu.vector_store %arg9[%swap3A_363, %swap3A_364], %swap3A_367 {strides = array<i32>} : memref<128x64xf32, #tpu.memory_space<vmem>>, vector<1x16xf32>,
    }
    %scan3A_4 = arith.constant 128 : i32
    %mul3A = arith.constant 632 : i32
    %mul3A_5 = arith.muli %arg1, %mul3A : i32
    %add3A = arith.constant 0 : i32
    %add3A_6 = arith.addi %mul3A_5, %add3A : i32
    "tpu.region"() ({
      %run_scoped3A = tpu.sem_alloc : memref<!tpu.dma_semaphore, #tpu.memory_space<semaphore_mem>>
      %dma_start3A_341 = arith.constant 0 : i32
      %dma_start3A_342 = tpu.memref_slice %arg6[%add3A_6, %dma_start3A_341] : memref<10112x64xf32, #tpu.memory_space<vmem_shared>> -> memref<128x64xf32, #tpu.memory_space<vmem_shared>>
      %dma_start3A_343 = arith.constant 0 : i32
      %dma_start3A_344 = tpu.memref_slice %arg6[%add3A_6, %dma_start3A_343] : memref<10112x64xf32, #tpu.memory_space<vmem_shared>> -> memref<128x64xf32, #tpu.memory_space<vmem_shared>>
      tpu.enqueue_dma source(%arg9 : memref<128x64xf32, #tpu.memory_space<vmem>>) target(%dma_start3A_344 : memref<128x64xf32, #tpu.memory_space<vmem_shared>>) target_semaphore(%run_scoped3A : memref<!tpu.dma_semaphore, #tpu.memory_space<semaphore_mem>>)
      %dma_wait3A_345 = arith.constant 0 : i32
      %dma_wait3A_346 = tpu.memref_slice %arg6[%add3A_6, %dma_wait3A_345] : memref<10112x64xf32, #tpu.memory_space<vmem_shared>> -> memref<128x64xf32, #tpu.memory_space<vmem_shared>>
      %dma_wait3A_347 = arith.constant 0 : i32
      %dma_wait3A_348 = tpu.memref_slice %arg6[%add3A_6, %dma_wait3A_347] : memref<10112x64xf32, #tpu.memory_space<vmem_shared>> -> memref<128x64xf32, #tpu.memory_space<vmem_shared>>
      tpu.wait_dma2 semaphore(%run_scoped3A : memref<!tpu.dma_semaphore, #tpu.memory_space<semaphore_mem>>) src(%arg9 : memref<128x64xf32, #tpu.memory_space<vmem>>) dst(%dma_wait3A_348 : memref<128x64xf32, #tpu.memory_space<vmem_shared>>)
      tpu.yield
    }) : () -> ()
    %add3A_7 = arith.constant 128 : i32
    %add3A_8 = arith.addi %mul3A_5, %add3A_7 : i32
    "tpu.region"() ({
      %run_scoped3A = tpu.sem_alloc : memref<!tpu.dma_semaphore, #tpu.memory_space<semaphore_mem>>
      %dma_start3A_341 = arith.constant 0 : i32
      %dma_start3A_342 = tpu.memref_slice %arg6[%add3A_8, %dma_start3A_341] : memref<10112x64xf32, #tpu.memory_space<vmem_shared>> -> memref<128x64xf32, #tpu.memory_space<vmem_shared>>
      %dma_start3A_343 = arith.constant 0 : i32
      %dma_start3A_344 = tpu.memref_slice %arg6[%add3A_8, %dma_start3A_343] : memref<10112x64xf32, #tpu.memory_space<vmem_shared>> -> memref<128x64xf32, #tpu.memory_space<vmem_shared>>
      tpu.enqueue_dma source(%arg9 : memref<128x64xf32, #tpu.memory_space<vmem>>) target(%dma_start3A_344 : memref<128x64xf32, #tpu.memory_space<vmem_shared>>) target_semaphore(%run_scoped3A : memref<!tpu.dma_semaphore, #tpu.memory_space<semaphore_mem>>)
      %dma_wait3A_345 = arith.constant 0 : i32
      %dma_wait3A_346 = tpu.memref_slice %arg6[%add3A_8, %dma_wait3A_345] : memref<10112x64xf32, #tpu.memory_space<vmem_shared>> -> memref<128x64xf32, #tpu.memory_space<vmem_shared>>
      %dma_wait3A_347 = arith.constant 0 : i32
      %dma_wait3A_348 = tpu.memref_slice %arg6[%add3A_8, %dma_wait3A_347] : memref<10112x64xf32, #tpu.memory_space<vmem_shared>> -> memref<128x64xf32, #tpu.memory_space<vmem_shared>>
      tpu.wait_dma2 semaphore(%run_scoped3A : memref<!tpu.dma_semaphore, #tpu.memory_space<semaphore_mem>>) src(%arg9 : memref<128x64xf32, #tpu.memory_space<vmem>>) dst(%dma_wait3A_348 : memref<128x64xf32, #tpu.memory_space<vmem_shared>>)
      tpu.yield
    }) : () -> ()
    %add3A_9 = arith.constant 256 : i32
    %add3A_10 = arith.addi %mul3A_5, %add3A_9 : i32
    "tpu.region"() ({
      %run_scoped3A = tpu.sem_alloc : memref<!tpu.dma_semaphore, #tpu.memory_space<semaphore_mem>>
      %dma_start3A_341 = arith.constant 0 : i32
      %dma_start3A_342 = tpu.memref_slice %arg6[%add3A_10, %dma_start3A_341] : memref<10112x64xf32, #tpu.memory_space<vmem_shared>> -> memref<128x64xf32, #tpu.memory_space<vmem_shared>>
      %dma_start3A_343 = arith.constant 0 : i32
      %dma_start3A_344 = tpu.memref_slice %arg6[%add3A_10, %dma_start3A_343] : memref<10112x64xf32, #tpu.memory_space<vmem_shared>> -> memref<128x64xf32, #tpu.memory_space<vmem_shared>>
      tpu.enqueue_dma source(%arg9 : memref<128x64xf32, #tpu.memory_space<vmem>>) target(%dma_start3A_344 : memref<128x64xf32, #tpu.memory_space<vmem_shared>>) target_semaphore(%run_scoped3A : memref<!tpu.dma_semaphore, #tpu.memory_space<semaphore_mem>>)
      %dma_wait3A_345 = arith.constant 0 : i32
      %dma_wait3A_346 = tpu.memref_slice %arg6[%add3A_10, %dma_wait3A_345] : memref<10112x64xf32, #tpu.memory_space<vmem_shared>> -> memref<128x64xf32, #tpu.memory_space<vmem_shared>>
      %dma_wait3A_347 = arith.constant 0 : i32
      %dma_wait3A_348 = tpu.memref_slice %arg6[%add3A_10, %dma_wait3A_347] : memref<10112x64xf32, #tpu.memory_space<vmem_shared>> -> memref<128x64xf32, #tpu.memory_space<vmem_shared>>
      tpu.wait_dma2 semaphore(%run_scoped3A : memref<!tpu.dma_semaphore, #tpu.memory_space<semaphore_mem>>) src(%arg9 : memref<128x64xf32, #tpu.memory_space<vmem>>) dst(%dma_wait3A_348 : memref<128x64xf32, #tpu.memory_space<vmem_shared>>)
      tpu.yield
    }) : () -> ()
    %add3A_11 = arith.constant 384 : i32
    %add3A_12 = arith.addi %mul3A_5, %add3A_11 : i32
    "tpu.region"() ({
      %run_scoped3A = tpu.sem_alloc : memref<!tpu.dma_semaphore, #tpu.memory_space<semaphore_mem>>
      %dma_start3A_341 = arith.constant 0 : i32
      %dma_start3A_342 = tpu.memref_slice %arg6[%add3A_12, %dma_start3A_341] : memref<10112x64xf32, #tpu.memory_space<vmem_shared>> -> memref<128x64xf32, #tpu.memory_space<vmem_shared>>
      %dma_start3A_343 = arith.constant 0 : i32
      %dma_start3A_344 = tpu.memref_slice %arg6[%add3A_12, %dma_start3A_343] : memref<10112x64xf32, #tpu.memory_space<vmem_shared>> -> memref<128x64xf32, #tpu.memory_space<vmem_shared>>
      tpu.enqueue_dma source(%arg9 : memref<128x64xf32, #tpu.memory_space<vmem>>) target(%dma_start3A_344 : memref<128x64xf32, #tpu.memory_space<vmem_shared>>) target_semaphore(%run_scoped3A : memref<!tpu.dma_semaphore, #tpu.memory_space<semaphore_mem>>)
      %dma_wait3A_345 = arith.constant 0 : i32
      %dma_wait3A_346 = tpu.memref_slice %arg6[%add3A_12, %dma_wait3A_345] : memref<10112x64xf32, #tpu.memory_space<vmem_shared>> -> memref<128x64xf32, #tpu.memory_space<vmem_shared>>
      %dma_wait3A_347 = arith.constant 0 : i32
      %dma_wait3A_348 = tpu.memref_slice %arg6[%add3A_12, %dma_wait3A_347] : memref<10112x64xf32, #tpu.memory_space<vmem_shared>> -> memref<128x64xf32, #tpu.memory_space<vmem_shared>>
      tpu.wait_dma2 semaphore(%run_scoped3A : memref<!tpu.dma_semaphore, #tpu.memory_space<semaphore_mem>>) src(%arg9 : memref<128x64xf32, #tpu.memory_space<vmem>>) dst(%dma_wait3A_348 : memref<128x64xf32, #tpu.memory_space<vmem_shared>>)
      tpu.yield
    }) : () -> ()
    %add3A_13 = arith.constant 632 : i32
    %add3A_14 = arith.addi %mul3A_5, %add3A_13 : i32
    %sub3A = arith.constant 120 : i32
    %sub3A_15 = arith.subi %add3A_14, %sub3A : i32
    "tpu.region"() ({
      %run_scoped3A = tpu.sem_alloc : memref<!tpu.dma_semaphore, #tpu.memory_space<semaphore_mem>>
      %dma_start3A_341 = arith.constant 0 : i32
      %dma_start3A_342 = arith.constant 0 : i32
      %dma_start3A_343 = tpu.memref_slice %arg9[%dma_start3A_341, %dma_start3A_342] : memref<128x64xf32, #tpu.memory_space<vmem>> -> memref<120x64xf32, #tpu.memory_space<vmem>>
      %dma_start3A_344 = arith.constant 0 : i32
      %dma_start3A_345 = tpu.memref_slice %arg6[%sub3A_15, %dma_start3A_344] : memref<10112x64xf32, #tpu.memory_space<vmem_shared>> -> memref<120x64xf32, #tpu.memory_space<vmem_shared>>
      %dma_start3A_346 = arith.constant 0 : i32
      %dma_start3A_347 = tpu.memref_slice %arg6[%sub3A_15, %dma_start3A_346] : memref<10112x64xf32, #tpu.memory_space<vmem_shared>> -> memref<120x64xf32, #tpu.memory_space<vmem_shared>>
      %dma_start3A_348 = arith.constant 0 : i32
      %dma_start3A_349 = arith.constant 0 : i32
      %dma_start3A_350 = tpu.memref_slice %arg9[%dma_start3A_348, %dma_start3A_349] : memref<128x64xf32, #tpu.memory_space<vmem>> -> memref<120x64xf32, #tpu.memory_space<vmem>>
      tpu.enqueue_dma source(%dma_start3A_350 : memref<120x64xf32, #tpu.memory_space<vmem>>) target(%dma_start3A_347 : memref<120x64xf32, #tpu.memory_space<vmem_shared>>) target_semaphore(%run_scoped3A : memref<!tpu.dma_semaphore, #tpu.memory_space<semaphore_mem>>)
      %dma_wait3A_351 = arith.constant 0 : i32
      %dma_wait3A_352 = arith.constant 0 : i32
      %dma_wait3A_353 = tpu.memref_slice %arg9[%dma_wait3A_351, %dma_wait3A_352] : memref<128x64xf32, #tpu.memory_space<vmem>> -> memref<120x64xf32, #tpu.memory_space<vmem>>
      %dma_wait3A_354 = arith.constant 0 : i32
      %dma_wait3A_355 = tpu.memref_slice %arg6[%sub3A_15, %dma_wait3A_354] : memref<10112x64xf32, #tpu.memory_space<vmem_shared>> -> memref<120x64xf32, #tpu.memory_space<vmem_shared>>
      %dma_wait3A_356 = arith.constant 0 : i32
      %dma_wait3A_357 = tpu.memref_slice %arg6[%sub3A_15, %dma_wait3A_356] : memref<10112x64xf32, #tpu.memory_space<vmem_shared>> -> memref<120x64xf32, #tpu.memory_space<vmem_shared>>
      %dma_wait3A_358 = arith.constant 0 : i32
      %dma_wait3A_359 = arith.constant 0 : i32
      %dma_wait3A_360 = tpu.memref_slice %arg9[%dma_wait3A_358, %dma_wait3A_359] : memref<128x64xf32, #tpu.memory_space<vmem>> -> memref<120x64xf32, #tpu.memory_space<vmem>>
      tpu.wait_dma2 semaphore(%run_scoped3A : memref<!tpu.dma_semaphore, #tpu.memory_space<semaphore_mem>>) src(%dma_wait3A_360 : memref<120x64xf32, #tpu.memory_space<vmem>>) dst(%dma_wait3A_357 : memref<120x64xf32, #tpu.memory_space<vmem_shared>>)
      tpu.yield
    }) : () -> ()
    %barrier3A = arith.constant 0 : index
    tpu.barrier barrier_id(%barrier3A)
    %dma_start3A = arith.constant 0 : i32
    %dma_start3A_16 = arith.constant 0 : i32
    %dma_start3A_17 = arith.constant 0 : i32
    %dma_start3A_18 = tpu.memref_slice %arg9[%dma_start3A_16, %dma_start3A_17] : memref<128x64xf32, #tpu.memory_space<vmem>> -> memref<16x64xf32, #tpu.memory_space<vmem>>
    %dma_start3A_19 = arith.constant 0 : i32
    %dma_start3A_20 = tpu.memref_slice %arg7[%dma_start3A, %dma_start3A_19] : memref<160x128xi32, #tpu.memory_space<vmem>> -> memref<1x16xi32, #tpu.memory_space<vmem>>
    %dma_start3A_21 = tpu.memref_squeeze %dma_start3A_20 : memref<1x16xi32, #tpu.memory_space<vmem>> -> memref<16xi32, #tpu.memory_space<vmem>>
    %dma_start3A_22 = arith.constant 0 : i32
    %dma_start3A_23 = arith.constant 0 : i32
    %dma_start3A_24 = tpu.memref_slice %arg2[%dma_start3A_22, %dma_start3A_23] : memref<20000x64xf32, #tpu.memory_space<hbm>> -> memref<20000x64xf32, #tpu.memory_space<hbm>>
    tpu.enqueue_indirect_dma source(%dma_start3A_24 : memref<20000x64xf32, #tpu.memory_space<hbm>>) target(%dma_start3A_18 : memref<16x64xf32, #tpu.memory_space<vmem>>) offsets(%dma_start3A_21 : memref<16xi32, #tpu.memory_space<vmem>>) semaphore(%arg11 : memref<!tpu.dma_semaphore, #tpu.memory_space<semaphore_mem>>)
    %dma_start3A_25 = arith.constant 0 : i32
    %dma_start3A_26 = arith.constant 16 : i32
    %dma_start3A_27 = arith.constant 0 : i32
    %dma_start3A_28 = tpu.memref_slice %arg9[%dma_start3A_26, %dma_start3A_27] : memref<128x64xf32, #tpu.memory_space<vmem>> -> memref<16x64xf32, #tpu.memory_space<vmem>>
    %dma_start3A_29 = arith.constant 16 : i32
    %dma_start3A_30 = tpu.memref_slice %arg7[%dma_start3A_25, %dma_start3A_29] : memref<160x128xi32, #tpu.memory_space<vmem>> -> memref<1x16xi32, #tpu.memory_space<vmem>>
    %dma_start3A_31 = tpu.memref_squeeze %dma_start3A_30 : memref<1x16xi32, #tpu.memory_space<vmem>> -> memref<16xi32, #tpu.memory_space<vmem>>
    %dma_start3A_32 = arith.constant 0 : i32
    %dma_start3A_33 = arith.constant 0 : i32
    %dma_start3A_34 = tpu.memref_slice %arg2[%dma_start3A_32, %dma_start3A_33] : memref<20000x64xf32, #tpu.memory_space<hbm>> -> memref<20000x64xf32, #tpu.memory_space<hbm>>
    tpu.enqueue_indirect_dma source(%dma_start3A_34 : memref<20000x64xf32, #tpu.memory_space<hbm>>) target(%dma_start3A_28 : memref<16x64xf32, #tpu.memory_space<vmem>>) offsets(%dma_start3A_31 : memref<16xi32, #tpu.memory_space<vmem>>) semaphore(%arg12 : memref<!tpu.dma_semaphore, #tpu.memory_space<semaphore_mem>>)
    %dma_start3A_35 = arith.constant 0 : i32
    %dma_start3A_36 = arith.constant 32 : i32
    %dma_start3A_37 = arith.constant 0 : i32
    %dma_start3A_38 = tpu.memref_slice %arg9[%dma_start3A_36, %dma_start3A_37] : memref<128x64xf32, #tpu.memory_space<vmem>> -> memref<16x64xf32, #tpu.memory_space<vmem>>
    %dma_start3A_39 = arith.constant 32 : i32
    %dma_start3A_40 = tpu.memref_slice %arg7[%dma_start3A_35, %dma_start3A_39] : memref<160x128xi32, #tpu.memory_space<vmem>> -> memref<1x16xi32, #tpu.memory_space<vmem>>
    %dma_start3A_41 = tpu.memref_squeeze %dma_start3A_40 : memref<1x16xi32, #tpu.memory_space<vmem>> -> memref<16xi32, #tpu.memory_space<vmem>>
    %dma_start3A_42 = arith.constant 0 : i32
    %dma_start3A_43 = arith.constant 0 : i32
    %dma_start3A_44 = tpu.memref_slice %arg2[%dma_start3A_42, %dma_start3A_43] : memref<20000x64xf32, #tpu.memory_space<hbm>> -> memref<20000x64xf32, #tpu.memory_space<hbm>>
    tpu.enqueue_indirect_dma source(%dma_start3A_44 : memref<20000x64xf32, #tpu.memory_space<hbm>>) target(%dma_start3A_38 : memref<16x64xf32, #tpu.memory_space<vmem>>) offsets(%dma_start3A_41 : memref<16xi32, #tpu.memory_space<vmem>>) semaphore(%arg13 : memref<!tpu.dma_semaphore, #tpu.memory_space<semaphore_mem>>)
    %dma_start3A_45 = arith.constant 0 : i32
    %dma_start3A_46 = arith.constant 48 : i32
    %dma_start3A_47 = arith.constant 0 : i32
    %dma_start3A_48 = tpu.memref_slice %arg9[%dma_start3A_46, %dma_start3A_47] : memref<128x64xf32, #tpu.memory_space<vmem>> -> memref<16x64xf32, #tpu.memory_space<vmem>>
    %dma_start3A_49 = arith.constant 48 : i32
    %dma_start3A_50 = tpu.memref_slice %arg7[%dma_start3A_45, %dma_start3A_49] : memref<160x128xi32, #tpu.memory_space<vmem>> -> memref<1x16xi32, #tpu.memory_space<vmem>>
    %dma_start3A_51 = tpu.memref_squeeze %dma_start3A_50 : memref<1x16xi32, #tpu.memory_space<vmem>> -> memref<16xi32, #tpu.memory_space<vmem>>
    %dma_start3A_52 = arith.constant 0 : i32
    %dma_start3A_53 = arith.constant 0 : i32
    %dma_start3A_54 = tpu.memref_slice %arg2[%dma_start3A_52, %dma_start3A_53] : memref<20000x64xf32, #tpu.memory_space<hbm>> -> memref<20000x64xf32, #tpu.memory_space<hbm>>
    tpu.enqueue_indirect_dma source(%dma_start3A_54 : memref<20000x64xf32, #tpu.memory_space<hbm>>) target(%dma_start3A_48 : memref<16x64xf32, #tpu.memory_space<vmem>>) offsets(%dma_start3A_51 : memref<16xi32, #tpu.memory_space<vmem>>) semaphore(%arg14 : memref<!tpu.dma_semaphore, #tpu.memory_space<semaphore_mem>>)
    %dma_start3A_55 = arith.constant 0 : i32
    %dma_start3A_56 = arith.constant 64 : i32
    %dma_start3A_57 = arith.constant 0 : i32
    %dma_start3A_58 = tpu.memref_slice %arg9[%dma_start3A_56, %dma_start3A_57] : memref<128x64xf32, #tpu.memory_space<vmem>> -> memref<16x64xf32, #tpu.memory_space<vmem>>
    %dma_start3A_59 = arith.constant 64 : i32
    %dma_start3A_60 = tpu.memref_slice %arg7[%dma_start3A_55, %dma_start3A_59] : memref<160x128xi32, #tpu.memory_space<vmem>> -> memref<1x16xi32, #tpu.memory_space<vmem>>
    %dma_start3A_61 = tpu.memref_squeeze %dma_start3A_60 : memref<1x16xi32, #tpu.memory_space<vmem>> -> memref<16xi32, #tpu.memory_space<vmem>>
    %dma_start3A_62 = arith.constant 0 : i32
    %dma_start3A_63 = arith.constant 0 : i32
    %dma_start3A_64 = tpu.memref_slice %arg2[%dma_start3A_62, %dma_start3A_63] : memref<20000x64xf32, #tpu.memory_space<hbm>> -> memref<20000x64xf32, #tpu.memory_space<hbm>>
    tpu.enqueue_indirect_dma source(%dma_start3A_64 : memref<20000x64xf32, #tpu.memory_space<hbm>>) target(%dma_start3A_58 : memref<16x64xf32, #tpu.memory_space<vmem>>) offsets(%dma_start3A_61 : memref<16xi32, #tpu.memory_space<vmem>>) semaphore(%arg15 : memref<!tpu.dma_semaphore, #tpu.memory_space<semaphore_mem>>)
    %dma_start3A_65 = arith.constant 0 : i32
    %dma_start3A_66 = arith.constant 80 : i32
    %dma_start3A_67 = arith.constant 0 : i32
    %dma_start3A_68 = tpu.memref_slice %arg9[%dma_start3A_66, %dma_start3A_67] : memref<128x64xf32, #tpu.memory_space<vmem>> -> memref<16x64xf32, #tpu.memory_space<vmem>>
    %dma_start3A_69 = arith.constant 80 : i32
    %dma_start3A_70 = tpu.memref_slice %arg7[%dma_start3A_65, %dma_start3A_69] : memref<160x128xi32, #tpu.memory_space<vmem>> -> memref<1x16xi32, #tpu.memory_space<vmem>>
    %dma_start3A_71 = tpu.memref_squeeze %dma_start3A_70 : memref<1x16xi32, #tpu.memory_space<vmem>> -> memref<16xi32, #tpu.memory_space<vmem>>
    %dma_start3A_72 = arith.constant 0 : i32
    %dma_start3A_73 = arith.constant 0 : i32
    %dma_start3A_74 = tpu.memref_slice %arg2[%dma_start3A_72, %dma_start3A_73] : memref<20000x64xf32, #tpu.memory_space<hbm>> -> memref<20000x64xf32, #tpu.memory_space<hbm>>
    tpu.enqueue_indirect_dma source(%dma_start3A_74 : memref<20000x64xf32, #tpu.memory_space<hbm>>) target(%dma_start3A_68 : memref<16x64xf32, #tpu.memory_space<vmem>>) offsets(%dma_start3A_71 : memref<16xi32, #tpu.memory_space<vmem>>) semaphore(%arg16 : memref<!tpu.dma_semaphore, #tpu.memory_space<semaphore_mem>>)
    %dma_start3A_75 = arith.constant 0 : i32
    %dma_start3A_76 = arith.constant 96 : i32
    %dma_start3A_77 = arith.constant 0 : i32
    %dma_start3A_78 = tpu.memref_slice %arg9[%dma_start3A_76, %dma_start3A_77] : memref<128x64xf32, #tpu.memory_space<vmem>> -> memref<16x64xf32, #tpu.memory_space<vmem>>
    %dma_start3A_79 = arith.constant 96 : i32
    %dma_start3A_80 = tpu.memref_slice %arg7[%dma_start3A_75, %dma_start3A_79] : memref<160x128xi32, #tpu.memory_space<vmem>> -> memref<1x16xi32, #tpu.memory_space<vmem>>
    %dma_start3A_81 = tpu.memref_squeeze %dma_start3A_80 : memref<1x16xi32, #tpu.memory_space<vmem>> -> memref<16xi32, #tpu.memory_space<vmem>>
    %dma_start3A_82 = arith.constant 0 : i32
    %dma_start3A_83 = arith.constant 0 : i32
    %dma_start3A_84 = tpu.memref_slice %arg2[%dma_start3A_82, %dma_start3A_83] : memref<20000x64xf32, #tpu.memory_space<hbm>> -> memref<20000x64xf32, #tpu.memory_space<hbm>>
    tpu.enqueue_indirect_dma source(%dma_start3A_84 : memref<20000x64xf32, #tpu.memory_space<hbm>>) target(%dma_start3A_78 : memref<16x64xf32, #tpu.memory_space<vmem>>) offsets(%dma_start3A_81 : memref<16xi32, #tpu.memory_space<vmem>>) semaphore(%arg17 : memref<!tpu.dma_semaphore, #tpu.memory_space<semaphore_mem>>)
    %dma_start3A_85 = arith.constant 0 : i32
    %dma_start3A_86 = arith.constant 112 : i32
    %dma_start3A_87 = arith.constant 0 : i32
    %dma_start3A_88 = tpu.memref_slice %arg9[%dma_start3A_86, %dma_start3A_87] : memref<128x64xf32, #tpu.memory_space<vmem>> -> memref<16x64xf32, #tpu.memory_space<vmem>>
    %dma_start3A_89 = arith.constant 112 : i32
    %dma_start3A_90 = tpu.memref_slice %arg7[%dma_start3A_85, %dma_start3A_89] : memref<160x128xi32, #tpu.memory_space<vmem>> -> memref<1x16xi32, #tpu.memory_space<vmem>>
    %dma_start3A_91 = tpu.memref_squeeze %dma_start3A_90 : memref<1x16xi32, #tpu.memory_space<vmem>> -> memref<16xi32, #tpu.memory_space<vmem>>
    %dma_start3A_92 = arith.constant 0 : i32
    %dma_start3A_93 = arith.constant 0 : i32
    %dma_start3A_94 = tpu.memref_slice %arg2[%dma_start3A_92, %dma_start3A_93] : memref<20000x64xf32, #tpu.memory_space<hbm>> -> memref<20000x64xf32, #tpu.memory_space<hbm>>
    tpu.enqueue_indirect_dma source(%dma_start3A_94 : memref<20000x64xf32, #tpu.memory_space<hbm>>) target(%dma_start3A_88 : memref<16x64xf32, #tpu.memory_space<vmem>>) offsets(%dma_start3A_91 : memref<16xi32, #tpu.memory_space<vmem>>) semaphore(%arg18 : memref<!tpu.dma_semaphore, #tpu.memory_space<semaphore_mem>>)
    %dma_start3A_95 = arith.constant 1 : i32
    %dma_start3A_96 = arith.constant 0 : i32
    %dma_start3A_97 = arith.constant 0 : i32
    %dma_start3A_98 = tpu.memref_slice %arg10[%dma_start3A_96, %dma_start3A_97] : memref<128x64xf32, #tpu.memory_space<vmem>> -> memref<16x64xf32, #tpu.memory_space<vmem>>
    %dma_start3A_99 = arith.constant 0 : i32
    %dma_start3A_100 = tpu.memref_slice %arg7[%dma_start3A_95, %dma_start3A_99] : memref<160x128xi32, #tpu.memory_space<vmem>> -> memref<1x16xi32, #tpu.memory_space<vmem>>
    %dma_start3A_101 = tpu.memref_squeeze %dma_start3A_100 : memref<1x16xi32, #tpu.memory_space<vmem>> -> memref<16xi32, #tpu.memory_space<vmem>>
    %dma_start3A_102 = arith.constant 0 : i32
    %dma_start3A_103 = arith.constant 0 : i32
    %dma_start3A_104 = tpu.memref_slice %arg2[%dma_start3A_102, %dma_start3A_103] : memref<20000x64xf32, #tpu.memory_space<hbm>> -> memref<20000x64xf32, #tpu.memory_space<hbm>>
    tpu.enqueue_indirect_dma source(%dma_start3A_104 : memref<20000x64xf32, #tpu.memory_space<hbm>>) target(%dma_start3A_98 : memref<16x64xf32, #tpu.memory_space<vmem>>) offsets(%dma_start3A_101 : memref<16xi32, #tpu.memory_space<vmem>>) semaphore(%arg19 : memref<!tpu.dma_semaphore, #tpu.memory_space<semaphore_mem>>)
    %dma_start3A_105 = arith.constant 1 : i32
    %dma_start3A_106 = arith.constant 16 : i32
    %dma_start3A_107 = arith.constant 0 : i32
    %dma_start3A_108 = tpu.memref_slice %arg10[%dma_start3A_106, %dma_start3A_107] : memref<128x64xf32, #tpu.memory_space<vmem>> -> memref<16x64xf32, #tpu.memory_space<vmem>>
    %dma_start3A_109 = arith.constant 16 : i32
    %dma_start3A_110 = tpu.memref_slice %arg7[%dma_start3A_105, %dma_start3A_109] : memref<160x128xi32, #tpu.memory_space<vmem>> -> memref<1x16xi32, #tpu.memory_space<vmem>>
    %dma_start3A_111 = tpu.memref_squeeze %dma_start3A_110 : memref<1x16xi32, #tpu.memory_space<vmem>> -> memref<16xi32, #tpu.memory_space<vmem>>
    %dma_start3A_112 = arith.constant 0 : i32
    %dma_start3A_113 = arith.constant 0 : i32
    %dma_start3A_114 = tpu.memref_slice %arg2[%dma_start3A_112, %dma_start3A_113] : memref<20000x64xf32, #tpu.memory_space<hbm>> -> memref<20000x64xf32, #tpu.memory_space<hbm>>
    tpu.enqueue_indirect_dma source(%dma_start3A_114 : memref<20000x64xf32, #tpu.memory_space<hbm>>) target(%dma_start3A_108 : memref<16x64xf32, #tpu.memory_space<vmem>>) offsets(%dma_start3A_111 : memref<16xi32, #tpu.memory_space<vmem>>) semaphore(%arg20 : memref<!tpu.dma_semaphore, #tpu.memory_space<semaphore_mem>>)
    %dma_start3A_115 = arith.constant 1 : i32
    %dma_start3A_116 = arith.constant 32 : i32
    %dma_start3A_117 = arith.constant 0 : i32
    %dma_start3A_118 = tpu.memref_slice %arg10[%dma_start3A_116, %dma_start3A_117] : memref<128x64xf32, #tpu.memory_space<vmem>> -> memref<16x64xf32, #tpu.memory_space<vmem>>
    %dma_start3A_119 = arith.constant 32 : i32
    %dma_start3A_120 = tpu.memref_slice %arg7[%dma_start3A_115, %dma_start3A_119] : memref<160x128xi32, #tpu.memory_space<vmem>> -> memref<1x16xi32, #tpu.memory_space<vmem>>
    %dma_start3A_121 = tpu.memref_squeeze %dma_start3A_120 : memref<1x16xi32, #tpu.memory_space<vmem>> -> memref<16xi32, #tpu.memory_space<vmem>>
    %dma_start3A_122 = arith.constant 0 : i32
    %dma_start3A_123 = arith.constant 0 : i32
    %dma_start3A_124 = tpu.memref_slice %arg2[%dma_start3A_122, %dma_start3A_123] : memref<20000x64xf32, #tpu.memory_space<hbm>> -> memref<20000x64xf32, #tpu.memory_space<hbm>>
    tpu.enqueue_indirect_dma source(%dma_start3A_124 : memref<20000x64xf32, #tpu.memory_space<hbm>>) target(%dma_start3A_118 : memref<16x64xf32, #tpu.memory_space<vmem>>) offsets(%dma_start3A_121 : memref<16xi32, #tpu.memory_space<vmem>>) semaphore(%arg21 : memref<!tpu.dma_semaphore, #tpu.memory_space<semaphore_mem>>)
    %dma_start3A_125 = arith.constant 1 : i32
    %dma_start3A_126 = arith.constant 48 : i32
    %dma_start3A_127 = arith.constant 0 : i32
    %dma_start3A_128 = tpu.memref_slice %arg10[%dma_start3A_126, %dma_start3A_127] : memref<128x64xf32, #tpu.memory_space<vmem>> -> memref<16x64xf32, #tpu.memory_space<vmem>>
    %dma_start3A_129 = arith.constant 48 : i32
    %dma_start3A_130 = tpu.memref_slice %arg7[%dma_start3A_125, %dma_start3A_129] : memref<160x128xi32, #tpu.memory_space<vmem>> -> memref<1x16xi32, #tpu.memory_space<vmem>>
    %dma_start3A_131 = tpu.memref_squeeze %dma_start3A_130 : memref<1x16xi32, #tpu.memory_space<vmem>> -> memref<16xi32, #tpu.memory_space<vmem>>
    %dma_start3A_132 = arith.constant 0 : i32
    %dma_start3A_133 = arith.constant 0 : i32
    %dma_start3A_134 = tpu.memref_slice %arg2[%dma_start3A_132, %dma_start3A_133] : memref<20000x64xf32, #tpu.memory_space<hbm>> -> memref<20000x64xf32, #tpu.memory_space<hbm>>
    tpu.enqueue_indirect_dma source(%dma_start3A_134 : memref<20000x64xf32, #tpu.memory_space<hbm>>) target(%dma_start3A_128 : memref<16x64xf32, #tpu.memory_space<vmem>>) offsets(%dma_start3A_131 : memref<16xi32, #tpu.memory_space<vmem>>) semaphore(%arg22 : memref<!tpu.dma_semaphore, #tpu.memory_space<semaphore_mem>>)
    %dma_start3A_135 = arith.constant 1 : i32
    %dma_start3A_136 = arith.constant 64 : i32
    %dma_start3A_137 = arith.constant 0 : i32
    %dma_start3A_138 = tpu.memref_slice %arg10[%dma_start3A_136, %dma_start3A_137] : memref<128x64xf32, #tpu.memory_space<vmem>> -> memref<16x64xf32, #tpu.memory_space<vmem>>
    %dma_start3A_139 = arith.constant 64 : i32
    %dma_start3A_140 = tpu.memref_slice %arg7[%dma_start3A_135, %dma_start3A_139] : memref<160x128xi32, #tpu.memory_space<vmem>> -> memref<1x16xi32, #tpu.memory_space<vmem>>
    %dma_start3A_141 = tpu.memref_squeeze %dma_start3A_140 : memref<1x16xi32, #tpu.memory_space<vmem>> -> memref<16xi32, #tpu.memory_space<vmem>>
    %dma_start3A_142 = arith.constant 0 : i32
    %dma_start3A_143 = arith.constant 0 : i32
    %dma_start3A_144 = tpu.memref_slice %arg2[%dma_start3A_142, %dma_start3A_143] : memref<20000x64xf32, #tpu.memory_space<hbm>> -> memref<20000x64xf32, #tpu.memory_space<hbm>>
    tpu.enqueue_indirect_dma source(%dma_start3A_144 : memref<20000x64xf32, #tpu.memory_space<hbm>>) target(%dma_start3A_138 : memref<16x64xf32, #tpu.memory_space<vmem>>) offsets(%dma_start3A_141 : memref<16xi32, #tpu.memory_space<vmem>>) semaphore(%arg23 : memref<!tpu.dma_semaphore, #tpu.memory_space<semaphore_mem>>)
    %dma_start3A_145 = arith.constant 1 : i32
    %dma_start3A_146 = arith.constant 80 : i32
    %dma_start3A_147 = arith.constant 0 : i32
    %dma_start3A_148 = tpu.memref_slice %arg10[%dma_start3A_146, %dma_start3A_147] : memref<128x64xf32, #tpu.memory_space<vmem>> -> memref<16x64xf32, #tpu.memory_space<vmem>>
    %dma_start3A_149 = arith.constant 80 : i32
    %dma_start3A_150 = tpu.memref_slice %arg7[%dma_start3A_145, %dma_start3A_149] : memref<160x128xi32, #tpu.memory_space<vmem>> -> memref<1x16xi32, #tpu.memory_space<vmem>>
    %dma_start3A_151 = tpu.memref_squeeze %dma_start3A_150 : memref<1x16xi32, #tpu.memory_space<vmem>> -> memref<16xi32, #tpu.memory_space<vmem>>
    %dma_start3A_152 = arith.constant 0 : i32
    %dma_start3A_153 = arith.constant 0 : i32
    %dma_start3A_154 = tpu.memref_slice %arg2[%dma_start3A_152, %dma_start3A_153] : memref<20000x64xf32, #tpu.memory_space<hbm>> -> memref<20000x64xf32, #tpu.memory_space<hbm>>
    tpu.enqueue_indirect_dma source(%dma_start3A_154 : memref<20000x64xf32, #tpu.memory_space<hbm>>) target(%dma_start3A_148 : memref<16x64xf32, #tpu.memory_space<vmem>>) offsets(%dma_start3A_151 : memref<16xi32, #tpu.memory_space<vmem>>) semaphore(%arg24 : memref<!tpu.dma_semaphore, #tpu.memory_space<semaphore_mem>>)
    %dma_start3A_155 = arith.constant 1 : i32
    %dma_start3A_156 = arith.constant 96 : i32
    %dma_start3A_157 = arith.constant 0 : i32
    %dma_start3A_158 = tpu.memref_slice %arg10[%dma_start3A_156, %dma_start3A_157] : memref<128x64xf32, #tpu.memory_space<vmem>> -> memref<16x64xf32, #tpu.memory_space<vmem>>
    %dma_start3A_159 = arith.constant 96 : i32
    %dma_start3A_160 = tpu.memref_slice %arg7[%dma_start3A_155, %dma_start3A_159] : memref<160x128xi32, #tpu.memory_space<vmem>> -> memref<1x16xi32, #tpu.memory_space<vmem>>
    %dma_start3A_161 = tpu.memref_squeeze %dma_start3A_160 : memref<1x16xi32, #tpu.memory_space<vmem>> -> memref<16xi32, #tpu.memory_space<vmem>>
    %dma_start3A_162 = arith.constant 0 : i32
    %dma_start3A_163 = arith.constant 0 : i32
    %dma_start3A_164 = tpu.memref_slice %arg2[%dma_start3A_162, %dma_start3A_163] : memref<20000x64xf32, #tpu.memory_space<hbm>> -> memref<20000x64xf32, #tpu.memory_space<hbm>>
    tpu.enqueue_indirect_dma source(%dma_start3A_164 : memref<20000x64xf32, #tpu.memory_space<hbm>>) target(%dma_start3A_158 : memref<16x64xf32, #tpu.memory_space<vmem>>) offsets(%dma_start3A_161 : memref<16xi32, #tpu.memory_space<vmem>>) semaphore(%arg25 : memref<!tpu.dma_semaphore, #tpu.memory_space<semaphore_mem>>)
    %dma_start3A_165 = arith.constant 1 : i32
    %dma_start3A_166 = arith.constant 112 : i32
    %dma_start3A_167 = arith.constant 0 : i32
    %dma_start3A_168 = tpu.memref_slice %arg10[%dma_start3A_166, %dma_start3A_167] : memref<128x64xf32, #tpu.memory_space<vmem>> -> memref<16x64xf32, #tpu.memory_space<vmem>>
    %dma_start3A_169 = arith.constant 112 : i32
    %dma_start3A_170 = tpu.memref_slice %arg7[%dma_start3A_165, %dma_start3A_169] : memref<160x128xi32, #tpu.memory_space<vmem>> -> memref<1x16xi32, #tpu.memory_space<vmem>>
    %dma_start3A_171 = tpu.memref_squeeze %dma_start3A_170 : memref<1x16xi32, #tpu.memory_space<vmem>> -> memref<16xi32, #tpu.memory_space<vmem>>
    %dma_start3A_172 = arith.constant 0 : i32
    %dma_start3A_173 = arith.constant 0 : i32
    %dma_start3A_174 = tpu.memref_slice %arg2[%dma_start3A_172, %dma_start3A_173] : memref<20000x64xf32, #tpu.memory_space<hbm>> -> memref<20000x64xf32, #tpu.memory_space<hbm>>
    tpu.enqueue_indirect_dma source(%dma_start3A_174 : memref<20000x64xf32, #tpu.memory_space<hbm>>) target(%dma_start3A_168 : memref<16x64xf32, #tpu.memory_space<vmem>>) offsets(%dma_start3A_171 : memref<16xi32, #tpu.memory_space<vmem>>) semaphore(%arg26 : memref<!tpu.dma_semaphore, #tpu.memory_space<semaphore_mem>>)
    %scan3A_175 = arith.constant 0 : i32
    %scan3A_176 = arith.constant 0 : i32
    %scan3A_177 = arith.constant 79 : i32
    %scan3A_178 = arith.addi %scan3A_176, %scan3A_177 : i32
    %scan3A_179 = arith.constant 1 : i32
    scf.for %scan3A_341 = %scan3A_176 to %scan3A_178 step %scan3A_179  : i32 {
      %mul3A_342 = arith.constant 2 : i32
      %mul3A_343 = arith.muli %mul3A_342, %scan3A_341 : i32
      %dma_wait3A_344 = arith.constant 0 : i32
      %dma_wait3A_345 = arith.constant 0 : i32
      %dma_wait3A_346 = tpu.memref_slice %arg9[%dma_wait3A_344, %dma_wait3A_345] : memref<128x64xf32, #tpu.memory_space<vmem>> -> memref<16x64xf32, #tpu.memory_space<vmem>>
      %dma_wait3A_347 = arith.constant 0 : i32
      %dma_wait3A_348 = tpu.memref_slice %arg7[%mul3A_343, %dma_wait3A_347] : memref<160x128xi32, #tpu.memory_space<vmem>> -> memref<1x16xi32, #tpu.memory_space<vmem>>
      %dma_wait3A_349 = tpu.memref_squeeze %dma_wait3A_348 : memref<1x16xi32, #tpu.memory_space<vmem>> -> memref<16xi32, #tpu.memory_space<vmem>>
      %dma_wait3A_350 = arith.constant 0 : i32
      %dma_wait3A_351 = arith.constant 0 : i32
      %dma_wait3A_352 = tpu.memref_slice %arg2[%dma_wait3A_350, %dma_wait3A_351] : memref<20000x64xf32, #tpu.memory_space<hbm>> -> memref<20000x64xf32, #tpu.memory_space<hbm>>
      tpu.wait_indirect_dma semaphore(%arg11 : memref<!tpu.dma_semaphore, #tpu.memory_space<semaphore_mem>>) src(%dma_wait3A_352 : memref<20000x64xf32, #tpu.memory_space<hbm>>) dst(%dma_wait3A_346 : memref<16x64xf32, #tpu.memory_space<vmem>>)
      %dma_wait3A_353 = arith.constant 16 : i32
      %dma_wait3A_354 = arith.constant 0 : i32
      %dma_wait3A_355 = tpu.memref_slice %arg9[%dma_wait3A_353, %dma_wait3A_354] : memref<128x64xf32, #tpu.memory_space<vmem>> -> memref<16x64xf32, #tpu.memory_space<vmem>>
      %dma_wait3A_356 = arith.constant 16 : i32
      %dma_wait3A_357 = tpu.memref_slice %arg7[%mul3A_343, %dma_wait3A_356] : memref<160x128xi32, #tpu.memory_space<vmem>> -> memref<1x16xi32, #tpu.memory_space<vmem>>
      %dma_wait3A_358 = tpu.memref_squeeze %dma_wait3A_357 : memref<1x16xi32, #tpu.memory_space<vmem>> -> memref<16xi32, #tpu.memory_space<vmem>>
      %dma_wait3A_359 = arith.constant 0 : i32
      %dma_wait3A_360 = arith.constant 0 : i32
      %dma_wait3A_361 = tpu.memref_slice %arg2[%dma_wait3A_359, %dma_wait3A_360] : memref<20000x64xf32, #tpu.memory_space<hbm>> -> memref<20000x64xf32, #tpu.memory_space<hbm>>
      tpu.wait_indirect_dma semaphore(%arg12 : memref<!tpu.dma_semaphore, #tpu.memory_space<semaphore_mem>>) src(%dma_wait3A_361 : memref<20000x64xf32, #tpu.memory_space<hbm>>) dst(%dma_wait3A_355 : memref<16x64xf32, #tpu.memory_space<vmem>>)
      %dma_wait3A_362 = arith.constant 32 : i32
      %dma_wait3A_363 = arith.constant 0 : i32
      %dma_wait3A_364 = tpu.memref_slice %arg9[%dma_wait3A_362, %dma_wait3A_363] : memref<128x64xf32, #tpu.memory_space<vmem>> -> memref<16x64xf32, #tpu.memory_space<vmem>>
      %dma_wait3A_365 = arith.constant 32 : i32
      %dma_wait3A_366 = tpu.memref_slice %arg7[%mul3A_343, %dma_wait3A_365] : memref<160x128xi32, #tpu.memory_space<vmem>> -> memref<1x16xi32, #tpu.memory_space<vmem>>
      %dma_wait3A_367 = tpu.memref_squeeze %dma_wait3A_366 : memref<1x16xi32, #tpu.memory_space<vmem>> -> memref<16xi32, #tpu.memory_space<vmem>>
      %dma_wait3A_368 = arith.constant 0 : i32
      %dma_wait3A_369 = arith.constant 0 : i32
      %dma_wait3A_370 = tpu.memref_slice %arg2[%dma_wait3A_368, %dma_wait3A_369] : memref<20000x64xf32, #tpu.memory_space<hbm>> -> memref<20000x64xf32, #tpu.memory_space<hbm>>
      tpu.wait_indirect_dma semaphore(%arg13 : memref<!tpu.dma_semaphore, #tpu.memory_space<semaphore_mem>>) src(%dma_wait3A_370 : memref<20000x64xf32, #tpu.memory_space<hbm>>) dst(%dma_wait3A_364 : memref<16x64xf32, #tpu.memory_space<vmem>>)
      %dma_wait3A_371 = arith.constant 48 : i32
      %dma_wait3A_372 = arith.constant 0 : i32
      %dma_wait3A_373 = tpu.memref_slice %arg9[%dma_wait3A_371, %dma_wait3A_372] : memref<128x64xf32, #tpu.memory_space<vmem>> -> memref<16x64xf32, #tpu.memory_space<vmem>>
      %dma_wait3A_374 = arith.constant 48 : i32
      %dma_wait3A_375 = tpu.memref_slice %arg7[%mul3A_343, %dma_wait3A_374] : memref<160x128xi32, #tpu.memory_space<vmem>> -> memref<1x16xi32, #tpu.memory_space<vmem>>
      %dma_wait3A_376 = tpu.memref_squeeze %dma_wait3A_375 : memref<1x16xi32, #tpu.memory_space<vmem>> -> memref<16xi32, #tpu.memory_space<vmem>>
      %dma_wait3A_377 = arith.constant 0 : i32
      %dma_wait3A_378 = arith.constant 0 : i32
      %dma_wait3A_379 = tpu.memref_slice %arg2[%dma_wait3A_377, %dma_wait3A_378] : memref<20000x64xf32, #tpu.memory_space<hbm>> -> memref<20000x64xf32, #tpu.memory_space<hbm>>
      tpu.wait_indirect_dma semaphore(%arg14 : memref<!tpu.dma_semaphore, #tpu.memory_space<semaphore_mem>>) src(%dma_wait3A_379 : memref<20000x64xf32, #tpu.memory_space<hbm>>) dst(%dma_wait3A_373 : memref<16x64xf32, #tpu.memory_space<vmem>>)
      %dma_wait3A_380 = arith.constant 64 : i32
      %dma_wait3A_381 = arith.constant 0 : i32
      %dma_wait3A_382 = tpu.memref_slice %arg9[%dma_wait3A_380, %dma_wait3A_381] : memref<128x64xf32, #tpu.memory_space<vmem>> -> memref<16x64xf32, #tpu.memory_space<vmem>>
      %dma_wait3A_383 = arith.constant 64 : i32
      %dma_wait3A_384 = tpu.memref_slice %arg7[%mul3A_343, %dma_wait3A_383] : memref<160x128xi32, #tpu.memory_space<vmem>> -> memref<1x16xi32, #tpu.memory_space<vmem>>
      %dma_wait3A_385 = tpu.memref_squeeze %dma_wait3A_384 : memref<1x16xi32, #tpu.memory_space<vmem>> -> memref<16xi32, #tpu.memory_space<vmem>>
      %dma_wait3A_386 = arith.constant 0 : i32
      %dma_wait3A_387 = arith.constant 0 : i32
      %dma_wait3A_388 = tpu.memref_slice %arg2[%dma_wait3A_386, %dma_wait3A_387] : memref<20000x64xf32, #tpu.memory_space<hbm>> -> memref<20000x64xf32, #tpu.memory_space<hbm>>
      tpu.wait_indirect_dma semaphore(%arg15 : memref<!tpu.dma_semaphore, #tpu.memory_space<semaphore_mem>>) src(%dma_wait3A_388 : memref<20000x64xf32, #tpu.memory_space<hbm>>) dst(%dma_wait3A_382 : memref<16x64xf32, #tpu.memory_space<vmem>>)
      %dma_wait3A_389 = arith.constant 80 : i32
      %dma_wait3A_390 = arith.constant 0 : i32
      %dma_wait3A_391 = tpu.memref_slice %arg9[%dma_wait3A_389, %dma_wait3A_390] : memref<128x64xf32, #tpu.memory_space<vmem>> -> memref<16x64xf32, #tpu.memory_space<vmem>>
      %dma_wait3A_392 = arith.constant 80 : i32
      %dma_wait3A_393 = tpu.memref_slice %arg7[%mul3A_343, %dma_wait3A_392] : memref<160x128xi32, #tpu.memory_space<vmem>> -> memref<1x16xi32, #tpu.memory_space<vmem>>
      %dma_wait3A_394 = tpu.memref_squeeze %dma_wait3A_393 : memref<1x16xi32, #tpu.memory_space<vmem>> -> memref<16xi32, #tpu.memory_space<vmem>>
      %dma_wait3A_395 = arith.constant 0 : i32
      %dma_wait3A_396 = arith.constant 0 : i32
      %dma_wait3A_397 = tpu.memref_slice %arg2[%dma_wait3A_395, %dma_wait3A_396] : memref<20000x64xf32, #tpu.memory_space<hbm>> -> memref<20000x64xf32, #tpu.memory_space<hbm>>
      tpu.wait_indirect_dma semaphore(%arg16 : memref<!tpu.dma_semaphore, #tpu.memory_space<semaphore_mem>>) src(%dma_wait3A_397 : memref<20000x64xf32, #tpu.memory_space<hbm>>) dst(%dma_wait3A_391 : memref<16x64xf32, #tpu.memory_space<vmem>>)
      %dma_wait3A_398 = arith.constant 96 : i32
      %dma_wait3A_399 = arith.constant 0 : i32
      %dma_wait3A_400 = tpu.memref_slice %arg9[%dma_wait3A_398, %dma_wait3A_399] : memref<128x64xf32, #tpu.memory_space<vmem>> -> memref<16x64xf32, #tpu.memory_space<vmem>>
      %dma_wait3A_401 = arith.constant 96 : i32
      %dma_wait3A_402 = tpu.memref_slice %arg7[%mul3A_343, %dma_wait3A_401] : memref<160x128xi32, #tpu.memory_space<vmem>> -> memref<1x16xi32, #tpu.memory_space<vmem>>
      %dma_wait3A_403 = tpu.memref_squeeze %dma_wait3A_402 : memref<1x16xi32, #tpu.memory_space<vmem>> -> memref<16xi32, #tpu.memory_space<vmem>>
      %dma_wait3A_404 = arith.constant 0 : i32
      %dma_wait3A_405 = arith.constant 0 : i32
      %dma_wait3A_406 = tpu.memref_slice %arg2[%dma_wait3A_404, %dma_wait3A_405] : memref<20000x64xf32, #tpu.memory_space<hbm>> -> memref<20000x64xf32, #tpu.memory_space<hbm>>
      tpu.wait_indirect_dma semaphore(%arg17 : memref<!tpu.dma_semaphore, #tpu.memory_space<semaphore_mem>>) src(%dma_wait3A_406 : memref<20000x64xf32, #tpu.memory_space<hbm>>) dst(%dma_wait3A_400 : memref<16x64xf32, #tpu.memory_space<vmem>>)
      %dma_wait3A_407 = arith.constant 112 : i32
      %dma_wait3A_408 = arith.constant 0 : i32
      %dma_wait3A_409 = tpu.memref_slice %arg9[%dma_wait3A_407, %dma_wait3A_408] : memref<128x64xf32, #tpu.memory_space<vmem>> -> memref<16x64xf32, #tpu.memory_space<vmem>>
      %dma_wait3A_410 = arith.constant 112 : i32
      %dma_wait3A_411 = tpu.memref_slice %arg7[%mul3A_343, %dma_wait3A_410] : memref<160x128xi32, #tpu.memory_space<vmem>> -> memref<1x16xi32, #tpu.memory_space<vmem>>
      %dma_wait3A_412 = tpu.memref_squeeze %dma_wait3A_411 : memref<1x16xi32, #tpu.memory_space<vmem>> -> memref<16xi32, #tpu.memory_space<vmem>>
      %dma_wait3A_413 = arith.constant 0 : i32
      %dma_wait3A_414 = arith.constant 0 : i32
      %dma_wait3A_415 = tpu.memref_slice %arg2[%dma_wait3A_413, %dma_wait3A_414] : memref<20000x64xf32, #tpu.memory_space<hbm>> -> memref<20000x64xf32, #tpu.memory_space<hbm>>
      tpu.wait_indirect_dma semaphore(%arg18 : memref<!tpu.dma_semaphore, #tpu.memory_space<semaphore_mem>>) src(%dma_wait3A_415 : memref<20000x64xf32, #tpu.memory_space<hbm>>) dst(%dma_wait3A_409 : memref<16x64xf32, #tpu.memory_space<vmem>>)
      "tpu.region"() ({
        %run_scoped3A = tpu.sem_alloc : memref<!tpu.dma_semaphore, #tpu.memory_space<semaphore_mem>>
        %dma_start3A_638 = arith.constant 0 : i32
        %dma_start3A_639 = tpu.memref_slice %arg8[%mul3A_343, %dma_start3A_638] : memref<158x128xi32, #tpu.memory_space<vmem>> -> memref<1x128xi32, #tpu.memory_space<vmem>>
        %dma_start3A_640 = tpu.memref_squeeze %dma_start3A_639 : memref<1x128xi32, #tpu.memory_space<vmem>> -> memref<128xi32, #tpu.memory_space<vmem>>
        %dma_start3A_641 = arith.constant 0 : i32
        %dma_start3A_642 = arith.constant 0 : i32
        %dma_start3A_643 = tpu.memref_slice %arg6[%dma_start3A_641, %dma_start3A_642] : memref<10112x64xf32, #tpu.memory_space<vmem_shared>> -> memref<10112x64xf32, #tpu.memory_space<vmem_shared>>
        tpu.enqueue_indirect_dma source(%arg9 : memref<128x64xf32, #tpu.memory_space<vmem>>) target(%dma_start3A_643 : memref<10112x64xf32, #tpu.memory_space<vmem_shared>>) offsets(%dma_start3A_640 : memref<128xi32, #tpu.memory_space<vmem>>) semaphore(%run_scoped3A : memref<!tpu.dma_semaphore, #tpu.memory_space<semaphore_mem>>) {add = true}
        %dma_wait3A_644 = arith.constant 0 : i32
        %dma_wait3A_645 = tpu.memref_slice %arg8[%mul3A_343, %dma_wait3A_644] : memref<158x128xi32, #tpu.memory_space<vmem>> -> memref<1x128xi32, #tpu.memory_space<vmem>>
        %dma_wait3A_646 = tpu.memref_squeeze %dma_wait3A_645 : memref<1x128xi32, #tpu.memory_space<vmem>> -> memref<128xi32, #tpu.memory_space<vmem>>
        %dma_wait3A_647 = arith.constant 0 : i32
        %dma_wait3A_648 = arith.constant 0 : i32
        %dma_wait3A_649 = tpu.memref_slice %arg6[%dma_wait3A_647, %dma_wait3A_648] : memref<10112x64xf32, #tpu.memory_space<vmem_shared>> -> memref<10112x64xf32, #tpu.memory_space<vmem_shared>>
        tpu.wait_indirect_dma semaphore(%run_scoped3A : memref<!tpu.dma_semaphore, #tpu.memory_space<semaphore_mem>>) src(%arg9 : memref<128x64xf32, #tpu.memory_space<vmem>>) dst(%dma_wait3A_649 : memref<10112x64xf32, #tpu.memory_space<vmem_shared>>)
        tpu.yield
      }) : () -> ()
      %add3A_416 = arith.constant 2 : i32
      %add3A_417 = arith.addi %mul3A_343, %add3A_416 : i32
      %dma_start3A_418 = arith.constant 0 : i32
      %dma_start3A_419 = arith.constant 0 : i32
      %dma_start3A_420 = tpu.memref_slice %arg9[%dma_start3A_418, %dma_start3A_419] : memref<128x64xf32, #tpu.memory_space<vmem>> -> memref<16x64xf32, #tpu.memory_space<vmem>>
      %dma_start3A_421 = arith.constant 0 : i32
      %dma_start3A_422 = tpu.memref_slice %arg7[%add3A_417, %dma_start3A_421] : memref<160x128xi32, #tpu.memory_space<vmem>> -> memref<1x16xi32, #tpu.memory_space<vmem>>
      %dma_start3A_423 = tpu.memref_squeeze %dma_start3A_422 : memref<1x16xi32, #tpu.memory_space<vmem>> -> memref<16xi32, #tpu.memory_space<vmem>>
      %dma_start3A_424 = arith.constant 0 : i32
      %dma_start3A_425 = arith.constant 0 : i32
      %dma_start3A_426 = tpu.memref_slice %arg2[%dma_start3A_424, %dma_start3A_425] : memref<20000x64xf32, #tpu.memory_space<hbm>> -> memref<20000x64xf32, #tpu.memory_space<hbm>>
      tpu.enqueue_indirect_dma source(%dma_start3A_426 : memref<20000x64xf32, #tpu.memory_space<hbm>>) target(%dma_start3A_420 : memref<16x64xf32, #tpu.memory_space<vmem>>) offsets(%dma_start3A_423 : memref<16xi32, #tpu.memory_space<vmem>>) semaphore(%arg11 : memref<!tpu.dma_semaphore, #tpu.memory_space<semaphore_mem>>)
      %dma_start3A_427 = arith.constant 16 : i32
      %dma_start3A_428 = arith.constant 0 : i32
      %dma_start3A_429 = tpu.memref_slice %arg9[%dma_start3A_427, %dma_start3A_428] : memref<128x64xf32, #tpu.memory_space<vmem>> -> memref<16x64xf32, #tpu.memory_space<vmem>>
      %dma_start3A_430 = arith.constant 16 : i32
      %dma_start3A_431 = tpu.memref_slice %arg7[%add3A_417, %dma_start3A_430] : memref<160x128xi32, #tpu.memory_space<vmem>> -> memref<1x16xi32, #tpu.memory_space<vmem>>
      %dma_start3A_432 = tpu.memref_squeeze %dma_start3A_431 : memref<1x16xi32, #tpu.memory_space<vmem>> -> memref<16xi32, #tpu.memory_space<vmem>>
      %dma_start3A_433 = arith.constant 0 : i32
      %dma_start3A_434 = arith.constant 0 : i32
      %dma_start3A_435 = tpu.memref_slice %arg2[%dma_start3A_433, %dma_start3A_434] : memref<20000x64xf32, #tpu.memory_space<hbm>> -> memref<20000x64xf32, #tpu.memory_space<hbm>>
      tpu.enqueue_indirect_dma source(%dma_start3A_435 : memref<20000x64xf32, #tpu.memory_space<hbm>>) target(%dma_start3A_429 : memref<16x64xf32, #tpu.memory_space<vmem>>) offsets(%dma_start3A_432 : memref<16xi32, #tpu.memory_space<vmem>>) semaphore(%arg12 : memref<!tpu.dma_semaphore, #tpu.memory_space<semaphore_mem>>)
      %dma_start3A_436 = arith.constant 32 : i32
      %dma_start3A_437 = arith.constant 0 : i32
      %dma_start3A_438 = tpu.memref_slice %arg9[%dma_start3A_436, %dma_start3A_437] : memref<128x64xf32, #tpu.memory_space<vmem>> -> memref<16x64xf32, #tpu.memory_space<vmem>>
      %dma_start3A_439 = arith.constant 32 : i32
      %dma_start3A_440 = tpu.memref_slice %arg7[%add3A_417, %dma_start3A_439] : memref<160x128xi32, #tpu.memory_space<vmem>> -> memref<1x16xi32, #tpu.memory_space<vmem>>
      %dma_start3A_441 = tpu.memref_squeeze %dma_start3A_440 : memref<1x16xi32, #tpu.memory_space<vmem>> -> memref<16xi32, #tpu.memory_space<vmem>>
      %dma_start3A_442 = arith.constant 0 : i32
      %dma_start3A_443 = arith.constant 0 : i32
      %dma_start3A_444 = tpu.memref_slice %arg2[%dma_start3A_442, %dma_start3A_443] : memref<20000x64xf32, #tpu.memory_space<hbm>> -> memref<20000x64xf32, #tpu.memory_space<hbm>>
      tpu.enqueue_indirect_dma source(%dma_start3A_444 : memref<20000x64xf32, #tpu.memory_space<hbm>>) target(%dma_start3A_438 : memref<16x64xf32, #tpu.memory_space<vmem>>) offsets(%dma_start3A_441 : memref<16xi32, #tpu.memory_space<vmem>>) semaphore(%arg13 : memref<!tpu.dma_semaphore, #tpu.memory_space<semaphore_mem>>)
      %dma_start3A_445 = arith.constant 48 : i32
      %dma_start3A_446 = arith.constant 0 : i32
      %dma_start3A_447 = tpu.memref_slice %arg9[%dma_start3A_445, %dma_start3A_446] : memref<128x64xf32, #tpu.memory_space<vmem>> -> memref<16x64xf32, #tpu.memory_space<vmem>>
      %dma_start3A_448 = arith.constant 48 : i32
      %dma_start3A_449 = tpu.memref_slice %arg7[%add3A_417, %dma_start3A_448] : memref<160x128xi32, #tpu.memory_space<vmem>> -> memref<1x16xi32, #tpu.memory_space<vmem>>
      %dma_start3A_450 = tpu.memref_squeeze %dma_start3A_449 : memref<1x16xi32, #tpu.memory_space<vmem>> -> memref<16xi32, #tpu.memory_space<vmem>>
      %dma_start3A_451 = arith.constant 0 : i32
      %dma_start3A_452 = arith.constant 0 : i32
      %dma_start3A_453 = tpu.memref_slice %arg2[%dma_start3A_451, %dma_start3A_452] : memref<20000x64xf32, #tpu.memory_space<hbm>> -> memref<20000x64xf32, #tpu.memory_space<hbm>>
      tpu.enqueue_indirect_dma source(%dma_start3A_453 : memref<20000x64xf32, #tpu.memory_space<hbm>>) target(%dma_start3A_447 : memref<16x64xf32, #tpu.memory_space<vmem>>) offsets(%dma_start3A_450 : memref<16xi32, #tpu.memory_space<vmem>>) semaphore(%arg14 : memref<!tpu.dma_semaphore, #tpu.memory_space<semaphore_mem>>)
      %dma_start3A_454 = arith.constant 64 : i32
      %dma_start3A_455 = arith.constant 0 : i32
      %dma_start3A_456 = tpu.memref_slice %arg9[%dma_start3A_454, %dma_start3A_455] : memref<128x64xf32, #tpu.memory_space<vmem>> -> memref<16x64xf32, #tpu.memory_space<vmem>>
      %dma_start3A_457 = arith.constant 64 : i32
      %dma_start3A_458 = tpu.memref_slice %arg7[%add3A_417, %dma_start3A_457] : memref<160x128xi32, #tpu.memory_space<vmem>> -> memref<1x16xi32, #tpu.memory_space<vmem>>
      %dma_start3A_459 = tpu.memref_squeeze %dma_start3A_458 : memref<1x16xi32, #tpu.memory_space<vmem>> -> memref<16xi32, #tpu.memory_space<vmem>>
      %dma_start3A_460 = arith.constant 0 : i32
      %dma_start3A_461 = arith.constant 0 : i32
      %dma_start3A_462 = tpu.memref_slice %arg2[%dma_start3A_460, %dma_start3A_461] : memref<20000x64xf32, #tpu.memory_space<hbm>> -> memref<20000x64xf32, #tpu.memory_space<hbm>>
      tpu.enqueue_indirect_dma source(%dma_start3A_462 : memref<20000x64xf32, #tpu.memory_space<hbm>>) target(%dma_start3A_456 : memref<16x64xf32, #tpu.memory_space<vmem>>) offsets(%dma_start3A_459 : memref<16xi32, #tpu.memory_space<vmem>>) semaphore(%arg15 : memref<!tpu.dma_semaphore, #tpu.memory_space<semaphore_mem>>)
      %dma_start3A_463 = arith.constant 80 : i32
      %dma_start3A_464 = arith.constant 0 : i32
      %dma_start3A_465 = tpu.memref_slice %arg9[%dma_start3A_463, %dma_start3A_464] : memref<128x64xf32, #tpu.memory_space<vmem>> -> memref<16x64xf32, #tpu.memory_space<vmem>>
      %dma_start3A_466 = arith.constant 80 : i32
      %dma_start3A_467 = tpu.memref_slice %arg7[%add3A_417, %dma_start3A_466] : memref<160x128xi32, #tpu.memory_space<vmem>> -> memref<1x16xi32, #tpu.memory_space<vmem>>
      %dma_start3A_468 = tpu.memref_squeeze %dma_start3A_467 : memref<1x16xi32, #tpu.memory_space<vmem>> -> memref<16xi32, #tpu.memory_space<vmem>>
      %dma_start3A_469 = arith.constant 0 : i32
      %dma_start3A_470 = arith.constant 0 : i32
      %dma_start3A_471 = tpu.memref_slice %arg2[%dma_start3A_469, %dma_start3A_470] : memref<20000x64xf32, #tpu.memory_space<hbm>> -> memref<20000x64xf32, #tpu.memory_space<hbm>>
      tpu.enqueue_indirect_dma source(%dma_start3A_471 : memref<20000x64xf32, #tpu.memory_space<hbm>>) target(%dma_start3A_465 : memref<16x64xf32, #tpu.memory_space<vmem>>) offsets(%dma_start3A_468 : memref<16xi32, #tpu.memory_space<vmem>>) semaphore(%arg16 : memref<!tpu.dma_semaphore, #tpu.memory_space<semaphore_mem>>)
      %dma_start3A_472 = arith.constant 96 : i32
      %dma_start3A_473 = arith.constant 0 : i32
      %dma_start3A_474 = tpu.memref_slice %arg9[%dma_start3A_472, %dma_start3A_473] : memref<128x64xf32, #tpu.memory_space<vmem>> -> memref<16x64xf32, #tpu.memory_space<vmem>>
      %dma_start3A_475 = arith.constant 96 : i32
      %dma_start3A_476 = tpu.memref_slice %arg7[%add3A_417, %dma_start3A_475] : memref<160x128xi32, #tpu.memory_space<vmem>> -> memref<1x16xi32, #tpu.memory_space<vmem>>
      %dma_start3A_477 = tpu.memref_squeeze %dma_start3A_476 : memref<1x16xi32, #tpu.memory_space<vmem>> -> memref<16xi32, #tpu.memory_space<vmem>>
      %dma_start3A_478 = arith.constant 0 : i32
      %dma_start3A_479 = arith.constant 0 : i32
      %dma_start3A_480 = tpu.memref_slice %arg2[%dma_start3A_478, %dma_start3A_479] : memref<20000x64xf32, #tpu.memory_space<hbm>> -> memref<20000x64xf32, #tpu.memory_space<hbm>>
      tpu.enqueue_indirect_dma source(%dma_start3A_480 : memref<20000x64xf32, #tpu.memory_space<hbm>>) target(%dma_start3A_474 : memref<16x64xf32, #tpu.memory_space<vmem>>) offsets(%dma_start3A_477 : memref<16xi32, #tpu.memory_space<vmem>>) semaphore(%arg17 : memref<!tpu.dma_semaphore, #tpu.memory_space<semaphore_mem>>)
      %dma_start3A_481 = arith.constant 112 : i32
      %dma_start3A_482 = arith.constant 0 : i32
      %dma_start3A_483 = tpu.memref_slice %arg9[%dma_start3A_481, %dma_start3A_482] : memref<128x64xf32, #tpu.memory_space<vmem>> -> memref<16x64xf32, #tpu.memory_space<vmem>>
      %dma_start3A_484 = arith.constant 112 : i32
      %dma_start3A_485 = tpu.memref_slice %arg7[%add3A_417, %dma_start3A_484] : memref<160x128xi32, #tpu.memory_space<vmem>> -> memref<1x16xi32, #tpu.memory_space<vmem>>
      %dma_start3A_486 = tpu.memref_squeeze %dma_start3A_485 : memref<1x16xi32, #tpu.memory_space<vmem>> -> memref<16xi32, #tpu.memory_space<vmem>>
      %dma_start3A_487 = arith.constant 0 : i32
      %dma_start3A_488 = arith.constant 0 : i32
      %dma_start3A_489 = tpu.memref_slice %arg2[%dma_start3A_487, %dma_start3A_488] : memref<20000x64xf32, #tpu.memory_space<hbm>> -> memref<20000x64xf32, #tpu.memory_space<hbm>>
      tpu.enqueue_indirect_dma source(%dma_start3A_489 : memref<20000x64xf32, #tpu.memory_space<hbm>>) target(%dma_start3A_483 : memref<16x64xf32, #tpu.memory_space<vmem>>) offsets(%dma_start3A_486 : memref<16xi32, #tpu.memory_space<vmem>>) semaphore(%arg18 : memref<!tpu.dma_semaphore, #tpu.memory_space<semaphore_mem>>)
      %add3A_490 = arith.constant 1 : i32
      %add3A_491 = arith.addi %mul3A_343, %add3A_490 : i32
      %dma_wait3A_492 = arith.constant 0 : i32
      %dma_wait3A_493 = arith.constant 0 : i32
      %dma_wait3A_494 = tpu.memref_slice %arg10[%dma_wait3A_492, %dma_wait3A_493] : memref<128x64xf32, #tpu.memory_space<vmem>> -> memref<16x64xf32, #tpu.memory_space<vmem>>
      %dma_wait3A_495 = arith.constant 0 : i32
      %dma_wait3A_496 = tpu.memref_slice %arg7[%add3A_491, %dma_wait3A_495] : memref<160x128xi32, #tpu.memory_space<vmem>> -> memref<1x16xi32, #tpu.memory_space<vmem>>
      %dma_wait3A_497 = tpu.memref_squeeze %dma_wait3A_496 : memref<1x16xi32, #tpu.memory_space<vmem>> -> memref<16xi32, #tpu.memory_space<vmem>>
      %dma_wait3A_498 = arith.constant 0 : i32
      %dma_wait3A_499 = arith.constant 0 : i32
      %dma_wait3A_500 = tpu.memref_slice %arg2[%dma_wait3A_498, %dma_wait3A_499] : memref<20000x64xf32, #tpu.memory_space<hbm>> -> memref<20000x64xf32, #tpu.memory_space<hbm>>
      tpu.wait_indirect_dma semaphore(%arg19 : memref<!tpu.dma_semaphore, #tpu.memory_space<semaphore_mem>>) src(%dma_wait3A_500 : memref<20000x64xf32, #tpu.memory_space<hbm>>) dst(%dma_wait3A_494 : memref<16x64xf32, #tpu.memory_space<vmem>>)
      %dma_wait3A_501 = arith.constant 16 : i32
      %dma_wait3A_502 = arith.constant 0 : i32
      %dma_wait3A_503 = tpu.memref_slice %arg10[%dma_wait3A_501, %dma_wait3A_502] : memref<128x64xf32, #tpu.memory_space<vmem>> -> memref<16x64xf32, #tpu.memory_space<vmem>>
      %dma_wait3A_504 = arith.constant 16 : i32
      %dma_wait3A_505 = tpu.memref_slice %arg7[%add3A_491, %dma_wait3A_504] : memref<160x128xi32, #tpu.memory_space<vmem>> -> memref<1x16xi32, #tpu.memory_space<vmem>>
      %dma_wait3A_506 = tpu.memref_squeeze %dma_wait3A_505 : memref<1x16xi32, #tpu.memory_space<vmem>> -> memref<16xi32, #tpu.memory_space<vmem>>
      %dma_wait3A_507 = arith.constant 0 : i32
      %dma_wait3A_508 = arith.constant 0 : i32
      %dma_wait3A_509 = tpu.memref_slice %arg2[%dma_wait3A_507, %dma_wait3A_508] : memref<20000x64xf32, #tpu.memory_space<hbm>> -> memref<20000x64xf32, #tpu.memory_space<hbm>>
      tpu.wait_indirect_dma semaphore(%arg20 : memref<!tpu.dma_semaphore, #tpu.memory_space<semaphore_mem>>) src(%dma_wait3A_509 : memref<20000x64xf32, #tpu.memory_space<hbm>>) dst(%dma_wait3A_503 : memref<16x64xf32, #tpu.memory_space<vmem>>)
      %dma_wait3A_510 = arith.constant 32 : i32
      %dma_wait3A_511 = arith.constant 0 : i32
      %dma_wait3A_512 = tpu.memref_slice %arg10[%dma_wait3A_510, %dma_wait3A_511] : memref<128x64xf32, #tpu.memory_space<vmem>> -> memref<16x64xf32, #tpu.memory_space<vmem>>
      %dma_wait3A_513 = arith.constant 32 : i32
      %dma_wait3A_514 = tpu.memref_slice %arg7[%add3A_491, %dma_wait3A_513] : memref<160x128xi32, #tpu.memory_space<vmem>> -> memref<1x16xi32, #tpu.memory_space<vmem>>
      %dma_wait3A_515 = tpu.memref_squeeze %dma_wait3A_514 : memref<1x16xi32, #tpu.memory_space<vmem>> -> memref<16xi32, #tpu.memory_space<vmem>>
      %dma_wait3A_516 = arith.constant 0 : i32
      %dma_wait3A_517 = arith.constant 0 : i32
      %dma_wait3A_518 = tpu.memref_slice %arg2[%dma_wait3A_516, %dma_wait3A_517] : memref<20000x64xf32, #tpu.memory_space<hbm>> -> memref<20000x64xf32, #tpu.memory_space<hbm>>
      tpu.wait_indirect_dma semaphore(%arg21 : memref<!tpu.dma_semaphore, #tpu.memory_space<semaphore_mem>>) src(%dma_wait3A_518 : memref<20000x64xf32, #tpu.memory_space<hbm>>) dst(%dma_wait3A_512 : memref<16x64xf32, #tpu.memory_space<vmem>>)
      %dma_wait3A_519 = arith.constant 48 : i32
      %dma_wait3A_520 = arith.constant 0 : i32
      %dma_wait3A_521 = tpu.memref_slice %arg10[%dma_wait3A_519, %dma_wait3A_520] : memref<128x64xf32, #tpu.memory_space<vmem>> -> memref<16x64xf32, #tpu.memory_space<vmem>>
      %dma_wait3A_522 = arith.constant 48 : i32
      %dma_wait3A_523 = tpu.memref_slice %arg7[%add3A_491, %dma_wait3A_522] : memref<160x128xi32, #tpu.memory_space<vmem>> -> memref<1x16xi32, #tpu.memory_space<vmem>>
      %dma_wait3A_524 = tpu.memref_squeeze %dma_wait3A_523 : memref<1x16xi32, #tpu.memory_space<vmem>> -> memref<16xi32, #tpu.memory_space<vmem>>
      %dma_wait3A_525 = arith.constant 0 : i32
      %dma_wait3A_526 = arith.constant 0 : i32
      %dma_wait3A_527 = tpu.memref_slice %arg2[%dma_wait3A_525, %dma_wait3A_526] : memref<20000x64xf32, #tpu.memory_space<hbm>> -> memref<20000x64xf32, #tpu.memory_space<hbm>>
      tpu.wait_indirect_dma semaphore(%arg22 : memref<!tpu.dma_semaphore, #tpu.memory_space<semaphore_mem>>) src(%dma_wait3A_527 : memref<20000x64xf32, #tpu.memory_space<hbm>>) dst(%dma_wait3A_521 : memref<16x64xf32, #tpu.memory_space<vmem>>)
      %dma_wait3A_528 = arith.constant 64 : i32
      %dma_wait3A_529 = arith.constant 0 : i32
      %dma_wait3A_530 = tpu.memref_slice %arg10[%dma_wait3A_528, %dma_wait3A_529] : memref<128x64xf32, #tpu.memory_space<vmem>> -> memref<16x64xf32, #tpu.memory_space<vmem>>
      %dma_wait3A_531 = arith.constant 64 : i32
      %dma_wait3A_532 = tpu.memref_slice %arg7[%add3A_491, %dma_wait3A_531] : memref<160x128xi32, #tpu.memory_space<vmem>> -> memref<1x16xi32, #tpu.memory_space<vmem>>
      %dma_wait3A_533 = tpu.memref_squeeze %dma_wait3A_532 : memref<1x16xi32, #tpu.memory_space<vmem>> -> memref<16xi32, #tpu.memory_space<vmem>>
      %dma_wait3A_534 = arith.constant 0 : i32
      %dma_wait3A_535 = arith.constant 0 : i32
      %dma_wait3A_536 = tpu.memref_slice %arg2[%dma_wait3A_534, %dma_wait3A_535] : memref<20000x64xf32, #tpu.memory_space<hbm>> -> memref<20000x64xf32, #tpu.memory_space<hbm>>
      tpu.wait_indirect_dma semaphore(%arg23 : memref<!tpu.dma_semaphore, #tpu.memory_space<semaphore_mem>>) src(%dma_wait3A_536 : memref<20000x64xf32, #tpu.memory_space<hbm>>) dst(%dma_wait3A_530 : memref<16x64xf32, #tpu.memory_space<vmem>>)
      %dma_wait3A_537 = arith.constant 80 : i32
      %dma_wait3A_538 = arith.constant 0 : i32
      %dma_wait3A_539 = tpu.memref_slice %arg10[%dma_wait3A_537, %dma_wait3A_538] : memref<128x64xf32, #tpu.memory_space<vmem>> -> memref<16x64xf32, #tpu.memory_space<vmem>>
      %dma_wait3A_540 = arith.constant 80 : i32
      %dma_wait3A_541 = tpu.memref_slice %arg7[%add3A_491, %dma_wait3A_540] : memref<160x128xi32, #tpu.memory_space<vmem>> -> memref<1x16xi32, #tpu.memory_space<vmem>>
      %dma_wait3A_542 = tpu.memref_squeeze %dma_wait3A_541 : memref<1x16xi32, #tpu.memory_space<vmem>> -> memref<16xi32, #tpu.memory_space<vmem>>
      %dma_wait3A_543 = arith.constant 0 : i32
      %dma_wait3A_544 = arith.constant 0 : i32
      %dma_wait3A_545 = tpu.memref_slice %arg2[%dma_wait3A_543, %dma_wait3A_544] : memref<20000x64xf32, #tpu.memory_space<hbm>> -> memref<20000x64xf32, #tpu.memory_space<hbm>>
      tpu.wait_indirect_dma semaphore(%arg24 : memref<!tpu.dma_semaphore, #tpu.memory_space<semaphore_mem>>) src(%dma_wait3A_545 : memref<20000x64xf32, #tpu.memory_space<hbm>>) dst(%dma_wait3A_539 : memref<16x64xf32, #tpu.memory_space<vmem>>)
      %dma_wait3A_546 = arith.constant 96 : i32
      %dma_wait3A_547 = arith.constant 0 : i32
      %dma_wait3A_548 = tpu.memref_slice %arg10[%dma_wait3A_546, %dma_wait3A_547] : memref<128x64xf32, #tpu.memory_space<vmem>> -> memref<16x64xf32, #tpu.memory_space<vmem>>
      %dma_wait3A_549 = arith.constant 96 : i32
      %dma_wait3A_550 = tpu.memref_slice %arg7[%add3A_491, %dma_wait3A_549] : memref<160x128xi32, #tpu.memory_space<vmem>> -> memref<1x16xi32, #tpu.memory_space<vmem>>
      %dma_wait3A_551 = tpu.memref_squeeze %dma_wait3A_550 : memref<1x16xi32, #tpu.memory_space<vmem>> -> memref<16xi32, #tpu.memory_space<vmem>>
      %dma_wait3A_552 = arith.constant 0 : i32
      %dma_wait3A_553 = arith.constant 0 : i32
      %dma_wait3A_554 = tpu.memref_slice %arg2[%dma_wait3A_552, %dma_wait3A_553] : memref<20000x64xf32, #tpu.memory_space<hbm>> -> memref<20000x64xf32, #tpu.memory_space<hbm>>
      tpu.wait_indirect_dma semaphore(%arg25 : memref<!tpu.dma_semaphore, #tpu.memory_space<semaphore_mem>>) src(%dma_wait3A_554 : memref<20000x64xf32, #tpu.memory_space<hbm>>) dst(%dma_wait3A_548 : memref<16x64xf32, #tpu.memory_space<vmem>>)
      %dma_wait3A_555 = arith.constant 112 : i32
      %dma_wait3A_556 = arith.constant 0 : i32
      %dma_wait3A_557 = tpu.memref_slice %arg10[%dma_wait3A_555, %dma_wait3A_556] : memref<128x64xf32, #tpu.memory_space<vmem>> -> memref<16x64xf32, #tpu.memory_space<vmem>>
      %dma_wait3A_558 = arith.constant 112 : i32
      %dma_wait3A_559 = tpu.memref_slice %arg7[%add3A_491, %dma_wait3A_558] : memref<160x128xi32, #tpu.memory_space<vmem>> -> memref<1x16xi32, #tpu.memory_space<vmem>>
      %dma_wait3A_560 = tpu.memref_squeeze %dma_wait3A_559 : memref<1x16xi32, #tpu.memory_space<vmem>> -> memref<16xi32, #tpu.memory_space<vmem>>
      %dma_wait3A_561 = arith.constant 0 : i32
      %dma_wait3A_562 = arith.constant 0 : i32
      %dma_wait3A_563 = tpu.memref_slice %arg2[%dma_wait3A_561, %dma_wait3A_562] : memref<20000x64xf32, #tpu.memory_space<hbm>> -> memref<20000x64xf32, #tpu.memory_space<hbm>>
      tpu.wait_indirect_dma semaphore(%arg26 : memref<!tpu.dma_semaphore, #tpu.memory_space<semaphore_mem>>) src(%dma_wait3A_563 : memref<20000x64xf32, #tpu.memory_space<hbm>>) dst(%dma_wait3A_557 : memref<16x64xf32, #tpu.memory_space<vmem>>)
      "tpu.region"() ({
        %run_scoped3A = tpu.sem_alloc : memref<!tpu.dma_semaphore, #tpu.memory_space<semaphore_mem>>
        %dma_start3A_638 = arith.constant 0 : i32
        %dma_start3A_639 = tpu.memref_slice %arg8[%add3A_491, %dma_start3A_638] : memref<158x128xi32, #tpu.memory_space<vmem>> -> memref<1x128xi32, #tpu.memory_space<vmem>>
        %dma_start3A_640 = tpu.memref_squeeze %dma_start3A_639 : memref<1x128xi32, #tpu.memory_space<vmem>> -> memref<128xi32, #tpu.memory_space<vmem>>
        %dma_start3A_641 = arith.constant 0 : i32
        %dma_start3A_642 = arith.constant 0 : i32
        %dma_start3A_643 = tpu.memref_slice %arg6[%dma_start3A_641, %dma_start3A_642] : memref<10112x64xf32, #tpu.memory_space<vmem_shared>> -> memref<10112x64xf32, #tpu.memory_space<vmem_shared>>
        tpu.enqueue_indirect_dma source(%arg10 : memref<128x64xf32, #tpu.memory_space<vmem>>) target(%dma_start3A_643 : memref<10112x64xf32, #tpu.memory_space<vmem_shared>>) offsets(%dma_start3A_640 : memref<128xi32, #tpu.memory_space<vmem>>) semaphore(%run_scoped3A : memref<!tpu.dma_semaphore, #tpu.memory_space<semaphore_mem>>) {add = true}
        %dma_wait3A_644 = arith.constant 0 : i32
        %dma_wait3A_645 = tpu.memref_slice %arg8[%add3A_491, %dma_wait3A_644] : memref<158x128xi32, #tpu.memory_space<vmem>> -> memref<1x128xi32, #tpu.memory_space<vmem>>
        %dma_wait3A_646 = tpu.memref_squeeze %dma_wait3A_645 : memref<1x128xi32, #tpu.memory_space<vmem>> -> memref<128xi32, #tpu.memory_space<vmem>>
        %dma_wait3A_647 = arith.constant 0 : i32
        %dma_wait3A_648 = arith.constant 0 : i32
        %dma_wait3A_649 = tpu.memref_slice %arg6[%dma_wait3A_647, %dma_wait3A_648] : memref<10112x64xf32, #tpu.memory_space<vmem_shared>> -> memref<10112x64xf32, #tpu.memory_space<vmem_shared>>
        tpu.wait_indirect_dma semaphore(%run_scoped3A : memref<!tpu.dma_semaphore, #tpu.memory_space<semaphore_mem>>) src(%arg10 : memref<128x64xf32, #tpu.memory_space<vmem>>) dst(%dma_wait3A_649 : memref<10112x64xf32, #tpu.memory_space<vmem_shared>>)
        tpu.yield
      }) : () -> ()
      %add3A_564 = arith.constant 2 : i32
      %add3A_565 = arith.addi %add3A_491, %add3A_564 : i32
      %dma_start3A_566 = arith.constant 0 : i32
      %dma_start3A_567 = arith.constant 0 : i32
      %dma_start3A_568 = tpu.memref_slice %arg10[%dma_start3A_566, %dma_start3A_567] : memref<128x64xf32, #tpu.memory_space<vmem>> -> memref<16x64xf32, #tpu.memory_space<vmem>>
      %dma_start3A_569 = arith.constant 0 : i32
      %dma_start3A_570 = tpu.memref_slice %arg7[%add3A_565, %dma_start3A_569] : memref<160x128xi32, #tpu.memory_space<vmem>> -> memref<1x16xi32, #tpu.memory_space<vmem>>
      %dma_start3A_571 = tpu.memref_squeeze %dma_start3A_570 : memref<1x16xi32, #tpu.memory_space<vmem>> -> memref<16xi32, #tpu.memory_space<vmem>>
      %dma_start3A_572 = arith.constant 0 : i32
      %dma_start3A_573 = arith.constant 0 : i32
      %dma_start3A_574 = tpu.memref_slice %arg2[%dma_start3A_572, %dma_start3A_573] : memref<20000x64xf32, #tpu.memory_space<hbm>> -> memref<20000x64xf32, #tpu.memory_space<hbm>>
      tpu.enqueue_indirect_dma source(%dma_start3A_574 : memref<20000x64xf32, #tpu.memory_space<hbm>>) target(%dma_start3A_568 : memref<16x64xf32, #tpu.memory_space<vmem>>) offsets(%dma_start3A_571 : memref<16xi32, #tpu.memory_space<vmem>>) semaphore(%arg19 : memref<!tpu.dma_semaphore, #tpu.memory_space<semaphore_mem>>)
      %dma_start3A_575 = arith.constant 16 : i32
      %dma_start3A_576 = arith.constant 0 : i32
      %dma_start3A_577 = tpu.memref_slice %arg10[%dma_start3A_575, %dma_start3A_576] : memref<128x64xf32, #tpu.memory_space<vmem>> -> memref<16x64xf32, #tpu.memory_space<vmem>>
      %dma_start3A_578 = arith.constant 16 : i32
      %dma_start3A_579 = tpu.memref_slice %arg7[%add3A_565, %dma_start3A_578] : memref<160x128xi32, #tpu.memory_space<vmem>> -> memref<1x16xi32, #tpu.memory_space<vmem>>
      %dma_start3A_580 = tpu.memref_squeeze %dma_start3A_579 : memref<1x16xi32, #tpu.memory_space<vmem>> -> memref<16xi32, #tpu.memory_space<vmem>>
      %dma_start3A_581 = arith.constant 0 : i32
      %dma_start3A_582 = arith.constant 0 : i32
      %dma_start3A_583 = tpu.memref_slice %arg2[%dma_start3A_581, %dma_start3A_582] : memref<20000x64xf32, #tpu.memory_space<hbm>> -> memref<20000x64xf32, #tpu.memory_space<hbm>>
      tpu.enqueue_indirect_dma source(%dma_start3A_583 : memref<20000x64xf32, #tpu.memory_space<hbm>>) target(%dma_start3A_577 : memref<16x64xf32, #tpu.memory_space<vmem>>) offsets(%dma_start3A_580 : memref<16xi32, #tpu.memory_space<vmem>>) semaphore(%arg20 : memref<!tpu.dma_semaphore, #tpu.memory_space<semaphore_mem>>)
      %dma_start3A_584 = arith.constant 32 : i32
      %dma_start3A_585 = arith.constant 0 : i32
      %dma_start3A_586 = tpu.memref_slice %arg10[%dma_start3A_584, %dma_start3A_585] : memref<128x64xf32, #tpu.memory_space<vmem>> -> memref<16x64xf32, #tpu.memory_space<vmem>>
      %dma_start3A_587 = arith.constant 32 : i32
      %dma_start3A_588 = tpu.memref_slice %arg7[%add3A_565, %dma_start3A_587] : memref<160x128xi32, #tpu.memory_space<vmem>> -> memref<1x16xi32, #tpu.memory_space<vmem>>
      %dma_start3A_589 = tpu.memref_squeeze %dma_start3A_588 : memref<1x16xi32, #tpu.memory_space<vmem>> -> memref<16xi32, #tpu.memory_space<vmem>>
      %dma_start3A_590 = arith.constant 0 : i32
      %dma_start3A_591 = arith.constant 0 : i32
      %dma_start3A_592 = tpu.memref_slice %arg2[%dma_start3A_590, %dma_start3A_591] : memref<20000x64xf32, #tpu.memory_space<hbm>> -> memref<20000x64xf32, #tpu.memory_space<hbm>>
      tpu.enqueue_indirect_dma source(%dma_start3A_592 : memref<20000x64xf32, #tpu.memory_space<hbm>>) target(%dma_start3A_586 : memref<16x64xf32, #tpu.memory_space<vmem>>) offsets(%dma_start3A_589 : memref<16xi32, #tpu.memory_space<vmem>>) semaphore(%arg21 : memref<!tpu.dma_semaphore, #tpu.memory_space<semaphore_mem>>)
      %dma_start3A_593 = arith.constant 48 : i32
      %dma_start3A_594 = arith.constant 0 : i32
      %dma_start3A_595 = tpu.memref_slice %arg10[%dma_start3A_593, %dma_start3A_594] : memref<128x64xf32, #tpu.memory_space<vmem>> -> memref<16x64xf32, #tpu.memory_space<vmem>>
      %dma_start3A_596 = arith.constant 48 : i32
      %dma_start3A_597 = tpu.memref_slice %arg7[%add3A_565, %dma_start3A_596] : memref<160x128xi32, #tpu.memory_space<vmem>> -> memref<1x16xi32, #tpu.memory_space<vmem>>
      %dma_start3A_598 = tpu.memref_squeeze %dma_start3A_597 : memref<1x16xi32, #tpu.memory_space<vmem>> -> memref<16xi32, #tpu.memory_space<vmem>>
      %dma_start3A_599 = arith.constant 0 : i32
      %dma_start3A_600 = arith.constant 0 : i32
      %dma_start3A_601 = tpu.memref_slice %arg2[%dma_start3A_599, %dma_start3A_600] : memref<20000x64xf32, #tpu.memory_space<hbm>> -> memref<20000x64xf32, #tpu.memory_space<hbm>>
      tpu.enqueue_indirect_dma source(%dma_start3A_601 : memref<20000x64xf32, #tpu.memory_space<hbm>>) target(%dma_start3A_595 : memref<16x64xf32, #tpu.memory_space<vmem>>) offsets(%dma_start3A_598 : memref<16xi32, #tpu.memory_space<vmem>>) semaphore(%arg22 : memref<!tpu.dma_semaphore, #tpu.memory_space<semaphore_mem>>)
      %dma_start3A_602 = arith.constant 64 : i32
      %dma_start3A_603 = arith.constant 0 : i32
      %dma_start3A_604 = tpu.memref_slice %arg10[%dma_start3A_602, %dma_start3A_603] : memref<128x64xf32, #tpu.memory_space<vmem>> -> memref<16x64xf32, #tpu.memory_space<vmem>>
      %dma_start3A_605 = arith.constant 64 : i32
      %dma_start3A_606 = tpu.memref_slice %arg7[%add3A_565, %dma_start3A_605] : memref<160x128xi32, #tpu.memory_space<vmem>> -> memref<1x16xi32, #tpu.memory_space<vmem>>
      %dma_start3A_607 = tpu.memref_squeeze %dma_start3A_606 : memref<1x16xi32, #tpu.memory_space<vmem>> -> memref<16xi32, #tpu.memory_space<vmem>>
      %dma_start3A_608 = arith.constant 0 : i32
      %dma_start3A_609 = arith.constant 0 : i32
      %dma_start3A_610 = tpu.memref_slice %arg2[%dma_start3A_608, %dma_start3A_609] : memref<20000x64xf32, #tpu.memory_space<hbm>> -> memref<20000x64xf32, #tpu.memory_space<hbm>>
      tpu.enqueue_indirect_dma source(%dma_start3A_610 : memref<20000x64xf32, #tpu.memory_space<hbm>>) target(%dma_start3A_604 : memref<16x64xf32, #tpu.memory_space<vmem>>) offsets(%dma_start3A_607 : memref<16xi32, #tpu.memory_space<vmem>>) semaphore(%arg23 : memref<!tpu.dma_semaphore, #tpu.memory_space<semaphore_mem>>)
      %dma_start3A_611 = arith.constant 80 : i32
      %dma_start3A_612 = arith.constant 0 : i32
      %dma_start3A_613 = tpu.memref_slice %arg10[%dma_start3A_611, %dma_start3A_612] : memref<128x64xf32, #tpu.memory_space<vmem>> -> memref<16x64xf32, #tpu.memory_space<vmem>>
      %dma_start3A_614 = arith.constant 80 : i32
      %dma_start3A_615 = tpu.memref_slice %arg7[%add3A_565, %dma_start3A_614] : memref<160x128xi32, #tpu.memory_space<vmem>> -> memref<1x16xi32, #tpu.memory_space<vmem>>
      %dma_start3A_616 = tpu.memref_squeeze %dma_start3A_615 : memref<1x16xi32, #tpu.memory_space<vmem>> -> memref<16xi32, #tpu.memory_space<vmem>>
      %dma_start3A_617 = arith.constant 0 : i32
      %dma_start3A_618 = arith.constant 0 : i32
      %dma_start3A_619 = tpu.memref_slice %arg2[%dma_start3A_617, %dma_start3A_618] : memref<20000x64xf32, #tpu.memory_space<hbm>> -> memref<20000x64xf32, #tpu.memory_space<hbm>>
      tpu.enqueue_indirect_dma source(%dma_start3A_619 : memref<20000x64xf32, #tpu.memory_space<hbm>>) target(%dma_start3A_613 : memref<16x64xf32, #tpu.memory_space<vmem>>) offsets(%dma_start3A_616 : memref<16xi32, #tpu.memory_space<vmem>>) semaphore(%arg24 : memref<!tpu.dma_semaphore, #tpu.memory_space<semaphore_mem>>)
      %dma_start3A_620 = arith.constant 96 : i32
      %dma_start3A_621 = arith.constant 0 : i32
      %dma_start3A_622 = tpu.memref_slice %arg10[%dma_start3A_620, %dma_start3A_621] : memref<128x64xf32, #tpu.memory_space<vmem>> -> memref<16x64xf32, #tpu.memory_space<vmem>>
      %dma_start3A_623 = arith.constant 96 : i32
      %dma_start3A_624 = tpu.memref_slice %arg7[%add3A_565, %dma_start3A_623] : memref<160x128xi32, #tpu.memory_space<vmem>> -> memref<1x16xi32, #tpu.memory_space<vmem>>
      %dma_start3A_625 = tpu.memref_squeeze %dma_start3A_624 : memref<1x16xi32, #tpu.memory_space<vmem>> -> memref<16xi32, #tpu.memory_space<vmem>>
      %dma_start3A_626 = arith.constant 0 : i32
      %dma_start3A_627 = arith.constant 0 : i32
      %dma_start3A_628 = tpu.memref_slice %arg2[%dma_start3A_626, %dma_start3A_627] : memref<20000x64xf32, #tpu.memory_space<hbm>> -> memref<20000x64xf32, #tpu.memory_space<hbm>>
      tpu.enqueue_indirect_dma source(%dma_start3A_628 : memref<20000x64xf32, #tpu.memory_space<hbm>>) target(%dma_start3A_622 : memref<16x64xf32, #tpu.memory_space<vmem>>) offsets(%dma_start3A_625 : memref<16xi32, #tpu.memory_space<vmem>>) semaphore(%arg25 : memref<!tpu.dma_semaphore, #tpu.memory_space<semaphore_mem>>)
      %dma_start3A_629 = arith.constant 112 : i32
      %dma_start3A_630 = arith.constant 0 : i32
      %dma_start3A_631 = tpu.memref_slice %arg10[%dma_start3A_629, %dma_start3A_630] : memref<128x64xf32, #tpu.memory_space<vmem>> -> memref<16x64xf32, #tpu.memory_space<vmem>>
      %dma_start3A_632 = arith.constant 112 : i32
      %dma_start3A_633 = tpu.memref_slice %arg7[%add3A_565, %dma_start3A_632] : memref<160x128xi32, #tpu.memory_space<vmem>> -> memref<1x16xi32, #tpu.memory_space<vmem>>
      %dma_start3A_634 = tpu.memref_squeeze %dma_start3A_633 : memref<1x16xi32, #tpu.memory_space<vmem>> -> memref<16xi32, #tpu.memory_space<vmem>>
      %dma_start3A_635 = arith.constant 0 : i32
      %dma_start3A_636 = arith.constant 0 : i32
      %dma_start3A_637 = tpu.memref_slice %arg2[%dma_start3A_635, %dma_start3A_636] : memref<20000x64xf32, #tpu.memory_space<hbm>> -> memref<20000x64xf32, #tpu.memory_space<hbm>>
      tpu.enqueue_indirect_dma source(%dma_start3A_637 : memref<20000x64xf32, #tpu.memory_space<hbm>>) target(%dma_start3A_631 : memref<16x64xf32, #tpu.memory_space<vmem>>) offsets(%dma_start3A_634 : memref<16xi32, #tpu.memory_space<vmem>>) semaphore(%arg26 : memref<!tpu.dma_semaphore, #tpu.memory_space<semaphore_mem>>)
    }
    %scan3A_180 = arith.constant 79 : i32
    %dma_wait3A = arith.constant 158 : i32
    %dma_wait3A_181 = arith.constant 0 : i32
    %dma_wait3A_182 = arith.constant 0 : i32
    %dma_wait3A_183 = tpu.memref_slice %arg9[%dma_wait3A_181, %dma_wait3A_182] : memref<128x64xf32, #tpu.memory_space<vmem>> -> memref<16x64xf32, #tpu.memory_space<vmem>>
    %dma_wait3A_184 = arith.constant 0 : i32
    %dma_wait3A_185 = tpu.memref_slice %arg7[%dma_wait3A, %dma_wait3A_184] : memref<160x128xi32, #tpu.memory_space<vmem>> -> memref<1x16xi32, #tpu.memory_space<vmem>>
    %dma_wait3A_186 = tpu.memref_squeeze %dma_wait3A_185 : memref<1x16xi32, #tpu.memory_space<vmem>> -> memref<16xi32, #tpu.memory_space<vmem>>
    %dma_wait3A_187 = arith.constant 0 : i32
    %dma_wait3A_188 = arith.constant 0 : i32
    %dma_wait3A_189 = tpu.memref_slice %arg2[%dma_wait3A_187, %dma_wait3A_188] : memref<20000x64xf32, #tpu.memory_space<hbm>> -> memref<20000x64xf32, #tpu.memory_space<hbm>>
    tpu.wait_indirect_dma semaphore(%arg11 : memref<!tpu.dma_semaphore, #tpu.memory_space<semaphore_mem>>) src(%dma_wait3A_189 : memref<20000x64xf32, #tpu.memory_space<hbm>>) dst(%dma_wait3A_183 : memref<16x64xf32, #tpu.memory_space<vmem>>)
    %dma_wait3A_190 = arith.constant 158 : i32
    %dma_wait3A_191 = arith.constant 16 : i32
    %dma_wait3A_192 = arith.constant 0 : i32
    %dma_wait3A_193 = tpu.memref_slice %arg9[%dma_wait3A_191, %dma_wait3A_192] : memref<128x64xf32, #tpu.memory_space<vmem>> -> memref<16x64xf32, #tpu.memory_space<vmem>>
    %dma_wait3A_194 = arith.constant 16 : i32
    %dma_wait3A_195 = tpu.memref_slice %arg7[%dma_wait3A_190, %dma_wait3A_194] : memref<160x128xi32, #tpu.memory_space<vmem>> -> memref<1x16xi32, #tpu.memory_space<vmem>>
    %dma_wait3A_196 = tpu.memref_squeeze %dma_wait3A_195 : memref<1x16xi32, #tpu.memory_space<vmem>> -> memref<16xi32, #tpu.memory_space<vmem>>
    %dma_wait3A_197 = arith.constant 0 : i32
    %dma_wait3A_198 = arith.constant 0 : i32
    %dma_wait3A_199 = tpu.memref_slice %arg2[%dma_wait3A_197, %dma_wait3A_198] : memref<20000x64xf32, #tpu.memory_space<hbm>> -> memref<20000x64xf32, #tpu.memory_space<hbm>>
    tpu.wait_indirect_dma semaphore(%arg12 : memref<!tpu.dma_semaphore, #tpu.memory_space<semaphore_mem>>) src(%dma_wait3A_199 : memref<20000x64xf32, #tpu.memory_space<hbm>>) dst(%dma_wait3A_193 : memref<16x64xf32, #tpu.memory_space<vmem>>)
    %dma_wait3A_200 = arith.constant 158 : i32
    %dma_wait3A_201 = arith.constant 32 : i32
    %dma_wait3A_202 = arith.constant 0 : i32
    %dma_wait3A_203 = tpu.memref_slice %arg9[%dma_wait3A_201, %dma_wait3A_202] : memref<128x64xf32, #tpu.memory_space<vmem>> -> memref<16x64xf32, #tpu.memory_space<vmem>>
    %dma_wait3A_204 = arith.constant 32 : i32
    %dma_wait3A_205 = tpu.memref_slice %arg7[%dma_wait3A_200, %dma_wait3A_204] : memref<160x128xi32, #tpu.memory_space<vmem>> -> memref<1x16xi32, #tpu.memory_space<vmem>>
    %dma_wait3A_206 = tpu.memref_squeeze %dma_wait3A_205 : memref<1x16xi32, #tpu.memory_space<vmem>> -> memref<16xi32, #tpu.memory_space<vmem>>
    %dma_wait3A_207 = arith.constant 0 : i32
    %dma_wait3A_208 = arith.constant 0 : i32
    %dma_wait3A_209 = tpu.memref_slice %arg2[%dma_wait3A_207, %dma_wait3A_208] : memref<20000x64xf32, #tpu.memory_space<hbm>> -> memref<20000x64xf32, #tpu.memory_space<hbm>>
    tpu.wait_indirect_dma semaphore(%arg13 : memref<!tpu.dma_semaphore, #tpu.memory_space<semaphore_mem>>) src(%dma_wait3A_209 : memref<20000x64xf32, #tpu.memory_space<hbm>>) dst(%dma_wait3A_203 : memref<16x64xf32, #tpu.memory_space<vmem>>)
    %dma_wait3A_210 = arith.constant 158 : i32
    %dma_wait3A_211 = arith.constant 48 : i32
    %dma_wait3A_212 = arith.constant 0 : i32
    %dma_wait3A_213 = tpu.memref_slice %arg9[%dma_wait3A_211, %dma_wait3A_212] : memref<128x64xf32, #tpu.memory_space<vmem>> -> memref<16x64xf32, #tpu.memory_space<vmem>>
    %dma_wait3A_214 = arith.constant 48 : i32
    %dma_wait3A_215 = tpu.memref_slice %arg7[%dma_wait3A_210, %dma_wait3A_214] : memref<160x128xi32, #tpu.memory_space<vmem>> -> memref<1x16xi32, #tpu.memory_space<vmem>>
    %dma_wait3A_216 = tpu.memref_squeeze %dma_wait3A_215 : memref<1x16xi32, #tpu.memory_space<vmem>> -> memref<16xi32, #tpu.memory_space<vmem>>
    %dma_wait3A_217 = arith.constant 0 : i32
    %dma_wait3A_218 = arith.constant 0 : i32
    %dma_wait3A_219 = tpu.memref_slice %arg2[%dma_wait3A_217, %dma_wait3A_218] : memref<20000x64xf32, #tpu.memory_space<hbm>> -> memref<20000x64xf32, #tpu.memory_space<hbm>>
    tpu.wait_indirect_dma semaphore(%arg14 : memref<!tpu.dma_semaphore, #tpu.memory_space<semaphore_mem>>) src(%dma_wait3A_219 : memref<20000x64xf32, #tpu.memory_space<hbm>>) dst(%dma_wait3A_213 : memref<16x64xf32, #tpu.memory_space<vmem>>)
    %dma_wait3A_220 = arith.constant 158 : i32
    %dma_wait3A_221 = arith.constant 64 : i32
    %dma_wait3A_222 = arith.constant 0 : i32
    %dma_wait3A_223 = tpu.memref_slice %arg9[%dma_wait3A_221, %dma_wait3A_222] : memref<128x64xf32, #tpu.memory_space<vmem>> -> memref<16x64xf32, #tpu.memory_space<vmem>>
    %dma_wait3A_224 = arith.constant 64 : i32
    %dma_wait3A_225 = tpu.memref_slice %arg7[%dma_wait3A_220, %dma_wait3A_224] : memref<160x128xi32, #tpu.memory_space<vmem>> -> memref<1x16xi32, #tpu.memory_space<vmem>>
    %dma_wait3A_226 = tpu.memref_squeeze %dma_wait3A_225 : memref<1x16xi32, #tpu.memory_space<vmem>> -> memref<16xi32, #tpu.memory_space<vmem>>
    %dma_wait3A_227 = arith.constant 0 : i32
    %dma_wait3A_228 = arith.constant 0 : i32
    %dma_wait3A_229 = tpu.memref_slice %arg2[%dma_wait3A_227, %dma_wait3A_228] : memref<20000x64xf32, #tpu.memory_space<hbm>> -> memref<20000x64xf32, #tpu.memory_space<hbm>>
    tpu.wait_indirect_dma semaphore(%arg15 : memref<!tpu.dma_semaphore, #tpu.memory_space<semaphore_mem>>) src(%dma_wait3A_229 : memref<20000x64xf32, #tpu.memory_space<hbm>>) dst(%dma_wait3A_223 : memref<16x64xf32, #tpu.memory_space<vmem>>)
    %dma_wait3A_230 = arith.constant 158 : i32
    %dma_wait3A_231 = arith.constant 80 : i32
    %dma_wait3A_232 = arith.constant 0 : i32
    %dma_wait3A_233 = tpu.memref_slice %arg9[%dma_wait3A_231, %dma_wait3A_232] : memref<128x64xf32, #tpu.memory_space<vmem>> -> memref<16x64xf32, #tpu.memory_space<vmem>>
    %dma_wait3A_234 = arith.constant 80 : i32
    %dma_wait3A_235 = tpu.memref_slice %arg7[%dma_wait3A_230, %dma_wait3A_234] : memref<160x128xi32, #tpu.memory_space<vmem>> -> memref<1x16xi32, #tpu.memory_space<vmem>>
    %dma_wait3A_236 = tpu.memref_squeeze %dma_wait3A_235 : memref<1x16xi32, #tpu.memory_space<vmem>> -> memref<16xi32, #tpu.memory_space<vmem>>
    %dma_wait3A_237 = arith.constant 0 : i32
    %dma_wait3A_238 = arith.constant 0 : i32
    %dma_wait3A_239 = tpu.memref_slice %arg2[%dma_wait3A_237, %dma_wait3A_238] : memref<20000x64xf32, #tpu.memory_space<hbm>> -> memref<20000x64xf32, #tpu.memory_space<hbm>>
    tpu.wait_indirect_dma semaphore(%arg16 : memref<!tpu.dma_semaphore, #tpu.memory_space<semaphore_mem>>) src(%dma_wait3A_239 : memref<20000x64xf32, #tpu.memory_space<hbm>>) dst(%dma_wait3A_233 : memref<16x64xf32, #tpu.memory_space<vmem>>)
    %dma_wait3A_240 = arith.constant 158 : i32
    %dma_wait3A_241 = arith.constant 96 : i32
    %dma_wait3A_242 = arith.constant 0 : i32
    %dma_wait3A_243 = tpu.memref_slice %arg9[%dma_wait3A_241, %dma_wait3A_242] : memref<128x64xf32, #tpu.memory_space<vmem>> -> memref<16x64xf32, #tpu.memory_space<vmem>>
    %dma_wait3A_244 = arith.constant 96 : i32
    %dma_wait3A_245 = tpu.memref_slice %arg7[%dma_wait3A_240, %dma_wait3A_244] : memref<160x128xi32, #tpu.memory_space<vmem>> -> memref<1x16xi32, #tpu.memory_space<vmem>>
    %dma_wait3A_246 = tpu.memref_squeeze %dma_wait3A_245 : memref<1x16xi32, #tpu.memory_space<vmem>> -> memref<16xi32, #tpu.memory_space<vmem>>
    %dma_wait3A_247 = arith.constant 0 : i32
    %dma_wait3A_248 = arith.constant 0 : i32
    %dma_wait3A_249 = tpu.memref_slice %arg2[%dma_wait3A_247, %dma_wait3A_248] : memref<20000x64xf32, #tpu.memory_space<hbm>> -> memref<20000x64xf32, #tpu.memory_space<hbm>>
    tpu.wait_indirect_dma semaphore(%arg17 : memref<!tpu.dma_semaphore, #tpu.memory_space<semaphore_mem>>) src(%dma_wait3A_249 : memref<20000x64xf32, #tpu.memory_space<hbm>>) dst(%dma_wait3A_243 : memref<16x64xf32, #tpu.memory_space<vmem>>)
    %dma_wait3A_250 = arith.constant 158 : i32
    %dma_wait3A_251 = arith.constant 112 : i32
    %dma_wait3A_252 = arith.constant 0 : i32
    %dma_wait3A_253 = tpu.memref_slice %arg9[%dma_wait3A_251, %dma_wait3A_252] : memref<128x64xf32, #tpu.memory_space<vmem>> -> memref<16x64xf32, #tpu.memory_space<vmem>>
    %dma_wait3A_254 = arith.constant 112 : i32
    %dma_wait3A_255 = tpu.memref_slice %arg7[%dma_wait3A_250, %dma_wait3A_254] : memref<160x128xi32, #tpu.memory_space<vmem>> -> memref<1x16xi32, #tpu.memory_space<vmem>>
    %dma_wait3A_256 = tpu.memref_squeeze %dma_wait3A_255 : memref<1x16xi32, #tpu.memory_space<vmem>> -> memref<16xi32, #tpu.memory_space<vmem>>
    %dma_wait3A_257 = arith.constant 0 : i32
    %dma_wait3A_258 = arith.constant 0 : i32
    %dma_wait3A_259 = tpu.memref_slice %arg2[%dma_wait3A_257, %dma_wait3A_258] : memref<20000x64xf32, #tpu.memory_space<hbm>> -> memref<20000x64xf32, #tpu.memory_space<hbm>>
    tpu.wait_indirect_dma semaphore(%arg18 : memref<!tpu.dma_semaphore, #tpu.memory_space<semaphore_mem>>) src(%dma_wait3A_259 : memref<20000x64xf32, #tpu.memory_space<hbm>>) dst(%dma_wait3A_253 : memref<16x64xf32, #tpu.memory_space<vmem>>)
    %dma_wait3A_260 = arith.constant 159 : i32
    %dma_wait3A_261 = arith.constant 0 : i32
    %dma_wait3A_262 = arith.constant 0 : i32
    %dma_wait3A_263 = tpu.memref_slice %arg10[%dma_wait3A_261, %dma_wait3A_262] : memref<128x64xf32, #tpu.memory_space<vmem>> -> memref<16x64xf32, #tpu.memory_space<vmem>>
    %dma_wait3A_264 = arith.constant 0 : i32
    %dma_wait3A_265 = tpu.memref_slice %arg7[%dma_wait3A_260, %dma_wait3A_264] : memref<160x128xi32, #tpu.memory_space<vmem>> -> memref<1x16xi32, #tpu.memory_space<vmem>>
    %dma_wait3A_266 = tpu.memref_squeeze %dma_wait3A_265 : memref<1x16xi32, #tpu.memory_space<vmem>> -> memref<16xi32, #tpu.memory_space<vmem>>
    %dma_wait3A_267 = arith.constant 0 : i32
    %dma_wait3A_268 = arith.constant 0 : i32
    %dma_wait3A_269 = tpu.memref_slice %arg2[%dma_wait3A_267, %dma_wait3A_268] : memref<20000x64xf32, #tpu.memory_space<hbm>> -> memref<20000x64xf32, #tpu.memory_space<hbm>>
    tpu.wait_indirect_dma semaphore(%arg19 : memref<!tpu.dma_semaphore, #tpu.memory_space<semaphore_mem>>) src(%dma_wait3A_269 : memref<20000x64xf32, #tpu.memory_space<hbm>>) dst(%dma_wait3A_263 : memref<16x64xf32, #tpu.memory_space<vmem>>)
    %dma_wait3A_270 = arith.constant 159 : i32
    %dma_wait3A_271 = arith.constant 16 : i32
    %dma_wait3A_272 = arith.constant 0 : i32
    %dma_wait3A_273 = tpu.memref_slice %arg10[%dma_wait3A_271, %dma_wait3A_272] : memref<128x64xf32, #tpu.memory_space<vmem>> -> memref<16x64xf32, #tpu.memory_space<vmem>>
    %dma_wait3A_274 = arith.constant 16 : i32
    %dma_wait3A_275 = tpu.memref_slice %arg7[%dma_wait3A_270, %dma_wait3A_274] : memref<160x128xi32, #tpu.memory_space<vmem>> -> memref<1x16xi32, #tpu.memory_space<vmem>>
    %dma_wait3A_276 = tpu.memref_squeeze %dma_wait3A_275 : memref<1x16xi32, #tpu.memory_space<vmem>> -> memref<16xi32, #tpu.memory_space<vmem>>
    %dma_wait3A_277 = arith.constant 0 : i32
    %dma_wait3A_278 = arith.constant 0 : i32
    %dma_wait3A_279 = tpu.memref_slice %arg2[%dma_wait3A_277, %dma_wait3A_278] : memref<20000x64xf32, #tpu.memory_space<hbm>> -> memref<20000x64xf32, #tpu.memory_space<hbm>>
    tpu.wait_indirect_dma semaphore(%arg20 : memref<!tpu.dma_semaphore, #tpu.memory_space<semaphore_mem>>) src(%dma_wait3A_279 : memref<20000x64xf32, #tpu.memory_space<hbm>>) dst(%dma_wait3A_273 : memref<16x64xf32, #tpu.memory_space<vmem>>)
    %dma_wait3A_280 = arith.constant 159 : i32
    %dma_wait3A_281 = arith.constant 32 : i32
    %dma_wait3A_282 = arith.constant 0 : i32
    %dma_wait3A_283 = tpu.memref_slice %arg10[%dma_wait3A_281, %dma_wait3A_282] : memref<128x64xf32, #tpu.memory_space<vmem>> -> memref<16x64xf32, #tpu.memory_space<vmem>>
    %dma_wait3A_284 = arith.constant 32 : i32
    %dma_wait3A_285 = tpu.memref_slice %arg7[%dma_wait3A_280, %dma_wait3A_284] : memref<160x128xi32, #tpu.memory_space<vmem>> -> memref<1x16xi32, #tpu.memory_space<vmem>>
    %dma_wait3A_286 = tpu.memref_squeeze %dma_wait3A_285 : memref<1x16xi32, #tpu.memory_space<vmem>> -> memref<16xi32, #tpu.memory_space<vmem>>
    %dma_wait3A_287 = arith.constant 0 : i32
    %dma_wait3A_288 = arith.constant 0 : i32
    %dma_wait3A_289 = tpu.memref_slice %arg2[%dma_wait3A_287, %dma_wait3A_288] : memref<20000x64xf32, #tpu.memory_space<hbm>> -> memref<20000x64xf32, #tpu.memory_space<hbm>>
    tpu.wait_indirect_dma semaphore(%arg21 : memref<!tpu.dma_semaphore, #tpu.memory_space<semaphore_mem>>) src(%dma_wait3A_289 : memref<20000x64xf32, #tpu.memory_space<hbm>>) dst(%dma_wait3A_283 : memref<16x64xf32, #tpu.memory_space<vmem>>)
    %dma_wait3A_290 = arith.constant 159 : i32
    %dma_wait3A_291 = arith.constant 48 : i32
    %dma_wait3A_292 = arith.constant 0 : i32
    %dma_wait3A_293 = tpu.memref_slice %arg10[%dma_wait3A_291, %dma_wait3A_292] : memref<128x64xf32, #tpu.memory_space<vmem>> -> memref<16x64xf32, #tpu.memory_space<vmem>>
    %dma_wait3A_294 = arith.constant 48 : i32
    %dma_wait3A_295 = tpu.memref_slice %arg7[%dma_wait3A_290, %dma_wait3A_294] : memref<160x128xi32, #tpu.memory_space<vmem>> -> memref<1x16xi32, #tpu.memory_space<vmem>>
    %dma_wait3A_296 = tpu.memref_squeeze %dma_wait3A_295 : memref<1x16xi32, #tpu.memory_space<vmem>> -> memref<16xi32, #tpu.memory_space<vmem>>
    %dma_wait3A_297 = arith.constant 0 : i32
    %dma_wait3A_298 = arith.constant 0 : i32
    %dma_wait3A_299 = tpu.memref_slice %arg2[%dma_wait3A_297, %dma_wait3A_298] : memref<20000x64xf32, #tpu.memory_space<hbm>> -> memref<20000x64xf32, #tpu.memory_space<hbm>>
    tpu.wait_indirect_dma semaphore(%arg22 : memref<!tpu.dma_semaphore, #tpu.memory_space<semaphore_mem>>) src(%dma_wait3A_299 : memref<20000x64xf32, #tpu.memory_space<hbm>>) dst(%dma_wait3A_293 : memref<16x64xf32, #tpu.memory_space<vmem>>)
    %dma_wait3A_300 = arith.constant 159 : i32
    %dma_wait3A_301 = arith.constant 64 : i32
    %dma_wait3A_302 = arith.constant 0 : i32
    %dma_wait3A_303 = tpu.memref_slice %arg10[%dma_wait3A_301, %dma_wait3A_302] : memref<128x64xf32, #tpu.memory_space<vmem>> -> memref<16x64xf32, #tpu.memory_space<vmem>>
    %dma_wait3A_304 = arith.constant 64 : i32
    %dma_wait3A_305 = tpu.memref_slice %arg7[%dma_wait3A_300, %dma_wait3A_304] : memref<160x128xi32, #tpu.memory_space<vmem>> -> memref<1x16xi32, #tpu.memory_space<vmem>>
    %dma_wait3A_306 = tpu.memref_squeeze %dma_wait3A_305 : memref<1x16xi32, #tpu.memory_space<vmem>> -> memref<16xi32, #tpu.memory_space<vmem>>
    %dma_wait3A_307 = arith.constant 0 : i32
    %dma_wait3A_308 = arith.constant 0 : i32
    %dma_wait3A_309 = tpu.memref_slice %arg2[%dma_wait3A_307, %dma_wait3A_308] : memref<20000x64xf32, #tpu.memory_space<hbm>> -> memref<20000x64xf32, #tpu.memory_space<hbm>>
    tpu.wait_indirect_dma semaphore(%arg23 : memref<!tpu.dma_semaphore, #tpu.memory_space<semaphore_mem>>) src(%dma_wait3A_309 : memref<20000x64xf32, #tpu.memory_space<hbm>>) dst(%dma_wait3A_303 : memref<16x64xf32, #tpu.memory_space<vmem>>)
    %dma_wait3A_310 = arith.constant 159 : i32
    %dma_wait3A_311 = arith.constant 80 : i32
    %dma_wait3A_312 = arith.constant 0 : i32
    %dma_wait3A_313 = tpu.memref_slice %arg10[%dma_wait3A_311, %dma_wait3A_312] : memref<128x64xf32, #tpu.memory_space<vmem>> -> memref<16x64xf32, #tpu.memory_space<vmem>>
    %dma_wait3A_314 = arith.constant 80 : i32
    %dma_wait3A_315 = tpu.memref_slice %arg7[%dma_wait3A_310, %dma_wait3A_314] : memref<160x128xi32, #tpu.memory_space<vmem>> -> memref<1x16xi32, #tpu.memory_space<vmem>>
    %dma_wait3A_316 = tpu.memref_squeeze %dma_wait3A_315 : memref<1x16xi32, #tpu.memory_space<vmem>> -> memref<16xi32, #tpu.memory_space<vmem>>
    %dma_wait3A_317 = arith.constant 0 : i32
    %dma_wait3A_318 = arith.constant 0 : i32
    %dma_wait3A_319 = tpu.memref_slice %arg2[%dma_wait3A_317, %dma_wait3A_318] : memref<20000x64xf32, #tpu.memory_space<hbm>> -> memref<20000x64xf32, #tpu.memory_space<hbm>>
    tpu.wait_indirect_dma semaphore(%arg24 : memref<!tpu.dma_semaphore, #tpu.memory_space<semaphore_mem>>) src(%dma_wait3A_319 : memref<20000x64xf32, #tpu.memory_space<hbm>>) dst(%dma_wait3A_313 : memref<16x64xf32, #tpu.memory_space<vmem>>)
    %dma_wait3A_320 = arith.constant 159 : i32
    %dma_wait3A_321 = arith.constant 96 : i32
    %dma_wait3A_322 = arith.constant 0 : i32
    %dma_wait3A_323 = tpu.memref_slice %arg10[%dma_wait3A_321, %dma_wait3A_322] : memref<128x64xf32, #tpu.memory_space<vmem>> -> memref<16x64xf32, #tpu.memory_space<vmem>>
    %dma_wait3A_324 = arith.constant 96 : i32
    %dma_wait3A_325 = tpu.memref_slice %arg7[%dma_wait3A_320, %dma_wait3A_324] : memref<160x128xi32, #tpu.memory_space<vmem>> -> memref<1x16xi32, #tpu.memory_space<vmem>>
    %dma_wait3A_326 = tpu.memref_squeeze %dma_wait3A_325 : memref<1x16xi32, #tpu.memory_space<vmem>> -> memref<16xi32, #tpu.memory_space<vmem>>
    %dma_wait3A_327 = arith.constant 0 : i32
    %dma_wait3A_328 = arith.constant 0 : i32
    %dma_wait3A_329 = tpu.memref_slice %arg2[%dma_wait3A_327, %dma_wait3A_328] : memref<20000x64xf32, #tpu.memory_space<hbm>> -> memref<20000x64xf32, #tpu.memory_space<hbm>>
    tpu.wait_indirect_dma semaphore(%arg25 : memref<!tpu.dma_semaphore, #tpu.memory_space<semaphore_mem>>) src(%dma_wait3A_329 : memref<20000x64xf32, #tpu.memory_space<hbm>>) dst(%dma_wait3A_323 : memref<16x64xf32, #tpu.memory_space<vmem>>)
    %dma_wait3A_330 = arith.constant 159 : i32
    %dma_wait3A_331 = arith.constant 112 : i32
    %dma_wait3A_332 = arith.constant 0 : i32
    %dma_wait3A_333 = tpu.memref_slice %arg10[%dma_wait3A_331, %dma_wait3A_332] : memref<128x64xf32, #tpu.memory_space<vmem>> -> memref<16x64xf32, #tpu.memory_space<vmem>>
    %dma_wait3A_334 = arith.constant 112 : i32
    %dma_wait3A_335 = tpu.memref_slice %arg7[%dma_wait3A_330, %dma_wait3A_334] : memref<160x128xi32, #tpu.memory_space<vmem>> -> memref<1x16xi32, #tpu.memory_space<vmem>>
    %dma_wait3A_336 = tpu.memref_squeeze %dma_wait3A_335 : memref<1x16xi32, #tpu.memory_space<vmem>> -> memref<16xi32, #tpu.memory_space<vmem>>
    %dma_wait3A_337 = arith.constant 0 : i32
    %dma_wait3A_338 = arith.constant 0 : i32
    %dma_wait3A_339 = tpu.memref_slice %arg2[%dma_wait3A_337, %dma_wait3A_338] : memref<20000x64xf32, #tpu.memory_space<hbm>> -> memref<20000x64xf32, #tpu.memory_space<hbm>>
    tpu.wait_indirect_dma semaphore(%arg26 : memref<!tpu.dma_semaphore, #tpu.memory_space<semaphore_mem>>) src(%dma_wait3A_339 : memref<20000x64xf32, #tpu.memory_space<hbm>>) dst(%dma_wait3A_333 : memref<16x64xf32, #tpu.memory_space<vmem>>)
    %barrier3A_340 = arith.constant 0 : index
    tpu.barrier barrier_id(%barrier3A_340)
    "tpu.region"() ({
      %run_scoped3A = tpu.sem_alloc : memref<!tpu.dma_semaphore, #tpu.memory_space<semaphore_mem>>
      %dma_start3A_341 = arith.constant 0 : i32
      %dma_start3A_342 = tpu.memref_slice %arg5[%arg0, %mul3A_5, %dma_start3A_341] : memref<2x10112x64xf32, #tpu.memory_space<hbm>> -> memref<1x632x64xf32, #tpu.memory_space<hbm>>
      %dma_start3A_343 = tpu.memref_squeeze %dma_start3A_342 : memref<1x632x64xf32, #tpu.memory_space<hbm>> -> memref<632x64xf32, #tpu.memory_space<hbm>>
      %dma_start3A_344 = arith.constant 0 : i32
      %dma_start3A_345 = tpu.memref_slice %arg6[%mul3A_5, %dma_start3A_344] : memref<10112x64xf32, #tpu.memory_space<vmem_shared>> -> memref<632x64xf32, #tpu.memory_space<vmem_shared>>
      tpu.enqueue_dma source(%dma_start3A_345 : memref<632x64xf32, #tpu.memory_space<vmem_shared>>) target(%dma_start3A_343 : memref<632x64xf32, #tpu.memory_space<hbm>>) target_semaphore(%run_scoped3A : memref<!tpu.dma_semaphore, #tpu.memory_space<semaphore_mem>>)
      %dma_wait3A_346 = arith.constant 0 : i32
      %dma_wait3A_347 = tpu.memref_slice %arg5[%arg0, %mul3A_5, %dma_wait3A_346] : memref<2x10112x64xf32, #tpu.memory_space<hbm>> -> memref<1x632x64xf32, #tpu.memory_space<hbm>>
      %dma_wait3A_348 = tpu.memref_squeeze %dma_wait3A_347 : memref<1x632x64xf32, #tpu.memory_space<hbm>> -> memref<632x64xf32, #tpu.memory_space<hbm>>
      %dma_wait3A_349 = arith.constant 0 : i32
      %dma_wait3A_350 = tpu.memref_slice %arg6[%mul3A_5, %dma_wait3A_349] : memref<10112x64xf32, #tpu.memory_space<vmem_shared>> -> memref<632x64xf32, #tpu.memory_space<vmem_shared>>
      tpu.wait_dma2 semaphore(%run_scoped3A : memref<!tpu.dma_semaphore, #tpu.memory_space<semaphore_mem>>) src(%dma_wait3A_350 : memref<632x64xf32, #tpu.memory_space<vmem_shared>>) dst(%dma_wait3A_348 : memref<632x64xf32, #tpu.memory_space<hbm>>)
      tpu.yield
    }) : () -> ()
    return
  }
}

#map = affine_map<(d0, d1) -> (0, 0)>
#map1 = affine_map<(d0, d1) -> (0, 0, 0, 0)>
#map2 = affine_map<(d0, d1) -> (0, 0, 0)>
module attributes {stable_mosaic.version = 14 : i64} {
  func.func @_agg_body(%arg0: i32, %arg1: i32, %arg2: memref<20000x64xf32, #tpu.memory_space<hbm>>, %arg3: memref<2x16x160x128xi32, #tpu.memory_space<hbm>>, %arg4: memref<16x158x128xi32, #tpu.memory_space<hbm>>, %arg5: memref<2x10112x64xf32, #tpu.memory_space<hbm>>, %arg6: memref<10112x64xf32, #tpu.memory_space<vmem_shared>>, %arg7: memref<160x128xi32, #tpu.memory_space<vmem>>, %arg8: memref<158x128xi32, #tpu.memory_space<vmem>>, %arg9: memref<128x64xf32, #tpu.memory_space<vmem>>, %arg10: memref<128x64xf32, #tpu.memory_space<vmem>>, %arg11: memref<!tpu.dma_semaphore, #tpu.memory_space<semaphore_mem>>, %arg12: memref<!tpu.dma_semaphore, #tpu.memory_space<semaphore_mem>>, %arg13: memref<!tpu.dma_semaphore, #tpu.memory_space<semaphore_mem>>, %arg14: memref<!tpu.dma_semaphore, #tpu.memory_space<semaphore_mem>>, %arg15: memref<!tpu.dma_semaphore, #tpu.memory_space<semaphore_mem>>, %arg16: memref<!tpu.dma_semaphore, #tpu.memory_space<semaphore_mem>>, %arg17: memref<!tpu.dma_semaphore, #tpu.memory_space<semaphore_mem>>, %arg18: memref<!tpu.dma_semaphore, #tpu.memory_space<semaphore_mem>>, %arg19: memref<!tpu.dma_semaphore, #tpu.memory_space<semaphore_mem>>, %arg20: memref<!tpu.dma_semaphore, #tpu.memory_space<semaphore_mem>>, %arg21: memref<!tpu.dma_semaphore, #tpu.memory_space<semaphore_mem>>, %arg22: memref<!tpu.dma_semaphore, #tpu.memory_space<semaphore_mem>>, %arg23: memref<!tpu.dma_semaphore, #tpu.memory_space<semaphore_mem>>, %arg24: memref<!tpu.dma_semaphore, #tpu.memory_space<semaphore_mem>>, %arg25: memref<!tpu.dma_semaphore, #tpu.memory_space<semaphore_mem>>, %arg26: memref<!tpu.dma_semaphore, #tpu.memory_space<semaphore_mem>>) attributes {dimension_semantics = [#tpu.dimension_semantics<core_parallel>, #tpu.dimension_semantics<subcore_parallel>], iteration_bounds = array<i64: 2, 16>, scalar_prefetch = 0 : i64, scratch_operands = 21 : i64, tpu.core_type = #tpu.core_type<sc_vector_subcore>, window_params = [{transform_indices = #map}, {transform_indices = #map1}, {transform_indices = #map2}, {transform_indices = #map2}]} {
    "tpu.region"() ({
      %run_scoped3A = tpu.sem_alloc : memref<!tpu.dma_semaphore, #tpu.memory_space<semaphore_mem>>
      %dma_start3A_341 = arith.constant 0 : i32
      %dma_start3A_342 = arith.constant 0 : i32
      %dma_start3A_343 = tpu.memref_slice %arg3[%arg0, %arg1, %dma_start3A_341, %dma_start3A_342] : memref<2x16x160x128xi32, #tpu.memory_space<hbm>> -> memref<1x1x160x128xi32, #tpu.memory_space<hbm>>
      %dma_start3A_344 = tpu.memref_squeeze %dma_start3A_343 : memref<1x1x160x128xi32, #tpu.memory_space<hbm>> -> memref<160x128xi32, #tpu.memory_space<hbm>>
      %dma_start3A_345 = arith.constant 0 : i32
      %dma_start3A_346 = arith.constant 0 : i32
      %dma_start3A_347 = tpu.memref_slice %arg3[%arg0, %arg1, %dma_start3A_345, %dma_start3A_346] : memref<2x16x160x128xi32, #tpu.memory_space<hbm>> -> memref<1x1x160x128xi32, #tpu.memory_space<hbm>>
      %dma_start3A_348 = tpu.memref_squeeze %dma_start3A_347 : memref<1x1x160x128xi32, #tpu.memory_space<hbm>> -> memref<160x128xi32, #tpu.memory_space<hbm>>
      tpu.enqueue_dma source(%dma_start3A_348 : memref<160x128xi32, #tpu.memory_space<hbm>>) target(%arg7 : memref<160x128xi32, #tpu.memory_space<vmem>>) target_semaphore(%run_scoped3A : memref<!tpu.dma_semaphore, #tpu.memory_space<semaphore_mem>>)
      %dma_wait3A_349 = arith.constant 0 : i32
      %dma_wait3A_350 = arith.constant 0 : i32
      %dma_wait3A_351 = tpu.memref_slice %arg3[%arg0, %arg1, %dma_wait3A_349, %dma_wait3A_350] : memref<2x16x160x128xi32, #tpu.memory_space<hbm>> -> memref<1x1x160x128xi32, #tpu.memory_space<hbm>>
      %dma_wait3A_352 = tpu.memref_squeeze %dma_wait3A_351 : memref<1x1x160x128xi32, #tpu.memory_space<hbm>> -> memref<160x128xi32, #tpu.memory_space<hbm>>
      %dma_wait3A_353 = arith.constant 0 : i32
      %dma_wait3A_354 = arith.constant 0 : i32
      %dma_wait3A_355 = tpu.memref_slice %arg3[%arg0, %arg1, %dma_wait3A_353, %dma_wait3A_354] : memref<2x16x160x128xi32, #tpu.memory_space<hbm>> -> memref<1x1x160x128xi32, #tpu.memory_space<hbm>>
      %dma_wait3A_356 = tpu.memref_squeeze %dma_wait3A_355 : memref<1x1x160x128xi32, #tpu.memory_space<hbm>> -> memref<160x128xi32, #tpu.memory_space<hbm>>
      tpu.wait_dma2 semaphore(%run_scoped3A : memref<!tpu.dma_semaphore, #tpu.memory_space<semaphore_mem>>) src(%dma_wait3A_356 : memref<160x128xi32, #tpu.memory_space<hbm>>) dst(%arg7 : memref<160x128xi32, #tpu.memory_space<vmem>>)
      tpu.yield
    }) : () -> ()
    "tpu.region"() ({
      %run_scoped3A = tpu.sem_alloc : memref<!tpu.dma_semaphore, #tpu.memory_space<semaphore_mem>>
      %dma_start3A_341 = arith.constant 0 : i32
      %dma_start3A_342 = arith.constant 0 : i32
      %dma_start3A_343 = tpu.memref_slice %arg4[%arg1, %dma_start3A_341, %dma_start3A_342] : memref<16x158x128xi32, #tpu.memory_space<hbm>> -> memref<1x158x128xi32, #tpu.memory_space<hbm>>
      %dma_start3A_344 = tpu.memref_squeeze %dma_start3A_343 : memref<1x158x128xi32, #tpu.memory_space<hbm>> -> memref<158x128xi32, #tpu.memory_space<hbm>>
      %dma_start3A_345 = arith.constant 0 : i32
      %dma_start3A_346 = arith.constant 0 : i32
      %dma_start3A_347 = tpu.memref_slice %arg4[%arg1, %dma_start3A_345, %dma_start3A_346] : memref<16x158x128xi32, #tpu.memory_space<hbm>> -> memref<1x158x128xi32, #tpu.memory_space<hbm>>
      %dma_start3A_348 = tpu.memref_squeeze %dma_start3A_347 : memref<1x158x128xi32, #tpu.memory_space<hbm>> -> memref<158x128xi32, #tpu.memory_space<hbm>>
      tpu.enqueue_dma source(%dma_start3A_348 : memref<158x128xi32, #tpu.memory_space<hbm>>) target(%arg8 : memref<158x128xi32, #tpu.memory_space<vmem>>) target_semaphore(%run_scoped3A : memref<!tpu.dma_semaphore, #tpu.memory_space<semaphore_mem>>)
      %dma_wait3A_349 = arith.constant 0 : i32
      %dma_wait3A_350 = arith.constant 0 : i32
      %dma_wait3A_351 = tpu.memref_slice %arg4[%arg1, %dma_wait3A_349, %dma_wait3A_350] : memref<16x158x128xi32, #tpu.memory_space<hbm>> -> memref<1x158x128xi32, #tpu.memory_space<hbm>>
      %dma_wait3A_352 = tpu.memref_squeeze %dma_wait3A_351 : memref<1x158x128xi32, #tpu.memory_space<hbm>> -> memref<158x128xi32, #tpu.memory_space<hbm>>
      %dma_wait3A_353 = arith.constant 0 : i32
      %dma_wait3A_354 = arith.constant 0 : i32
      %dma_wait3A_355 = tpu.memref_slice %arg4[%arg1, %dma_wait3A_353, %dma_wait3A_354] : memref<16x158x128xi32, #tpu.memory_space<hbm>> -> memref<1x158x128xi32, #tpu.memory_space<hbm>>
      %dma_wait3A_356 = tpu.memref_squeeze %dma_wait3A_355 : memref<1x158x128xi32, #tpu.memory_space<hbm>> -> memref<158x128xi32, #tpu.memory_space<hbm>>
      tpu.wait_dma2 semaphore(%run_scoped3A : memref<!tpu.dma_semaphore, #tpu.memory_space<semaphore_mem>>) src(%dma_wait3A_356 : memref<158x128xi32, #tpu.memory_space<hbm>>) dst(%arg8 : memref<158x128xi32, #tpu.memory_space<vmem>>)
      tpu.yield
    }) : () -> ()
    %scan3A = arith.constant 0 : i32
    %scan3A_0 = arith.constant 0 : i32
    %scan3A_1 = arith.constant 128 : i32
    %scan3A_2 = arith.addi %scan3A_0, %scan3A_1 : i32
    %scan3A_3 = arith.constant 1 : i32
    scf.for %scan3A_341 = %scan3A_0 to %scan3A_2 step %scan3A_3  : i32 {
      %broadcast_in_dim3A = arith.constant 0.000000e+00 : f32
      %broadcast_in_dim3A_342 = vector.broadcast %broadcast_in_dim3A : f32 to vector<16xf32>
      %swap3A = arith.index_cast %scan3A_341 : i32 to index
      %swap3A_343 = arith.constant 0 : index
      %swap3A_344 = tpu.vector_load %arg9[%swap3A, %swap3A_343] {strides = array<i32>} : memref<128x64xf32, #tpu.memory_space<vmem>>, vector<1x16xf32>,
      %swap3A_345 = vector.shape_cast %swap3A_344 : vector<1x16xf32> to vector<16xf32>
      %swap3A_346 = vector.shape_cast %broadcast_in_dim3A_342 : vector<16xf32> to vector<1x16xf32>
      tpu.vector_store %arg9[%swap3A, %swap3A_343], %swap3A_346 {strides = array<i32>} : memref<128x64xf32, #tpu.memory_space<vmem>>, vector<1x16xf32>,
      %broadcast_in_dim3A_347 = arith.constant 0.000000e+00 : f32
      %broadcast_in_dim3A_348 = vector.broadcast %broadcast_in_dim3A_347 : f32 to vector<16xf32>
      %swap3A_349 = arith.index_cast %scan3A_341 : i32 to index
      %swap3A_350 = arith.constant 16 : index
      %swap3A_351 = tpu.vector_load %arg9[%swap3A_349, %swap3A_350] {strides = array<i32>} : memref<128x64xf32, #tpu.memory_space<vmem>>, vector<1x16xf32>,
      %swap3A_352 = vector.shape_cast %swap3A_351 : vector<1x16xf32> to vector<16xf32>
      %swap3A_353 = vector.shape_cast %broadcast_in_dim3A_348 : vector<16xf32> to vector<1x16xf32>
      tpu.vector_store %arg9[%swap3A_349, %swap3A_350], %swap3A_353 {strides = array<i32>} : memref<128x64xf32, #tpu.memory_space<vmem>>, vector<1x16xf32>,
      %broadcast_in_dim3A_354 = arith.constant 0.000000e+00 : f32
      %broadcast_in_dim3A_355 = vector.broadcast %broadcast_in_dim3A_354 : f32 to vector<16xf32>
      %swap3A_356 = arith.index_cast %scan3A_341 : i32 to index
      %swap3A_357 = arith.constant 32 : index
      %swap3A_358 = tpu.vector_load %arg9[%swap3A_356, %swap3A_357] {strides = array<i32>} : memref<128x64xf32, #tpu.memory_space<vmem>>, vector<1x16xf32>,
      %swap3A_359 = vector.shape_cast %swap3A_358 : vector<1x16xf32> to vector<16xf32>
      %swap3A_360 = vector.shape_cast %broadcast_in_dim3A_355 : vector<16xf32> to vector<1x16xf32>
      tpu.vector_store %arg9[%swap3A_356, %swap3A_357], %swap3A_360 {strides = array<i32>} : memref<128x64xf32, #tpu.memory_space<vmem>>, vector<1x16xf32>,
      %broadcast_in_dim3A_361 = arith.constant 0.000000e+00 : f32
      %broadcast_in_dim3A_362 = vector.broadcast %broadcast_in_dim3A_361 : f32 to vector<16xf32>
      %swap3A_363 = arith.index_cast %scan3A_341 : i32 to index
      %swap3A_364 = arith.constant 48 : index
      %swap3A_365 = tpu.vector_load %arg9[%swap3A_363, %swap3A_364] {strides = array<i32>} : memref<128x64xf32, #tpu.memory_space<vmem>>, vector<1x16xf32>,
      %swap3A_366 = vector.shape_cast %swap3A_365 : vector<1x16xf32> to vector<16xf32>
      %swap3A_367 = vector.shape_cast %broadcast_in_dim3A_362 : vector<16xf32> to vector<1x16xf32>
      tpu.vector_store %arg9[%swap3A_363, %swap3A_364], %swap3A_367 {strides = array<i32>} : memref<128x64xf32, #tpu.memory_space<vmem>>, vector<1x16xf32>,
    }
    %scan3A_4 = arith.constant 128 : i32
    %mul3A = arith.constant 632 : i32
    %mul3A_5 = arith.muli %arg1, %mul3A : i32
    %add3A = arith.constant 0 : i32
    %add3A_6 = arith.addi %mul3A_5, %add3A : i32
    "tpu.region"() ({
      %run_scoped3A = tpu.sem_alloc : memref<!tpu.dma_semaphore, #tpu.memory_space<semaphore_mem>>
      %dma_start3A_341 = arith.constant 0 : i32
      %dma_start3A_342 = tpu.memref_slice %arg6[%add3A_6, %dma_start3A_341] : memref<10112x64xf32, #tpu.memory_space<vmem_shared>> -> memref<128x64xf32, #tpu.memory_space<vmem_shared>>
      %dma_start3A_343 = arith.constant 0 : i32
      %dma_start3A_344 = tpu.memref_slice %arg6[%add3A_6, %dma_start3A_343] : memref<10112x64xf32, #tpu.memory_space<vmem_shared>> -> memref<128x64xf32, #tpu.memory_space<vmem_shared>>
      tpu.enqueue_dma source(%arg9 : memref<128x64xf32, #tpu.memory_space<vmem>>) target(%dma_start3A_344 : memref<128x64xf32, #tpu.memory_space<vmem_shared>>) target_semaphore(%run_scoped3A : memref<!tpu.dma_semaphore, #tpu.memory_space<semaphore_mem>>)
      %dma_wait3A_345 = arith.constant 0 : i32
      %dma_wait3A_346 = tpu.memref_slice %arg6[%add3A_6, %dma_wait3A_345] : memref<10112x64xf32, #tpu.memory_space<vmem_shared>> -> memref<128x64xf32, #tpu.memory_space<vmem_shared>>
      %dma_wait3A_347 = arith.constant 0 : i32
      %dma_wait3A_348 = tpu.memref_slice %arg6[%add3A_6, %dma_wait3A_347] : memref<10112x64xf32, #tpu.memory_space<vmem_shared>> -> memref<128x64xf32, #tpu.memory_space<vmem_shared>>
      tpu.wait_dma2 semaphore(%run_scoped3A : memref<!tpu.dma_semaphore, #tpu.memory_space<semaphore_mem>>) src(%arg9 : memref<128x64xf32, #tpu.memory_space<vmem>>) dst(%dma_wait3A_348 : memref<128x64xf32, #tpu.memory_space<vmem_shared>>)
      tpu.yield
    }) : () -> ()
    %add3A_7 = arith.constant 128 : i32
    %add3A_8 = arith.addi %mul3A_5, %add3A_7 : i32
    "tpu.region"() ({
      %run_scoped3A = tpu.sem_alloc : memref<!tpu.dma_semaphore, #tpu.memory_space<semaphore_mem>>
      %dma_start3A_341 = arith.constant 0 : i32
      %dma_start3A_342 = tpu.memref_slice %arg6[%add3A_8, %dma_start3A_341] : memref<10112x64xf32, #tpu.memory_space<vmem_shared>> -> memref<128x64xf32, #tpu.memory_space<vmem_shared>>
      %dma_start3A_343 = arith.constant 0 : i32
      %dma_start3A_344 = tpu.memref_slice %arg6[%add3A_8, %dma_start3A_343] : memref<10112x64xf32, #tpu.memory_space<vmem_shared>> -> memref<128x64xf32, #tpu.memory_space<vmem_shared>>
      tpu.enqueue_dma source(%arg9 : memref<128x64xf32, #tpu.memory_space<vmem>>) target(%dma_start3A_344 : memref<128x64xf32, #tpu.memory_space<vmem_shared>>) target_semaphore(%run_scoped3A : memref<!tpu.dma_semaphore, #tpu.memory_space<semaphore_mem>>)
      %dma_wait3A_345 = arith.constant 0 : i32
      %dma_wait3A_346 = tpu.memref_slice %arg6[%add3A_8, %dma_wait3A_345] : memref<10112x64xf32, #tpu.memory_space<vmem_shared>> -> memref<128x64xf32, #tpu.memory_space<vmem_shared>>
      %dma_wait3A_347 = arith.constant 0 : i32
      %dma_wait3A_348 = tpu.memref_slice %arg6[%add3A_8, %dma_wait3A_347] : memref<10112x64xf32, #tpu.memory_space<vmem_shared>> -> memref<128x64xf32, #tpu.memory_space<vmem_shared>>
      tpu.wait_dma2 semaphore(%run_scoped3A : memref<!tpu.dma_semaphore, #tpu.memory_space<semaphore_mem>>) src(%arg9 : memref<128x64xf32, #tpu.memory_space<vmem>>) dst(%dma_wait3A_348 : memref<128x64xf32, #tpu.memory_space<vmem_shared>>)
      tpu.yield
    }) : () -> ()
    %add3A_9 = arith.constant 256 : i32
    %add3A_10 = arith.addi %mul3A_5, %add3A_9 : i32
    "tpu.region"() ({
      %run_scoped3A = tpu.sem_alloc : memref<!tpu.dma_semaphore, #tpu.memory_space<semaphore_mem>>
      %dma_start3A_341 = arith.constant 0 : i32
      %dma_start3A_342 = tpu.memref_slice %arg6[%add3A_10, %dma_start3A_341] : memref<10112x64xf32, #tpu.memory_space<vmem_shared>> -> memref<128x64xf32, #tpu.memory_space<vmem_shared>>
      %dma_start3A_343 = arith.constant 0 : i32
      %dma_start3A_344 = tpu.memref_slice %arg6[%add3A_10, %dma_start3A_343] : memref<10112x64xf32, #tpu.memory_space<vmem_shared>> -> memref<128x64xf32, #tpu.memory_space<vmem_shared>>
      tpu.enqueue_dma source(%arg9 : memref<128x64xf32, #tpu.memory_space<vmem>>) target(%dma_start3A_344 : memref<128x64xf32, #tpu.memory_space<vmem_shared>>) target_semaphore(%run_scoped3A : memref<!tpu.dma_semaphore, #tpu.memory_space<semaphore_mem>>)
      %dma_wait3A_345 = arith.constant 0 : i32
      %dma_wait3A_346 = tpu.memref_slice %arg6[%add3A_10, %dma_wait3A_345] : memref<10112x64xf32, #tpu.memory_space<vmem_shared>> -> memref<128x64xf32, #tpu.memory_space<vmem_shared>>
      %dma_wait3A_347 = arith.constant 0 : i32
      %dma_wait3A_348 = tpu.memref_slice %arg6[%add3A_10, %dma_wait3A_347] : memref<10112x64xf32, #tpu.memory_space<vmem_shared>> -> memref<128x64xf32, #tpu.memory_space<vmem_shared>>
      tpu.wait_dma2 semaphore(%run_scoped3A : memref<!tpu.dma_semaphore, #tpu.memory_space<semaphore_mem>>) src(%arg9 : memref<128x64xf32, #tpu.memory_space<vmem>>) dst(%dma_wait3A_348 : memref<128x64xf32, #tpu.memory_space<vmem_shared>>)
      tpu.yield
    }) : () -> ()
    %add3A_11 = arith.constant 384 : i32
    %add3A_12 = arith.addi %mul3A_5, %add3A_11 : i32
    "tpu.region"() ({
      %run_scoped3A = tpu.sem_alloc : memref<!tpu.dma_semaphore, #tpu.memory_space<semaphore_mem>>
      %dma_start3A_341 = arith.constant 0 : i32
      %dma_start3A_342 = tpu.memref_slice %arg6[%add3A_12, %dma_start3A_341] : memref<10112x64xf32, #tpu.memory_space<vmem_shared>> -> memref<128x64xf32, #tpu.memory_space<vmem_shared>>
      %dma_start3A_343 = arith.constant 0 : i32
      %dma_start3A_344 = tpu.memref_slice %arg6[%add3A_12, %dma_start3A_343] : memref<10112x64xf32, #tpu.memory_space<vmem_shared>> -> memref<128x64xf32, #tpu.memory_space<vmem_shared>>
      tpu.enqueue_dma source(%arg9 : memref<128x64xf32, #tpu.memory_space<vmem>>) target(%dma_start3A_344 : memref<128x64xf32, #tpu.memory_space<vmem_shared>>) target_semaphore(%run_scoped3A : memref<!tpu.dma_semaphore, #tpu.memory_space<semaphore_mem>>)
      %dma_wait3A_345 = arith.constant 0 : i32
      %dma_wait3A_346 = tpu.memref_slice %arg6[%add3A_12, %dma_wait3A_345] : memref<10112x64xf32, #tpu.memory_space<vmem_shared>> -> memref<128x64xf32, #tpu.memory_space<vmem_shared>>
      %dma_wait3A_347 = arith.constant 0 : i32
      %dma_wait3A_348 = tpu.memref_slice %arg6[%add3A_12, %dma_wait3A_347] : memref<10112x64xf32, #tpu.memory_space<vmem_shared>> -> memref<128x64xf32, #tpu.memory_space<vmem_shared>>
      tpu.wait_dma2 semaphore(%run_scoped3A : memref<!tpu.dma_semaphore, #tpu.memory_space<semaphore_mem>>) src(%arg9 : memref<128x64xf32, #tpu.memory_space<vmem>>) dst(%dma_wait3A_348 : memref<128x64xf32, #tpu.memory_space<vmem_shared>>)
      tpu.yield
    }) : () -> ()
    %add3A_13 = arith.constant 632 : i32
    %add3A_14 = arith.addi %mul3A_5, %add3A_13 : i32
    %sub3A = arith.constant 120 : i32
    %sub3A_15 = arith.subi %add3A_14, %sub3A : i32
    "tpu.region"() ({
      %run_scoped3A = tpu.sem_alloc : memref<!tpu.dma_semaphore, #tpu.memory_space<semaphore_mem>>
      %dma_start3A_341 = arith.constant 0 : i32
      %dma_start3A_342 = arith.constant 0 : i32
      %dma_start3A_343 = tpu.memref_slice %arg9[%dma_start3A_341, %dma_start3A_342] : memref<128x64xf32, #tpu.memory_space<vmem>> -> memref<120x64xf32, #tpu.memory_space<vmem>>
      %dma_start3A_344 = arith.constant 0 : i32
      %dma_start3A_345 = tpu.memref_slice %arg6[%sub3A_15, %dma_start3A_344] : memref<10112x64xf32, #tpu.memory_space<vmem_shared>> -> memref<120x64xf32, #tpu.memory_space<vmem_shared>>
      %dma_start3A_346 = arith.constant 0 : i32
      %dma_start3A_347 = tpu.memref_slice %arg6[%sub3A_15, %dma_start3A_346] : memref<10112x64xf32, #tpu.memory_space<vmem_shared>> -> memref<120x64xf32, #tpu.memory_space<vmem_shared>>
      %dma_start3A_348 = arith.constant 0 : i32
      %dma_start3A_349 = arith.constant 0 : i32
      %dma_start3A_350 = tpu.memref_slice %arg9[%dma_start3A_348, %dma_start3A_349] : memref<128x64xf32, #tpu.memory_space<vmem>> -> memref<120x64xf32, #tpu.memory_space<vmem>>
      tpu.enqueue_dma source(%dma_start3A_350 : memref<120x64xf32, #tpu.memory_space<vmem>>) target(%dma_start3A_347 : memref<120x64xf32, #tpu.memory_space<vmem_shared>>) target_semaphore(%run_scoped3A : memref<!tpu.dma_semaphore, #tpu.memory_space<semaphore_mem>>)
      %dma_wait3A_351 = arith.constant 0 : i32
      %dma_wait3A_352 = arith.constant 0 : i32
      %dma_wait3A_353 = tpu.memref_slice %arg9[%dma_wait3A_351, %dma_wait3A_352] : memref<128x64xf32, #tpu.memory_space<vmem>> -> memref<120x64xf32, #tpu.memory_space<vmem>>
      %dma_wait3A_354 = arith.constant 0 : i32
      %dma_wait3A_355 = tpu.memref_slice %arg6[%sub3A_15, %dma_wait3A_354] : memref<10112x64xf32, #tpu.memory_space<vmem_shared>> -> memref<120x64xf32, #tpu.memory_space<vmem_shared>>
      %dma_wait3A_356 = arith.constant 0 : i32
      %dma_wait3A_357 = tpu.memref_slice %arg6[%sub3A_15, %dma_wait3A_356] : memref<10112x64xf32, #tpu.memory_space<vmem_shared>> -> memref<120x64xf32, #tpu.memory_space<vmem_shared>>
      %dma_wait3A_358 = arith.constant 0 : i32
      %dma_wait3A_359 = arith.constant 0 : i32
      %dma_wait3A_360 = tpu.memref_slice %arg9[%dma_wait3A_358, %dma_wait3A_359] : memref<128x64xf32, #tpu.memory_space<vmem>> -> memref<120x64xf32, #tpu.memory_space<vmem>>
      tpu.wait_dma2 semaphore(%run_scoped3A : memref<!tpu.dma_semaphore, #tpu.memory_space<semaphore_mem>>) src(%dma_wait3A_360 : memref<120x64xf32, #tpu.memory_space<vmem>>) dst(%dma_wait3A_357 : memref<120x64xf32, #tpu.memory_space<vmem_shared>>)
      tpu.yield
    }) : () -> ()
    %barrier3A = arith.constant 0 : index
    tpu.barrier barrier_id(%barrier3A)
    %dma_start3A = arith.constant 0 : i32
    %dma_start3A_16 = arith.constant 0 : i32
    %dma_start3A_17 = arith.constant 0 : i32
    %dma_start3A_18 = tpu.memref_slice %arg9[%dma_start3A_16, %dma_start3A_17] : memref<128x64xf32, #tpu.memory_space<vmem>> -> memref<16x64xf32, #tpu.memory_space<vmem>>
    %dma_start3A_19 = arith.constant 0 : i32
    %dma_start3A_20 = tpu.memref_slice %arg7[%dma_start3A, %dma_start3A_19] : memref<160x128xi32, #tpu.memory_space<vmem>> -> memref<1x16xi32, #tpu.memory_space<vmem>>
    %dma_start3A_21 = tpu.memref_squeeze %dma_start3A_20 : memref<1x16xi32, #tpu.memory_space<vmem>> -> memref<16xi32, #tpu.memory_space<vmem>>
    %dma_start3A_22 = arith.constant 0 : i32
    %dma_start3A_23 = arith.constant 0 : i32
    %dma_start3A_24 = tpu.memref_slice %arg2[%dma_start3A_22, %dma_start3A_23] : memref<20000x64xf32, #tpu.memory_space<hbm>> -> memref<20000x64xf32, #tpu.memory_space<hbm>>
    tpu.enqueue_indirect_dma source(%dma_start3A_24 : memref<20000x64xf32, #tpu.memory_space<hbm>>) target(%dma_start3A_18 : memref<16x64xf32, #tpu.memory_space<vmem>>) offsets(%dma_start3A_21 : memref<16xi32, #tpu.memory_space<vmem>>) semaphore(%arg11 : memref<!tpu.dma_semaphore, #tpu.memory_space<semaphore_mem>>)
    %dma_start3A_25 = arith.constant 0 : i32
    %dma_start3A_26 = arith.constant 16 : i32
    %dma_start3A_27 = arith.constant 0 : i32
    %dma_start3A_28 = tpu.memref_slice %arg9[%dma_start3A_26, %dma_start3A_27] : memref<128x64xf32, #tpu.memory_space<vmem>> -> memref<16x64xf32, #tpu.memory_space<vmem>>
    %dma_start3A_29 = arith.constant 16 : i32
    %dma_start3A_30 = tpu.memref_slice %arg7[%dma_start3A_25, %dma_start3A_29] : memref<160x128xi32, #tpu.memory_space<vmem>> -> memref<1x16xi32, #tpu.memory_space<vmem>>
    %dma_start3A_31 = tpu.memref_squeeze %dma_start3A_30 : memref<1x16xi32, #tpu.memory_space<vmem>> -> memref<16xi32, #tpu.memory_space<vmem>>
    %dma_start3A_32 = arith.constant 0 : i32
    %dma_start3A_33 = arith.constant 0 : i32
    %dma_start3A_34 = tpu.memref_slice %arg2[%dma_start3A_32, %dma_start3A_33] : memref<20000x64xf32, #tpu.memory_space<hbm>> -> memref<20000x64xf32, #tpu.memory_space<hbm>>
    tpu.enqueue_indirect_dma source(%dma_start3A_34 : memref<20000x64xf32, #tpu.memory_space<hbm>>) target(%dma_start3A_28 : memref<16x64xf32, #tpu.memory_space<vmem>>) offsets(%dma_start3A_31 : memref<16xi32, #tpu.memory_space<vmem>>) semaphore(%arg12 : memref<!tpu.dma_semaphore, #tpu.memory_space<semaphore_mem>>)
    %dma_start3A_35 = arith.constant 0 : i32
    %dma_start3A_36 = arith.constant 32 : i32
    %dma_start3A_37 = arith.constant 0 : i32
    %dma_start3A_38 = tpu.memref_slice %arg9[%dma_start3A_36, %dma_start3A_37] : memref<128x64xf32, #tpu.memory_space<vmem>> -> memref<16x64xf32, #tpu.memory_space<vmem>>
    %dma_start3A_39 = arith.constant 32 : i32
    %dma_start3A_40 = tpu.memref_slice %arg7[%dma_start3A_35, %dma_start3A_39] : memref<160x128xi32, #tpu.memory_space<vmem>> -> memref<1x16xi32, #tpu.memory_space<vmem>>
    %dma_start3A_41 = tpu.memref_squeeze %dma_start3A_40 : memref<1x16xi32, #tpu.memory_space<vmem>> -> memref<16xi32, #tpu.memory_space<vmem>>
    %dma_start3A_42 = arith.constant 0 : i32
    %dma_start3A_43 = arith.constant 0 : i32
    %dma_start3A_44 = tpu.memref_slice %arg2[%dma_start3A_42, %dma_start3A_43] : memref<20000x64xf32, #tpu.memory_space<hbm>> -> memref<20000x64xf32, #tpu.memory_space<hbm>>
    tpu.enqueue_indirect_dma source(%dma_start3A_44 : memref<20000x64xf32, #tpu.memory_space<hbm>>) target(%dma_start3A_38 : memref<16x64xf32, #tpu.memory_space<vmem>>) offsets(%dma_start3A_41 : memref<16xi32, #tpu.memory_space<vmem>>) semaphore(%arg13 : memref<!tpu.dma_semaphore, #tpu.memory_space<semaphore_mem>>)
    %dma_start3A_45 = arith.constant 0 : i32
    %dma_start3A_46 = arith.constant 48 : i32
    %dma_start3A_47 = arith.constant 0 : i32
    %dma_start3A_48 = tpu.memref_slice %arg9[%dma_start3A_46, %dma_start3A_47] : memref<128x64xf32, #tpu.memory_space<vmem>> -> memref<16x64xf32, #tpu.memory_space<vmem>>
    %dma_start3A_49 = arith.constant 48 : i32
    %dma_start3A_50 = tpu.memref_slice %arg7[%dma_start3A_45, %dma_start3A_49] : memref<160x128xi32, #tpu.memory_space<vmem>> -> memref<1x16xi32, #tpu.memory_space<vmem>>
    %dma_start3A_51 = tpu.memref_squeeze %dma_start3A_50 : memref<1x16xi32, #tpu.memory_space<vmem>> -> memref<16xi32, #tpu.memory_space<vmem>>
    %dma_start3A_52 = arith.constant 0 : i32
    %dma_start3A_53 = arith.constant 0 : i32
    %dma_start3A_54 = tpu.memref_slice %arg2[%dma_start3A_52, %dma_start3A_53] : memref<20000x64xf32, #tpu.memory_space<hbm>> -> memref<20000x64xf32, #tpu.memory_space<hbm>>
    tpu.enqueue_indirect_dma source(%dma_start3A_54 : memref<20000x64xf32, #tpu.memory_space<hbm>>) target(%dma_start3A_48 : memref<16x64xf32, #tpu.memory_space<vmem>>) offsets(%dma_start3A_51 : memref<16xi32, #tpu.memory_space<vmem>>) semaphore(%arg14 : memref<!tpu.dma_semaphore, #tpu.memory_space<semaphore_mem>>)
    %dma_start3A_55 = arith.constant 0 : i32
    %dma_start3A_56 = arith.constant 64 : i32
    %dma_start3A_57 = arith.constant 0 : i32
    %dma_start3A_58 = tpu.memref_slice %arg9[%dma_start3A_56, %dma_start3A_57] : memref<128x64xf32, #tpu.memory_space<vmem>> -> memref<16x64xf32, #tpu.memory_space<vmem>>
    %dma_start3A_59 = arith.constant 64 : i32
    %dma_start3A_60 = tpu.memref_slice %arg7[%dma_start3A_55, %dma_start3A_59] : memref<160x128xi32, #tpu.memory_space<vmem>> -> memref<1x16xi32, #tpu.memory_space<vmem>>
    %dma_start3A_61 = tpu.memref_squeeze %dma_start3A_60 : memref<1x16xi32, #tpu.memory_space<vmem>> -> memref<16xi32, #tpu.memory_space<vmem>>
    %dma_start3A_62 = arith.constant 0 : i32
    %dma_start3A_63 = arith.constant 0 : i32
    %dma_start3A_64 = tpu.memref_slice %arg2[%dma_start3A_62, %dma_start3A_63] : memref<20000x64xf32, #tpu.memory_space<hbm>> -> memref<20000x64xf32, #tpu.memory_space<hbm>>
    tpu.enqueue_indirect_dma source(%dma_start3A_64 : memref<20000x64xf32, #tpu.memory_space<hbm>>) target(%dma_start3A_58 : memref<16x64xf32, #tpu.memory_space<vmem>>) offsets(%dma_start3A_61 : memref<16xi32, #tpu.memory_space<vmem>>) semaphore(%arg15 : memref<!tpu.dma_semaphore, #tpu.memory_space<semaphore_mem>>)
    %dma_start3A_65 = arith.constant 0 : i32
    %dma_start3A_66 = arith.constant 80 : i32
    %dma_start3A_67 = arith.constant 0 : i32
    %dma_start3A_68 = tpu.memref_slice %arg9[%dma_start3A_66, %dma_start3A_67] : memref<128x64xf32, #tpu.memory_space<vmem>> -> memref<16x64xf32, #tpu.memory_space<vmem>>
    %dma_start3A_69 = arith.constant 80 : i32
    %dma_start3A_70 = tpu.memref_slice %arg7[%dma_start3A_65, %dma_start3A_69] : memref<160x128xi32, #tpu.memory_space<vmem>> -> memref<1x16xi32, #tpu.memory_space<vmem>>
    %dma_start3A_71 = tpu.memref_squeeze %dma_start3A_70 : memref<1x16xi32, #tpu.memory_space<vmem>> -> memref<16xi32, #tpu.memory_space<vmem>>
    %dma_start3A_72 = arith.constant 0 : i32
    %dma_start3A_73 = arith.constant 0 : i32
    %dma_start3A_74 = tpu.memref_slice %arg2[%dma_start3A_72, %dma_start3A_73] : memref<20000x64xf32, #tpu.memory_space<hbm>> -> memref<20000x64xf32, #tpu.memory_space<hbm>>
    tpu.enqueue_indirect_dma source(%dma_start3A_74 : memref<20000x64xf32, #tpu.memory_space<hbm>>) target(%dma_start3A_68 : memref<16x64xf32, #tpu.memory_space<vmem>>) offsets(%dma_start3A_71 : memref<16xi32, #tpu.memory_space<vmem>>) semaphore(%arg16 : memref<!tpu.dma_semaphore, #tpu.memory_space<semaphore_mem>>)
    %dma_start3A_75 = arith.constant 0 : i32
    %dma_start3A_76 = arith.constant 96 : i32
    %dma_start3A_77 = arith.constant 0 : i32
    %dma_start3A_78 = tpu.memref_slice %arg9[%dma_start3A_76, %dma_start3A_77] : memref<128x64xf32, #tpu.memory_space<vmem>> -> memref<16x64xf32, #tpu.memory_space<vmem>>
    %dma_start3A_79 = arith.constant 96 : i32
    %dma_start3A_80 = tpu.memref_slice %arg7[%dma_start3A_75, %dma_start3A_79] : memref<160x128xi32, #tpu.memory_space<vmem>> -> memref<1x16xi32, #tpu.memory_space<vmem>>
    %dma_start3A_81 = tpu.memref_squeeze %dma_start3A_80 : memref<1x16xi32, #tpu.memory_space<vmem>> -> memref<16xi32, #tpu.memory_space<vmem>>
    %dma_start3A_82 = arith.constant 0 : i32
    %dma_start3A_83 = arith.constant 0 : i32
    %dma_start3A_84 = tpu.memref_slice %arg2[%dma_start3A_82, %dma_start3A_83] : memref<20000x64xf32, #tpu.memory_space<hbm>> -> memref<20000x64xf32, #tpu.memory_space<hbm>>
    tpu.enqueue_indirect_dma source(%dma_start3A_84 : memref<20000x64xf32, #tpu.memory_space<hbm>>) target(%dma_start3A_78 : memref<16x64xf32, #tpu.memory_space<vmem>>) offsets(%dma_start3A_81 : memref<16xi32, #tpu.memory_space<vmem>>) semaphore(%arg17 : memref<!tpu.dma_semaphore, #tpu.memory_space<semaphore_mem>>)
    %dma_start3A_85 = arith.constant 0 : i32
    %dma_start3A_86 = arith.constant 112 : i32
    %dma_start3A_87 = arith.constant 0 : i32
    %dma_start3A_88 = tpu.memref_slice %arg9[%dma_start3A_86, %dma_start3A_87] : memref<128x64xf32, #tpu.memory_space<vmem>> -> memref<16x64xf32, #tpu.memory_space<vmem>>
    %dma_start3A_89 = arith.constant 112 : i32
    %dma_start3A_90 = tpu.memref_slice %arg7[%dma_start3A_85, %dma_start3A_89] : memref<160x128xi32, #tpu.memory_space<vmem>> -> memref<1x16xi32, #tpu.memory_space<vmem>>
    %dma_start3A_91 = tpu.memref_squeeze %dma_start3A_90 : memref<1x16xi32, #tpu.memory_space<vmem>> -> memref<16xi32, #tpu.memory_space<vmem>>
    %dma_start3A_92 = arith.constant 0 : i32
    %dma_start3A_93 = arith.constant 0 : i32
    %dma_start3A_94 = tpu.memref_slice %arg2[%dma_start3A_92, %dma_start3A_93] : memref<20000x64xf32, #tpu.memory_space<hbm>> -> memref<20000x64xf32, #tpu.memory_space<hbm>>
    tpu.enqueue_indirect_dma source(%dma_start3A_94 : memref<20000x64xf32, #tpu.memory_space<hbm>>) target(%dma_start3A_88 : memref<16x64xf32, #tpu.memory_space<vmem>>) offsets(%dma_start3A_91 : memref<16xi32, #tpu.memory_space<vmem>>) semaphore(%arg18 : memref<!tpu.dma_semaphore, #tpu.memory_space<semaphore_mem>>)
    %dma_start3A_95 = arith.constant 1 : i32
    %dma_start3A_96 = arith.constant 0 : i32
    %dma_start3A_97 = arith.constant 0 : i32
    %dma_start3A_98 = tpu.memref_slice %arg10[%dma_start3A_96, %dma_start3A_97] : memref<128x64xf32, #tpu.memory_space<vmem>> -> memref<16x64xf32, #tpu.memory_space<vmem>>
    %dma_start3A_99 = arith.constant 0 : i32
    %dma_start3A_100 = tpu.memref_slice %arg7[%dma_start3A_95, %dma_start3A_99] : memref<160x128xi32, #tpu.memory_space<vmem>> -> memref<1x16xi32, #tpu.memory_space<vmem>>
    %dma_start3A_101 = tpu.memref_squeeze %dma_start3A_100 : memref<1x16xi32, #tpu.memory_space<vmem>> -> memref<16xi32, #tpu.memory_space<vmem>>
    %dma_start3A_102 = arith.constant 0 : i32
    %dma_start3A_103 = arith.constant 0 : i32
    %dma_start3A_104 = tpu.memref_slice %arg2[%dma_start3A_102, %dma_start3A_103] : memref<20000x64xf32, #tpu.memory_space<hbm>> -> memref<20000x64xf32, #tpu.memory_space<hbm>>
    tpu.enqueue_indirect_dma source(%dma_start3A_104 : memref<20000x64xf32, #tpu.memory_space<hbm>>) target(%dma_start3A_98 : memref<16x64xf32, #tpu.memory_space<vmem>>) offsets(%dma_start3A_101 : memref<16xi32, #tpu.memory_space<vmem>>) semaphore(%arg19 : memref<!tpu.dma_semaphore, #tpu.memory_space<semaphore_mem>>)
    %dma_start3A_105 = arith.constant 1 : i32
    %dma_start3A_106 = arith.constant 16 : i32
    %dma_start3A_107 = arith.constant 0 : i32
    %dma_start3A_108 = tpu.memref_slice %arg10[%dma_start3A_106, %dma_start3A_107] : memref<128x64xf32, #tpu.memory_space<vmem>> -> memref<16x64xf32, #tpu.memory_space<vmem>>
    %dma_start3A_109 = arith.constant 16 : i32
    %dma_start3A_110 = tpu.memref_slice %arg7[%dma_start3A_105, %dma_start3A_109] : memref<160x128xi32, #tpu.memory_space<vmem>> -> memref<1x16xi32, #tpu.memory_space<vmem>>
    %dma_start3A_111 = tpu.memref_squeeze %dma_start3A_110 : memref<1x16xi32, #tpu.memory_space<vmem>> -> memref<16xi32, #tpu.memory_space<vmem>>
    %dma_start3A_112 = arith.constant 0 : i32
    %dma_start3A_113 = arith.constant 0 : i32
    %dma_start3A_114 = tpu.memref_slice %arg2[%dma_start3A_112, %dma_start3A_113] : memref<20000x64xf32, #tpu.memory_space<hbm>> -> memref<20000x64xf32, #tpu.memory_space<hbm>>
    tpu.enqueue_indirect_dma source(%dma_start3A_114 : memref<20000x64xf32, #tpu.memory_space<hbm>>) target(%dma_start3A_108 : memref<16x64xf32, #tpu.memory_space<vmem>>) offsets(%dma_start3A_111 : memref<16xi32, #tpu.memory_space<vmem>>) semaphore(%arg20 : memref<!tpu.dma_semaphore, #tpu.memory_space<semaphore_mem>>)
    %dma_start3A_115 = arith.constant 1 : i32
    %dma_start3A_116 = arith.constant 32 : i32
    %dma_start3A_117 = arith.constant 0 : i32
    %dma_start3A_118 = tpu.memref_slice %arg10[%dma_start3A_116, %dma_start3A_117] : memref<128x64xf32, #tpu.memory_space<vmem>> -> memref<16x64xf32, #tpu.memory_space<vmem>>
    %dma_start3A_119 = arith.constant 32 : i32
    %dma_start3A_120 = tpu.memref_slice %arg7[%dma_start3A_115, %dma_start3A_119] : memref<160x128xi32, #tpu.memory_space<vmem>> -> memref<1x16xi32, #tpu.memory_space<vmem>>
    %dma_start3A_121 = tpu.memref_squeeze %dma_start3A_120 : memref<1x16xi32, #tpu.memory_space<vmem>> -> memref<16xi32, #tpu.memory_space<vmem>>
    %dma_start3A_122 = arith.constant 0 : i32
    %dma_start3A_123 = arith.constant 0 : i32
    %dma_start3A_124 = tpu.memref_slice %arg2[%dma_start3A_122, %dma_start3A_123] : memref<20000x64xf32, #tpu.memory_space<hbm>> -> memref<20000x64xf32, #tpu.memory_space<hbm>>
    tpu.enqueue_indirect_dma source(%dma_start3A_124 : memref<20000x64xf32, #tpu.memory_space<hbm>>) target(%dma_start3A_118 : memref<16x64xf32, #tpu.memory_space<vmem>>) offsets(%dma_start3A_121 : memref<16xi32, #tpu.memory_space<vmem>>) semaphore(%arg21 : memref<!tpu.dma_semaphore, #tpu.memory_space<semaphore_mem>>)
    %dma_start3A_125 = arith.constant 1 : i32
    %dma_start3A_126 = arith.constant 48 : i32
    %dma_start3A_127 = arith.constant 0 : i32
    %dma_start3A_128 = tpu.memref_slice %arg10[%dma_start3A_126, %dma_start3A_127] : memref<128x64xf32, #tpu.memory_space<vmem>> -> memref<16x64xf32, #tpu.memory_space<vmem>>
    %dma_start3A_129 = arith.constant 48 : i32
    %dma_start3A_130 = tpu.memref_slice %arg7[%dma_start3A_125, %dma_start3A_129] : memref<160x128xi32, #tpu.memory_space<vmem>> -> memref<1x16xi32, #tpu.memory_space<vmem>>
    %dma_start3A_131 = tpu.memref_squeeze %dma_start3A_130 : memref<1x16xi32, #tpu.memory_space<vmem>> -> memref<16xi32, #tpu.memory_space<vmem>>
    %dma_start3A_132 = arith.constant 0 : i32
    %dma_start3A_133 = arith.constant 0 : i32
    %dma_start3A_134 = tpu.memref_slice %arg2[%dma_start3A_132, %dma_start3A_133] : memref<20000x64xf32, #tpu.memory_space<hbm>> -> memref<20000x64xf32, #tpu.memory_space<hbm>>
    tpu.enqueue_indirect_dma source(%dma_start3A_134 : memref<20000x64xf32, #tpu.memory_space<hbm>>) target(%dma_start3A_128 : memref<16x64xf32, #tpu.memory_space<vmem>>) offsets(%dma_start3A_131 : memref<16xi32, #tpu.memory_space<vmem>>) semaphore(%arg22 : memref<!tpu.dma_semaphore, #tpu.memory_space<semaphore_mem>>)
    %dma_start3A_135 = arith.constant 1 : i32
    %dma_start3A_136 = arith.constant 64 : i32
    %dma_start3A_137 = arith.constant 0 : i32
    %dma_start3A_138 = tpu.memref_slice %arg10[%dma_start3A_136, %dma_start3A_137] : memref<128x64xf32, #tpu.memory_space<vmem>> -> memref<16x64xf32, #tpu.memory_space<vmem>>
    %dma_start3A_139 = arith.constant 64 : i32
    %dma_start3A_140 = tpu.memref_slice %arg7[%dma_start3A_135, %dma_start3A_139] : memref<160x128xi32, #tpu.memory_space<vmem>> -> memref<1x16xi32, #tpu.memory_space<vmem>>
    %dma_start3A_141 = tpu.memref_squeeze %dma_start3A_140 : memref<1x16xi32, #tpu.memory_space<vmem>> -> memref<16xi32, #tpu.memory_space<vmem>>
    %dma_start3A_142 = arith.constant 0 : i32
    %dma_start3A_143 = arith.constant 0 : i32
    %dma_start3A_144 = tpu.memref_slice %arg2[%dma_start3A_142, %dma_start3A_143] : memref<20000x64xf32, #tpu.memory_space<hbm>> -> memref<20000x64xf32, #tpu.memory_space<hbm>>
    tpu.enqueue_indirect_dma source(%dma_start3A_144 : memref<20000x64xf32, #tpu.memory_space<hbm>>) target(%dma_start3A_138 : memref<16x64xf32, #tpu.memory_space<vmem>>) offsets(%dma_start3A_141 : memref<16xi32, #tpu.memory_space<vmem>>) semaphore(%arg23 : memref<!tpu.dma_semaphore, #tpu.memory_space<semaphore_mem>>)
    %dma_start3A_145 = arith.constant 1 : i32
    %dma_start3A_146 = arith.constant 80 : i32
    %dma_start3A_147 = arith.constant 0 : i32
    %dma_start3A_148 = tpu.memref_slice %arg10[%dma_start3A_146, %dma_start3A_147] : memref<128x64xf32, #tpu.memory_space<vmem>> -> memref<16x64xf32, #tpu.memory_space<vmem>>
    %dma_start3A_149 = arith.constant 80 : i32
    %dma_start3A_150 = tpu.memref_slice %arg7[%dma_start3A_145, %dma_start3A_149] : memref<160x128xi32, #tpu.memory_space<vmem>> -> memref<1x16xi32, #tpu.memory_space<vmem>>
    %dma_start3A_151 = tpu.memref_squeeze %dma_start3A_150 : memref<1x16xi32, #tpu.memory_space<vmem>> -> memref<16xi32, #tpu.memory_space<vmem>>
    %dma_start3A_152 = arith.constant 0 : i32
    %dma_start3A_153 = arith.constant 0 : i32
    %dma_start3A_154 = tpu.memref_slice %arg2[%dma_start3A_152, %dma_start3A_153] : memref<20000x64xf32, #tpu.memory_space<hbm>> -> memref<20000x64xf32, #tpu.memory_space<hbm>>
    tpu.enqueue_indirect_dma source(%dma_start3A_154 : memref<20000x64xf32, #tpu.memory_space<hbm>>) target(%dma_start3A_148 : memref<16x64xf32, #tpu.memory_space<vmem>>) offsets(%dma_start3A_151 : memref<16xi32, #tpu.memory_space<vmem>>) semaphore(%arg24 : memref<!tpu.dma_semaphore, #tpu.memory_space<semaphore_mem>>)
    %dma_start3A_155 = arith.constant 1 : i32
    %dma_start3A_156 = arith.constant 96 : i32
    %dma_start3A_157 = arith.constant 0 : i32
    %dma_start3A_158 = tpu.memref_slice %arg10[%dma_start3A_156, %dma_start3A_157] : memref<128x64xf32, #tpu.memory_space<vmem>> -> memref<16x64xf32, #tpu.memory_space<vmem>>
    %dma_start3A_159 = arith.constant 96 : i32
    %dma_start3A_160 = tpu.memref_slice %arg7[%dma_start3A_155, %dma_start3A_159] : memref<160x128xi32, #tpu.memory_space<vmem>> -> memref<1x16xi32, #tpu.memory_space<vmem>>
    %dma_start3A_161 = tpu.memref_squeeze %dma_start3A_160 : memref<1x16xi32, #tpu.memory_space<vmem>> -> memref<16xi32, #tpu.memory_space<vmem>>
    %dma_start3A_162 = arith.constant 0 : i32
    %dma_start3A_163 = arith.constant 0 : i32
    %dma_start3A_164 = tpu.memref_slice %arg2[%dma_start3A_162, %dma_start3A_163] : memref<20000x64xf32, #tpu.memory_space<hbm>> -> memref<20000x64xf32, #tpu.memory_space<hbm>>
    tpu.enqueue_indirect_dma source(%dma_start3A_164 : memref<20000x64xf32, #tpu.memory_space<hbm>>) target(%dma_start3A_158 : memref<16x64xf32, #tpu.memory_space<vmem>>) offsets(%dma_start3A_161 : memref<16xi32, #tpu.memory_space<vmem>>) semaphore(%arg25 : memref<!tpu.dma_semaphore, #tpu.memory_space<semaphore_mem>>)
    %dma_start3A_165 = arith.constant 1 : i32
    %dma_start3A_166 = arith.constant 112 : i32
    %dma_start3A_167 = arith.constant 0 : i32
    %dma_start3A_168 = tpu.memref_slice %arg10[%dma_start3A_166, %dma_start3A_167] : memref<128x64xf32, #tpu.memory_space<vmem>> -> memref<16x64xf32, #tpu.memory_space<vmem>>
    %dma_start3A_169 = arith.constant 112 : i32
    %dma_start3A_170 = tpu.memref_slice %arg7[%dma_start3A_165, %dma_start3A_169] : memref<160x128xi32, #tpu.memory_space<vmem>> -> memref<1x16xi32, #tpu.memory_space<vmem>>
    %dma_start3A_171 = tpu.memref_squeeze %dma_start3A_170 : memref<1x16xi32, #tpu.memory_space<vmem>> -> memref<16xi32, #tpu.memory_space<vmem>>
    %dma_start3A_172 = arith.constant 0 : i32
    %dma_start3A_173 = arith.constant 0 : i32
    %dma_start3A_174 = tpu.memref_slice %arg2[%dma_start3A_172, %dma_start3A_173] : memref<20000x64xf32, #tpu.memory_space<hbm>> -> memref<20000x64xf32, #tpu.memory_space<hbm>>
    tpu.enqueue_indirect_dma source(%dma_start3A_174 : memref<20000x64xf32, #tpu.memory_space<hbm>>) target(%dma_start3A_168 : memref<16x64xf32, #tpu.memory_space<vmem>>) offsets(%dma_start3A_171 : memref<16xi32, #tpu.memory_space<vmem>>) semaphore(%arg26 : memref<!tpu.dma_semaphore, #tpu.memory_space<semaphore_mem>>)
    %scan3A_175 = arith.constant 0 : i32
    %scan3A_176 = arith.constant 0 : i32
    %scan3A_177 = arith.constant 79 : i32
    %scan3A_178 = arith.addi %scan3A_176, %scan3A_177 : i32
    %scan3A_179 = arith.constant 1 : i32
    scf.for %scan3A_341 = %scan3A_176 to %scan3A_178 step %scan3A_179  : i32 {
      %mul3A_342 = arith.constant 2 : i32
      %mul3A_343 = arith.muli %mul3A_342, %scan3A_341 : i32
      %dma_wait3A_344 = arith.constant 0 : i32
      %dma_wait3A_345 = arith.constant 0 : i32
      %dma_wait3A_346 = tpu.memref_slice %arg9[%dma_wait3A_344, %dma_wait3A_345] : memref<128x64xf32, #tpu.memory_space<vmem>> -> memref<16x64xf32, #tpu.memory_space<vmem>>
      %dma_wait3A_347 = arith.constant 0 : i32
      %dma_wait3A_348 = tpu.memref_slice %arg7[%mul3A_343, %dma_wait3A_347] : memref<160x128xi32, #tpu.memory_space<vmem>> -> memref<1x16xi32, #tpu.memory_space<vmem>>
      %dma_wait3A_349 = tpu.memref_squeeze %dma_wait3A_348 : memref<1x16xi32, #tpu.memory_space<vmem>> -> memref<16xi32, #tpu.memory_space<vmem>>
      %dma_wait3A_350 = arith.constant 0 : i32
      %dma_wait3A_351 = arith.constant 0 : i32
      %dma_wait3A_352 = tpu.memref_slice %arg2[%dma_wait3A_350, %dma_wait3A_351] : memref<20000x64xf32, #tpu.memory_space<hbm>> -> memref<20000x64xf32, #tpu.memory_space<hbm>>
      tpu.wait_indirect_dma semaphore(%arg11 : memref<!tpu.dma_semaphore, #tpu.memory_space<semaphore_mem>>) src(%dma_wait3A_352 : memref<20000x64xf32, #tpu.memory_space<hbm>>) dst(%dma_wait3A_346 : memref<16x64xf32, #tpu.memory_space<vmem>>)
      %dma_wait3A_353 = arith.constant 16 : i32
      %dma_wait3A_354 = arith.constant 0 : i32
      %dma_wait3A_355 = tpu.memref_slice %arg9[%dma_wait3A_353, %dma_wait3A_354] : memref<128x64xf32, #tpu.memory_space<vmem>> -> memref<16x64xf32, #tpu.memory_space<vmem>>
      %dma_wait3A_356 = arith.constant 16 : i32
      %dma_wait3A_357 = tpu.memref_slice %arg7[%mul3A_343, %dma_wait3A_356] : memref<160x128xi32, #tpu.memory_space<vmem>> -> memref<1x16xi32, #tpu.memory_space<vmem>>
      %dma_wait3A_358 = tpu.memref_squeeze %dma_wait3A_357 : memref<1x16xi32, #tpu.memory_space<vmem>> -> memref<16xi32, #tpu.memory_space<vmem>>
      %dma_wait3A_359 = arith.constant 0 : i32
      %dma_wait3A_360 = arith.constant 0 : i32
      %dma_wait3A_361 = tpu.memref_slice %arg2[%dma_wait3A_359, %dma_wait3A_360] : memref<20000x64xf32, #tpu.memory_space<hbm>> -> memref<20000x64xf32, #tpu.memory_space<hbm>>
      tpu.wait_indirect_dma semaphore(%arg12 : memref<!tpu.dma_semaphore, #tpu.memory_space<semaphore_mem>>) src(%dma_wait3A_361 : memref<20000x64xf32, #tpu.memory_space<hbm>>) dst(%dma_wait3A_355 : memref<16x64xf32, #tpu.memory_space<vmem>>)
      %dma_wait3A_362 = arith.constant 32 : i32
      %dma_wait3A_363 = arith.constant 0 : i32
      %dma_wait3A_364 = tpu.memref_slice %arg9[%dma_wait3A_362, %dma_wait3A_363] : memref<128x64xf32, #tpu.memory_space<vmem>> -> memref<16x64xf32, #tpu.memory_space<vmem>>
      %dma_wait3A_365 = arith.constant 32 : i32
      %dma_wait3A_366 = tpu.memref_slice %arg7[%mul3A_343, %dma_wait3A_365] : memref<160x128xi32, #tpu.memory_space<vmem>> -> memref<1x16xi32, #tpu.memory_space<vmem>>
      %dma_wait3A_367 = tpu.memref_squeeze %dma_wait3A_366 : memref<1x16xi32, #tpu.memory_space<vmem>> -> memref<16xi32, #tpu.memory_space<vmem>>
      %dma_wait3A_368 = arith.constant 0 : i32
      %dma_wait3A_369 = arith.constant 0 : i32
      %dma_wait3A_370 = tpu.memref_slice %arg2[%dma_wait3A_368, %dma_wait3A_369] : memref<20000x64xf32, #tpu.memory_space<hbm>> -> memref<20000x64xf32, #tpu.memory_space<hbm>>
      tpu.wait_indirect_dma semaphore(%arg13 : memref<!tpu.dma_semaphore, #tpu.memory_space<semaphore_mem>>) src(%dma_wait3A_370 : memref<20000x64xf32, #tpu.memory_space<hbm>>) dst(%dma_wait3A_364 : memref<16x64xf32, #tpu.memory_space<vmem>>)
      %dma_wait3A_371 = arith.constant 48 : i32
      %dma_wait3A_372 = arith.constant 0 : i32
      %dma_wait3A_373 = tpu.memref_slice %arg9[%dma_wait3A_371, %dma_wait3A_372] : memref<128x64xf32, #tpu.memory_space<vmem>> -> memref<16x64xf32, #tpu.memory_space<vmem>>
      %dma_wait3A_374 = arith.constant 48 : i32
      %dma_wait3A_375 = tpu.memref_slice %arg7[%mul3A_343, %dma_wait3A_374] : memref<160x128xi32, #tpu.memory_space<vmem>> -> memref<1x16xi32, #tpu.memory_space<vmem>>
      %dma_wait3A_376 = tpu.memref_squeeze %dma_wait3A_375 : memref<1x16xi32, #tpu.memory_space<vmem>> -> memref<16xi32, #tpu.memory_space<vmem>>
      %dma_wait3A_377 = arith.constant 0 : i32
      %dma_wait3A_378 = arith.constant 0 : i32
      %dma_wait3A_379 = tpu.memref_slice %arg2[%dma_wait3A_377, %dma_wait3A_378] : memref<20000x64xf32, #tpu.memory_space<hbm>> -> memref<20000x64xf32, #tpu.memory_space<hbm>>
      tpu.wait_indirect_dma semaphore(%arg14 : memref<!tpu.dma_semaphore, #tpu.memory_space<semaphore_mem>>) src(%dma_wait3A_379 : memref<20000x64xf32, #tpu.memory_space<hbm>>) dst(%dma_wait3A_373 : memref<16x64xf32, #tpu.memory_space<vmem>>)
      %dma_wait3A_380 = arith.constant 64 : i32
      %dma_wait3A_381 = arith.constant 0 : i32
      %dma_wait3A_382 = tpu.memref_slice %arg9[%dma_wait3A_380, %dma_wait3A_381] : memref<128x64xf32, #tpu.memory_space<vmem>> -> memref<16x64xf32, #tpu.memory_space<vmem>>
      %dma_wait3A_383 = arith.constant 64 : i32
      %dma_wait3A_384 = tpu.memref_slice %arg7[%mul3A_343, %dma_wait3A_383] : memref<160x128xi32, #tpu.memory_space<vmem>> -> memref<1x16xi32, #tpu.memory_space<vmem>>
      %dma_wait3A_385 = tpu.memref_squeeze %dma_wait3A_384 : memref<1x16xi32, #tpu.memory_space<vmem>> -> memref<16xi32, #tpu.memory_space<vmem>>
      %dma_wait3A_386 = arith.constant 0 : i32
      %dma_wait3A_387 = arith.constant 0 : i32
      %dma_wait3A_388 = tpu.memref_slice %arg2[%dma_wait3A_386, %dma_wait3A_387] : memref<20000x64xf32, #tpu.memory_space<hbm>> -> memref<20000x64xf32, #tpu.memory_space<hbm>>
      tpu.wait_indirect_dma semaphore(%arg15 : memref<!tpu.dma_semaphore, #tpu.memory_space<semaphore_mem>>) src(%dma_wait3A_388 : memref<20000x64xf32, #tpu.memory_space<hbm>>) dst(%dma_wait3A_382 : memref<16x64xf32, #tpu.memory_space<vmem>>)
      %dma_wait3A_389 = arith.constant 80 : i32
      %dma_wait3A_390 = arith.constant 0 : i32
      %dma_wait3A_391 = tpu.memref_slice %arg9[%dma_wait3A_389, %dma_wait3A_390] : memref<128x64xf32, #tpu.memory_space<vmem>> -> memref<16x64xf32, #tpu.memory_space<vmem>>
      %dma_wait3A_392 = arith.constant 80 : i32
      %dma_wait3A_393 = tpu.memref_slice %arg7[%mul3A_343, %dma_wait3A_392] : memref<160x128xi32, #tpu.memory_space<vmem>> -> memref<1x16xi32, #tpu.memory_space<vmem>>
      %dma_wait3A_394 = tpu.memref_squeeze %dma_wait3A_393 : memref<1x16xi32, #tpu.memory_space<vmem>> -> memref<16xi32, #tpu.memory_space<vmem>>
      %dma_wait3A_395 = arith.constant 0 : i32
      %dma_wait3A_396 = arith.constant 0 : i32
      %dma_wait3A_397 = tpu.memref_slice %arg2[%dma_wait3A_395, %dma_wait3A_396] : memref<20000x64xf32, #tpu.memory_space<hbm>> -> memref<20000x64xf32, #tpu.memory_space<hbm>>
      tpu.wait_indirect_dma semaphore(%arg16 : memref<!tpu.dma_semaphore, #tpu.memory_space<semaphore_mem>>) src(%dma_wait3A_397 : memref<20000x64xf32, #tpu.memory_space<hbm>>) dst(%dma_wait3A_391 : memref<16x64xf32, #tpu.memory_space<vmem>>)
      %dma_wait3A_398 = arith.constant 96 : i32
      %dma_wait3A_399 = arith.constant 0 : i32
      %dma_wait3A_400 = tpu.memref_slice %arg9[%dma_wait3A_398, %dma_wait3A_399] : memref<128x64xf32, #tpu.memory_space<vmem>> -> memref<16x64xf32, #tpu.memory_space<vmem>>
      %dma_wait3A_401 = arith.constant 96 : i32
      %dma_wait3A_402 = tpu.memref_slice %arg7[%mul3A_343, %dma_wait3A_401] : memref<160x128xi32, #tpu.memory_space<vmem>> -> memref<1x16xi32, #tpu.memory_space<vmem>>
      %dma_wait3A_403 = tpu.memref_squeeze %dma_wait3A_402 : memref<1x16xi32, #tpu.memory_space<vmem>> -> memref<16xi32, #tpu.memory_space<vmem>>
      %dma_wait3A_404 = arith.constant 0 : i32
      %dma_wait3A_405 = arith.constant 0 : i32
      %dma_wait3A_406 = tpu.memref_slice %arg2[%dma_wait3A_404, %dma_wait3A_405] : memref<20000x64xf32, #tpu.memory_space<hbm>> -> memref<20000x64xf32, #tpu.memory_space<hbm>>
      tpu.wait_indirect_dma semaphore(%arg17 : memref<!tpu.dma_semaphore, #tpu.memory_space<semaphore_mem>>) src(%dma_wait3A_406 : memref<20000x64xf32, #tpu.memory_space<hbm>>) dst(%dma_wait3A_400 : memref<16x64xf32, #tpu.memory_space<vmem>>)
      %dma_wait3A_407 = arith.constant 112 : i32
      %dma_wait3A_408 = arith.constant 0 : i32
      %dma_wait3A_409 = tpu.memref_slice %arg9[%dma_wait3A_407, %dma_wait3A_408] : memref<128x64xf32, #tpu.memory_space<vmem>> -> memref<16x64xf32, #tpu.memory_space<vmem>>
      %dma_wait3A_410 = arith.constant 112 : i32
      %dma_wait3A_411 = tpu.memref_slice %arg7[%mul3A_343, %dma_wait3A_410] : memref<160x128xi32, #tpu.memory_space<vmem>> -> memref<1x16xi32, #tpu.memory_space<vmem>>
      %dma_wait3A_412 = tpu.memref_squeeze %dma_wait3A_411 : memref<1x16xi32, #tpu.memory_space<vmem>> -> memref<16xi32, #tpu.memory_space<vmem>>
      %dma_wait3A_413 = arith.constant 0 : i32
      %dma_wait3A_414 = arith.constant 0 : i32
      %dma_wait3A_415 = tpu.memref_slice %arg2[%dma_wait3A_413, %dma_wait3A_414] : memref<20000x64xf32, #tpu.memory_space<hbm>> -> memref<20000x64xf32, #tpu.memory_space<hbm>>
      tpu.wait_indirect_dma semaphore(%arg18 : memref<!tpu.dma_semaphore, #tpu.memory_space<semaphore_mem>>) src(%dma_wait3A_415 : memref<20000x64xf32, #tpu.memory_space<hbm>>) dst(%dma_wait3A_409 : memref<16x64xf32, #tpu.memory_space<vmem>>)
      "tpu.region"() ({
        %run_scoped3A = tpu.sem_alloc : memref<!tpu.dma_semaphore, #tpu.memory_space<semaphore_mem>>
        %dma_start3A_638 = arith.constant 0 : i32
        %dma_start3A_639 = tpu.memref_slice %arg8[%mul3A_343, %dma_start3A_638] : memref<158x128xi32, #tpu.memory_space<vmem>> -> memref<1x128xi32, #tpu.memory_space<vmem>>
        %dma_start3A_640 = tpu.memref_squeeze %dma_start3A_639 : memref<1x128xi32, #tpu.memory_space<vmem>> -> memref<128xi32, #tpu.memory_space<vmem>>
        %dma_start3A_641 = arith.constant 0 : i32
        %dma_start3A_642 = arith.constant 0 : i32
        %dma_start3A_643 = tpu.memref_slice %arg6[%dma_start3A_641, %dma_start3A_642] : memref<10112x64xf32, #tpu.memory_space<vmem_shared>> -> memref<10112x64xf32, #tpu.memory_space<vmem_shared>>
        tpu.enqueue_indirect_dma source(%arg9 : memref<128x64xf32, #tpu.memory_space<vmem>>) target(%dma_start3A_643 : memref<10112x64xf32, #tpu.memory_space<vmem_shared>>) offsets(%dma_start3A_640 : memref<128xi32, #tpu.memory_space<vmem>>) semaphore(%run_scoped3A : memref<!tpu.dma_semaphore, #tpu.memory_space<semaphore_mem>>) {add = true}
        %dma_wait3A_644 = arith.constant 0 : i32
        %dma_wait3A_645 = tpu.memref_slice %arg8[%mul3A_343, %dma_wait3A_644] : memref<158x128xi32, #tpu.memory_space<vmem>> -> memref<1x128xi32, #tpu.memory_space<vmem>>
        %dma_wait3A_646 = tpu.memref_squeeze %dma_wait3A_645 : memref<1x128xi32, #tpu.memory_space<vmem>> -> memref<128xi32, #tpu.memory_space<vmem>>
        %dma_wait3A_647 = arith.constant 0 : i32
        %dma_wait3A_648 = arith.constant 0 : i32
        %dma_wait3A_649 = tpu.memref_slice %arg6[%dma_wait3A_647, %dma_wait3A_648] : memref<10112x64xf32, #tpu.memory_space<vmem_shared>> -> memref<10112x64xf32, #tpu.memory_space<vmem_shared>>
        tpu.wait_indirect_dma semaphore(%run_scoped3A : memref<!tpu.dma_semaphore, #tpu.memory_space<semaphore_mem>>) src(%arg9 : memref<128x64xf32, #tpu.memory_space<vmem>>) dst(%dma_wait3A_649 : memref<10112x64xf32, #tpu.memory_space<vmem_shared>>)
        tpu.yield
      }) : () -> ()
      %add3A_416 = arith.constant 2 : i32
      %add3A_417 = arith.addi %mul3A_343, %add3A_416 : i32
      %dma_start3A_418 = arith.constant 0 : i32
      %dma_start3A_419 = arith.constant 0 : i32
      %dma_start3A_420 = tpu.memref_slice %arg9[%dma_start3A_418, %dma_start3A_419] : memref<128x64xf32, #tpu.memory_space<vmem>> -> memref<16x64xf32, #tpu.memory_space<vmem>>
      %dma_start3A_421 = arith.constant 0 : i32
      %dma_start3A_422 = tpu.memref_slice %arg7[%add3A_417, %dma_start3A_421] : memref<160x128xi32, #tpu.memory_space<vmem>> -> memref<1x16xi32, #tpu.memory_space<vmem>>
      %dma_start3A_423 = tpu.memref_squeeze %dma_start3A_422 : memref<1x16xi32, #tpu.memory_space<vmem>> -> memref<16xi32, #tpu.memory_space<vmem>>
      %dma_start3A_424 = arith.constant 0 : i32
      %dma_start3A_425 = arith.constant 0 : i32
      %dma_start3A_426 = tpu.memref_slice %arg2[%dma_start3A_424, %dma_start3A_425] : memref<20000x64xf32, #tpu.memory_space<hbm>> -> memref<20000x64xf32, #tpu.memory_space<hbm>>
      tpu.enqueue_indirect_dma source(%dma_start3A_426 : memref<20000x64xf32, #tpu.memory_space<hbm>>) target(%dma_start3A_420 : memref<16x64xf32, #tpu.memory_space<vmem>>) offsets(%dma_start3A_423 : memref<16xi32, #tpu.memory_space<vmem>>) semaphore(%arg11 : memref<!tpu.dma_semaphore, #tpu.memory_space<semaphore_mem>>)
      %dma_start3A_427 = arith.constant 16 : i32
      %dma_start3A_428 = arith.constant 0 : i32
      %dma_start3A_429 = tpu.memref_slice %arg9[%dma_start3A_427, %dma_start3A_428] : memref<128x64xf32, #tpu.memory_space<vmem>> -> memref<16x64xf32, #tpu.memory_space<vmem>>
      %dma_start3A_430 = arith.constant 16 : i32
      %dma_start3A_431 = tpu.memref_slice %arg7[%add3A_417, %dma_start3A_430] : memref<160x128xi32, #tpu.memory_space<vmem>> -> memref<1x16xi32, #tpu.memory_space<vmem>>
      %dma_start3A_432 = tpu.memref_squeeze %dma_start3A_431 : memref<1x16xi32, #tpu.memory_space<vmem>> -> memref<16xi32, #tpu.memory_space<vmem>>
      %dma_start3A_433 = arith.constant 0 : i32
      %dma_start3A_434 = arith.constant 0 : i32
      %dma_start3A_435 = tpu.memref_slice %arg2[%dma_start3A_433, %dma_start3A_434] : memref<20000x64xf32, #tpu.memory_space<hbm>> -> memref<20000x64xf32, #tpu.memory_space<hbm>>
      tpu.enqueue_indirect_dma source(%dma_start3A_435 : memref<20000x64xf32, #tpu.memory_space<hbm>>) target(%dma_start3A_429 : memref<16x64xf32, #tpu.memory_space<vmem>>) offsets(%dma_start3A_432 : memref<16xi32, #tpu.memory_space<vmem>>) semaphore(%arg12 : memref<!tpu.dma_semaphore, #tpu.memory_space<semaphore_mem>>)
      %dma_start3A_436 = arith.constant 32 : i32
      %dma_start3A_437 = arith.constant 0 : i32
      %dma_start3A_438 = tpu.memref_slice %arg9[%dma_start3A_436, %dma_start3A_437] : memref<128x64xf32, #tpu.memory_space<vmem>> -> memref<16x64xf32, #tpu.memory_space<vmem>>
      %dma_start3A_439 = arith.constant 32 : i32
      %dma_start3A_440 = tpu.memref_slice %arg7[%add3A_417, %dma_start3A_439] : memref<160x128xi32, #tpu.memory_space<vmem>> -> memref<1x16xi32, #tpu.memory_space<vmem>>
      %dma_start3A_441 = tpu.memref_squeeze %dma_start3A_440 : memref<1x16xi32, #tpu.memory_space<vmem>> -> memref<16xi32, #tpu.memory_space<vmem>>
      %dma_start3A_442 = arith.constant 0 : i32
      %dma_start3A_443 = arith.constant 0 : i32
      %dma_start3A_444 = tpu.memref_slice %arg2[%dma_start3A_442, %dma_start3A_443] : memref<20000x64xf32, #tpu.memory_space<hbm>> -> memref<20000x64xf32, #tpu.memory_space<hbm>>
      tpu.enqueue_indirect_dma source(%dma_start3A_444 : memref<20000x64xf32, #tpu.memory_space<hbm>>) target(%dma_start3A_438 : memref<16x64xf32, #tpu.memory_space<vmem>>) offsets(%dma_start3A_441 : memref<16xi32, #tpu.memory_space<vmem>>) semaphore(%arg13 : memref<!tpu.dma_semaphore, #tpu.memory_space<semaphore_mem>>)
      %dma_start3A_445 = arith.constant 48 : i32
      %dma_start3A_446 = arith.constant 0 : i32
      %dma_start3A_447 = tpu.memref_slice %arg9[%dma_start3A_445, %dma_start3A_446] : memref<128x64xf32, #tpu.memory_space<vmem>> -> memref<16x64xf32, #tpu.memory_space<vmem>>
      %dma_start3A_448 = arith.constant 48 : i32
      %dma_start3A_449 = tpu.memref_slice %arg7[%add3A_417, %dma_start3A_448] : memref<160x128xi32, #tpu.memory_space<vmem>> -> memref<1x16xi32, #tpu.memory_space<vmem>>
      %dma_start3A_450 = tpu.memref_squeeze %dma_start3A_449 : memref<1x16xi32, #tpu.memory_space<vmem>> -> memref<16xi32, #tpu.memory_space<vmem>>
      %dma_start3A_451 = arith.constant 0 : i32
      %dma_start3A_452 = arith.constant 0 : i32
      %dma_start3A_453 = tpu.memref_slice %arg2[%dma_start3A_451, %dma_start3A_452] : memref<20000x64xf32, #tpu.memory_space<hbm>> -> memref<20000x64xf32, #tpu.memory_space<hbm>>
      tpu.enqueue_indirect_dma source(%dma_start3A_453 : memref<20000x64xf32, #tpu.memory_space<hbm>>) target(%dma_start3A_447 : memref<16x64xf32, #tpu.memory_space<vmem>>) offsets(%dma_start3A_450 : memref<16xi32, #tpu.memory_space<vmem>>) semaphore(%arg14 : memref<!tpu.dma_semaphore, #tpu.memory_space<semaphore_mem>>)
      %dma_start3A_454 = arith.constant 64 : i32
      %dma_start3A_455 = arith.constant 0 : i32
      %dma_start3A_456 = tpu.memref_slice %arg9[%dma_start3A_454, %dma_start3A_455] : memref<128x64xf32, #tpu.memory_space<vmem>> -> memref<16x64xf32, #tpu.memory_space<vmem>>
      %dma_start3A_457 = arith.constant 64 : i32
      %dma_start3A_458 = tpu.memref_slice %arg7[%add3A_417, %dma_start3A_457] : memref<160x128xi32, #tpu.memory_space<vmem>> -> memref<1x16xi32, #tpu.memory_space<vmem>>
      %dma_start3A_459 = tpu.memref_squeeze %dma_start3A_458 : memref<1x16xi32, #tpu.memory_space<vmem>> -> memref<16xi32, #tpu.memory_space<vmem>>
      %dma_start3A_460 = arith.constant 0 : i32
      %dma_start3A_461 = arith.constant 0 : i32
      %dma_start3A_462 = tpu.memref_slice %arg2[%dma_start3A_460, %dma_start3A_461] : memref<20000x64xf32, #tpu.memory_space<hbm>> -> memref<20000x64xf32, #tpu.memory_space<hbm>>
      tpu.enqueue_indirect_dma source(%dma_start3A_462 : memref<20000x64xf32, #tpu.memory_space<hbm>>) target(%dma_start3A_456 : memref<16x64xf32, #tpu.memory_space<vmem>>) offsets(%dma_start3A_459 : memref<16xi32, #tpu.memory_space<vmem>>) semaphore(%arg15 : memref<!tpu.dma_semaphore, #tpu.memory_space<semaphore_mem>>)
      %dma_start3A_463 = arith.constant 80 : i32
      %dma_start3A_464 = arith.constant 0 : i32
      %dma_start3A_465 = tpu.memref_slice %arg9[%dma_start3A_463, %dma_start3A_464] : memref<128x64xf32, #tpu.memory_space<vmem>> -> memref<16x64xf32, #tpu.memory_space<vmem>>
      %dma_start3A_466 = arith.constant 80 : i32
      %dma_start3A_467 = tpu.memref_slice %arg7[%add3A_417, %dma_start3A_466] : memref<160x128xi32, #tpu.memory_space<vmem>> -> memref<1x16xi32, #tpu.memory_space<vmem>>
      %dma_start3A_468 = tpu.memref_squeeze %dma_start3A_467 : memref<1x16xi32, #tpu.memory_space<vmem>> -> memref<16xi32, #tpu.memory_space<vmem>>
      %dma_start3A_469 = arith.constant 0 : i32
      %dma_start3A_470 = arith.constant 0 : i32
      %dma_start3A_471 = tpu.memref_slice %arg2[%dma_start3A_469, %dma_start3A_470] : memref<20000x64xf32, #tpu.memory_space<hbm>> -> memref<20000x64xf32, #tpu.memory_space<hbm>>
      tpu.enqueue_indirect_dma source(%dma_start3A_471 : memref<20000x64xf32, #tpu.memory_space<hbm>>) target(%dma_start3A_465 : memref<16x64xf32, #tpu.memory_space<vmem>>) offsets(%dma_start3A_468 : memref<16xi32, #tpu.memory_space<vmem>>) semaphore(%arg16 : memref<!tpu.dma_semaphore, #tpu.memory_space<semaphore_mem>>)
      %dma_start3A_472 = arith.constant 96 : i32
      %dma_start3A_473 = arith.constant 0 : i32
      %dma_start3A_474 = tpu.memref_slice %arg9[%dma_start3A_472, %dma_start3A_473] : memref<128x64xf32, #tpu.memory_space<vmem>> -> memref<16x64xf32, #tpu.memory_space<vmem>>
      %dma_start3A_475 = arith.constant 96 : i32
      %dma_start3A_476 = tpu.memref_slice %arg7[%add3A_417, %dma_start3A_475] : memref<160x128xi32, #tpu.memory_space<vmem>> -> memref<1x16xi32, #tpu.memory_space<vmem>>
      %dma_start3A_477 = tpu.memref_squeeze %dma_start3A_476 : memref<1x16xi32, #tpu.memory_space<vmem>> -> memref<16xi32, #tpu.memory_space<vmem>>
      %dma_start3A_478 = arith.constant 0 : i32
      %dma_start3A_479 = arith.constant 0 : i32
      %dma_start3A_480 = tpu.memref_slice %arg2[%dma_start3A_478, %dma_start3A_479] : memref<20000x64xf32, #tpu.memory_space<hbm>> -> memref<20000x64xf32, #tpu.memory_space<hbm>>
      tpu.enqueue_indirect_dma source(%dma_start3A_480 : memref<20000x64xf32, #tpu.memory_space<hbm>>) target(%dma_start3A_474 : memref<16x64xf32, #tpu.memory_space<vmem>>) offsets(%dma_start3A_477 : memref<16xi32, #tpu.memory_space<vmem>>) semaphore(%arg17 : memref<!tpu.dma_semaphore, #tpu.memory_space<semaphore_mem>>)
      %dma_start3A_481 = arith.constant 112 : i32
      %dma_start3A_482 = arith.constant 0 : i32
      %dma_start3A_483 = tpu.memref_slice %arg9[%dma_start3A_481, %dma_start3A_482] : memref<128x64xf32, #tpu.memory_space<vmem>> -> memref<16x64xf32, #tpu.memory_space<vmem>>
      %dma_start3A_484 = arith.constant 112 : i32
      %dma_start3A_485 = tpu.memref_slice %arg7[%add3A_417, %dma_start3A_484] : memref<160x128xi32, #tpu.memory_space<vmem>> -> memref<1x16xi32, #tpu.memory_space<vmem>>
      %dma_start3A_486 = tpu.memref_squeeze %dma_start3A_485 : memref<1x16xi32, #tpu.memory_space<vmem>> -> memref<16xi32, #tpu.memory_space<vmem>>
      %dma_start3A_487 = arith.constant 0 : i32
      %dma_start3A_488 = arith.constant 0 : i32
      %dma_start3A_489 = tpu.memref_slice %arg2[%dma_start3A_487, %dma_start3A_488] : memref<20000x64xf32, #tpu.memory_space<hbm>> -> memref<20000x64xf32, #tpu.memory_space<hbm>>
      tpu.enqueue_indirect_dma source(%dma_start3A_489 : memref<20000x64xf32, #tpu.memory_space<hbm>>) target(%dma_start3A_483 : memref<16x64xf32, #tpu.memory_space<vmem>>) offsets(%dma_start3A_486 : memref<16xi32, #tpu.memory_space<vmem>>) semaphore(%arg18 : memref<!tpu.dma_semaphore, #tpu.memory_space<semaphore_mem>>)
      %add3A_490 = arith.constant 1 : i32
      %add3A_491 = arith.addi %mul3A_343, %add3A_490 : i32
      %dma_wait3A_492 = arith.constant 0 : i32
      %dma_wait3A_493 = arith.constant 0 : i32
      %dma_wait3A_494 = tpu.memref_slice %arg10[%dma_wait3A_492, %dma_wait3A_493] : memref<128x64xf32, #tpu.memory_space<vmem>> -> memref<16x64xf32, #tpu.memory_space<vmem>>
      %dma_wait3A_495 = arith.constant 0 : i32
      %dma_wait3A_496 = tpu.memref_slice %arg7[%add3A_491, %dma_wait3A_495] : memref<160x128xi32, #tpu.memory_space<vmem>> -> memref<1x16xi32, #tpu.memory_space<vmem>>
      %dma_wait3A_497 = tpu.memref_squeeze %dma_wait3A_496 : memref<1x16xi32, #tpu.memory_space<vmem>> -> memref<16xi32, #tpu.memory_space<vmem>>
      %dma_wait3A_498 = arith.constant 0 : i32
      %dma_wait3A_499 = arith.constant 0 : i32
      %dma_wait3A_500 = tpu.memref_slice %arg2[%dma_wait3A_498, %dma_wait3A_499] : memref<20000x64xf32, #tpu.memory_space<hbm>> -> memref<20000x64xf32, #tpu.memory_space<hbm>>
      tpu.wait_indirect_dma semaphore(%arg19 : memref<!tpu.dma_semaphore, #tpu.memory_space<semaphore_mem>>) src(%dma_wait3A_500 : memref<20000x64xf32, #tpu.memory_space<hbm>>) dst(%dma_wait3A_494 : memref<16x64xf32, #tpu.memory_space<vmem>>)
      %dma_wait3A_501 = arith.constant 16 : i32
      %dma_wait3A_502 = arith.constant 0 : i32
      %dma_wait3A_503 = tpu.memref_slice %arg10[%dma_wait3A_501, %dma_wait3A_502] : memref<128x64xf32, #tpu.memory_space<vmem>> -> memref<16x64xf32, #tpu.memory_space<vmem>>
      %dma_wait3A_504 = arith.constant 16 : i32
      %dma_wait3A_505 = tpu.memref_slice %arg7[%add3A_491, %dma_wait3A_504] : memref<160x128xi32, #tpu.memory_space<vmem>> -> memref<1x16xi32, #tpu.memory_space<vmem>>
      %dma_wait3A_506 = tpu.memref_squeeze %dma_wait3A_505 : memref<1x16xi32, #tpu.memory_space<vmem>> -> memref<16xi32, #tpu.memory_space<vmem>>
      %dma_wait3A_507 = arith.constant 0 : i32
      %dma_wait3A_508 = arith.constant 0 : i32
      %dma_wait3A_509 = tpu.memref_slice %arg2[%dma_wait3A_507, %dma_wait3A_508] : memref<20000x64xf32, #tpu.memory_space<hbm>> -> memref<20000x64xf32, #tpu.memory_space<hbm>>
      tpu.wait_indirect_dma semaphore(%arg20 : memref<!tpu.dma_semaphore, #tpu.memory_space<semaphore_mem>>) src(%dma_wait3A_509 : memref<20000x64xf32, #tpu.memory_space<hbm>>) dst(%dma_wait3A_503 : memref<16x64xf32, #tpu.memory_space<vmem>>)
      %dma_wait3A_510 = arith.constant 32 : i32
      %dma_wait3A_511 = arith.constant 0 : i32
      %dma_wait3A_512 = tpu.memref_slice %arg10[%dma_wait3A_510, %dma_wait3A_511] : memref<128x64xf32, #tpu.memory_space<vmem>> -> memref<16x64xf32, #tpu.memory_space<vmem>>
      %dma_wait3A_513 = arith.constant 32 : i32
      %dma_wait3A_514 = tpu.memref_slice %arg7[%add3A_491, %dma_wait3A_513] : memref<160x128xi32, #tpu.memory_space<vmem>> -> memref<1x16xi32, #tpu.memory_space<vmem>>
      %dma_wait3A_515 = tpu.memref_squeeze %dma_wait3A_514 : memref<1x16xi32, #tpu.memory_space<vmem>> -> memref<16xi32, #tpu.memory_space<vmem>>
      %dma_wait3A_516 = arith.constant 0 : i32
      %dma_wait3A_517 = arith.constant 0 : i32
      %dma_wait3A_518 = tpu.memref_slice %arg2[%dma_wait3A_516, %dma_wait3A_517] : memref<20000x64xf32, #tpu.memory_space<hbm>> -> memref<20000x64xf32, #tpu.memory_space<hbm>>
      tpu.wait_indirect_dma semaphore(%arg21 : memref<!tpu.dma_semaphore, #tpu.memory_space<semaphore_mem>>) src(%dma_wait3A_518 : memref<20000x64xf32, #tpu.memory_space<hbm>>) dst(%dma_wait3A_512 : memref<16x64xf32, #tpu.memory_space<vmem>>)
      %dma_wait3A_519 = arith.constant 48 : i32
      %dma_wait3A_520 = arith.constant 0 : i32
      %dma_wait3A_521 = tpu.memref_slice %arg10[%dma_wait3A_519, %dma_wait3A_520] : memref<128x64xf32, #tpu.memory_space<vmem>> -> memref<16x64xf32, #tpu.memory_space<vmem>>
      %dma_wait3A_522 = arith.constant 48 : i32
      %dma_wait3A_523 = tpu.memref_slice %arg7[%add3A_491, %dma_wait3A_522] : memref<160x128xi32, #tpu.memory_space<vmem>> -> memref<1x16xi32, #tpu.memory_space<vmem>>
      %dma_wait3A_524 = tpu.memref_squeeze %dma_wait3A_523 : memref<1x16xi32, #tpu.memory_space<vmem>> -> memref<16xi32, #tpu.memory_space<vmem>>
      %dma_wait3A_525 = arith.constant 0 : i32
      %dma_wait3A_526 = arith.constant 0 : i32
      %dma_wait3A_527 = tpu.memref_slice %arg2[%dma_wait3A_525, %dma_wait3A_526] : memref<20000x64xf32, #tpu.memory_space<hbm>> -> memref<20000x64xf32, #tpu.memory_space<hbm>>
      tpu.wait_indirect_dma semaphore(%arg22 : memref<!tpu.dma_semaphore, #tpu.memory_space<semaphore_mem>>) src(%dma_wait3A_527 : memref<20000x64xf32, #tpu.memory_space<hbm>>) dst(%dma_wait3A_521 : memref<16x64xf32, #tpu.memory_space<vmem>>)
      %dma_wait3A_528 = arith.constant 64 : i32
      %dma_wait3A_529 = arith.constant 0 : i32
      %dma_wait3A_530 = tpu.memref_slice %arg10[%dma_wait3A_528, %dma_wait3A_529] : memref<128x64xf32, #tpu.memory_space<vmem>> -> memref<16x64xf32, #tpu.memory_space<vmem>>
      %dma_wait3A_531 = arith.constant 64 : i32
      %dma_wait3A_532 = tpu.memref_slice %arg7[%add3A_491, %dma_wait3A_531] : memref<160x128xi32, #tpu.memory_space<vmem>> -> memref<1x16xi32, #tpu.memory_space<vmem>>
      %dma_wait3A_533 = tpu.memref_squeeze %dma_wait3A_532 : memref<1x16xi32, #tpu.memory_space<vmem>> -> memref<16xi32, #tpu.memory_space<vmem>>
      %dma_wait3A_534 = arith.constant 0 : i32
      %dma_wait3A_535 = arith.constant 0 : i32
      %dma_wait3A_536 = tpu.memref_slice %arg2[%dma_wait3A_534, %dma_wait3A_535] : memref<20000x64xf32, #tpu.memory_space<hbm>> -> memref<20000x64xf32, #tpu.memory_space<hbm>>
      tpu.wait_indirect_dma semaphore(%arg23 : memref<!tpu.dma_semaphore, #tpu.memory_space<semaphore_mem>>) src(%dma_wait3A_536 : memref<20000x64xf32, #tpu.memory_space<hbm>>) dst(%dma_wait3A_530 : memref<16x64xf32, #tpu.memory_space<vmem>>)
      %dma_wait3A_537 = arith.constant 80 : i32
      %dma_wait3A_538 = arith.constant 0 : i32
      %dma_wait3A_539 = tpu.memref_slice %arg10[%dma_wait3A_537, %dma_wait3A_538] : memref<128x64xf32, #tpu.memory_space<vmem>> -> memref<16x64xf32, #tpu.memory_space<vmem>>
      %dma_wait3A_540 = arith.constant 80 : i32
      %dma_wait3A_541 = tpu.memref_slice %arg7[%add3A_491, %dma_wait3A_540] : memref<160x128xi32, #tpu.memory_space<vmem>> -> memref<1x16xi32, #tpu.memory_space<vmem>>
      %dma_wait3A_542 = tpu.memref_squeeze %dma_wait3A_541 : memref<1x16xi32, #tpu.memory_space<vmem>> -> memref<16xi32, #tpu.memory_space<vmem>>
      %dma_wait3A_543 = arith.constant 0 : i32
      %dma_wait3A_544 = arith.constant 0 : i32
      %dma_wait3A_545 = tpu.memref_slice %arg2[%dma_wait3A_543, %dma_wait3A_544] : memref<20000x64xf32, #tpu.memory_space<hbm>> -> memref<20000x64xf32, #tpu.memory_space<hbm>>
      tpu.wait_indirect_dma semaphore(%arg24 : memref<!tpu.dma_semaphore, #tpu.memory_space<semaphore_mem>>) src(%dma_wait3A_545 : memref<20000x64xf32, #tpu.memory_space<hbm>>) dst(%dma_wait3A_539 : memref<16x64xf32, #tpu.memory_space<vmem>>)
      %dma_wait3A_546 = arith.constant 96 : i32
      %dma_wait3A_547 = arith.constant 0 : i32
      %dma_wait3A_548 = tpu.memref_slice %arg10[%dma_wait3A_546, %dma_wait3A_547] : memref<128x64xf32, #tpu.memory_space<vmem>> -> memref<16x64xf32, #tpu.memory_space<vmem>>
      %dma_wait3A_549 = arith.constant 96 : i32
      %dma_wait3A_550 = tpu.memref_slice %arg7[%add3A_491, %dma_wait3A_549] : memref<160x128xi32, #tpu.memory_space<vmem>> -> memref<1x16xi32, #tpu.memory_space<vmem>>
      %dma_wait3A_551 = tpu.memref_squeeze %dma_wait3A_550 : memref<1x16xi32, #tpu.memory_space<vmem>> -> memref<16xi32, #tpu.memory_space<vmem>>
      %dma_wait3A_552 = arith.constant 0 : i32
      %dma_wait3A_553 = arith.constant 0 : i32
      %dma_wait3A_554 = tpu.memref_slice %arg2[%dma_wait3A_552, %dma_wait3A_553] : memref<20000x64xf32, #tpu.memory_space<hbm>> -> memref<20000x64xf32, #tpu.memory_space<hbm>>
      tpu.wait_indirect_dma semaphore(%arg25 : memref<!tpu.dma_semaphore, #tpu.memory_space<semaphore_mem>>) src(%dma_wait3A_554 : memref<20000x64xf32, #tpu.memory_space<hbm>>) dst(%dma_wait3A_548 : memref<16x64xf32, #tpu.memory_space<vmem>>)
      %dma_wait3A_555 = arith.constant 112 : i32
      %dma_wait3A_556 = arith.constant 0 : i32
      %dma_wait3A_557 = tpu.memref_slice %arg10[%dma_wait3A_555, %dma_wait3A_556] : memref<128x64xf32, #tpu.memory_space<vmem>> -> memref<16x64xf32, #tpu.memory_space<vmem>>
      %dma_wait3A_558 = arith.constant 112 : i32
      %dma_wait3A_559 = tpu.memref_slice %arg7[%add3A_491, %dma_wait3A_558] : memref<160x128xi32, #tpu.memory_space<vmem>> -> memref<1x16xi32, #tpu.memory_space<vmem>>
      %dma_wait3A_560 = tpu.memref_squeeze %dma_wait3A_559 : memref<1x16xi32, #tpu.memory_space<vmem>> -> memref<16xi32, #tpu.memory_space<vmem>>
      %dma_wait3A_561 = arith.constant 0 : i32
      %dma_wait3A_562 = arith.constant 0 : i32
      %dma_wait3A_563 = tpu.memref_slice %arg2[%dma_wait3A_561, %dma_wait3A_562] : memref<20000x64xf32, #tpu.memory_space<hbm>> -> memref<20000x64xf32, #tpu.memory_space<hbm>>
      tpu.wait_indirect_dma semaphore(%arg26 : memref<!tpu.dma_semaphore, #tpu.memory_space<semaphore_mem>>) src(%dma_wait3A_563 : memref<20000x64xf32, #tpu.memory_space<hbm>>) dst(%dma_wait3A_557 : memref<16x64xf32, #tpu.memory_space<vmem>>)
      "tpu.region"() ({
        %run_scoped3A = tpu.sem_alloc : memref<!tpu.dma_semaphore, #tpu.memory_space<semaphore_mem>>
        %dma_start3A_638 = arith.constant 0 : i32
        %dma_start3A_639 = tpu.memref_slice %arg8[%add3A_491, %dma_start3A_638] : memref<158x128xi32, #tpu.memory_space<vmem>> -> memref<1x128xi32, #tpu.memory_space<vmem>>
        %dma_start3A_640 = tpu.memref_squeeze %dma_start3A_639 : memref<1x128xi32, #tpu.memory_space<vmem>> -> memref<128xi32, #tpu.memory_space<vmem>>
        %dma_start3A_641 = arith.constant 0 : i32
        %dma_start3A_642 = arith.constant 0 : i32
        %dma_start3A_643 = tpu.memref_slice %arg6[%dma_start3A_641, %dma_start3A_642] : memref<10112x64xf32, #tpu.memory_space<vmem_shared>> -> memref<10112x64xf32, #tpu.memory_space<vmem_shared>>
        tpu.enqueue_indirect_dma source(%arg10 : memref<128x64xf32, #tpu.memory_space<vmem>>) target(%dma_start3A_643 : memref<10112x64xf32, #tpu.memory_space<vmem_shared>>) offsets(%dma_start3A_640 : memref<128xi32, #tpu.memory_space<vmem>>) semaphore(%run_scoped3A : memref<!tpu.dma_semaphore, #tpu.memory_space<semaphore_mem>>) {add = true}
        %dma_wait3A_644 = arith.constant 0 : i32
        %dma_wait3A_645 = tpu.memref_slice %arg8[%add3A_491, %dma_wait3A_644] : memref<158x128xi32, #tpu.memory_space<vmem>> -> memref<1x128xi32, #tpu.memory_space<vmem>>
        %dma_wait3A_646 = tpu.memref_squeeze %dma_wait3A_645 : memref<1x128xi32, #tpu.memory_space<vmem>> -> memref<128xi32, #tpu.memory_space<vmem>>
        %dma_wait3A_647 = arith.constant 0 : i32
        %dma_wait3A_648 = arith.constant 0 : i32
        %dma_wait3A_649 = tpu.memref_slice %arg6[%dma_wait3A_647, %dma_wait3A_648] : memref<10112x64xf32, #tpu.memory_space<vmem_shared>> -> memref<10112x64xf32, #tpu.memory_space<vmem_shared>>
        tpu.wait_indirect_dma semaphore(%run_scoped3A : memref<!tpu.dma_semaphore, #tpu.memory_space<semaphore_mem>>) src(%arg10 : memref<128x64xf32, #tpu.memory_space<vmem>>) dst(%dma_wait3A_649 : memref<10112x64xf32, #tpu.memory_space<vmem_shared>>)
        tpu.yield
      }) : () -> ()
      %add3A_564 = arith.constant 2 : i32
      %add3A_565 = arith.addi %add3A_491, %add3A_564 : i32
      %dma_start3A_566 = arith.constant 0 : i32
      %dma_start3A_567 = arith.constant 0 : i32
      %dma_start3A_568 = tpu.memref_slice %arg10[%dma_start3A_566, %dma_start3A_567] : memref<128x64xf32, #tpu.memory_space<vmem>> -> memref<16x64xf32, #tpu.memory_space<vmem>>
      %dma_start3A_569 = arith.constant 0 : i32
      %dma_start3A_570 = tpu.memref_slice %arg7[%add3A_565, %dma_start3A_569] : memref<160x128xi32, #tpu.memory_space<vmem>> -> memref<1x16xi32, #tpu.memory_space<vmem>>
      %dma_start3A_571 = tpu.memref_squeeze %dma_start3A_570 : memref<1x16xi32, #tpu.memory_space<vmem>> -> memref<16xi32, #tpu.memory_space<vmem>>
      %dma_start3A_572 = arith.constant 0 : i32
      %dma_start3A_573 = arith.constant 0 : i32
      %dma_start3A_574 = tpu.memref_slice %arg2[%dma_start3A_572, %dma_start3A_573] : memref<20000x64xf32, #tpu.memory_space<hbm>> -> memref<20000x64xf32, #tpu.memory_space<hbm>>
      tpu.enqueue_indirect_dma source(%dma_start3A_574 : memref<20000x64xf32, #tpu.memory_space<hbm>>) target(%dma_start3A_568 : memref<16x64xf32, #tpu.memory_space<vmem>>) offsets(%dma_start3A_571 : memref<16xi32, #tpu.memory_space<vmem>>) semaphore(%arg19 : memref<!tpu.dma_semaphore, #tpu.memory_space<semaphore_mem>>)
      %dma_start3A_575 = arith.constant 16 : i32
      %dma_start3A_576 = arith.constant 0 : i32
      %dma_start3A_577 = tpu.memref_slice %arg10[%dma_start3A_575, %dma_start3A_576] : memref<128x64xf32, #tpu.memory_space<vmem>> -> memref<16x64xf32, #tpu.memory_space<vmem>>
      %dma_start3A_578 = arith.constant 16 : i32
      %dma_start3A_579 = tpu.memref_slice %arg7[%add3A_565, %dma_start3A_578] : memref<160x128xi32, #tpu.memory_space<vmem>> -> memref<1x16xi32, #tpu.memory_space<vmem>>
      %dma_start3A_580 = tpu.memref_squeeze %dma_start3A_579 : memref<1x16xi32, #tpu.memory_space<vmem>> -> memref<16xi32, #tpu.memory_space<vmem>>
      %dma_start3A_581 = arith.constant 0 : i32
      %dma_start3A_582 = arith.constant 0 : i32
      %dma_start3A_583 = tpu.memref_slice %arg2[%dma_start3A_581, %dma_start3A_582] : memref<20000x64xf32, #tpu.memory_space<hbm>> -> memref<20000x64xf32, #tpu.memory_space<hbm>>
      tpu.enqueue_indirect_dma source(%dma_start3A_583 : memref<20000x64xf32, #tpu.memory_space<hbm>>) target(%dma_start3A_577 : memref<16x64xf32, #tpu.memory_space<vmem>>) offsets(%dma_start3A_580 : memref<16xi32, #tpu.memory_space<vmem>>) semaphore(%arg20 : memref<!tpu.dma_semaphore, #tpu.memory_space<semaphore_mem>>)
      %dma_start3A_584 = arith.constant 32 : i32
      %dma_start3A_585 = arith.constant 0 : i32
      %dma_start3A_586 = tpu.memref_slice %arg10[%dma_start3A_584, %dma_start3A_585] : memref<128x64xf32, #tpu.memory_space<vmem>> -> memref<16x64xf32, #tpu.memory_space<vmem>>
      %dma_start3A_587 = arith.constant 32 : i32
      %dma_start3A_588 = tpu.memref_slice %arg7[%add3A_565, %dma_start3A_587] : memref<160x128xi32, #tpu.memory_space<vmem>> -> memref<1x16xi32, #tpu.memory_space<vmem>>
      %dma_start3A_589 = tpu.memref_squeeze %dma_start3A_588 : memref<1x16xi32, #tpu.memory_space<vmem>> -> memref<16xi32, #tpu.memory_space<vmem>>
      %dma_start3A_590 = arith.constant 0 : i32
      %dma_start3A_591 = arith.constant 0 : i32
      %dma_start3A_592 = tpu.memref_slice %arg2[%dma_start3A_590, %dma_start3A_591] : memref<20000x64xf32, #tpu.memory_space<hbm>> -> memref<20000x64xf32, #tpu.memory_space<hbm>>
      tpu.enqueue_indirect_dma source(%dma_start3A_592 : memref<20000x64xf32, #tpu.memory_space<hbm>>) target(%dma_start3A_586 : memref<16x64xf32, #tpu.memory_space<vmem>>) offsets(%dma_start3A_589 : memref<16xi32, #tpu.memory_space<vmem>>) semaphore(%arg21 : memref<!tpu.dma_semaphore, #tpu.memory_space<semaphore_mem>>)
      %dma_start3A_593 = arith.constant 48 : i32
      %dma_start3A_594 = arith.constant 0 : i32
      %dma_start3A_595 = tpu.memref_slice %arg10[%dma_start3A_593, %dma_start3A_594] : memref<128x64xf32, #tpu.memory_space<vmem>> -> memref<16x64xf32, #tpu.memory_space<vmem>>
      %dma_start3A_596 = arith.constant 48 : i32
      %dma_start3A_597 = tpu.memref_slice %arg7[%add3A_565, %dma_start3A_596] : memref<160x128xi32, #tpu.memory_space<vmem>> -> memref<1x16xi32, #tpu.memory_space<vmem>>
      %dma_start3A_598 = tpu.memref_squeeze %dma_start3A_597 : memref<1x16xi32, #tpu.memory_space<vmem>> -> memref<16xi32, #tpu.memory_space<vmem>>
      %dma_start3A_599 = arith.constant 0 : i32
      %dma_start3A_600 = arith.constant 0 : i32
      %dma_start3A_601 = tpu.memref_slice %arg2[%dma_start3A_599, %dma_start3A_600] : memref<20000x64xf32, #tpu.memory_space<hbm>> -> memref<20000x64xf32, #tpu.memory_space<hbm>>
      tpu.enqueue_indirect_dma source(%dma_start3A_601 : memref<20000x64xf32, #tpu.memory_space<hbm>>) target(%dma_start3A_595 : memref<16x64xf32, #tpu.memory_space<vmem>>) offsets(%dma_start3A_598 : memref<16xi32, #tpu.memory_space<vmem>>) semaphore(%arg22 : memref<!tpu.dma_semaphore, #tpu.memory_space<semaphore_mem>>)
      %dma_start3A_602 = arith.constant 64 : i32
      %dma_start3A_603 = arith.constant 0 : i32
      %dma_start3A_604 = tpu.memref_slice %arg10[%dma_start3A_602, %dma_start3A_603] : memref<128x64xf32, #tpu.memory_space<vmem>> -> memref<16x64xf32, #tpu.memory_space<vmem>>
      %dma_start3A_605 = arith.constant 64 : i32
      %dma_start3A_606 = tpu.memref_slice %arg7[%add3A_565, %dma_start3A_605] : memref<160x128xi32, #tpu.memory_space<vmem>> -> memref<1x16xi32, #tpu.memory_space<vmem>>
      %dma_start3A_607 = tpu.memref_squeeze %dma_start3A_606 : memref<1x16xi32, #tpu.memory_space<vmem>> -> memref<16xi32, #tpu.memory_space<vmem>>
      %dma_start3A_608 = arith.constant 0 : i32
      %dma_start3A_609 = arith.constant 0 : i32
      %dma_start3A_610 = tpu.memref_slice %arg2[%dma_start3A_608, %dma_start3A_609] : memref<20000x64xf32, #tpu.memory_space<hbm>> -> memref<20000x64xf32, #tpu.memory_space<hbm>>
      tpu.enqueue_indirect_dma source(%dma_start3A_610 : memref<20000x64xf32, #tpu.memory_space<hbm>>) target(%dma_start3A_604 : memref<16x64xf32, #tpu.memory_space<vmem>>) offsets(%dma_start3A_607 : memref<16xi32, #tpu.memory_space<vmem>>) semaphore(%arg23 : memref<!tpu.dma_semaphore, #tpu.memory_space<semaphore_mem>>)
      %dma_start3A_611 = arith.constant 80 : i32
      %dma_start3A_612 = arith.constant 0 : i32
      %dma_start3A_613 = tpu.memref_slice %arg10[%dma_start3A_611, %dma_start3A_612] : memref<128x64xf32, #tpu.memory_space<vmem>> -> memref<16x64xf32, #tpu.memory_space<vmem>>
      %dma_start3A_614 = arith.constant 80 : i32
      %dma_start3A_615 = tpu.memref_slice %arg7[%add3A_565, %dma_start3A_614] : memref<160x128xi32, #tpu.memory_space<vmem>> -> memref<1x16xi32, #tpu.memory_space<vmem>>
      %dma_start3A_616 = tpu.memref_squeeze %dma_start3A_615 : memref<1x16xi32, #tpu.memory_space<vmem>> -> memref<16xi32, #tpu.memory_space<vmem>>
      %dma_start3A_617 = arith.constant 0 : i32
      %dma_start3A_618 = arith.constant 0 : i32
      %dma_start3A_619 = tpu.memref_slice %arg2[%dma_start3A_617, %dma_start3A_618] : memref<20000x64xf32, #tpu.memory_space<hbm>> -> memref<20000x64xf32, #tpu.memory_space<hbm>>
      tpu.enqueue_indirect_dma source(%dma_start3A_619 : memref<20000x64xf32, #tpu.memory_space<hbm>>) target(%dma_start3A_613 : memref<16x64xf32, #tpu.memory_space<vmem>>) offsets(%dma_start3A_616 : memref<16xi32, #tpu.memory_space<vmem>>) semaphore(%arg24 : memref<!tpu.dma_semaphore, #tpu.memory_space<semaphore_mem>>)
      %dma_start3A_620 = arith.constant 96 : i32
      %dma_start3A_621 = arith.constant 0 : i32
      %dma_start3A_622 = tpu.memref_slice %arg10[%dma_start3A_620, %dma_start3A_621] : memref<128x64xf32, #tpu.memory_space<vmem>> -> memref<16x64xf32, #tpu.memory_space<vmem>>
      %dma_start3A_623 = arith.constant 96 : i32
      %dma_start3A_624 = tpu.memref_slice %arg7[%add3A_565, %dma_start3A_623] : memref<160x128xi32, #tpu.memory_space<vmem>> -> memref<1x16xi32, #tpu.memory_space<vmem>>
      %dma_start3A_625 = tpu.memref_squeeze %dma_start3A_624 : memref<1x16xi32, #tpu.memory_space<vmem>> -> memref<16xi32, #tpu.memory_space<vmem>>
      %dma_start3A_626 = arith.constant 0 : i32
      %dma_start3A_627 = arith.constant 0 : i32
      %dma_start3A_628 = tpu.memref_slice %arg2[%dma_start3A_626, %dma_start3A_627] : memref<20000x64xf32, #tpu.memory_space<hbm>> -> memref<20000x64xf32, #tpu.memory_space<hbm>>
      tpu.enqueue_indirect_dma source(%dma_start3A_628 : memref<20000x64xf32, #tpu.memory_space<hbm>>) target(%dma_start3A_622 : memref<16x64xf32, #tpu.memory_space<vmem>>) offsets(%dma_start3A_625 : memref<16xi32, #tpu.memory_space<vmem>>) semaphore(%arg25 : memref<!tpu.dma_semaphore, #tpu.memory_space<semaphore_mem>>)
      %dma_start3A_629 = arith.constant 112 : i32
      %dma_start3A_630 = arith.constant 0 : i32
      %dma_start3A_631 = tpu.memref_slice %arg10[%dma_start3A_629, %dma_start3A_630] : memref<128x64xf32, #tpu.memory_space<vmem>> -> memref<16x64xf32, #tpu.memory_space<vmem>>
      %dma_start3A_632 = arith.constant 112 : i32
      %dma_start3A_633 = tpu.memref_slice %arg7[%add3A_565, %dma_start3A_632] : memref<160x128xi32, #tpu.memory_space<vmem>> -> memref<1x16xi32, #tpu.memory_space<vmem>>
      %dma_start3A_634 = tpu.memref_squeeze %dma_start3A_633 : memref<1x16xi32, #tpu.memory_space<vmem>> -> memref<16xi32, #tpu.memory_space<vmem>>
      %dma_start3A_635 = arith.constant 0 : i32
      %dma_start3A_636 = arith.constant 0 : i32
      %dma_start3A_637 = tpu.memref_slice %arg2[%dma_start3A_635, %dma_start3A_636] : memref<20000x64xf32, #tpu.memory_space<hbm>> -> memref<20000x64xf32, #tpu.memory_space<hbm>>
      tpu.enqueue_indirect_dma source(%dma_start3A_637 : memref<20000x64xf32, #tpu.memory_space<hbm>>) target(%dma_start3A_631 : memref<16x64xf32, #tpu.memory_space<vmem>>) offsets(%dma_start3A_634 : memref<16xi32, #tpu.memory_space<vmem>>) semaphore(%arg26 : memref<!tpu.dma_semaphore, #tpu.memory_space<semaphore_mem>>)
    }
    %scan3A_180 = arith.constant 79 : i32
    %dma_wait3A = arith.constant 158 : i32
    %dma_wait3A_181 = arith.constant 0 : i32
    %dma_wait3A_182 = arith.constant 0 : i32
    %dma_wait3A_183 = tpu.memref_slice %arg9[%dma_wait3A_181, %dma_wait3A_182] : memref<128x64xf32, #tpu.memory_space<vmem>> -> memref<16x64xf32, #tpu.memory_space<vmem>>
    %dma_wait3A_184 = arith.constant 0 : i32
    %dma_wait3A_185 = tpu.memref_slice %arg7[%dma_wait3A, %dma_wait3A_184] : memref<160x128xi32, #tpu.memory_space<vmem>> -> memref<1x16xi32, #tpu.memory_space<vmem>>
    %dma_wait3A_186 = tpu.memref_squeeze %dma_wait3A_185 : memref<1x16xi32, #tpu.memory_space<vmem>> -> memref<16xi32, #tpu.memory_space<vmem>>
    %dma_wait3A_187 = arith.constant 0 : i32
    %dma_wait3A_188 = arith.constant 0 : i32
    %dma_wait3A_189 = tpu.memref_slice %arg2[%dma_wait3A_187, %dma_wait3A_188] : memref<20000x64xf32, #tpu.memory_space<hbm>> -> memref<20000x64xf32, #tpu.memory_space<hbm>>
    tpu.wait_indirect_dma semaphore(%arg11 : memref<!tpu.dma_semaphore, #tpu.memory_space<semaphore_mem>>) src(%dma_wait3A_189 : memref<20000x64xf32, #tpu.memory_space<hbm>>) dst(%dma_wait3A_183 : memref<16x64xf32, #tpu.memory_space<vmem>>)
    %dma_wait3A_190 = arith.constant 158 : i32
    %dma_wait3A_191 = arith.constant 16 : i32
    %dma_wait3A_192 = arith.constant 0 : i32
    %dma_wait3A_193 = tpu.memref_slice %arg9[%dma_wait3A_191, %dma_wait3A_192] : memref<128x64xf32, #tpu.memory_space<vmem>> -> memref<16x64xf32, #tpu.memory_space<vmem>>
    %dma_wait3A_194 = arith.constant 16 : i32
    %dma_wait3A_195 = tpu.memref_slice %arg7[%dma_wait3A_190, %dma_wait3A_194] : memref<160x128xi32, #tpu.memory_space<vmem>> -> memref<1x16xi32, #tpu.memory_space<vmem>>
    %dma_wait3A_196 = tpu.memref_squeeze %dma_wait3A_195 : memref<1x16xi32, #tpu.memory_space<vmem>> -> memref<16xi32, #tpu.memory_space<vmem>>
    %dma_wait3A_197 = arith.constant 0 : i32
    %dma_wait3A_198 = arith.constant 0 : i32
    %dma_wait3A_199 = tpu.memref_slice %arg2[%dma_wait3A_197, %dma_wait3A_198] : memref<20000x64xf32, #tpu.memory_space<hbm>> -> memref<20000x64xf32, #tpu.memory_space<hbm>>
    tpu.wait_indirect_dma semaphore(%arg12 : memref<!tpu.dma_semaphore, #tpu.memory_space<semaphore_mem>>) src(%dma_wait3A_199 : memref<20000x64xf32, #tpu.memory_space<hbm>>) dst(%dma_wait3A_193 : memref<16x64xf32, #tpu.memory_space<vmem>>)
    %dma_wait3A_200 = arith.constant 158 : i32
    %dma_wait3A_201 = arith.constant 32 : i32
    %dma_wait3A_202 = arith.constant 0 : i32
    %dma_wait3A_203 = tpu.memref_slice %arg9[%dma_wait3A_201, %dma_wait3A_202] : memref<128x64xf32, #tpu.memory_space<vmem>> -> memref<16x64xf32, #tpu.memory_space<vmem>>
    %dma_wait3A_204 = arith.constant 32 : i32
    %dma_wait3A_205 = tpu.memref_slice %arg7[%dma_wait3A_200, %dma_wait3A_204] : memref<160x128xi32, #tpu.memory_space<vmem>> -> memref<1x16xi32, #tpu.memory_space<vmem>>
    %dma_wait3A_206 = tpu.memref_squeeze %dma_wait3A_205 : memref<1x16xi32, #tpu.memory_space<vmem>> -> memref<16xi32, #tpu.memory_space<vmem>>
    %dma_wait3A_207 = arith.constant 0 : i32
    %dma_wait3A_208 = arith.constant 0 : i32
    %dma_wait3A_209 = tpu.memref_slice %arg2[%dma_wait3A_207, %dma_wait3A_208] : memref<20000x64xf32, #tpu.memory_space<hbm>> -> memref<20000x64xf32, #tpu.memory_space<hbm>>
    tpu.wait_indirect_dma semaphore(%arg13 : memref<!tpu.dma_semaphore, #tpu.memory_space<semaphore_mem>>) src(%dma_wait3A_209 : memref<20000x64xf32, #tpu.memory_space<hbm>>) dst(%dma_wait3A_203 : memref<16x64xf32, #tpu.memory_space<vmem>>)
    %dma_wait3A_210 = arith.constant 158 : i32
    %dma_wait3A_211 = arith.constant 48 : i32
    %dma_wait3A_212 = arith.constant 0 : i32
    %dma_wait3A_213 = tpu.memref_slice %arg9[%dma_wait3A_211, %dma_wait3A_212] : memref<128x64xf32, #tpu.memory_space<vmem>> -> memref<16x64xf32, #tpu.memory_space<vmem>>
    %dma_wait3A_214 = arith.constant 48 : i32
    %dma_wait3A_215 = tpu.memref_slice %arg7[%dma_wait3A_210, %dma_wait3A_214] : memref<160x128xi32, #tpu.memory_space<vmem>> -> memref<1x16xi32, #tpu.memory_space<vmem>>
    %dma_wait3A_216 = tpu.memref_squeeze %dma_wait3A_215 : memref<1x16xi32, #tpu.memory_space<vmem>> -> memref<16xi32, #tpu.memory_space<vmem>>
    %dma_wait3A_217 = arith.constant 0 : i32
    %dma_wait3A_218 = arith.constant 0 : i32
    %dma_wait3A_219 = tpu.memref_slice %arg2[%dma_wait3A_217, %dma_wait3A_218] : memref<20000x64xf32, #tpu.memory_space<hbm>> -> memref<20000x64xf32, #tpu.memory_space<hbm>>
    tpu.wait_indirect_dma semaphore(%arg14 : memref<!tpu.dma_semaphore, #tpu.memory_space<semaphore_mem>>) src(%dma_wait3A_219 : memref<20000x64xf32, #tpu.memory_space<hbm>>) dst(%dma_wait3A_213 : memref<16x64xf32, #tpu.memory_space<vmem>>)
    %dma_wait3A_220 = arith.constant 158 : i32
    %dma_wait3A_221 = arith.constant 64 : i32
    %dma_wait3A_222 = arith.constant 0 : i32
    %dma_wait3A_223 = tpu.memref_slice %arg9[%dma_wait3A_221, %dma_wait3A_222] : memref<128x64xf32, #tpu.memory_space<vmem>> -> memref<16x64xf32, #tpu.memory_space<vmem>>
    %dma_wait3A_224 = arith.constant 64 : i32
    %dma_wait3A_225 = tpu.memref_slice %arg7[%dma_wait3A_220, %dma_wait3A_224] : memref<160x128xi32, #tpu.memory_space<vmem>> -> memref<1x16xi32, #tpu.memory_space<vmem>>
    %dma_wait3A_226 = tpu.memref_squeeze %dma_wait3A_225 : memref<1x16xi32, #tpu.memory_space<vmem>> -> memref<16xi32, #tpu.memory_space<vmem>>
    %dma_wait3A_227 = arith.constant 0 : i32
    %dma_wait3A_228 = arith.constant 0 : i32
    %dma_wait3A_229 = tpu.memref_slice %arg2[%dma_wait3A_227, %dma_wait3A_228] : memref<20000x64xf32, #tpu.memory_space<hbm>> -> memref<20000x64xf32, #tpu.memory_space<hbm>>
    tpu.wait_indirect_dma semaphore(%arg15 : memref<!tpu.dma_semaphore, #tpu.memory_space<semaphore_mem>>) src(%dma_wait3A_229 : memref<20000x64xf32, #tpu.memory_space<hbm>>) dst(%dma_wait3A_223 : memref<16x64xf32, #tpu.memory_space<vmem>>)
    %dma_wait3A_230 = arith.constant 158 : i32
    %dma_wait3A_231 = arith.constant 80 : i32
    %dma_wait3A_232 = arith.constant 0 : i32
    %dma_wait3A_233 = tpu.memref_slice %arg9[%dma_wait3A_231, %dma_wait3A_232] : memref<128x64xf32, #tpu.memory_space<vmem>> -> memref<16x64xf32, #tpu.memory_space<vmem>>
    %dma_wait3A_234 = arith.constant 80 : i32
    %dma_wait3A_235 = tpu.memref_slice %arg7[%dma_wait3A_230, %dma_wait3A_234] : memref<160x128xi32, #tpu.memory_space<vmem>> -> memref<1x16xi32, #tpu.memory_space<vmem>>
    %dma_wait3A_236 = tpu.memref_squeeze %dma_wait3A_235 : memref<1x16xi32, #tpu.memory_space<vmem>> -> memref<16xi32, #tpu.memory_space<vmem>>
    %dma_wait3A_237 = arith.constant 0 : i32
    %dma_wait3A_238 = arith.constant 0 : i32
    %dma_wait3A_239 = tpu.memref_slice %arg2[%dma_wait3A_237, %dma_wait3A_238] : memref<20000x64xf32, #tpu.memory_space<hbm>> -> memref<20000x64xf32, #tpu.memory_space<hbm>>
    tpu.wait_indirect_dma semaphore(%arg16 : memref<!tpu.dma_semaphore, #tpu.memory_space<semaphore_mem>>) src(%dma_wait3A_239 : memref<20000x64xf32, #tpu.memory_space<hbm>>) dst(%dma_wait3A_233 : memref<16x64xf32, #tpu.memory_space<vmem>>)
    %dma_wait3A_240 = arith.constant 158 : i32
    %dma_wait3A_241 = arith.constant 96 : i32
    %dma_wait3A_242 = arith.constant 0 : i32
    %dma_wait3A_243 = tpu.memref_slice %arg9[%dma_wait3A_241, %dma_wait3A_242] : memref<128x64xf32, #tpu.memory_space<vmem>> -> memref<16x64xf32, #tpu.memory_space<vmem>>
    %dma_wait3A_244 = arith.constant 96 : i32
    %dma_wait3A_245 = tpu.memref_slice %arg7[%dma_wait3A_240, %dma_wait3A_244] : memref<160x128xi32, #tpu.memory_space<vmem>> -> memref<1x16xi32, #tpu.memory_space<vmem>>
    %dma_wait3A_246 = tpu.memref_squeeze %dma_wait3A_245 : memref<1x16xi32, #tpu.memory_space<vmem>> -> memref<16xi32, #tpu.memory_space<vmem>>
    %dma_wait3A_247 = arith.constant 0 : i32
    %dma_wait3A_248 = arith.constant 0 : i32
    %dma_wait3A_249 = tpu.memref_slice %arg2[%dma_wait3A_247, %dma_wait3A_248] : memref<20000x64xf32, #tpu.memory_space<hbm>> -> memref<20000x64xf32, #tpu.memory_space<hbm>>
    tpu.wait_indirect_dma semaphore(%arg17 : memref<!tpu.dma_semaphore, #tpu.memory_space<semaphore_mem>>) src(%dma_wait3A_249 : memref<20000x64xf32, #tpu.memory_space<hbm>>) dst(%dma_wait3A_243 : memref<16x64xf32, #tpu.memory_space<vmem>>)
    %dma_wait3A_250 = arith.constant 158 : i32
    %dma_wait3A_251 = arith.constant 112 : i32
    %dma_wait3A_252 = arith.constant 0 : i32
    %dma_wait3A_253 = tpu.memref_slice %arg9[%dma_wait3A_251, %dma_wait3A_252] : memref<128x64xf32, #tpu.memory_space<vmem>> -> memref<16x64xf32, #tpu.memory_space<vmem>>
    %dma_wait3A_254 = arith.constant 112 : i32
    %dma_wait3A_255 = tpu.memref_slice %arg7[%dma_wait3A_250, %dma_wait3A_254] : memref<160x128xi32, #tpu.memory_space<vmem>> -> memref<1x16xi32, #tpu.memory_space<vmem>>
    %dma_wait3A_256 = tpu.memref_squeeze %dma_wait3A_255 : memref<1x16xi32, #tpu.memory_space<vmem>> -> memref<16xi32, #tpu.memory_space<vmem>>
    %dma_wait3A_257 = arith.constant 0 : i32
    %dma_wait3A_258 = arith.constant 0 : i32
    %dma_wait3A_259 = tpu.memref_slice %arg2[%dma_wait3A_257, %dma_wait3A_258] : memref<20000x64xf32, #tpu.memory_space<hbm>> -> memref<20000x64xf32, #tpu.memory_space<hbm>>
    tpu.wait_indirect_dma semaphore(%arg18 : memref<!tpu.dma_semaphore, #tpu.memory_space<semaphore_mem>>) src(%dma_wait3A_259 : memref<20000x64xf32, #tpu.memory_space<hbm>>) dst(%dma_wait3A_253 : memref<16x64xf32, #tpu.memory_space<vmem>>)
    %dma_wait3A_260 = arith.constant 159 : i32
    %dma_wait3A_261 = arith.constant 0 : i32
    %dma_wait3A_262 = arith.constant 0 : i32
    %dma_wait3A_263 = tpu.memref_slice %arg10[%dma_wait3A_261, %dma_wait3A_262] : memref<128x64xf32, #tpu.memory_space<vmem>> -> memref<16x64xf32, #tpu.memory_space<vmem>>
    %dma_wait3A_264 = arith.constant 0 : i32
    %dma_wait3A_265 = tpu.memref_slice %arg7[%dma_wait3A_260, %dma_wait3A_264] : memref<160x128xi32, #tpu.memory_space<vmem>> -> memref<1x16xi32, #tpu.memory_space<vmem>>
    %dma_wait3A_266 = tpu.memref_squeeze %dma_wait3A_265 : memref<1x16xi32, #tpu.memory_space<vmem>> -> memref<16xi32, #tpu.memory_space<vmem>>
    %dma_wait3A_267 = arith.constant 0 : i32
    %dma_wait3A_268 = arith.constant 0 : i32
    %dma_wait3A_269 = tpu.memref_slice %arg2[%dma_wait3A_267, %dma_wait3A_268] : memref<20000x64xf32, #tpu.memory_space<hbm>> -> memref<20000x64xf32, #tpu.memory_space<hbm>>
    tpu.wait_indirect_dma semaphore(%arg19 : memref<!tpu.dma_semaphore, #tpu.memory_space<semaphore_mem>>) src(%dma_wait3A_269 : memref<20000x64xf32, #tpu.memory_space<hbm>>) dst(%dma_wait3A_263 : memref<16x64xf32, #tpu.memory_space<vmem>>)
    %dma_wait3A_270 = arith.constant 159 : i32
    %dma_wait3A_271 = arith.constant 16 : i32
    %dma_wait3A_272 = arith.constant 0 : i32
    %dma_wait3A_273 = tpu.memref_slice %arg10[%dma_wait3A_271, %dma_wait3A_272] : memref<128x64xf32, #tpu.memory_space<vmem>> -> memref<16x64xf32, #tpu.memory_space<vmem>>
    %dma_wait3A_274 = arith.constant 16 : i32
    %dma_wait3A_275 = tpu.memref_slice %arg7[%dma_wait3A_270, %dma_wait3A_274] : memref<160x128xi32, #tpu.memory_space<vmem>> -> memref<1x16xi32, #tpu.memory_space<vmem>>
    %dma_wait3A_276 = tpu.memref_squeeze %dma_wait3A_275 : memref<1x16xi32, #tpu.memory_space<vmem>> -> memref<16xi32, #tpu.memory_space<vmem>>
    %dma_wait3A_277 = arith.constant 0 : i32
    %dma_wait3A_278 = arith.constant 0 : i32
    %dma_wait3A_279 = tpu.memref_slice %arg2[%dma_wait3A_277, %dma_wait3A_278] : memref<20000x64xf32, #tpu.memory_space<hbm>> -> memref<20000x64xf32, #tpu.memory_space<hbm>>
    tpu.wait_indirect_dma semaphore(%arg20 : memref<!tpu.dma_semaphore, #tpu.memory_space<semaphore_mem>>) src(%dma_wait3A_279 : memref<20000x64xf32, #tpu.memory_space<hbm>>) dst(%dma_wait3A_273 : memref<16x64xf32, #tpu.memory_space<vmem>>)
    %dma_wait3A_280 = arith.constant 159 : i32
    %dma_wait3A_281 = arith.constant 32 : i32
    %dma_wait3A_282 = arith.constant 0 : i32
    %dma_wait3A_283 = tpu.memref_slice %arg10[%dma_wait3A_281, %dma_wait3A_282] : memref<128x64xf32, #tpu.memory_space<vmem>> -> memref<16x64xf32, #tpu.memory_space<vmem>>
    %dma_wait3A_284 = arith.constant 32 : i32
    %dma_wait3A_285 = tpu.memref_slice %arg7[%dma_wait3A_280, %dma_wait3A_284] : memref<160x128xi32, #tpu.memory_space<vmem>> -> memref<1x16xi32, #tpu.memory_space<vmem>>
    %dma_wait3A_286 = tpu.memref_squeeze %dma_wait3A_285 : memref<1x16xi32, #tpu.memory_space<vmem>> -> memref<16xi32, #tpu.memory_space<vmem>>
    %dma_wait3A_287 = arith.constant 0 : i32
    %dma_wait3A_288 = arith.constant 0 : i32
    %dma_wait3A_289 = tpu.memref_slice %arg2[%dma_wait3A_287, %dma_wait3A_288] : memref<20000x64xf32, #tpu.memory_space<hbm>> -> memref<20000x64xf32, #tpu.memory_space<hbm>>
    tpu.wait_indirect_dma semaphore(%arg21 : memref<!tpu.dma_semaphore, #tpu.memory_space<semaphore_mem>>) src(%dma_wait3A_289 : memref<20000x64xf32, #tpu.memory_space<hbm>>) dst(%dma_wait3A_283 : memref<16x64xf32, #tpu.memory_space<vmem>>)
    %dma_wait3A_290 = arith.constant 159 : i32
    %dma_wait3A_291 = arith.constant 48 : i32
    %dma_wait3A_292 = arith.constant 0 : i32
    %dma_wait3A_293 = tpu.memref_slice %arg10[%dma_wait3A_291, %dma_wait3A_292] : memref<128x64xf32, #tpu.memory_space<vmem>> -> memref<16x64xf32, #tpu.memory_space<vmem>>
    %dma_wait3A_294 = arith.constant 48 : i32
    %dma_wait3A_295 = tpu.memref_slice %arg7[%dma_wait3A_290, %dma_wait3A_294] : memref<160x128xi32, #tpu.memory_space<vmem>> -> memref<1x16xi32, #tpu.memory_space<vmem>>
    %dma_wait3A_296 = tpu.memref_squeeze %dma_wait3A_295 : memref<1x16xi32, #tpu.memory_space<vmem>> -> memref<16xi32, #tpu.memory_space<vmem>>
    %dma_wait3A_297 = arith.constant 0 : i32
    %dma_wait3A_298 = arith.constant 0 : i32
    %dma_wait3A_299 = tpu.memref_slice %arg2[%dma_wait3A_297, %dma_wait3A_298] : memref<20000x64xf32, #tpu.memory_space<hbm>> -> memref<20000x64xf32, #tpu.memory_space<hbm>>
    tpu.wait_indirect_dma semaphore(%arg22 : memref<!tpu.dma_semaphore, #tpu.memory_space<semaphore_mem>>) src(%dma_wait3A_299 : memref<20000x64xf32, #tpu.memory_space<hbm>>) dst(%dma_wait3A_293 : memref<16x64xf32, #tpu.memory_space<vmem>>)
    %dma_wait3A_300 = arith.constant 159 : i32
    %dma_wait3A_301 = arith.constant 64 : i32
    %dma_wait3A_302 = arith.constant 0 : i32
    %dma_wait3A_303 = tpu.memref_slice %arg10[%dma_wait3A_301, %dma_wait3A_302] : memref<128x64xf32, #tpu.memory_space<vmem>> -> memref<16x64xf32, #tpu.memory_space<vmem>>
    %dma_wait3A_304 = arith.constant 64 : i32
    %dma_wait3A_305 = tpu.memref_slice %arg7[%dma_wait3A_300, %dma_wait3A_304] : memref<160x128xi32, #tpu.memory_space<vmem>> -> memref<1x16xi32, #tpu.memory_space<vmem>>
    %dma_wait3A_306 = tpu.memref_squeeze %dma_wait3A_305 : memref<1x16xi32, #tpu.memory_space<vmem>> -> memref<16xi32, #tpu.memory_space<vmem>>
    %dma_wait3A_307 = arith.constant 0 : i32
    %dma_wait3A_308 = arith.constant 0 : i32
    %dma_wait3A_309 = tpu.memref_slice %arg2[%dma_wait3A_307, %dma_wait3A_308] : memref<20000x64xf32, #tpu.memory_space<hbm>> -> memref<20000x64xf32, #tpu.memory_space<hbm>>
    tpu.wait_indirect_dma semaphore(%arg23 : memref<!tpu.dma_semaphore, #tpu.memory_space<semaphore_mem>>) src(%dma_wait3A_309 : memref<20000x64xf32, #tpu.memory_space<hbm>>) dst(%dma_wait3A_303 : memref<16x64xf32, #tpu.memory_space<vmem>>)
    %dma_wait3A_310 = arith.constant 159 : i32
    %dma_wait3A_311 = arith.constant 80 : i32
    %dma_wait3A_312 = arith.constant 0 : i32
    %dma_wait3A_313 = tpu.memref_slice %arg10[%dma_wait3A_311, %dma_wait3A_312] : memref<128x64xf32, #tpu.memory_space<vmem>> -> memref<16x64xf32, #tpu.memory_space<vmem>>
    %dma_wait3A_314 = arith.constant 80 : i32
    %dma_wait3A_315 = tpu.memref_slice %arg7[%dma_wait3A_310, %dma_wait3A_314] : memref<160x128xi32, #tpu.memory_space<vmem>> -> memref<1x16xi32, #tpu.memory_space<vmem>>
    %dma_wait3A_316 = tpu.memref_squeeze %dma_wait3A_315 : memref<1x16xi32, #tpu.memory_space<vmem>> -> memref<16xi32, #tpu.memory_space<vmem>>
    %dma_wait3A_317 = arith.constant 0 : i32
    %dma_wait3A_318 = arith.constant 0 : i32
    %dma_wait3A_319 = tpu.memref_slice %arg2[%dma_wait3A_317, %dma_wait3A_318] : memref<20000x64xf32, #tpu.memory_space<hbm>> -> memref<20000x64xf32, #tpu.memory_space<hbm>>
    tpu.wait_indirect_dma semaphore(%arg24 : memref<!tpu.dma_semaphore, #tpu.memory_space<semaphore_mem>>) src(%dma_wait3A_319 : memref<20000x64xf32, #tpu.memory_space<hbm>>) dst(%dma_wait3A_313 : memref<16x64xf32, #tpu.memory_space<vmem>>)
    %dma_wait3A_320 = arith.constant 159 : i32
    %dma_wait3A_321 = arith.constant 96 : i32
    %dma_wait3A_322 = arith.constant 0 : i32
    %dma_wait3A_323 = tpu.memref_slice %arg10[%dma_wait3A_321, %dma_wait3A_322] : memref<128x64xf32, #tpu.memory_space<vmem>> -> memref<16x64xf32, #tpu.memory_space<vmem>>
    %dma_wait3A_324 = arith.constant 96 : i32
    %dma_wait3A_325 = tpu.memref_slice %arg7[%dma_wait3A_320, %dma_wait3A_324] : memref<160x128xi32, #tpu.memory_space<vmem>> -> memref<1x16xi32, #tpu.memory_space<vmem>>
    %dma_wait3A_326 = tpu.memref_squeeze %dma_wait3A_325 : memref<1x16xi32, #tpu.memory_space<vmem>> -> memref<16xi32, #tpu.memory_space<vmem>>
    %dma_wait3A_327 = arith.constant 0 : i32
    %dma_wait3A_328 = arith.constant 0 : i32
    %dma_wait3A_329 = tpu.memref_slice %arg2[%dma_wait3A_327, %dma_wait3A_328] : memref<20000x64xf32, #tpu.memory_space<hbm>> -> memref<20000x64xf32, #tpu.memory_space<hbm>>
    tpu.wait_indirect_dma semaphore(%arg25 : memref<!tpu.dma_semaphore, #tpu.memory_space<semaphore_mem>>) src(%dma_wait3A_329 : memref<20000x64xf32, #tpu.memory_space<hbm>>) dst(%dma_wait3A_323 : memref<16x64xf32, #tpu.memory_space<vmem>>)
    %dma_wait3A_330 = arith.constant 159 : i32
    %dma_wait3A_331 = arith.constant 112 : i32
    %dma_wait3A_332 = arith.constant 0 : i32
    %dma_wait3A_333 = tpu.memref_slice %arg10[%dma_wait3A_331, %dma_wait3A_332] : memref<128x64xf32, #tpu.memory_space<vmem>> -> memref<16x64xf32, #tpu.memory_space<vmem>>
    %dma_wait3A_334 = arith.constant 112 : i32
    %dma_wait3A_335 = tpu.memref_slice %arg7[%dma_wait3A_330, %dma_wait3A_334] : memref<160x128xi32, #tpu.memory_space<vmem>> -> memref<1x16xi32, #tpu.memory_space<vmem>>
    %dma_wait3A_336 = tpu.memref_squeeze %dma_wait3A_335 : memref<1x16xi32, #tpu.memory_space<vmem>> -> memref<16xi32, #tpu.memory_space<vmem>>
    %dma_wait3A_337 = arith.constant 0 : i32
    %dma_wait3A_338 = arith.constant 0 : i32
    %dma_wait3A_339 = tpu.memref_slice %arg2[%dma_wait3A_337, %dma_wait3A_338] : memref<20000x64xf32, #tpu.memory_space<hbm>> -> memref<20000x64xf32, #tpu.memory_space<hbm>>
    tpu.wait_indirect_dma semaphore(%arg26 : memref<!tpu.dma_semaphore, #tpu.memory_space<semaphore_mem>>) src(%dma_wait3A_339 : memref<20000x64xf32, #tpu.memory_space<hbm>>) dst(%dma_wait3A_333 : memref<16x64xf32, #tpu.memory_space<vmem>>)
    %barrier3A_340 = arith.constant 0 : index
    tpu.barrier barrier_id(%barrier3A_340)
    "tpu.region"() ({
      %run_scoped3A = tpu.sem_alloc : memref<!tpu.dma_semaphore, #tpu.memory_space<semaphore_mem>>
      %dma_start3A_341 = arith.constant 0 : i32
      %dma_start3A_342 = tpu.memref_slice %arg5[%arg0, %mul3A_5, %dma_start3A_341] : memref<2x10112x64xf32, #tpu.memory_space<hbm>> -> memref<1x632x64xf32, #tpu.memory_space<hbm>>
      %dma_start3A_343 = tpu.memref_squeeze %dma_start3A_342 : memref<1x632x64xf32, #tpu.memory_space<hbm>> -> memref<632x64xf32, #tpu.memory_space<hbm>>
      %dma_start3A_344 = arith.constant 0 : i32
      %dma_start3A_345 = tpu.memref_slice %arg6[%mul3A_5, %dma_start3A_344] : memref<10112x64xf32, #tpu.memory_space<vmem_shared>> -> memref<632x64xf32, #tpu.memory_space<vmem_shared>>
      tpu.enqueue_dma source(%dma_start3A_345 : memref<632x64xf32, #tpu.memory_space<vmem_shared>>) target(%dma_start3A_343 : memref<632x64xf32, #tpu.memory_space<hbm>>) target_semaphore(%run_scoped3A : memref<!tpu.dma_semaphore, #tpu.memory_space<semaphore_mem>>)
      %dma_wait3A_346 = arith.constant 0 : i32
      %dma_wait3A_347 = tpu.memref_slice %arg5[%arg0, %mul3A_5, %dma_wait3A_346] : memref<2x10112x64xf32, #tpu.memory_space<hbm>> -> memref<1x632x64xf32, #tpu.memory_space<hbm>>
      %dma_wait3A_348 = tpu.memref_squeeze %dma_wait3A_347 : memref<1x632x64xf32, #tpu.memory_space<hbm>> -> memref<632x64xf32, #tpu.memory_space<hbm>>
      %dma_wait3A_349 = arith.constant 0 : i32
      %dma_wait3A_350 = tpu.memref_slice %arg6[%mul3A_5, %dma_wait3A_349] : memref<10112x64xf32, #tpu.memory_space<vmem_shared>> -> memref<632x64xf32, #tpu.memory_space<vmem_shared>>
      tpu.wait_dma2 semaphore(%run_scoped3A : memref<!tpu.dma_semaphore, #tpu.memory_space<semaphore_mem>>) src(%dma_wait3A_350 : memref<632x64xf32, #tpu.memory_space<vmem_shared>>) dst(%dma_wait3A_348 : memref<632x64xf32, #tpu.memory_space<hbm>>)
      tpu.yield
    }) : () -> ()
    return
  }
}

#map = affine_map<(d0, d1) -> (0, 0)>
#map1 = affine_map<(d0, d1) -> (0, 0, 0, 0)>
#map2 = affine_map<(d0, d1) -> (0, 0, 0)>
module attributes {stable_mosaic.version = 14 : i64} {
  func.func @_agg_body(%arg0: i32, %arg1: i32, %arg2: memref<20000x64xf32, #tpu.memory_space<hbm>>, %arg3: memref<2x16x160x128xi32, #tpu.memory_space<hbm>>, %arg4: memref<16x158x128xi32, #tpu.memory_space<hbm>>, %arg5: memref<2x10112x64xf32, #tpu.memory_space<hbm>>, %arg6: memref<10112x64xf32, #tpu.memory_space<vmem_shared>>, %arg7: memref<160x128xi32, #tpu.memory_space<vmem>>, %arg8: memref<158x128xi32, #tpu.memory_space<vmem>>, %arg9: memref<128x64xf32, #tpu.memory_space<vmem>>, %arg10: memref<128x64xf32, #tpu.memory_space<vmem>>, %arg11: memref<!tpu.dma_semaphore, #tpu.memory_space<semaphore_mem>>, %arg12: memref<!tpu.dma_semaphore, #tpu.memory_space<semaphore_mem>>, %arg13: memref<!tpu.dma_semaphore, #tpu.memory_space<semaphore_mem>>, %arg14: memref<!tpu.dma_semaphore, #tpu.memory_space<semaphore_mem>>, %arg15: memref<!tpu.dma_semaphore, #tpu.memory_space<semaphore_mem>>, %arg16: memref<!tpu.dma_semaphore, #tpu.memory_space<semaphore_mem>>, %arg17: memref<!tpu.dma_semaphore, #tpu.memory_space<semaphore_mem>>, %arg18: memref<!tpu.dma_semaphore, #tpu.memory_space<semaphore_mem>>, %arg19: memref<!tpu.dma_semaphore, #tpu.memory_space<semaphore_mem>>, %arg20: memref<!tpu.dma_semaphore, #tpu.memory_space<semaphore_mem>>, %arg21: memref<!tpu.dma_semaphore, #tpu.memory_space<semaphore_mem>>, %arg22: memref<!tpu.dma_semaphore, #tpu.memory_space<semaphore_mem>>, %arg23: memref<!tpu.dma_semaphore, #tpu.memory_space<semaphore_mem>>, %arg24: memref<!tpu.dma_semaphore, #tpu.memory_space<semaphore_mem>>, %arg25: memref<!tpu.dma_semaphore, #tpu.memory_space<semaphore_mem>>, %arg26: memref<!tpu.dma_semaphore, #tpu.memory_space<semaphore_mem>>) attributes {dimension_semantics = [#tpu.dimension_semantics<core_parallel>, #tpu.dimension_semantics<subcore_parallel>], iteration_bounds = array<i64: 2, 16>, scalar_prefetch = 0 : i64, scratch_operands = 21 : i64, tpu.core_type = #tpu.core_type<sc_vector_subcore>, window_params = [{transform_indices = #map}, {transform_indices = #map1}, {transform_indices = #map2}, {transform_indices = #map2}]} {
    "tpu.region"() ({
      %run_scoped3A = tpu.sem_alloc : memref<!tpu.dma_semaphore, #tpu.memory_space<semaphore_mem>>
      %dma_start3A_341 = arith.constant 0 : i32
      %dma_start3A_342 = arith.constant 0 : i32
      %dma_start3A_343 = tpu.memref_slice %arg3[%arg0, %arg1, %dma_start3A_341, %dma_start3A_342] : memref<2x16x160x128xi32, #tpu.memory_space<hbm>> -> memref<1x1x160x128xi32, #tpu.memory_space<hbm>>
      %dma_start3A_344 = tpu.memref_squeeze %dma_start3A_343 : memref<1x1x160x128xi32, #tpu.memory_space<hbm>> -> memref<160x128xi32, #tpu.memory_space<hbm>>
      %dma_start3A_345 = arith.constant 0 : i32
      %dma_start3A_346 = arith.constant 0 : i32
      %dma_start3A_347 = tpu.memref_slice %arg3[%arg0, %arg1, %dma_start3A_345, %dma_start3A_346] : memref<2x16x160x128xi32, #tpu.memory_space<hbm>> -> memref<1x1x160x128xi32, #tpu.memory_space<hbm>>
      %dma_start3A_348 = tpu.memref_squeeze %dma_start3A_347 : memref<1x1x160x128xi32, #tpu.memory_space<hbm>> -> memref<160x128xi32, #tpu.memory_space<hbm>>
      tpu.enqueue_dma source(%dma_start3A_348 : memref<160x128xi32, #tpu.memory_space<hbm>>) target(%arg7 : memref<160x128xi32, #tpu.memory_space<vmem>>) target_semaphore(%run_scoped3A : memref<!tpu.dma_semaphore, #tpu.memory_space<semaphore_mem>>)
      %dma_wait3A_349 = arith.constant 0 : i32
      %dma_wait3A_350 = arith.constant 0 : i32
      %dma_wait3A_351 = tpu.memref_slice %arg3[%arg0, %arg1, %dma_wait3A_349, %dma_wait3A_350] : memref<2x16x160x128xi32, #tpu.memory_space<hbm>> -> memref<1x1x160x128xi32, #tpu.memory_space<hbm>>
      %dma_wait3A_352 = tpu.memref_squeeze %dma_wait3A_351 : memref<1x1x160x128xi32, #tpu.memory_space<hbm>> -> memref<160x128xi32, #tpu.memory_space<hbm>>
      %dma_wait3A_353 = arith.constant 0 : i32
      %dma_wait3A_354 = arith.constant 0 : i32
      %dma_wait3A_355 = tpu.memref_slice %arg3[%arg0, %arg1, %dma_wait3A_353, %dma_wait3A_354] : memref<2x16x160x128xi32, #tpu.memory_space<hbm>> -> memref<1x1x160x128xi32, #tpu.memory_space<hbm>>
      %dma_wait3A_356 = tpu.memref_squeeze %dma_wait3A_355 : memref<1x1x160x128xi32, #tpu.memory_space<hbm>> -> memref<160x128xi32, #tpu.memory_space<hbm>>
      tpu.wait_dma2 semaphore(%run_scoped3A : memref<!tpu.dma_semaphore, #tpu.memory_space<semaphore_mem>>) src(%dma_wait3A_356 : memref<160x128xi32, #tpu.memory_space<hbm>>) dst(%arg7 : memref<160x128xi32, #tpu.memory_space<vmem>>)
      tpu.yield
    }) : () -> ()
    "tpu.region"() ({
      %run_scoped3A = tpu.sem_alloc : memref<!tpu.dma_semaphore, #tpu.memory_space<semaphore_mem>>
      %dma_start3A_341 = arith.constant 0 : i32
      %dma_start3A_342 = arith.constant 0 : i32
      %dma_start3A_343 = tpu.memref_slice %arg4[%arg1, %dma_start3A_341, %dma_start3A_342] : memref<16x158x128xi32, #tpu.memory_space<hbm>> -> memref<1x158x128xi32, #tpu.memory_space<hbm>>
      %dma_start3A_344 = tpu.memref_squeeze %dma_start3A_343 : memref<1x158x128xi32, #tpu.memory_space<hbm>> -> memref<158x128xi32, #tpu.memory_space<hbm>>
      %dma_start3A_345 = arith.constant 0 : i32
      %dma_start3A_346 = arith.constant 0 : i32
      %dma_start3A_347 = tpu.memref_slice %arg4[%arg1, %dma_start3A_345, %dma_start3A_346] : memref<16x158x128xi32, #tpu.memory_space<hbm>> -> memref<1x158x128xi32, #tpu.memory_space<hbm>>
      %dma_start3A_348 = tpu.memref_squeeze %dma_start3A_347 : memref<1x158x128xi32, #tpu.memory_space<hbm>> -> memref<158x128xi32, #tpu.memory_space<hbm>>
      tpu.enqueue_dma source(%dma_start3A_348 : memref<158x128xi32, #tpu.memory_space<hbm>>) target(%arg8 : memref<158x128xi32, #tpu.memory_space<vmem>>) target_semaphore(%run_scoped3A : memref<!tpu.dma_semaphore, #tpu.memory_space<semaphore_mem>>)
      %dma_wait3A_349 = arith.constant 0 : i32
      %dma_wait3A_350 = arith.constant 0 : i32
      %dma_wait3A_351 = tpu.memref_slice %arg4[%arg1, %dma_wait3A_349, %dma_wait3A_350] : memref<16x158x128xi32, #tpu.memory_space<hbm>> -> memref<1x158x128xi32, #tpu.memory_space<hbm>>
      %dma_wait3A_352 = tpu.memref_squeeze %dma_wait3A_351 : memref<1x158x128xi32, #tpu.memory_space<hbm>> -> memref<158x128xi32, #tpu.memory_space<hbm>>
      %dma_wait3A_353 = arith.constant 0 : i32
      %dma_wait3A_354 = arith.constant 0 : i32
      %dma_wait3A_355 = tpu.memref_slice %arg4[%arg1, %dma_wait3A_353, %dma_wait3A_354] : memref<16x158x128xi32, #tpu.memory_space<hbm>> -> memref<1x158x128xi32, #tpu.memory_space<hbm>>
      %dma_wait3A_356 = tpu.memref_squeeze %dma_wait3A_355 : memref<1x158x128xi32, #tpu.memory_space<hbm>> -> memref<158x128xi32, #tpu.memory_space<hbm>>
      tpu.wait_dma2 semaphore(%run_scoped3A : memref<!tpu.dma_semaphore, #tpu.memory_space<semaphore_mem>>) src(%dma_wait3A_356 : memref<158x128xi32, #tpu.memory_space<hbm>>) dst(%arg8 : memref<158x128xi32, #tpu.memory_space<vmem>>)
      tpu.yield
    }) : () -> ()
    %scan3A = arith.constant 0 : i32
    %scan3A_0 = arith.constant 0 : i32
    %scan3A_1 = arith.constant 128 : i32
    %scan3A_2 = arith.addi %scan3A_0, %scan3A_1 : i32
    %scan3A_3 = arith.constant 1 : i32
    scf.for %scan3A_341 = %scan3A_0 to %scan3A_2 step %scan3A_3  : i32 {
      %broadcast_in_dim3A = arith.constant 0.000000e+00 : f32
      %broadcast_in_dim3A_342 = vector.broadcast %broadcast_in_dim3A : f32 to vector<16xf32>
      %swap3A = arith.index_cast %scan3A_341 : i32 to index
      %swap3A_343 = arith.constant 0 : index
      %swap3A_344 = tpu.vector_load %arg9[%swap3A, %swap3A_343] {strides = array<i32>} : memref<128x64xf32, #tpu.memory_space<vmem>>, vector<1x16xf32>,
      %swap3A_345 = vector.shape_cast %swap3A_344 : vector<1x16xf32> to vector<16xf32>
      %swap3A_346 = vector.shape_cast %broadcast_in_dim3A_342 : vector<16xf32> to vector<1x16xf32>
      tpu.vector_store %arg9[%swap3A, %swap3A_343], %swap3A_346 {strides = array<i32>} : memref<128x64xf32, #tpu.memory_space<vmem>>, vector<1x16xf32>,
      %broadcast_in_dim3A_347 = arith.constant 0.000000e+00 : f32
      %broadcast_in_dim3A_348 = vector.broadcast %broadcast_in_dim3A_347 : f32 to vector<16xf32>
      %swap3A_349 = arith.index_cast %scan3A_341 : i32 to index
      %swap3A_350 = arith.constant 16 : index
      %swap3A_351 = tpu.vector_load %arg9[%swap3A_349, %swap3A_350] {strides = array<i32>} : memref<128x64xf32, #tpu.memory_space<vmem>>, vector<1x16xf32>,
      %swap3A_352 = vector.shape_cast %swap3A_351 : vector<1x16xf32> to vector<16xf32>
      %swap3A_353 = vector.shape_cast %broadcast_in_dim3A_348 : vector<16xf32> to vector<1x16xf32>
      tpu.vector_store %arg9[%swap3A_349, %swap3A_350], %swap3A_353 {strides = array<i32>} : memref<128x64xf32, #tpu.memory_space<vmem>>, vector<1x16xf32>,
      %broadcast_in_dim3A_354 = arith.constant 0.000000e+00 : f32
      %broadcast_in_dim3A_355 = vector.broadcast %broadcast_in_dim3A_354 : f32 to vector<16xf32>
      %swap3A_356 = arith.index_cast %scan3A_341 : i32 to index
      %swap3A_357 = arith.constant 32 : index
      %swap3A_358 = tpu.vector_load %arg9[%swap3A_356, %swap3A_357] {strides = array<i32>} : memref<128x64xf32, #tpu.memory_space<vmem>>, vector<1x16xf32>,
      %swap3A_359 = vector.shape_cast %swap3A_358 : vector<1x16xf32> to vector<16xf32>
      %swap3A_360 = vector.shape_cast %broadcast_in_dim3A_355 : vector<16xf32> to vector<1x16xf32>
      tpu.vector_store %arg9[%swap3A_356, %swap3A_357], %swap3A_360 {strides = array<i32>} : memref<128x64xf32, #tpu.memory_space<vmem>>, vector<1x16xf32>,
      %broadcast_in_dim3A_361 = arith.constant 0.000000e+00 : f32
      %broadcast_in_dim3A_362 = vector.broadcast %broadcast_in_dim3A_361 : f32 to vector<16xf32>
      %swap3A_363 = arith.index_cast %scan3A_341 : i32 to index
      %swap3A_364 = arith.constant 48 : index
      %swap3A_365 = tpu.vector_load %arg9[%swap3A_363, %swap3A_364] {strides = array<i32>} : memref<128x64xf32, #tpu.memory_space<vmem>>, vector<1x16xf32>,
      %swap3A_366 = vector.shape_cast %swap3A_365 : vector<1x16xf32> to vector<16xf32>
      %swap3A_367 = vector.shape_cast %broadcast_in_dim3A_362 : vector<16xf32> to vector<1x16xf32>
      tpu.vector_store %arg9[%swap3A_363, %swap3A_364], %swap3A_367 {strides = array<i32>} : memref<128x64xf32, #tpu.memory_space<vmem>>, vector<1x16xf32>,
    }
    %scan3A_4 = arith.constant 128 : i32
    %mul3A = arith.constant 632 : i32
    %mul3A_5 = arith.muli %arg1, %mul3A : i32
    %add3A = arith.constant 0 : i32
    %add3A_6 = arith.addi %mul3A_5, %add3A : i32
    "tpu.region"() ({
      %run_scoped3A = tpu.sem_alloc : memref<!tpu.dma_semaphore, #tpu.memory_space<semaphore_mem>>
      %dma_start3A_341 = arith.constant 0 : i32
      %dma_start3A_342 = tpu.memref_slice %arg6[%add3A_6, %dma_start3A_341] : memref<10112x64xf32, #tpu.memory_space<vmem_shared>> -> memref<128x64xf32, #tpu.memory_space<vmem_shared>>
      %dma_start3A_343 = arith.constant 0 : i32
      %dma_start3A_344 = tpu.memref_slice %arg6[%add3A_6, %dma_start3A_343] : memref<10112x64xf32, #tpu.memory_space<vmem_shared>> -> memref<128x64xf32, #tpu.memory_space<vmem_shared>>
      tpu.enqueue_dma source(%arg9 : memref<128x64xf32, #tpu.memory_space<vmem>>) target(%dma_start3A_344 : memref<128x64xf32, #tpu.memory_space<vmem_shared>>) target_semaphore(%run_scoped3A : memref<!tpu.dma_semaphore, #tpu.memory_space<semaphore_mem>>)
      %dma_wait3A_345 = arith.constant 0 : i32
      %dma_wait3A_346 = tpu.memref_slice %arg6[%add3A_6, %dma_wait3A_345] : memref<10112x64xf32, #tpu.memory_space<vmem_shared>> -> memref<128x64xf32, #tpu.memory_space<vmem_shared>>
      %dma_wait3A_347 = arith.constant 0 : i32
      %dma_wait3A_348 = tpu.memref_slice %arg6[%add3A_6, %dma_wait3A_347] : memref<10112x64xf32, #tpu.memory_space<vmem_shared>> -> memref<128x64xf32, #tpu.memory_space<vmem_shared>>
      tpu.wait_dma2 semaphore(%run_scoped3A : memref<!tpu.dma_semaphore, #tpu.memory_space<semaphore_mem>>) src(%arg9 : memref<128x64xf32, #tpu.memory_space<vmem>>) dst(%dma_wait3A_348 : memref<128x64xf32, #tpu.memory_space<vmem_shared>>)
      tpu.yield
    }) : () -> ()
    %add3A_7 = arith.constant 128 : i32
    %add3A_8 = arith.addi %mul3A_5, %add3A_7 : i32
    "tpu.region"() ({
      %run_scoped3A = tpu.sem_alloc : memref<!tpu.dma_semaphore, #tpu.memory_space<semaphore_mem>>
      %dma_start3A_341 = arith.constant 0 : i32
      %dma_start3A_342 = tpu.memref_slice %arg6[%add3A_8, %dma_start3A_341] : memref<10112x64xf32, #tpu.memory_space<vmem_shared>> -> memref<128x64xf32, #tpu.memory_space<vmem_shared>>
      %dma_start3A_343 = arith.constant 0 : i32
      %dma_start3A_344 = tpu.memref_slice %arg6[%add3A_8, %dma_start3A_343] : memref<10112x64xf32, #tpu.memory_space<vmem_shared>> -> memref<128x64xf32, #tpu.memory_space<vmem_shared>>
      tpu.enqueue_dma source(%arg9 : memref<128x64xf32, #tpu.memory_space<vmem>>) target(%dma_start3A_344 : memref<128x64xf32, #tpu.memory_space<vmem_shared>>) target_semaphore(%run_scoped3A : memref<!tpu.dma_semaphore, #tpu.memory_space<semaphore_mem>>)
      %dma_wait3A_345 = arith.constant 0 : i32
      %dma_wait3A_346 = tpu.memref_slice %arg6[%add3A_8, %dma_wait3A_345] : memref<10112x64xf32, #tpu.memory_space<vmem_shared>> -> memref<128x64xf32, #tpu.memory_space<vmem_shared>>
      %dma_wait3A_347 = arith.constant 0 : i32
      %dma_wait3A_348 = tpu.memref_slice %arg6[%add3A_8, %dma_wait3A_347] : memref<10112x64xf32, #tpu.memory_space<vmem_shared>> -> memref<128x64xf32, #tpu.memory_space<vmem_shared>>
      tpu.wait_dma2 semaphore(%run_scoped3A : memref<!tpu.dma_semaphore, #tpu.memory_space<semaphore_mem>>) src(%arg9 : memref<128x64xf32, #tpu.memory_space<vmem>>) dst(%dma_wait3A_348 : memref<128x64xf32, #tpu.memory_space<vmem_shared>>)
      tpu.yield
    }) : () -> ()
    %add3A_9 = arith.constant 256 : i32
    %add3A_10 = arith.addi %mul3A_5, %add3A_9 : i32
    "tpu.region"() ({
      %run_scoped3A = tpu.sem_alloc : memref<!tpu.dma_semaphore, #tpu.memory_space<semaphore_mem>>
      %dma_start3A_341 = arith.constant 0 : i32
      %dma_start3A_342 = tpu.memref_slice %arg6[%add3A_10, %dma_start3A_341] : memref<10112x64xf32, #tpu.memory_space<vmem_shared>> -> memref<128x64xf32, #tpu.memory_space<vmem_shared>>
      %dma_start3A_343 = arith.constant 0 : i32
      %dma_start3A_344 = tpu.memref_slice %arg6[%add3A_10, %dma_start3A_343] : memref<10112x64xf32, #tpu.memory_space<vmem_shared>> -> memref<128x64xf32, #tpu.memory_space<vmem_shared>>
      tpu.enqueue_dma source(%arg9 : memref<128x64xf32, #tpu.memory_space<vmem>>) target(%dma_start3A_344 : memref<128x64xf32, #tpu.memory_space<vmem_shared>>) target_semaphore(%run_scoped3A : memref<!tpu.dma_semaphore, #tpu.memory_space<semaphore_mem>>)
      %dma_wait3A_345 = arith.constant 0 : i32
      %dma_wait3A_346 = tpu.memref_slice %arg6[%add3A_10, %dma_wait3A_345] : memref<10112x64xf32, #tpu.memory_space<vmem_shared>> -> memref<128x64xf32, #tpu.memory_space<vmem_shared>>
      %dma_wait3A_347 = arith.constant 0 : i32
      %dma_wait3A_348 = tpu.memref_slice %arg6[%add3A_10, %dma_wait3A_347] : memref<10112x64xf32, #tpu.memory_space<vmem_shared>> -> memref<128x64xf32, #tpu.memory_space<vmem_shared>>
      tpu.wait_dma2 semaphore(%run_scoped3A : memref<!tpu.dma_semaphore, #tpu.memory_space<semaphore_mem>>) src(%arg9 : memref<128x64xf32, #tpu.memory_space<vmem>>) dst(%dma_wait3A_348 : memref<128x64xf32, #tpu.memory_space<vmem_shared>>)
      tpu.yield
    }) : () -> ()
    %add3A_11 = arith.constant 384 : i32
    %add3A_12 = arith.addi %mul3A_5, %add3A_11 : i32
    "tpu.region"() ({
      %run_scoped3A = tpu.sem_alloc : memref<!tpu.dma_semaphore, #tpu.memory_space<semaphore_mem>>
      %dma_start3A_341 = arith.constant 0 : i32
      %dma_start3A_342 = tpu.memref_slice %arg6[%add3A_12, %dma_start3A_341] : memref<10112x64xf32, #tpu.memory_space<vmem_shared>> -> memref<128x64xf32, #tpu.memory_space<vmem_shared>>
      %dma_start3A_343 = arith.constant 0 : i32
      %dma_start3A_344 = tpu.memref_slice %arg6[%add3A_12, %dma_start3A_343] : memref<10112x64xf32, #tpu.memory_space<vmem_shared>> -> memref<128x64xf32, #tpu.memory_space<vmem_shared>>
      tpu.enqueue_dma source(%arg9 : memref<128x64xf32, #tpu.memory_space<vmem>>) target(%dma_start3A_344 : memref<128x64xf32, #tpu.memory_space<vmem_shared>>) target_semaphore(%run_scoped3A : memref<!tpu.dma_semaphore, #tpu.memory_space<semaphore_mem>>)
      %dma_wait3A_345 = arith.constant 0 : i32
      %dma_wait3A_346 = tpu.memref_slice %arg6[%add3A_12, %dma_wait3A_345] : memref<10112x64xf32, #tpu.memory_space<vmem_shared>> -> memref<128x64xf32, #tpu.memory_space<vmem_shared>>
      %dma_wait3A_347 = arith.constant 0 : i32
      %dma_wait3A_348 = tpu.memref_slice %arg6[%add3A_12, %dma_wait3A_347] : memref<10112x64xf32, #tpu.memory_space<vmem_shared>> -> memref<128x64xf32, #tpu.memory_space<vmem_shared>>
      tpu.wait_dma2 semaphore(%run_scoped3A : memref<!tpu.dma_semaphore, #tpu.memory_space<semaphore_mem>>) src(%arg9 : memref<128x64xf32, #tpu.memory_space<vmem>>) dst(%dma_wait3A_348 : memref<128x64xf32, #tpu.memory_space<vmem_shared>>)
      tpu.yield
    }) : () -> ()
    %add3A_13 = arith.constant 632 : i32
    %add3A_14 = arith.addi %mul3A_5, %add3A_13 : i32
    %sub3A = arith.constant 120 : i32
    %sub3A_15 = arith.subi %add3A_14, %sub3A : i32
    "tpu.region"() ({
      %run_scoped3A = tpu.sem_alloc : memref<!tpu.dma_semaphore, #tpu.memory_space<semaphore_mem>>
      %dma_start3A_341 = arith.constant 0 : i32
      %dma_start3A_342 = arith.constant 0 : i32
      %dma_start3A_343 = tpu.memref_slice %arg9[%dma_start3A_341, %dma_start3A_342] : memref<128x64xf32, #tpu.memory_space<vmem>> -> memref<120x64xf32, #tpu.memory_space<vmem>>
      %dma_start3A_344 = arith.constant 0 : i32
      %dma_start3A_345 = tpu.memref_slice %arg6[%sub3A_15, %dma_start3A_344] : memref<10112x64xf32, #tpu.memory_space<vmem_shared>> -> memref<120x64xf32, #tpu.memory_space<vmem_shared>>
      %dma_start3A_346 = arith.constant 0 : i32
      %dma_start3A_347 = tpu.memref_slice %arg6[%sub3A_15, %dma_start3A_346] : memref<10112x64xf32, #tpu.memory_space<vmem_shared>> -> memref<120x64xf32, #tpu.memory_space<vmem_shared>>
      %dma_start3A_348 = arith.constant 0 : i32
      %dma_start3A_349 = arith.constant 0 : i32
      %dma_start3A_350 = tpu.memref_slice %arg9[%dma_start3A_348, %dma_start3A_349] : memref<128x64xf32, #tpu.memory_space<vmem>> -> memref<120x64xf32, #tpu.memory_space<vmem>>
      tpu.enqueue_dma source(%dma_start3A_350 : memref<120x64xf32, #tpu.memory_space<vmem>>) target(%dma_start3A_347 : memref<120x64xf32, #tpu.memory_space<vmem_shared>>) target_semaphore(%run_scoped3A : memref<!tpu.dma_semaphore, #tpu.memory_space<semaphore_mem>>)
      %dma_wait3A_351 = arith.constant 0 : i32
      %dma_wait3A_352 = arith.constant 0 : i32
      %dma_wait3A_353 = tpu.memref_slice %arg9[%dma_wait3A_351, %dma_wait3A_352] : memref<128x64xf32, #tpu.memory_space<vmem>> -> memref<120x64xf32, #tpu.memory_space<vmem>>
      %dma_wait3A_354 = arith.constant 0 : i32
      %dma_wait3A_355 = tpu.memref_slice %arg6[%sub3A_15, %dma_wait3A_354] : memref<10112x64xf32, #tpu.memory_space<vmem_shared>> -> memref<120x64xf32, #tpu.memory_space<vmem_shared>>
      %dma_wait3A_356 = arith.constant 0 : i32
      %dma_wait3A_357 = tpu.memref_slice %arg6[%sub3A_15, %dma_wait3A_356] : memref<10112x64xf32, #tpu.memory_space<vmem_shared>> -> memref<120x64xf32, #tpu.memory_space<vmem_shared>>
      %dma_wait3A_358 = arith.constant 0 : i32
      %dma_wait3A_359 = arith.constant 0 : i32
      %dma_wait3A_360 = tpu.memref_slice %arg9[%dma_wait3A_358, %dma_wait3A_359] : memref<128x64xf32, #tpu.memory_space<vmem>> -> memref<120x64xf32, #tpu.memory_space<vmem>>
      tpu.wait_dma2 semaphore(%run_scoped3A : memref<!tpu.dma_semaphore, #tpu.memory_space<semaphore_mem>>) src(%dma_wait3A_360 : memref<120x64xf32, #tpu.memory_space<vmem>>) dst(%dma_wait3A_357 : memref<120x64xf32, #tpu.memory_space<vmem_shared>>)
      tpu.yield
    }) : () -> ()
    %barrier3A = arith.constant 0 : index
    tpu.barrier barrier_id(%barrier3A)
    %dma_start3A = arith.constant 0 : i32
    %dma_start3A_16 = arith.constant 0 : i32
    %dma_start3A_17 = arith.constant 0 : i32
    %dma_start3A_18 = tpu.memref_slice %arg9[%dma_start3A_16, %dma_start3A_17] : memref<128x64xf32, #tpu.memory_space<vmem>> -> memref<16x64xf32, #tpu.memory_space<vmem>>
    %dma_start3A_19 = arith.constant 0 : i32
    %dma_start3A_20 = tpu.memref_slice %arg7[%dma_start3A, %dma_start3A_19] : memref<160x128xi32, #tpu.memory_space<vmem>> -> memref<1x16xi32, #tpu.memory_space<vmem>>
    %dma_start3A_21 = tpu.memref_squeeze %dma_start3A_20 : memref<1x16xi32, #tpu.memory_space<vmem>> -> memref<16xi32, #tpu.memory_space<vmem>>
    %dma_start3A_22 = arith.constant 0 : i32
    %dma_start3A_23 = arith.constant 0 : i32
    %dma_start3A_24 = tpu.memref_slice %arg2[%dma_start3A_22, %dma_start3A_23] : memref<20000x64xf32, #tpu.memory_space<hbm>> -> memref<20000x64xf32, #tpu.memory_space<hbm>>
    tpu.enqueue_indirect_dma source(%dma_start3A_24 : memref<20000x64xf32, #tpu.memory_space<hbm>>) target(%dma_start3A_18 : memref<16x64xf32, #tpu.memory_space<vmem>>) offsets(%dma_start3A_21 : memref<16xi32, #tpu.memory_space<vmem>>) semaphore(%arg11 : memref<!tpu.dma_semaphore, #tpu.memory_space<semaphore_mem>>)
    %dma_start3A_25 = arith.constant 0 : i32
    %dma_start3A_26 = arith.constant 16 : i32
    %dma_start3A_27 = arith.constant 0 : i32
    %dma_start3A_28 = tpu.memref_slice %arg9[%dma_start3A_26, %dma_start3A_27] : memref<128x64xf32, #tpu.memory_space<vmem>> -> memref<16x64xf32, #tpu.memory_space<vmem>>
    %dma_start3A_29 = arith.constant 16 : i32
    %dma_start3A_30 = tpu.memref_slice %arg7[%dma_start3A_25, %dma_start3A_29] : memref<160x128xi32, #tpu.memory_space<vmem>> -> memref<1x16xi32, #tpu.memory_space<vmem>>
    %dma_start3A_31 = tpu.memref_squeeze %dma_start3A_30 : memref<1x16xi32, #tpu.memory_space<vmem>> -> memref<16xi32, #tpu.memory_space<vmem>>
    %dma_start3A_32 = arith.constant 0 : i32
    %dma_start3A_33 = arith.constant 0 : i32
    %dma_start3A_34 = tpu.memref_slice %arg2[%dma_start3A_32, %dma_start3A_33] : memref<20000x64xf32, #tpu.memory_space<hbm>> -> memref<20000x64xf32, #tpu.memory_space<hbm>>
    tpu.enqueue_indirect_dma source(%dma_start3A_34 : memref<20000x64xf32, #tpu.memory_space<hbm>>) target(%dma_start3A_28 : memref<16x64xf32, #tpu.memory_space<vmem>>) offsets(%dma_start3A_31 : memref<16xi32, #tpu.memory_space<vmem>>) semaphore(%arg12 : memref<!tpu.dma_semaphore, #tpu.memory_space<semaphore_mem>>)
    %dma_start3A_35 = arith.constant 0 : i32
    %dma_start3A_36 = arith.constant 32 : i32
    %dma_start3A_37 = arith.constant 0 : i32
    %dma_start3A_38 = tpu.memref_slice %arg9[%dma_start3A_36, %dma_start3A_37] : memref<128x64xf32, #tpu.memory_space<vmem>> -> memref<16x64xf32, #tpu.memory_space<vmem>>
    %dma_start3A_39 = arith.constant 32 : i32
    %dma_start3A_40 = tpu.memref_slice %arg7[%dma_start3A_35, %dma_start3A_39] : memref<160x128xi32, #tpu.memory_space<vmem>> -> memref<1x16xi32, #tpu.memory_space<vmem>>
    %dma_start3A_41 = tpu.memref_squeeze %dma_start3A_40 : memref<1x16xi32, #tpu.memory_space<vmem>> -> memref<16xi32, #tpu.memory_space<vmem>>
    %dma_start3A_42 = arith.constant 0 : i32
    %dma_start3A_43 = arith.constant 0 : i32
    %dma_start3A_44 = tpu.memref_slice %arg2[%dma_start3A_42, %dma_start3A_43] : memref<20000x64xf32, #tpu.memory_space<hbm>> -> memref<20000x64xf32, #tpu.memory_space<hbm>>
    tpu.enqueue_indirect_dma source(%dma_start3A_44 : memref<20000x64xf32, #tpu.memory_space<hbm>>) target(%dma_start3A_38 : memref<16x64xf32, #tpu.memory_space<vmem>>) offsets(%dma_start3A_41 : memref<16xi32, #tpu.memory_space<vmem>>) semaphore(%arg13 : memref<!tpu.dma_semaphore, #tpu.memory_space<semaphore_mem>>)
    %dma_start3A_45 = arith.constant 0 : i32
    %dma_start3A_46 = arith.constant 48 : i32
    %dma_start3A_47 = arith.constant 0 : i32
    %dma_start3A_48 = tpu.memref_slice %arg9[%dma_start3A_46, %dma_start3A_47] : memref<128x64xf32, #tpu.memory_space<vmem>> -> memref<16x64xf32, #tpu.memory_space<vmem>>
    %dma_start3A_49 = arith.constant 48 : i32
    %dma_start3A_50 = tpu.memref_slice %arg7[%dma_start3A_45, %dma_start3A_49] : memref<160x128xi32, #tpu.memory_space<vmem>> -> memref<1x16xi32, #tpu.memory_space<vmem>>
    %dma_start3A_51 = tpu.memref_squeeze %dma_start3A_50 : memref<1x16xi32, #tpu.memory_space<vmem>> -> memref<16xi32, #tpu.memory_space<vmem>>
    %dma_start3A_52 = arith.constant 0 : i32
    %dma_start3A_53 = arith.constant 0 : i32
    %dma_start3A_54 = tpu.memref_slice %arg2[%dma_start3A_52, %dma_start3A_53] : memref<20000x64xf32, #tpu.memory_space<hbm>> -> memref<20000x64xf32, #tpu.memory_space<hbm>>
    tpu.enqueue_indirect_dma source(%dma_start3A_54 : memref<20000x64xf32, #tpu.memory_space<hbm>>) target(%dma_start3A_48 : memref<16x64xf32, #tpu.memory_space<vmem>>) offsets(%dma_start3A_51 : memref<16xi32, #tpu.memory_space<vmem>>) semaphore(%arg14 : memref<!tpu.dma_semaphore, #tpu.memory_space<semaphore_mem>>)
    %dma_start3A_55 = arith.constant 0 : i32
    %dma_start3A_56 = arith.constant 64 : i32
    %dma_start3A_57 = arith.constant 0 : i32
    %dma_start3A_58 = tpu.memref_slice %arg9[%dma_start3A_56, %dma_start3A_57] : memref<128x64xf32, #tpu.memory_space<vmem>> -> memref<16x64xf32, #tpu.memory_space<vmem>>
    %dma_start3A_59 = arith.constant 64 : i32
    %dma_start3A_60 = tpu.memref_slice %arg7[%dma_start3A_55, %dma_start3A_59] : memref<160x128xi32, #tpu.memory_space<vmem>> -> memref<1x16xi32, #tpu.memory_space<vmem>>
    %dma_start3A_61 = tpu.memref_squeeze %dma_start3A_60 : memref<1x16xi32, #tpu.memory_space<vmem>> -> memref<16xi32, #tpu.memory_space<vmem>>
    %dma_start3A_62 = arith.constant 0 : i32
    %dma_start3A_63 = arith.constant 0 : i32
    %dma_start3A_64 = tpu.memref_slice %arg2[%dma_start3A_62, %dma_start3A_63] : memref<20000x64xf32, #tpu.memory_space<hbm>> -> memref<20000x64xf32, #tpu.memory_space<hbm>>
    tpu.enqueue_indirect_dma source(%dma_start3A_64 : memref<20000x64xf32, #tpu.memory_space<hbm>>) target(%dma_start3A_58 : memref<16x64xf32, #tpu.memory_space<vmem>>) offsets(%dma_start3A_61 : memref<16xi32, #tpu.memory_space<vmem>>) semaphore(%arg15 : memref<!tpu.dma_semaphore, #tpu.memory_space<semaphore_mem>>)
    %dma_start3A_65 = arith.constant 0 : i32
    %dma_start3A_66 = arith.constant 80 : i32
    %dma_start3A_67 = arith.constant 0 : i32
    %dma_start3A_68 = tpu.memref_slice %arg9[%dma_start3A_66, %dma_start3A_67] : memref<128x64xf32, #tpu.memory_space<vmem>> -> memref<16x64xf32, #tpu.memory_space<vmem>>
    %dma_start3A_69 = arith.constant 80 : i32
    %dma_start3A_70 = tpu.memref_slice %arg7[%dma_start3A_65, %dma_start3A_69] : memref<160x128xi32, #tpu.memory_space<vmem>> -> memref<1x16xi32, #tpu.memory_space<vmem>>
    %dma_start3A_71 = tpu.memref_squeeze %dma_start3A_70 : memref<1x16xi32, #tpu.memory_space<vmem>> -> memref<16xi32, #tpu.memory_space<vmem>>
    %dma_start3A_72 = arith.constant 0 : i32
    %dma_start3A_73 = arith.constant 0 : i32
    %dma_start3A_74 = tpu.memref_slice %arg2[%dma_start3A_72, %dma_start3A_73] : memref<20000x64xf32, #tpu.memory_space<hbm>> -> memref<20000x64xf32, #tpu.memory_space<hbm>>
    tpu.enqueue_indirect_dma source(%dma_start3A_74 : memref<20000x64xf32, #tpu.memory_space<hbm>>) target(%dma_start3A_68 : memref<16x64xf32, #tpu.memory_space<vmem>>) offsets(%dma_start3A_71 : memref<16xi32, #tpu.memory_space<vmem>>) semaphore(%arg16 : memref<!tpu.dma_semaphore, #tpu.memory_space<semaphore_mem>>)
    %dma_start3A_75 = arith.constant 0 : i32
    %dma_start3A_76 = arith.constant 96 : i32
    %dma_start3A_77 = arith.constant 0 : i32
    %dma_start3A_78 = tpu.memref_slice %arg9[%dma_start3A_76, %dma_start3A_77] : memref<128x64xf32, #tpu.memory_space<vmem>> -> memref<16x64xf32, #tpu.memory_space<vmem>>
    %dma_start3A_79 = arith.constant 96 : i32
    %dma_start3A_80 = tpu.memref_slice %arg7[%dma_start3A_75, %dma_start3A_79] : memref<160x128xi32, #tpu.memory_space<vmem>> -> memref<1x16xi32, #tpu.memory_space<vmem>>
    %dma_start3A_81 = tpu.memref_squeeze %dma_start3A_80 : memref<1x16xi32, #tpu.memory_space<vmem>> -> memref<16xi32, #tpu.memory_space<vmem>>
    %dma_start3A_82 = arith.constant 0 : i32
    %dma_start3A_83 = arith.constant 0 : i32
    %dma_start3A_84 = tpu.memref_slice %arg2[%dma_start3A_82, %dma_start3A_83] : memref<20000x64xf32, #tpu.memory_space<hbm>> -> memref<20000x64xf32, #tpu.memory_space<hbm>>
    tpu.enqueue_indirect_dma source(%dma_start3A_84 : memref<20000x64xf32, #tpu.memory_space<hbm>>) target(%dma_start3A_78 : memref<16x64xf32, #tpu.memory_space<vmem>>) offsets(%dma_start3A_81 : memref<16xi32, #tpu.memory_space<vmem>>) semaphore(%arg17 : memref<!tpu.dma_semaphore, #tpu.memory_space<semaphore_mem>>)
    %dma_start3A_85 = arith.constant 0 : i32
    %dma_start3A_86 = arith.constant 112 : i32
    %dma_start3A_87 = arith.constant 0 : i32
    %dma_start3A_88 = tpu.memref_slice %arg9[%dma_start3A_86, %dma_start3A_87] : memref<128x64xf32, #tpu.memory_space<vmem>> -> memref<16x64xf32, #tpu.memory_space<vmem>>
    %dma_start3A_89 = arith.constant 112 : i32
    %dma_start3A_90 = tpu.memref_slice %arg7[%dma_start3A_85, %dma_start3A_89] : memref<160x128xi32, #tpu.memory_space<vmem>> -> memref<1x16xi32, #tpu.memory_space<vmem>>
    %dma_start3A_91 = tpu.memref_squeeze %dma_start3A_90 : memref<1x16xi32, #tpu.memory_space<vmem>> -> memref<16xi32, #tpu.memory_space<vmem>>
    %dma_start3A_92 = arith.constant 0 : i32
    %dma_start3A_93 = arith.constant 0 : i32
    %dma_start3A_94 = tpu.memref_slice %arg2[%dma_start3A_92, %dma_start3A_93] : memref<20000x64xf32, #tpu.memory_space<hbm>> -> memref<20000x64xf32, #tpu.memory_space<hbm>>
    tpu.enqueue_indirect_dma source(%dma_start3A_94 : memref<20000x64xf32, #tpu.memory_space<hbm>>) target(%dma_start3A_88 : memref<16x64xf32, #tpu.memory_space<vmem>>) offsets(%dma_start3A_91 : memref<16xi32, #tpu.memory_space<vmem>>) semaphore(%arg18 : memref<!tpu.dma_semaphore, #tpu.memory_space<semaphore_mem>>)
    %dma_start3A_95 = arith.constant 1 : i32
    %dma_start3A_96 = arith.constant 0 : i32
    %dma_start3A_97 = arith.constant 0 : i32
    %dma_start3A_98 = tpu.memref_slice %arg10[%dma_start3A_96, %dma_start3A_97] : memref<128x64xf32, #tpu.memory_space<vmem>> -> memref<16x64xf32, #tpu.memory_space<vmem>>
    %dma_start3A_99 = arith.constant 0 : i32
    %dma_start3A_100 = tpu.memref_slice %arg7[%dma_start3A_95, %dma_start3A_99] : memref<160x128xi32, #tpu.memory_space<vmem>> -> memref<1x16xi32, #tpu.memory_space<vmem>>
    %dma_start3A_101 = tpu.memref_squeeze %dma_start3A_100 : memref<1x16xi32, #tpu.memory_space<vmem>> -> memref<16xi32, #tpu.memory_space<vmem>>
    %dma_start3A_102 = arith.constant 0 : i32
    %dma_start3A_103 = arith.constant 0 : i32
    %dma_start3A_104 = tpu.memref_slice %arg2[%dma_start3A_102, %dma_start3A_103] : memref<20000x64xf32, #tpu.memory_space<hbm>> -> memref<20000x64xf32, #tpu.memory_space<hbm>>
    tpu.enqueue_indirect_dma source(%dma_start3A_104 : memref<20000x64xf32, #tpu.memory_space<hbm>>) target(%dma_start3A_98 : memref<16x64xf32, #tpu.memory_space<vmem>>) offsets(%dma_start3A_101 : memref<16xi32, #tpu.memory_space<vmem>>) semaphore(%arg19 : memref<!tpu.dma_semaphore, #tpu.memory_space<semaphore_mem>>)
    %dma_start3A_105 = arith.constant 1 : i32
    %dma_start3A_106 = arith.constant 16 : i32
    %dma_start3A_107 = arith.constant 0 : i32
    %dma_start3A_108 = tpu.memref_slice %arg10[%dma_start3A_106, %dma_start3A_107] : memref<128x64xf32, #tpu.memory_space<vmem>> -> memref<16x64xf32, #tpu.memory_space<vmem>>
    %dma_start3A_109 = arith.constant 16 : i32
    %dma_start3A_110 = tpu.memref_slice %arg7[%dma_start3A_105, %dma_start3A_109] : memref<160x128xi32, #tpu.memory_space<vmem>> -> memref<1x16xi32, #tpu.memory_space<vmem>>
    %dma_start3A_111 = tpu.memref_squeeze %dma_start3A_110 : memref<1x16xi32, #tpu.memory_space<vmem>> -> memref<16xi32, #tpu.memory_space<vmem>>
    %dma_start3A_112 = arith.constant 0 : i32
    %dma_start3A_113 = arith.constant 0 : i32
    %dma_start3A_114 = tpu.memref_slice %arg2[%dma_start3A_112, %dma_start3A_113] : memref<20000x64xf32, #tpu.memory_space<hbm>> -> memref<20000x64xf32, #tpu.memory_space<hbm>>
    tpu.enqueue_indirect_dma source(%dma_start3A_114 : memref<20000x64xf32, #tpu.memory_space<hbm>>) target(%dma_start3A_108 : memref<16x64xf32, #tpu.memory_space<vmem>>) offsets(%dma_start3A_111 : memref<16xi32, #tpu.memory_space<vmem>>) semaphore(%arg20 : memref<!tpu.dma_semaphore, #tpu.memory_space<semaphore_mem>>)
    %dma_start3A_115 = arith.constant 1 : i32
    %dma_start3A_116 = arith.constant 32 : i32
    %dma_start3A_117 = arith.constant 0 : i32
    %dma_start3A_118 = tpu.memref_slice %arg10[%dma_start3A_116, %dma_start3A_117] : memref<128x64xf32, #tpu.memory_space<vmem>> -> memref<16x64xf32, #tpu.memory_space<vmem>>
    %dma_start3A_119 = arith.constant 32 : i32
    %dma_start3A_120 = tpu.memref_slice %arg7[%dma_start3A_115, %dma_start3A_119] : memref<160x128xi32, #tpu.memory_space<vmem>> -> memref<1x16xi32, #tpu.memory_space<vmem>>
    %dma_start3A_121 = tpu.memref_squeeze %dma_start3A_120 : memref<1x16xi32, #tpu.memory_space<vmem>> -> memref<16xi32, #tpu.memory_space<vmem>>
    %dma_start3A_122 = arith.constant 0 : i32
    %dma_start3A_123 = arith.constant 0 : i32
    %dma_start3A_124 = tpu.memref_slice %arg2[%dma_start3A_122, %dma_start3A_123] : memref<20000x64xf32, #tpu.memory_space<hbm>> -> memref<20000x64xf32, #tpu.memory_space<hbm>>
    tpu.enqueue_indirect_dma source(%dma_start3A_124 : memref<20000x64xf32, #tpu.memory_space<hbm>>) target(%dma_start3A_118 : memref<16x64xf32, #tpu.memory_space<vmem>>) offsets(%dma_start3A_121 : memref<16xi32, #tpu.memory_space<vmem>>) semaphore(%arg21 : memref<!tpu.dma_semaphore, #tpu.memory_space<semaphore_mem>>)
    %dma_start3A_125 = arith.constant 1 : i32
    %dma_start3A_126 = arith.constant 48 : i32
    %dma_start3A_127 = arith.constant 0 : i32
    %dma_start3A_128 = tpu.memref_slice %arg10[%dma_start3A_126, %dma_start3A_127] : memref<128x64xf32, #tpu.memory_space<vmem>> -> memref<16x64xf32, #tpu.memory_space<vmem>>
    %dma_start3A_129 = arith.constant 48 : i32
    %dma_start3A_130 = tpu.memref_slice %arg7[%dma_start3A_125, %dma_start3A_129] : memref<160x128xi32, #tpu.memory_space<vmem>> -> memref<1x16xi32, #tpu.memory_space<vmem>>
    %dma_start3A_131 = tpu.memref_squeeze %dma_start3A_130 : memref<1x16xi32, #tpu.memory_space<vmem>> -> memref<16xi32, #tpu.memory_space<vmem>>
    %dma_start3A_132 = arith.constant 0 : i32
    %dma_start3A_133 = arith.constant 0 : i32
    %dma_start3A_134 = tpu.memref_slice %arg2[%dma_start3A_132, %dma_start3A_133] : memref<20000x64xf32, #tpu.memory_space<hbm>> -> memref<20000x64xf32, #tpu.memory_space<hbm>>
    tpu.enqueue_indirect_dma source(%dma_start3A_134 : memref<20000x64xf32, #tpu.memory_space<hbm>>) target(%dma_start3A_128 : memref<16x64xf32, #tpu.memory_space<vmem>>) offsets(%dma_start3A_131 : memref<16xi32, #tpu.memory_space<vmem>>) semaphore(%arg22 : memref<!tpu.dma_semaphore, #tpu.memory_space<semaphore_mem>>)
    %dma_start3A_135 = arith.constant 1 : i32
    %dma_start3A_136 = arith.constant 64 : i32
    %dma_start3A_137 = arith.constant 0 : i32
    %dma_start3A_138 = tpu.memref_slice %arg10[%dma_start3A_136, %dma_start3A_137] : memref<128x64xf32, #tpu.memory_space<vmem>> -> memref<16x64xf32, #tpu.memory_space<vmem>>
    %dma_start3A_139 = arith.constant 64 : i32
    %dma_start3A_140 = tpu.memref_slice %arg7[%dma_start3A_135, %dma_start3A_139] : memref<160x128xi32, #tpu.memory_space<vmem>> -> memref<1x16xi32, #tpu.memory_space<vmem>>
    %dma_start3A_141 = tpu.memref_squeeze %dma_start3A_140 : memref<1x16xi32, #tpu.memory_space<vmem>> -> memref<16xi32, #tpu.memory_space<vmem>>
    %dma_start3A_142 = arith.constant 0 : i32
    %dma_start3A_143 = arith.constant 0 : i32
    %dma_start3A_144 = tpu.memref_slice %arg2[%dma_start3A_142, %dma_start3A_143] : memref<20000x64xf32, #tpu.memory_space<hbm>> -> memref<20000x64xf32, #tpu.memory_space<hbm>>
    tpu.enqueue_indirect_dma source(%dma_start3A_144 : memref<20000x64xf32, #tpu.memory_space<hbm>>) target(%dma_start3A_138 : memref<16x64xf32, #tpu.memory_space<vmem>>) offsets(%dma_start3A_141 : memref<16xi32, #tpu.memory_space<vmem>>) semaphore(%arg23 : memref<!tpu.dma_semaphore, #tpu.memory_space<semaphore_mem>>)
    %dma_start3A_145 = arith.constant 1 : i32
    %dma_start3A_146 = arith.constant 80 : i32
    %dma_start3A_147 = arith.constant 0 : i32
    %dma_start3A_148 = tpu.memref_slice %arg10[%dma_start3A_146, %dma_start3A_147] : memref<128x64xf32, #tpu.memory_space<vmem>> -> memref<16x64xf32, #tpu.memory_space<vmem>>
    %dma_start3A_149 = arith.constant 80 : i32
    %dma_start3A_150 = tpu.memref_slice %arg7[%dma_start3A_145, %dma_start3A_149] : memref<160x128xi32, #tpu.memory_space<vmem>> -> memref<1x16xi32, #tpu.memory_space<vmem>>
    %dma_start3A_151 = tpu.memref_squeeze %dma_start3A_150 : memref<1x16xi32, #tpu.memory_space<vmem>> -> memref<16xi32, #tpu.memory_space<vmem>>
    %dma_start3A_152 = arith.constant 0 : i32
    %dma_start3A_153 = arith.constant 0 : i32
    %dma_start3A_154 = tpu.memref_slice %arg2[%dma_start3A_152, %dma_start3A_153] : memref<20000x64xf32, #tpu.memory_space<hbm>> -> memref<20000x64xf32, #tpu.memory_space<hbm>>
    tpu.enqueue_indirect_dma source(%dma_start3A_154 : memref<20000x64xf32, #tpu.memory_space<hbm>>) target(%dma_start3A_148 : memref<16x64xf32, #tpu.memory_space<vmem>>) offsets(%dma_start3A_151 : memref<16xi32, #tpu.memory_space<vmem>>) semaphore(%arg24 : memref<!tpu.dma_semaphore, #tpu.memory_space<semaphore_mem>>)
    %dma_start3A_155 = arith.constant 1 : i32
    %dma_start3A_156 = arith.constant 96 : i32
    %dma_start3A_157 = arith.constant 0 : i32
    %dma_start3A_158 = tpu.memref_slice %arg10[%dma_start3A_156, %dma_start3A_157] : memref<128x64xf32, #tpu.memory_space<vmem>> -> memref<16x64xf32, #tpu.memory_space<vmem>>
    %dma_start3A_159 = arith.constant 96 : i32
    %dma_start3A_160 = tpu.memref_slice %arg7[%dma_start3A_155, %dma_start3A_159] : memref<160x128xi32, #tpu.memory_space<vmem>> -> memref<1x16xi32, #tpu.memory_space<vmem>>
    %dma_start3A_161 = tpu.memref_squeeze %dma_start3A_160 : memref<1x16xi32, #tpu.memory_space<vmem>> -> memref<16xi32, #tpu.memory_space<vmem>>
    %dma_start3A_162 = arith.constant 0 : i32
    %dma_start3A_163 = arith.constant 0 : i32
    %dma_start3A_164 = tpu.memref_slice %arg2[%dma_start3A_162, %dma_start3A_163] : memref<20000x64xf32, #tpu.memory_space<hbm>> -> memref<20000x64xf32, #tpu.memory_space<hbm>>
    tpu.enqueue_indirect_dma source(%dma_start3A_164 : memref<20000x64xf32, #tpu.memory_space<hbm>>) target(%dma_start3A_158 : memref<16x64xf32, #tpu.memory_space<vmem>>) offsets(%dma_start3A_161 : memref<16xi32, #tpu.memory_space<vmem>>) semaphore(%arg25 : memref<!tpu.dma_semaphore, #tpu.memory_space<semaphore_mem>>)
    %dma_start3A_165 = arith.constant 1 : i32
    %dma_start3A_166 = arith.constant 112 : i32
    %dma_start3A_167 = arith.constant 0 : i32
    %dma_start3A_168 = tpu.memref_slice %arg10[%dma_start3A_166, %dma_start3A_167] : memref<128x64xf32, #tpu.memory_space<vmem>> -> memref<16x64xf32, #tpu.memory_space<vmem>>
    %dma_start3A_169 = arith.constant 112 : i32
    %dma_start3A_170 = tpu.memref_slice %arg7[%dma_start3A_165, %dma_start3A_169] : memref<160x128xi32, #tpu.memory_space<vmem>> -> memref<1x16xi32, #tpu.memory_space<vmem>>
    %dma_start3A_171 = tpu.memref_squeeze %dma_start3A_170 : memref<1x16xi32, #tpu.memory_space<vmem>> -> memref<16xi32, #tpu.memory_space<vmem>>
    %dma_start3A_172 = arith.constant 0 : i32
    %dma_start3A_173 = arith.constant 0 : i32
    %dma_start3A_174 = tpu.memref_slice %arg2[%dma_start3A_172, %dma_start3A_173] : memref<20000x64xf32, #tpu.memory_space<hbm>> -> memref<20000x64xf32, #tpu.memory_space<hbm>>
    tpu.enqueue_indirect_dma source(%dma_start3A_174 : memref<20000x64xf32, #tpu.memory_space<hbm>>) target(%dma_start3A_168 : memref<16x64xf32, #tpu.memory_space<vmem>>) offsets(%dma_start3A_171 : memref<16xi32, #tpu.memory_space<vmem>>) semaphore(%arg26 : memref<!tpu.dma_semaphore, #tpu.memory_space<semaphore_mem>>)
    %scan3A_175 = arith.constant 0 : i32
    %scan3A_176 = arith.constant 0 : i32
    %scan3A_177 = arith.constant 79 : i32
    %scan3A_178 = arith.addi %scan3A_176, %scan3A_177 : i32
    %scan3A_179 = arith.constant 1 : i32
    scf.for %scan3A_341 = %scan3A_176 to %scan3A_178 step %scan3A_179  : i32 {
      %mul3A_342 = arith.constant 2 : i32
      %mul3A_343 = arith.muli %mul3A_342, %scan3A_341 : i32
      %dma_wait3A_344 = arith.constant 0 : i32
      %dma_wait3A_345 = arith.constant 0 : i32
      %dma_wait3A_346 = tpu.memref_slice %arg9[%dma_wait3A_344, %dma_wait3A_345] : memref<128x64xf32, #tpu.memory_space<vmem>> -> memref<16x64xf32, #tpu.memory_space<vmem>>
      %dma_wait3A_347 = arith.constant 0 : i32
      %dma_wait3A_348 = tpu.memref_slice %arg7[%mul3A_343, %dma_wait3A_347] : memref<160x128xi32, #tpu.memory_space<vmem>> -> memref<1x16xi32, #tpu.memory_space<vmem>>
      %dma_wait3A_349 = tpu.memref_squeeze %dma_wait3A_348 : memref<1x16xi32, #tpu.memory_space<vmem>> -> memref<16xi32, #tpu.memory_space<vmem>>
      %dma_wait3A_350 = arith.constant 0 : i32
      %dma_wait3A_351 = arith.constant 0 : i32
      %dma_wait3A_352 = tpu.memref_slice %arg2[%dma_wait3A_350, %dma_wait3A_351] : memref<20000x64xf32, #tpu.memory_space<hbm>> -> memref<20000x64xf32, #tpu.memory_space<hbm>>
      tpu.wait_indirect_dma semaphore(%arg11 : memref<!tpu.dma_semaphore, #tpu.memory_space<semaphore_mem>>) src(%dma_wait3A_352 : memref<20000x64xf32, #tpu.memory_space<hbm>>) dst(%dma_wait3A_346 : memref<16x64xf32, #tpu.memory_space<vmem>>)
      %dma_wait3A_353 = arith.constant 16 : i32
      %dma_wait3A_354 = arith.constant 0 : i32
      %dma_wait3A_355 = tpu.memref_slice %arg9[%dma_wait3A_353, %dma_wait3A_354] : memref<128x64xf32, #tpu.memory_space<vmem>> -> memref<16x64xf32, #tpu.memory_space<vmem>>
      %dma_wait3A_356 = arith.constant 16 : i32
      %dma_wait3A_357 = tpu.memref_slice %arg7[%mul3A_343, %dma_wait3A_356] : memref<160x128xi32, #tpu.memory_space<vmem>> -> memref<1x16xi32, #tpu.memory_space<vmem>>
      %dma_wait3A_358 = tpu.memref_squeeze %dma_wait3A_357 : memref<1x16xi32, #tpu.memory_space<vmem>> -> memref<16xi32, #tpu.memory_space<vmem>>
      %dma_wait3A_359 = arith.constant 0 : i32
      %dma_wait3A_360 = arith.constant 0 : i32
      %dma_wait3A_361 = tpu.memref_slice %arg2[%dma_wait3A_359, %dma_wait3A_360] : memref<20000x64xf32, #tpu.memory_space<hbm>> -> memref<20000x64xf32, #tpu.memory_space<hbm>>
      tpu.wait_indirect_dma semaphore(%arg12 : memref<!tpu.dma_semaphore, #tpu.memory_space<semaphore_mem>>) src(%dma_wait3A_361 : memref<20000x64xf32, #tpu.memory_space<hbm>>) dst(%dma_wait3A_355 : memref<16x64xf32, #tpu.memory_space<vmem>>)
      %dma_wait3A_362 = arith.constant 32 : i32
      %dma_wait3A_363 = arith.constant 0 : i32
      %dma_wait3A_364 = tpu.memref_slice %arg9[%dma_wait3A_362, %dma_wait3A_363] : memref<128x64xf32, #tpu.memory_space<vmem>> -> memref<16x64xf32, #tpu.memory_space<vmem>>
      %dma_wait3A_365 = arith.constant 32 : i32
      %dma_wait3A_366 = tpu.memref_slice %arg7[%mul3A_343, %dma_wait3A_365] : memref<160x128xi32, #tpu.memory_space<vmem>> -> memref<1x16xi32, #tpu.memory_space<vmem>>
      %dma_wait3A_367 = tpu.memref_squeeze %dma_wait3A_366 : memref<1x16xi32, #tpu.memory_space<vmem>> -> memref<16xi32, #tpu.memory_space<vmem>>
      %dma_wait3A_368 = arith.constant 0 : i32
      %dma_wait3A_369 = arith.constant 0 : i32
      %dma_wait3A_370 = tpu.memref_slice %arg2[%dma_wait3A_368, %dma_wait3A_369] : memref<20000x64xf32, #tpu.memory_space<hbm>> -> memref<20000x64xf32, #tpu.memory_space<hbm>>
      tpu.wait_indirect_dma semaphore(%arg13 : memref<!tpu.dma_semaphore, #tpu.memory_space<semaphore_mem>>) src(%dma_wait3A_370 : memref<20000x64xf32, #tpu.memory_space<hbm>>) dst(%dma_wait3A_364 : memref<16x64xf32, #tpu.memory_space<vmem>>)
      %dma_wait3A_371 = arith.constant 48 : i32
      %dma_wait3A_372 = arith.constant 0 : i32
      %dma_wait3A_373 = tpu.memref_slice %arg9[%dma_wait3A_371, %dma_wait3A_372] : memref<128x64xf32, #tpu.memory_space<vmem>> -> memref<16x64xf32, #tpu.memory_space<vmem>>
      %dma_wait3A_374 = arith.constant 48 : i32
      %dma_wait3A_375 = tpu.memref_slice %arg7[%mul3A_343, %dma_wait3A_374] : memref<160x128xi32, #tpu.memory_space<vmem>> -> memref<1x16xi32, #tpu.memory_space<vmem>>
      %dma_wait3A_376 = tpu.memref_squeeze %dma_wait3A_375 : memref<1x16xi32, #tpu.memory_space<vmem>> -> memref<16xi32, #tpu.memory_space<vmem>>
      %dma_wait3A_377 = arith.constant 0 : i32
      %dma_wait3A_378 = arith.constant 0 : i32
      %dma_wait3A_379 = tpu.memref_slice %arg2[%dma_wait3A_377, %dma_wait3A_378] : memref<20000x64xf32, #tpu.memory_space<hbm>> -> memref<20000x64xf32, #tpu.memory_space<hbm>>
      tpu.wait_indirect_dma semaphore(%arg14 : memref<!tpu.dma_semaphore, #tpu.memory_space<semaphore_mem>>) src(%dma_wait3A_379 : memref<20000x64xf32, #tpu.memory_space<hbm>>) dst(%dma_wait3A_373 : memref<16x64xf32, #tpu.memory_space<vmem>>)
      %dma_wait3A_380 = arith.constant 64 : i32
      %dma_wait3A_381 = arith.constant 0 : i32
      %dma_wait3A_382 = tpu.memref_slice %arg9[%dma_wait3A_380, %dma_wait3A_381] : memref<128x64xf32, #tpu.memory_space<vmem>> -> memref<16x64xf32, #tpu.memory_space<vmem>>
      %dma_wait3A_383 = arith.constant 64 : i32
      %dma_wait3A_384 = tpu.memref_slice %arg7[%mul3A_343, %dma_wait3A_383] : memref<160x128xi32, #tpu.memory_space<vmem>> -> memref<1x16xi32, #tpu.memory_space<vmem>>
      %dma_wait3A_385 = tpu.memref_squeeze %dma_wait3A_384 : memref<1x16xi32, #tpu.memory_space<vmem>> -> memref<16xi32, #tpu.memory_space<vmem>>
      %dma_wait3A_386 = arith.constant 0 : i32
      %dma_wait3A_387 = arith.constant 0 : i32
      %dma_wait3A_388 = tpu.memref_slice %arg2[%dma_wait3A_386, %dma_wait3A_387] : memref<20000x64xf32, #tpu.memory_space<hbm>> -> memref<20000x64xf32, #tpu.memory_space<hbm>>
      tpu.wait_indirect_dma semaphore(%arg15 : memref<!tpu.dma_semaphore, #tpu.memory_space<semaphore_mem>>) src(%dma_wait3A_388 : memref<20000x64xf32, #tpu.memory_space<hbm>>) dst(%dma_wait3A_382 : memref<16x64xf32, #tpu.memory_space<vmem>>)
      %dma_wait3A_389 = arith.constant 80 : i32
      %dma_wait3A_390 = arith.constant 0 : i32
      %dma_wait3A_391 = tpu.memref_slice %arg9[%dma_wait3A_389, %dma_wait3A_390] : memref<128x64xf32, #tpu.memory_space<vmem>> -> memref<16x64xf32, #tpu.memory_space<vmem>>
      %dma_wait3A_392 = arith.constant 80 : i32
      %dma_wait3A_393 = tpu.memref_slice %arg7[%mul3A_343, %dma_wait3A_392] : memref<160x128xi32, #tpu.memory_space<vmem>> -> memref<1x16xi32, #tpu.memory_space<vmem>>
      %dma_wait3A_394 = tpu.memref_squeeze %dma_wait3A_393 : memref<1x16xi32, #tpu.memory_space<vmem>> -> memref<16xi32, #tpu.memory_space<vmem>>
      %dma_wait3A_395 = arith.constant 0 : i32
      %dma_wait3A_396 = arith.constant 0 : i32
      %dma_wait3A_397 = tpu.memref_slice %arg2[%dma_wait3A_395, %dma_wait3A_396] : memref<20000x64xf32, #tpu.memory_space<hbm>> -> memref<20000x64xf32, #tpu.memory_space<hbm>>
      tpu.wait_indirect_dma semaphore(%arg16 : memref<!tpu.dma_semaphore, #tpu.memory_space<semaphore_mem>>) src(%dma_wait3A_397 : memref<20000x64xf32, #tpu.memory_space<hbm>>) dst(%dma_wait3A_391 : memref<16x64xf32, #tpu.memory_space<vmem>>)
      %dma_wait3A_398 = arith.constant 96 : i32
      %dma_wait3A_399 = arith.constant 0 : i32
      %dma_wait3A_400 = tpu.memref_slice %arg9[%dma_wait3A_398, %dma_wait3A_399] : memref<128x64xf32, #tpu.memory_space<vmem>> -> memref<16x64xf32, #tpu.memory_space<vmem>>
      %dma_wait3A_401 = arith.constant 96 : i32
      %dma_wait3A_402 = tpu.memref_slice %arg7[%mul3A_343, %dma_wait3A_401] : memref<160x128xi32, #tpu.memory_space<vmem>> -> memref<1x16xi32, #tpu.memory_space<vmem>>
      %dma_wait3A_403 = tpu.memref_squeeze %dma_wait3A_402 : memref<1x16xi32, #tpu.memory_space<vmem>> -> memref<16xi32, #tpu.memory_space<vmem>>
      %dma_wait3A_404 = arith.constant 0 : i32
      %dma_wait3A_405 = arith.constant 0 : i32
      %dma_wait3A_406 = tpu.memref_slice %arg2[%dma_wait3A_404, %dma_wait3A_405] : memref<20000x64xf32, #tpu.memory_space<hbm>> -> memref<20000x64xf32, #tpu.memory_space<hbm>>
      tpu.wait_indirect_dma semaphore(%arg17 : memref<!tpu.dma_semaphore, #tpu.memory_space<semaphore_mem>>) src(%dma_wait3A_406 : memref<20000x64xf32, #tpu.memory_space<hbm>>) dst(%dma_wait3A_400 : memref<16x64xf32, #tpu.memory_space<vmem>>)
      %dma_wait3A_407 = arith.constant 112 : i32
      %dma_wait3A_408 = arith.constant 0 : i32
      %dma_wait3A_409 = tpu.memref_slice %arg9[%dma_wait3A_407, %dma_wait3A_408] : memref<128x64xf32, #tpu.memory_space<vmem>> -> memref<16x64xf32, #tpu.memory_space<vmem>>
      %dma_wait3A_410 = arith.constant 112 : i32
      %dma_wait3A_411 = tpu.memref_slice %arg7[%mul3A_343, %dma_wait3A_410] : memref<160x128xi32, #tpu.memory_space<vmem>> -> memref<1x16xi32, #tpu.memory_space<vmem>>
      %dma_wait3A_412 = tpu.memref_squeeze %dma_wait3A_411 : memref<1x16xi32, #tpu.memory_space<vmem>> -> memref<16xi32, #tpu.memory_space<vmem>>
      %dma_wait3A_413 = arith.constant 0 : i32
      %dma_wait3A_414 = arith.constant 0 : i32
      %dma_wait3A_415 = tpu.memref_slice %arg2[%dma_wait3A_413, %dma_wait3A_414] : memref<20000x64xf32, #tpu.memory_space<hbm>> -> memref<20000x64xf32, #tpu.memory_space<hbm>>
      tpu.wait_indirect_dma semaphore(%arg18 : memref<!tpu.dma_semaphore, #tpu.memory_space<semaphore_mem>>) src(%dma_wait3A_415 : memref<20000x64xf32, #tpu.memory_space<hbm>>) dst(%dma_wait3A_409 : memref<16x64xf32, #tpu.memory_space<vmem>>)
      "tpu.region"() ({
        %run_scoped3A = tpu.sem_alloc : memref<!tpu.dma_semaphore, #tpu.memory_space<semaphore_mem>>
        %dma_start3A_638 = arith.constant 0 : i32
        %dma_start3A_639 = tpu.memref_slice %arg8[%mul3A_343, %dma_start3A_638] : memref<158x128xi32, #tpu.memory_space<vmem>> -> memref<1x128xi32, #tpu.memory_space<vmem>>
        %dma_start3A_640 = tpu.memref_squeeze %dma_start3A_639 : memref<1x128xi32, #tpu.memory_space<vmem>> -> memref<128xi32, #tpu.memory_space<vmem>>
        %dma_start3A_641 = arith.constant 0 : i32
        %dma_start3A_642 = arith.constant 0 : i32
        %dma_start3A_643 = tpu.memref_slice %arg6[%dma_start3A_641, %dma_start3A_642] : memref<10112x64xf32, #tpu.memory_space<vmem_shared>> -> memref<10112x64xf32, #tpu.memory_space<vmem_shared>>
        tpu.enqueue_indirect_dma source(%arg9 : memref<128x64xf32, #tpu.memory_space<vmem>>) target(%dma_start3A_643 : memref<10112x64xf32, #tpu.memory_space<vmem_shared>>) offsets(%dma_start3A_640 : memref<128xi32, #tpu.memory_space<vmem>>) semaphore(%run_scoped3A : memref<!tpu.dma_semaphore, #tpu.memory_space<semaphore_mem>>) {add = true}
        %dma_wait3A_644 = arith.constant 0 : i32
        %dma_wait3A_645 = tpu.memref_slice %arg8[%mul3A_343, %dma_wait3A_644] : memref<158x128xi32, #tpu.memory_space<vmem>> -> memref<1x128xi32, #tpu.memory_space<vmem>>
        %dma_wait3A_646 = tpu.memref_squeeze %dma_wait3A_645 : memref<1x128xi32, #tpu.memory_space<vmem>> -> memref<128xi32, #tpu.memory_space<vmem>>
        %dma_wait3A_647 = arith.constant 0 : i32
        %dma_wait3A_648 = arith.constant 0 : i32
        %dma_wait3A_649 = tpu.memref_slice %arg6[%dma_wait3A_647, %dma_wait3A_648] : memref<10112x64xf32, #tpu.memory_space<vmem_shared>> -> memref<10112x64xf32, #tpu.memory_space<vmem_shared>>
        tpu.wait_indirect_dma semaphore(%run_scoped3A : memref<!tpu.dma_semaphore, #tpu.memory_space<semaphore_mem>>) src(%arg9 : memref<128x64xf32, #tpu.memory_space<vmem>>) dst(%dma_wait3A_649 : memref<10112x64xf32, #tpu.memory_space<vmem_shared>>)
        tpu.yield
      }) : () -> ()
      %add3A_416 = arith.constant 2 : i32
      %add3A_417 = arith.addi %mul3A_343, %add3A_416 : i32
      %dma_start3A_418 = arith.constant 0 : i32
      %dma_start3A_419 = arith.constant 0 : i32
      %dma_start3A_420 = tpu.memref_slice %arg9[%dma_start3A_418, %dma_start3A_419] : memref<128x64xf32, #tpu.memory_space<vmem>> -> memref<16x64xf32, #tpu.memory_space<vmem>>
      %dma_start3A_421 = arith.constant 0 : i32
      %dma_start3A_422 = tpu.memref_slice %arg7[%add3A_417, %dma_start3A_421] : memref<160x128xi32, #tpu.memory_space<vmem>> -> memref<1x16xi32, #tpu.memory_space<vmem>>
      %dma_start3A_423 = tpu.memref_squeeze %dma_start3A_422 : memref<1x16xi32, #tpu.memory_space<vmem>> -> memref<16xi32, #tpu.memory_space<vmem>>
      %dma_start3A_424 = arith.constant 0 : i32
      %dma_start3A_425 = arith.constant 0 : i32
      %dma_start3A_426 = tpu.memref_slice %arg2[%dma_start3A_424, %dma_start3A_425] : memref<20000x64xf32, #tpu.memory_space<hbm>> -> memref<20000x64xf32, #tpu.memory_space<hbm>>
      tpu.enqueue_indirect_dma source(%dma_start3A_426 : memref<20000x64xf32, #tpu.memory_space<hbm>>) target(%dma_start3A_420 : memref<16x64xf32, #tpu.memory_space<vmem>>) offsets(%dma_start3A_423 : memref<16xi32, #tpu.memory_space<vmem>>) semaphore(%arg11 : memref<!tpu.dma_semaphore, #tpu.memory_space<semaphore_mem>>)
      %dma_start3A_427 = arith.constant 16 : i32
      %dma_start3A_428 = arith.constant 0 : i32
      %dma_start3A_429 = tpu.memref_slice %arg9[%dma_start3A_427, %dma_start3A_428] : memref<128x64xf32, #tpu.memory_space<vmem>> -> memref<16x64xf32, #tpu.memory_space<vmem>>
      %dma_start3A_430 = arith.constant 16 : i32
      %dma_start3A_431 = tpu.memref_slice %arg7[%add3A_417, %dma_start3A_430] : memref<160x128xi32, #tpu.memory_space<vmem>> -> memref<1x16xi32, #tpu.memory_space<vmem>>
      %dma_start3A_432 = tpu.memref_squeeze %dma_start3A_431 : memref<1x16xi32, #tpu.memory_space<vmem>> -> memref<16xi32, #tpu.memory_space<vmem>>
      %dma_start3A_433 = arith.constant 0 : i32
      %dma_start3A_434 = arith.constant 0 : i32
      %dma_start3A_435 = tpu.memref_slice %arg2[%dma_start3A_433, %dma_start3A_434] : memref<20000x64xf32, #tpu.memory_space<hbm>> -> memref<20000x64xf32, #tpu.memory_space<hbm>>
      tpu.enqueue_indirect_dma source(%dma_start3A_435 : memref<20000x64xf32, #tpu.memory_space<hbm>>) target(%dma_start3A_429 : memref<16x64xf32, #tpu.memory_space<vmem>>) offsets(%dma_start3A_432 : memref<16xi32, #tpu.memory_space<vmem>>) semaphore(%arg12 : memref<!tpu.dma_semaphore, #tpu.memory_space<semaphore_mem>>)
      %dma_start3A_436 = arith.constant 32 : i32
      %dma_start3A_437 = arith.constant 0 : i32
      %dma_start3A_438 = tpu.memref_slice %arg9[%dma_start3A_436, %dma_start3A_437] : memref<128x64xf32, #tpu.memory_space<vmem>> -> memref<16x64xf32, #tpu.memory_space<vmem>>
      %dma_start3A_439 = arith.constant 32 : i32
      %dma_start3A_440 = tpu.memref_slice %arg7[%add3A_417, %dma_start3A_439] : memref<160x128xi32, #tpu.memory_space<vmem>> -> memref<1x16xi32, #tpu.memory_space<vmem>>
      %dma_start3A_441 = tpu.memref_squeeze %dma_start3A_440 : memref<1x16xi32, #tpu.memory_space<vmem>> -> memref<16xi32, #tpu.memory_space<vmem>>
      %dma_start3A_442 = arith.constant 0 : i32
      %dma_start3A_443 = arith.constant 0 : i32
      %dma_start3A_444 = tpu.memref_slice %arg2[%dma_start3A_442, %dma_start3A_443] : memref<20000x64xf32, #tpu.memory_space<hbm>> -> memref<20000x64xf32, #tpu.memory_space<hbm>>
      tpu.enqueue_indirect_dma source(%dma_start3A_444 : memref<20000x64xf32, #tpu.memory_space<hbm>>) target(%dma_start3A_438 : memref<16x64xf32, #tpu.memory_space<vmem>>) offsets(%dma_start3A_441 : memref<16xi32, #tpu.memory_space<vmem>>) semaphore(%arg13 : memref<!tpu.dma_semaphore, #tpu.memory_space<semaphore_mem>>)
      %dma_start3A_445 = arith.constant 48 : i32
      %dma_start3A_446 = arith.constant 0 : i32
      %dma_start3A_447 = tpu.memref_slice %arg9[%dma_start3A_445, %dma_start3A_446] : memref<128x64xf32, #tpu.memory_space<vmem>> -> memref<16x64xf32, #tpu.memory_space<vmem>>
      %dma_start3A_448 = arith.constant 48 : i32
      %dma_start3A_449 = tpu.memref_slice %arg7[%add3A_417, %dma_start3A_448] : memref<160x128xi32, #tpu.memory_space<vmem>> -> memref<1x16xi32, #tpu.memory_space<vmem>>
      %dma_start3A_450 = tpu.memref_squeeze %dma_start3A_449 : memref<1x16xi32, #tpu.memory_space<vmem>> -> memref<16xi32, #tpu.memory_space<vmem>>
      %dma_start3A_451 = arith.constant 0 : i32
      %dma_start3A_452 = arith.constant 0 : i32
      %dma_start3A_453 = tpu.memref_slice %arg2[%dma_start3A_451, %dma_start3A_452] : memref<20000x64xf32, #tpu.memory_space<hbm>> -> memref<20000x64xf32, #tpu.memory_space<hbm>>
      tpu.enqueue_indirect_dma source(%dma_start3A_453 : memref<20000x64xf32, #tpu.memory_space<hbm>>) target(%dma_start3A_447 : memref<16x64xf32, #tpu.memory_space<vmem>>) offsets(%dma_start3A_450 : memref<16xi32, #tpu.memory_space<vmem>>) semaphore(%arg14 : memref<!tpu.dma_semaphore, #tpu.memory_space<semaphore_mem>>)
      %dma_start3A_454 = arith.constant 64 : i32
      %dma_start3A_455 = arith.constant 0 : i32
      %dma_start3A_456 = tpu.memref_slice %arg9[%dma_start3A_454, %dma_start3A_455] : memref<128x64xf32, #tpu.memory_space<vmem>> -> memref<16x64xf32, #tpu.memory_space<vmem>>
      %dma_start3A_457 = arith.constant 64 : i32
      %dma_start3A_458 = tpu.memref_slice %arg7[%add3A_417, %dma_start3A_457] : memref<160x128xi32, #tpu.memory_space<vmem>> -> memref<1x16xi32, #tpu.memory_space<vmem>>
      %dma_start3A_459 = tpu.memref_squeeze %dma_start3A_458 : memref<1x16xi32, #tpu.memory_space<vmem>> -> memref<16xi32, #tpu.memory_space<vmem>>
      %dma_start3A_460 = arith.constant 0 : i32
      %dma_start3A_461 = arith.constant 0 : i32
      %dma_start3A_462 = tpu.memref_slice %arg2[%dma_start3A_460, %dma_start3A_461] : memref<20000x64xf32, #tpu.memory_space<hbm>> -> memref<20000x64xf32, #tpu.memory_space<hbm>>
      tpu.enqueue_indirect_dma source(%dma_start3A_462 : memref<20000x64xf32, #tpu.memory_space<hbm>>) target(%dma_start3A_456 : memref<16x64xf32, #tpu.memory_space<vmem>>) offsets(%dma_start3A_459 : memref<16xi32, #tpu.memory_space<vmem>>) semaphore(%arg15 : memref<!tpu.dma_semaphore, #tpu.memory_space<semaphore_mem>>)
      %dma_start3A_463 = arith.constant 80 : i32
      %dma_start3A_464 = arith.constant 0 : i32
      %dma_start3A_465 = tpu.memref_slice %arg9[%dma_start3A_463, %dma_start3A_464] : memref<128x64xf32, #tpu.memory_space<vmem>> -> memref<16x64xf32, #tpu.memory_space<vmem>>
      %dma_start3A_466 = arith.constant 80 : i32
      %dma_start3A_467 = tpu.memref_slice %arg7[%add3A_417, %dma_start3A_466] : memref<160x128xi32, #tpu.memory_space<vmem>> -> memref<1x16xi32, #tpu.memory_space<vmem>>
      %dma_start3A_468 = tpu.memref_squeeze %dma_start3A_467 : memref<1x16xi32, #tpu.memory_space<vmem>> -> memref<16xi32, #tpu.memory_space<vmem>>
      %dma_start3A_469 = arith.constant 0 : i32
      %dma_start3A_470 = arith.constant 0 : i32
      %dma_start3A_471 = tpu.memref_slice %arg2[%dma_start3A_469, %dma_start3A_470] : memref<20000x64xf32, #tpu.memory_space<hbm>> -> memref<20000x64xf32, #tpu.memory_space<hbm>>
      tpu.enqueue_indirect_dma source(%dma_start3A_471 : memref<20000x64xf32, #tpu.memory_space<hbm>>) target(%dma_start3A_465 : memref<16x64xf32, #tpu.memory_space<vmem>>) offsets(%dma_start3A_468 : memref<16xi32, #tpu.memory_space<vmem>>) semaphore(%arg16 : memref<!tpu.dma_semaphore, #tpu.memory_space<semaphore_mem>>)
      %dma_start3A_472 = arith.constant 96 : i32
      %dma_start3A_473 = arith.constant 0 : i32
      %dma_start3A_474 = tpu.memref_slice %arg9[%dma_start3A_472, %dma_start3A_473] : memref<128x64xf32, #tpu.memory_space<vmem>> -> memref<16x64xf32, #tpu.memory_space<vmem>>
      %dma_start3A_475 = arith.constant 96 : i32
      %dma_start3A_476 = tpu.memref_slice %arg7[%add3A_417, %dma_start3A_475] : memref<160x128xi32, #tpu.memory_space<vmem>> -> memref<1x16xi32, #tpu.memory_space<vmem>>
      %dma_start3A_477 = tpu.memref_squeeze %dma_start3A_476 : memref<1x16xi32, #tpu.memory_space<vmem>> -> memref<16xi32, #tpu.memory_space<vmem>>
      %dma_start3A_478 = arith.constant 0 : i32
      %dma_start3A_479 = arith.constant 0 : i32
      %dma_start3A_480 = tpu.memref_slice %arg2[%dma_start3A_478, %dma_start3A_479] : memref<20000x64xf32, #tpu.memory_space<hbm>> -> memref<20000x64xf32, #tpu.memory_space<hbm>>
      tpu.enqueue_indirect_dma source(%dma_start3A_480 : memref<20000x64xf32, #tpu.memory_space<hbm>>) target(%dma_start3A_474 : memref<16x64xf32, #tpu.memory_space<vmem>>) offsets(%dma_start3A_477 : memref<16xi32, #tpu.memory_space<vmem>>) semaphore(%arg17 : memref<!tpu.dma_semaphore, #tpu.memory_space<semaphore_mem>>)
      %dma_start3A_481 = arith.constant 112 : i32
      %dma_start3A_482 = arith.constant 0 : i32
      %dma_start3A_483 = tpu.memref_slice %arg9[%dma_start3A_481, %dma_start3A_482] : memref<128x64xf32, #tpu.memory_space<vmem>> -> memref<16x64xf32, #tpu.memory_space<vmem>>
      %dma_start3A_484 = arith.constant 112 : i32
      %dma_start3A_485 = tpu.memref_slice %arg7[%add3A_417, %dma_start3A_484] : memref<160x128xi32, #tpu.memory_space<vmem>> -> memref<1x16xi32, #tpu.memory_space<vmem>>
      %dma_start3A_486 = tpu.memref_squeeze %dma_start3A_485 : memref<1x16xi32, #tpu.memory_space<vmem>> -> memref<16xi32, #tpu.memory_space<vmem>>
      %dma_start3A_487 = arith.constant 0 : i32
      %dma_start3A_488 = arith.constant 0 : i32
      %dma_start3A_489 = tpu.memref_slice %arg2[%dma_start3A_487, %dma_start3A_488] : memref<20000x64xf32, #tpu.memory_space<hbm>> -> memref<20000x64xf32, #tpu.memory_space<hbm>>
      tpu.enqueue_indirect_dma source(%dma_start3A_489 : memref<20000x64xf32, #tpu.memory_space<hbm>>) target(%dma_start3A_483 : memref<16x64xf32, #tpu.memory_space<vmem>>) offsets(%dma_start3A_486 : memref<16xi32, #tpu.memory_space<vmem>>) semaphore(%arg18 : memref<!tpu.dma_semaphore, #tpu.memory_space<semaphore_mem>>)
      %add3A_490 = arith.constant 1 : i32
      %add3A_491 = arith.addi %mul3A_343, %add3A_490 : i32
      %dma_wait3A_492 = arith.constant 0 : i32
      %dma_wait3A_493 = arith.constant 0 : i32
      %dma_wait3A_494 = tpu.memref_slice %arg10[%dma_wait3A_492, %dma_wait3A_493] : memref<128x64xf32, #tpu.memory_space<vmem>> -> memref<16x64xf32, #tpu.memory_space<vmem>>
      %dma_wait3A_495 = arith.constant 0 : i32
      %dma_wait3A_496 = tpu.memref_slice %arg7[%add3A_491, %dma_wait3A_495] : memref<160x128xi32, #tpu.memory_space<vmem>> -> memref<1x16xi32, #tpu.memory_space<vmem>>
      %dma_wait3A_497 = tpu.memref_squeeze %dma_wait3A_496 : memref<1x16xi32, #tpu.memory_space<vmem>> -> memref<16xi32, #tpu.memory_space<vmem>>
      %dma_wait3A_498 = arith.constant 0 : i32
      %dma_wait3A_499 = arith.constant 0 : i32
      %dma_wait3A_500 = tpu.memref_slice %arg2[%dma_wait3A_498, %dma_wait3A_499] : memref<20000x64xf32, #tpu.memory_space<hbm>> -> memref<20000x64xf32, #tpu.memory_space<hbm>>
      tpu.wait_indirect_dma semaphore(%arg19 : memref<!tpu.dma_semaphore, #tpu.memory_space<semaphore_mem>>) src(%dma_wait3A_500 : memref<20000x64xf32, #tpu.memory_space<hbm>>) dst(%dma_wait3A_494 : memref<16x64xf32, #tpu.memory_space<vmem>>)
      %dma_wait3A_501 = arith.constant 16 : i32
      %dma_wait3A_502 = arith.constant 0 : i32
      %dma_wait3A_503 = tpu.memref_slice %arg10[%dma_wait3A_501, %dma_wait3A_502] : memref<128x64xf32, #tpu.memory_space<vmem>> -> memref<16x64xf32, #tpu.memory_space<vmem>>
      %dma_wait3A_504 = arith.constant 16 : i32
      %dma_wait3A_505 = tpu.memref_slice %arg7[%add3A_491, %dma_wait3A_504] : memref<160x128xi32, #tpu.memory_space<vmem>> -> memref<1x16xi32, #tpu.memory_space<vmem>>
      %dma_wait3A_506 = tpu.memref_squeeze %dma_wait3A_505 : memref<1x16xi32, #tpu.memory_space<vmem>> -> memref<16xi32, #tpu.memory_space<vmem>>
      %dma_wait3A_507 = arith.constant 0 : i32
      %dma_wait3A_508 = arith.constant 0 : i32
      %dma_wait3A_509 = tpu.memref_slice %arg2[%dma_wait3A_507, %dma_wait3A_508] : memref<20000x64xf32, #tpu.memory_space<hbm>> -> memref<20000x64xf32, #tpu.memory_space<hbm>>
      tpu.wait_indirect_dma semaphore(%arg20 : memref<!tpu.dma_semaphore, #tpu.memory_space<semaphore_mem>>) src(%dma_wait3A_509 : memref<20000x64xf32, #tpu.memory_space<hbm>>) dst(%dma_wait3A_503 : memref<16x64xf32, #tpu.memory_space<vmem>>)
      %dma_wait3A_510 = arith.constant 32 : i32
      %dma_wait3A_511 = arith.constant 0 : i32
      %dma_wait3A_512 = tpu.memref_slice %arg10[%dma_wait3A_510, %dma_wait3A_511] : memref<128x64xf32, #tpu.memory_space<vmem>> -> memref<16x64xf32, #tpu.memory_space<vmem>>
      %dma_wait3A_513 = arith.constant 32 : i32
      %dma_wait3A_514 = tpu.memref_slice %arg7[%add3A_491, %dma_wait3A_513] : memref<160x128xi32, #tpu.memory_space<vmem>> -> memref<1x16xi32, #tpu.memory_space<vmem>>
      %dma_wait3A_515 = tpu.memref_squeeze %dma_wait3A_514 : memref<1x16xi32, #tpu.memory_space<vmem>> -> memref<16xi32, #tpu.memory_space<vmem>>
      %dma_wait3A_516 = arith.constant 0 : i32
      %dma_wait3A_517 = arith.constant 0 : i32
      %dma_wait3A_518 = tpu.memref_slice %arg2[%dma_wait3A_516, %dma_wait3A_517] : memref<20000x64xf32, #tpu.memory_space<hbm>> -> memref<20000x64xf32, #tpu.memory_space<hbm>>
      tpu.wait_indirect_dma semaphore(%arg21 : memref<!tpu.dma_semaphore, #tpu.memory_space<semaphore_mem>>) src(%dma_wait3A_518 : memref<20000x64xf32, #tpu.memory_space<hbm>>) dst(%dma_wait3A_512 : memref<16x64xf32, #tpu.memory_space<vmem>>)
      %dma_wait3A_519 = arith.constant 48 : i32
      %dma_wait3A_520 = arith.constant 0 : i32
      %dma_wait3A_521 = tpu.memref_slice %arg10[%dma_wait3A_519, %dma_wait3A_520] : memref<128x64xf32, #tpu.memory_space<vmem>> -> memref<16x64xf32, #tpu.memory_space<vmem>>
      %dma_wait3A_522 = arith.constant 48 : i32
      %dma_wait3A_523 = tpu.memref_slice %arg7[%add3A_491, %dma_wait3A_522] : memref<160x128xi32, #tpu.memory_space<vmem>> -> memref<1x16xi32, #tpu.memory_space<vmem>>
      %dma_wait3A_524 = tpu.memref_squeeze %dma_wait3A_523 : memref<1x16xi32, #tpu.memory_space<vmem>> -> memref<16xi32, #tpu.memory_space<vmem>>
      %dma_wait3A_525 = arith.constant 0 : i32
      %dma_wait3A_526 = arith.constant 0 : i32
      %dma_wait3A_527 = tpu.memref_slice %arg2[%dma_wait3A_525, %dma_wait3A_526] : memref<20000x64xf32, #tpu.memory_space<hbm>> -> memref<20000x64xf32, #tpu.memory_space<hbm>>
      tpu.wait_indirect_dma semaphore(%arg22 : memref<!tpu.dma_semaphore, #tpu.memory_space<semaphore_mem>>) src(%dma_wait3A_527 : memref<20000x64xf32, #tpu.memory_space<hbm>>) dst(%dma_wait3A_521 : memref<16x64xf32, #tpu.memory_space<vmem>>)
      %dma_wait3A_528 = arith.constant 64 : i32
      %dma_wait3A_529 = arith.constant 0 : i32
      %dma_wait3A_530 = tpu.memref_slice %arg10[%dma_wait3A_528, %dma_wait3A_529] : memref<128x64xf32, #tpu.memory_space<vmem>> -> memref<16x64xf32, #tpu.memory_space<vmem>>
      %dma_wait3A_531 = arith.constant 64 : i32
      %dma_wait3A_532 = tpu.memref_slice %arg7[%add3A_491, %dma_wait3A_531] : memref<160x128xi32, #tpu.memory_space<vmem>> -> memref<1x16xi32, #tpu.memory_space<vmem>>
      %dma_wait3A_533 = tpu.memref_squeeze %dma_wait3A_532 : memref<1x16xi32, #tpu.memory_space<vmem>> -> memref<16xi32, #tpu.memory_space<vmem>>
      %dma_wait3A_534 = arith.constant 0 : i32
      %dma_wait3A_535 = arith.constant 0 : i32
      %dma_wait3A_536 = tpu.memref_slice %arg2[%dma_wait3A_534, %dma_wait3A_535] : memref<20000x64xf32, #tpu.memory_space<hbm>> -> memref<20000x64xf32, #tpu.memory_space<hbm>>
      tpu.wait_indirect_dma semaphore(%arg23 : memref<!tpu.dma_semaphore, #tpu.memory_space<semaphore_mem>>) src(%dma_wait3A_536 : memref<20000x64xf32, #tpu.memory_space<hbm>>) dst(%dma_wait3A_530 : memref<16x64xf32, #tpu.memory_space<vmem>>)
      %dma_wait3A_537 = arith.constant 80 : i32
      %dma_wait3A_538 = arith.constant 0 : i32
      %dma_wait3A_539 = tpu.memref_slice %arg10[%dma_wait3A_537, %dma_wait3A_538] : memref<128x64xf32, #tpu.memory_space<vmem>> -> memref<16x64xf32, #tpu.memory_space<vmem>>
      %dma_wait3A_540 = arith.constant 80 : i32
      %dma_wait3A_541 = tpu.memref_slice %arg7[%add3A_491, %dma_wait3A_540] : memref<160x128xi32, #tpu.memory_space<vmem>> -> memref<1x16xi32, #tpu.memory_space<vmem>>
      %dma_wait3A_542 = tpu.memref_squeeze %dma_wait3A_541 : memref<1x16xi32, #tpu.memory_space<vmem>> -> memref<16xi32, #tpu.memory_space<vmem>>
      %dma_wait3A_543 = arith.constant 0 : i32
      %dma_wait3A_544 = arith.constant 0 : i32
      %dma_wait3A_545 = tpu.memref_slice %arg2[%dma_wait3A_543, %dma_wait3A_544] : memref<20000x64xf32, #tpu.memory_space<hbm>> -> memref<20000x64xf32, #tpu.memory_space<hbm>>
      tpu.wait_indirect_dma semaphore(%arg24 : memref<!tpu.dma_semaphore, #tpu.memory_space<semaphore_mem>>) src(%dma_wait3A_545 : memref<20000x64xf32, #tpu.memory_space<hbm>>) dst(%dma_wait3A_539 : memref<16x64xf32, #tpu.memory_space<vmem>>)
      %dma_wait3A_546 = arith.constant 96 : i32
      %dma_wait3A_547 = arith.constant 0 : i32
      %dma_wait3A_548 = tpu.memref_slice %arg10[%dma_wait3A_546, %dma_wait3A_547] : memref<128x64xf32, #tpu.memory_space<vmem>> -> memref<16x64xf32, #tpu.memory_space<vmem>>
      %dma_wait3A_549 = arith.constant 96 : i32
      %dma_wait3A_550 = tpu.memref_slice %arg7[%add3A_491, %dma_wait3A_549] : memref<160x128xi32, #tpu.memory_space<vmem>> -> memref<1x16xi32, #tpu.memory_space<vmem>>
      %dma_wait3A_551 = tpu.memref_squeeze %dma_wait3A_550 : memref<1x16xi32, #tpu.memory_space<vmem>> -> memref<16xi32, #tpu.memory_space<vmem>>
      %dma_wait3A_552 = arith.constant 0 : i32
      %dma_wait3A_553 = arith.constant 0 : i32
      %dma_wait3A_554 = tpu.memref_slice %arg2[%dma_wait3A_552, %dma_wait3A_553] : memref<20000x64xf32, #tpu.memory_space<hbm>> -> memref<20000x64xf32, #tpu.memory_space<hbm>>
      tpu.wait_indirect_dma semaphore(%arg25 : memref<!tpu.dma_semaphore, #tpu.memory_space<semaphore_mem>>) src(%dma_wait3A_554 : memref<20000x64xf32, #tpu.memory_space<hbm>>) dst(%dma_wait3A_548 : memref<16x64xf32, #tpu.memory_space<vmem>>)
      %dma_wait3A_555 = arith.constant 112 : i32
      %dma_wait3A_556 = arith.constant 0 : i32
      %dma_wait3A_557 = tpu.memref_slice %arg10[%dma_wait3A_555, %dma_wait3A_556] : memref<128x64xf32, #tpu.memory_space<vmem>> -> memref<16x64xf32, #tpu.memory_space<vmem>>
      %dma_wait3A_558 = arith.constant 112 : i32
      %dma_wait3A_559 = tpu.memref_slice %arg7[%add3A_491, %dma_wait3A_558] : memref<160x128xi32, #tpu.memory_space<vmem>> -> memref<1x16xi32, #tpu.memory_space<vmem>>
      %dma_wait3A_560 = tpu.memref_squeeze %dma_wait3A_559 : memref<1x16xi32, #tpu.memory_space<vmem>> -> memref<16xi32, #tpu.memory_space<vmem>>
      %dma_wait3A_561 = arith.constant 0 : i32
      %dma_wait3A_562 = arith.constant 0 : i32
      %dma_wait3A_563 = tpu.memref_slice %arg2[%dma_wait3A_561, %dma_wait3A_562] : memref<20000x64xf32, #tpu.memory_space<hbm>> -> memref<20000x64xf32, #tpu.memory_space<hbm>>
      tpu.wait_indirect_dma semaphore(%arg26 : memref<!tpu.dma_semaphore, #tpu.memory_space<semaphore_mem>>) src(%dma_wait3A_563 : memref<20000x64xf32, #tpu.memory_space<hbm>>) dst(%dma_wait3A_557 : memref<16x64xf32, #tpu.memory_space<vmem>>)
      "tpu.region"() ({
        %run_scoped3A = tpu.sem_alloc : memref<!tpu.dma_semaphore, #tpu.memory_space<semaphore_mem>>
        %dma_start3A_638 = arith.constant 0 : i32
        %dma_start3A_639 = tpu.memref_slice %arg8[%add3A_491, %dma_start3A_638] : memref<158x128xi32, #tpu.memory_space<vmem>> -> memref<1x128xi32, #tpu.memory_space<vmem>>
        %dma_start3A_640 = tpu.memref_squeeze %dma_start3A_639 : memref<1x128xi32, #tpu.memory_space<vmem>> -> memref<128xi32, #tpu.memory_space<vmem>>
        %dma_start3A_641 = arith.constant 0 : i32
        %dma_start3A_642 = arith.constant 0 : i32
        %dma_start3A_643 = tpu.memref_slice %arg6[%dma_start3A_641, %dma_start3A_642] : memref<10112x64xf32, #tpu.memory_space<vmem_shared>> -> memref<10112x64xf32, #tpu.memory_space<vmem_shared>>
        tpu.enqueue_indirect_dma source(%arg10 : memref<128x64xf32, #tpu.memory_space<vmem>>) target(%dma_start3A_643 : memref<10112x64xf32, #tpu.memory_space<vmem_shared>>) offsets(%dma_start3A_640 : memref<128xi32, #tpu.memory_space<vmem>>) semaphore(%run_scoped3A : memref<!tpu.dma_semaphore, #tpu.memory_space<semaphore_mem>>) {add = true}
        %dma_wait3A_644 = arith.constant 0 : i32
        %dma_wait3A_645 = tpu.memref_slice %arg8[%add3A_491, %dma_wait3A_644] : memref<158x128xi32, #tpu.memory_space<vmem>> -> memref<1x128xi32, #tpu.memory_space<vmem>>
        %dma_wait3A_646 = tpu.memref_squeeze %dma_wait3A_645 : memref<1x128xi32, #tpu.memory_space<vmem>> -> memref<128xi32, #tpu.memory_space<vmem>>
        %dma_wait3A_647 = arith.constant 0 : i32
        %dma_wait3A_648 = arith.constant 0 : i32
        %dma_wait3A_649 = tpu.memref_slice %arg6[%dma_wait3A_647, %dma_wait3A_648] : memref<10112x64xf32, #tpu.memory_space<vmem_shared>> -> memref<10112x64xf32, #tpu.memory_space<vmem_shared>>
        tpu.wait_indirect_dma semaphore(%run_scoped3A : memref<!tpu.dma_semaphore, #tpu.memory_space<semaphore_mem>>) src(%arg10 : memref<128x64xf32, #tpu.memory_space<vmem>>) dst(%dma_wait3A_649 : memref<10112x64xf32, #tpu.memory_space<vmem_shared>>)
        tpu.yield
      }) : () -> ()
      %add3A_564 = arith.constant 2 : i32
      %add3A_565 = arith.addi %add3A_491, %add3A_564 : i32
      %dma_start3A_566 = arith.constant 0 : i32
      %dma_start3A_567 = arith.constant 0 : i32
      %dma_start3A_568 = tpu.memref_slice %arg10[%dma_start3A_566, %dma_start3A_567] : memref<128x64xf32, #tpu.memory_space<vmem>> -> memref<16x64xf32, #tpu.memory_space<vmem>>
      %dma_start3A_569 = arith.constant 0 : i32
      %dma_start3A_570 = tpu.memref_slice %arg7[%add3A_565, %dma_start3A_569] : memref<160x128xi32, #tpu.memory_space<vmem>> -> memref<1x16xi32, #tpu.memory_space<vmem>>
      %dma_start3A_571 = tpu.memref_squeeze %dma_start3A_570 : memref<1x16xi32, #tpu.memory_space<vmem>> -> memref<16xi32, #tpu.memory_space<vmem>>
      %dma_start3A_572 = arith.constant 0 : i32
      %dma_start3A_573 = arith.constant 0 : i32
      %dma_start3A_574 = tpu.memref_slice %arg2[%dma_start3A_572, %dma_start3A_573] : memref<20000x64xf32, #tpu.memory_space<hbm>> -> memref<20000x64xf32, #tpu.memory_space<hbm>>
      tpu.enqueue_indirect_dma source(%dma_start3A_574 : memref<20000x64xf32, #tpu.memory_space<hbm>>) target(%dma_start3A_568 : memref<16x64xf32, #tpu.memory_space<vmem>>) offsets(%dma_start3A_571 : memref<16xi32, #tpu.memory_space<vmem>>) semaphore(%arg19 : memref<!tpu.dma_semaphore, #tpu.memory_space<semaphore_mem>>)
      %dma_start3A_575 = arith.constant 16 : i32
      %dma_start3A_576 = arith.constant 0 : i32
      %dma_start3A_577 = tpu.memref_slice %arg10[%dma_start3A_575, %dma_start3A_576] : memref<128x64xf32, #tpu.memory_space<vmem>> -> memref<16x64xf32, #tpu.memory_space<vmem>>
      %dma_start3A_578 = arith.constant 16 : i32
      %dma_start3A_579 = tpu.memref_slice %arg7[%add3A_565, %dma_start3A_578] : memref<160x128xi32, #tpu.memory_space<vmem>> -> memref<1x16xi32, #tpu.memory_space<vmem>>
      %dma_start3A_580 = tpu.memref_squeeze %dma_start3A_579 : memref<1x16xi32, #tpu.memory_space<vmem>> -> memref<16xi32, #tpu.memory_space<vmem>>
      %dma_start3A_581 = arith.constant 0 : i32
      %dma_start3A_582 = arith.constant 0 : i32
      %dma_start3A_583 = tpu.memref_slice %arg2[%dma_start3A_581, %dma_start3A_582] : memref<20000x64xf32, #tpu.memory_space<hbm>> -> memref<20000x64xf32, #tpu.memory_space<hbm>>
      tpu.enqueue_indirect_dma source(%dma_start3A_583 : memref<20000x64xf32, #tpu.memory_space<hbm>>) target(%dma_start3A_577 : memref<16x64xf32, #tpu.memory_space<vmem>>) offsets(%dma_start3A_580 : memref<16xi32, #tpu.memory_space<vmem>>) semaphore(%arg20 : memref<!tpu.dma_semaphore, #tpu.memory_space<semaphore_mem>>)
      %dma_start3A_584 = arith.constant 32 : i32
      %dma_start3A_585 = arith.constant 0 : i32
      %dma_start3A_586 = tpu.memref_slice %arg10[%dma_start3A_584, %dma_start3A_585] : memref<128x64xf32, #tpu.memory_space<vmem>> -> memref<16x64xf32, #tpu.memory_space<vmem>>
      %dma_start3A_587 = arith.constant 32 : i32
      %dma_start3A_588 = tpu.memref_slice %arg7[%add3A_565, %dma_start3A_587] : memref<160x128xi32, #tpu.memory_space<vmem>> -> memref<1x16xi32, #tpu.memory_space<vmem>>
      %dma_start3A_589 = tpu.memref_squeeze %dma_start3A_588 : memref<1x16xi32, #tpu.memory_space<vmem>> -> memref<16xi32, #tpu.memory_space<vmem>>
      %dma_start3A_590 = arith.constant 0 : i32
      %dma_start3A_591 = arith.constant 0 : i32
      %dma_start3A_592 = tpu.memref_slice %arg2[%dma_start3A_590, %dma_start3A_591] : memref<20000x64xf32, #tpu.memory_space<hbm>> -> memref<20000x64xf32, #tpu.memory_space<hbm>>
      tpu.enqueue_indirect_dma source(%dma_start3A_592 : memref<20000x64xf32, #tpu.memory_space<hbm>>) target(%dma_start3A_586 : memref<16x64xf32, #tpu.memory_space<vmem>>) offsets(%dma_start3A_589 : memref<16xi32, #tpu.memory_space<vmem>>) semaphore(%arg21 : memref<!tpu.dma_semaphore, #tpu.memory_space<semaphore_mem>>)
      %dma_start3A_593 = arith.constant 48 : i32
      %dma_start3A_594 = arith.constant 0 : i32
      %dma_start3A_595 = tpu.memref_slice %arg10[%dma_start3A_593, %dma_start3A_594] : memref<128x64xf32, #tpu.memory_space<vmem>> -> memref<16x64xf32, #tpu.memory_space<vmem>>
      %dma_start3A_596 = arith.constant 48 : i32
      %dma_start3A_597 = tpu.memref_slice %arg7[%add3A_565, %dma_start3A_596] : memref<160x128xi32, #tpu.memory_space<vmem>> -> memref<1x16xi32, #tpu.memory_space<vmem>>
      %dma_start3A_598 = tpu.memref_squeeze %dma_start3A_597 : memref<1x16xi32, #tpu.memory_space<vmem>> -> memref<16xi32, #tpu.memory_space<vmem>>
      %dma_start3A_599 = arith.constant 0 : i32
      %dma_start3A_600 = arith.constant 0 : i32
      %dma_start3A_601 = tpu.memref_slice %arg2[%dma_start3A_599, %dma_start3A_600] : memref<20000x64xf32, #tpu.memory_space<hbm>> -> memref<20000x64xf32, #tpu.memory_space<hbm>>
      tpu.enqueue_indirect_dma source(%dma_start3A_601 : memref<20000x64xf32, #tpu.memory_space<hbm>>) target(%dma_start3A_595 : memref<16x64xf32, #tpu.memory_space<vmem>>) offsets(%dma_start3A_598 : memref<16xi32, #tpu.memory_space<vmem>>) semaphore(%arg22 : memref<!tpu.dma_semaphore, #tpu.memory_space<semaphore_mem>>)
      %dma_start3A_602 = arith.constant 64 : i32
      %dma_start3A_603 = arith.constant 0 : i32
      %dma_start3A_604 = tpu.memref_slice %arg10[%dma_start3A_602, %dma_start3A_603] : memref<128x64xf32, #tpu.memory_space<vmem>> -> memref<16x64xf32, #tpu.memory_space<vmem>>
      %dma_start3A_605 = arith.constant 64 : i32
      %dma_start3A_606 = tpu.memref_slice %arg7[%add3A_565, %dma_start3A_605] : memref<160x128xi32, #tpu.memory_space<vmem>> -> memref<1x16xi32, #tpu.memory_space<vmem>>
      %dma_start3A_607 = tpu.memref_squeeze %dma_start3A_606 : memref<1x16xi32, #tpu.memory_space<vmem>> -> memref<16xi32, #tpu.memory_space<vmem>>
      %dma_start3A_608 = arith.constant 0 : i32
      %dma_start3A_609 = arith.constant 0 : i32
      %dma_start3A_610 = tpu.memref_slice %arg2[%dma_start3A_608, %dma_start3A_609] : memref<20000x64xf32, #tpu.memory_space<hbm>> -> memref<20000x64xf32, #tpu.memory_space<hbm>>
      tpu.enqueue_indirect_dma source(%dma_start3A_610 : memref<20000x64xf32, #tpu.memory_space<hbm>>) target(%dma_start3A_604 : memref<16x64xf32, #tpu.memory_space<vmem>>) offsets(%dma_start3A_607 : memref<16xi32, #tpu.memory_space<vmem>>) semaphore(%arg23 : memref<!tpu.dma_semaphore, #tpu.memory_space<semaphore_mem>>)
      %dma_start3A_611 = arith.constant 80 : i32
      %dma_start3A_612 = arith.constant 0 : i32
      %dma_start3A_613 = tpu.memref_slice %arg10[%dma_start3A_611, %dma_start3A_612] : memref<128x64xf32, #tpu.memory_space<vmem>> -> memref<16x64xf32, #tpu.memory_space<vmem>>
      %dma_start3A_614 = arith.constant 80 : i32
      %dma_start3A_615 = tpu.memref_slice %arg7[%add3A_565, %dma_start3A_614] : memref<160x128xi32, #tpu.memory_space<vmem>> -> memref<1x16xi32, #tpu.memory_space<vmem>>
      %dma_start3A_616 = tpu.memref_squeeze %dma_start3A_615 : memref<1x16xi32, #tpu.memory_space<vmem>> -> memref<16xi32, #tpu.memory_space<vmem>>
      %dma_start3A_617 = arith.constant 0 : i32
      %dma_start3A_618 = arith.constant 0 : i32
      %dma_start3A_619 = tpu.memref_slice %arg2[%dma_start3A_617, %dma_start3A_618] : memref<20000x64xf32, #tpu.memory_space<hbm>> -> memref<20000x64xf32, #tpu.memory_space<hbm>>
      tpu.enqueue_indirect_dma source(%dma_start3A_619 : memref<20000x64xf32, #tpu.memory_space<hbm>>) target(%dma_start3A_613 : memref<16x64xf32, #tpu.memory_space<vmem>>) offsets(%dma_start3A_616 : memref<16xi32, #tpu.memory_space<vmem>>) semaphore(%arg24 : memref<!tpu.dma_semaphore, #tpu.memory_space<semaphore_mem>>)
      %dma_start3A_620 = arith.constant 96 : i32
      %dma_start3A_621 = arith.constant 0 : i32
      %dma_start3A_622 = tpu.memref_slice %arg10[%dma_start3A_620, %dma_start3A_621] : memref<128x64xf32, #tpu.memory_space<vmem>> -> memref<16x64xf32, #tpu.memory_space<vmem>>
      %dma_start3A_623 = arith.constant 96 : i32
      %dma_start3A_624 = tpu.memref_slice %arg7[%add3A_565, %dma_start3A_623] : memref<160x128xi32, #tpu.memory_space<vmem>> -> memref<1x16xi32, #tpu.memory_space<vmem>>
      %dma_start3A_625 = tpu.memref_squeeze %dma_start3A_624 : memref<1x16xi32, #tpu.memory_space<vmem>> -> memref<16xi32, #tpu.memory_space<vmem>>
      %dma_start3A_626 = arith.constant 0 : i32
      %dma_start3A_627 = arith.constant 0 : i32
      %dma_start3A_628 = tpu.memref_slice %arg2[%dma_start3A_626, %dma_start3A_627] : memref<20000x64xf32, #tpu.memory_space<hbm>> -> memref<20000x64xf32, #tpu.memory_space<hbm>>
      tpu.enqueue_indirect_dma source(%dma_start3A_628 : memref<20000x64xf32, #tpu.memory_space<hbm>>) target(%dma_start3A_622 : memref<16x64xf32, #tpu.memory_space<vmem>>) offsets(%dma_start3A_625 : memref<16xi32, #tpu.memory_space<vmem>>) semaphore(%arg25 : memref<!tpu.dma_semaphore, #tpu.memory_space<semaphore_mem>>)
      %dma_start3A_629 = arith.constant 112 : i32
      %dma_start3A_630 = arith.constant 0 : i32
      %dma_start3A_631 = tpu.memref_slice %arg10[%dma_start3A_629, %dma_start3A_630] : memref<128x64xf32, #tpu.memory_space<vmem>> -> memref<16x64xf32, #tpu.memory_space<vmem>>
      %dma_start3A_632 = arith.constant 112 : i32
      %dma_start3A_633 = tpu.memref_slice %arg7[%add3A_565, %dma_start3A_632] : memref<160x128xi32, #tpu.memory_space<vmem>> -> memref<1x16xi32, #tpu.memory_space<vmem>>
      %dma_start3A_634 = tpu.memref_squeeze %dma_start3A_633 : memref<1x16xi32, #tpu.memory_space<vmem>> -> memref<16xi32, #tpu.memory_space<vmem>>
      %dma_start3A_635 = arith.constant 0 : i32
      %dma_start3A_636 = arith.constant 0 : i32
      %dma_start3A_637 = tpu.memref_slice %arg2[%dma_start3A_635, %dma_start3A_636] : memref<20000x64xf32, #tpu.memory_space<hbm>> -> memref<20000x64xf32, #tpu.memory_space<hbm>>
      tpu.enqueue_indirect_dma source(%dma_start3A_637 : memref<20000x64xf32, #tpu.memory_space<hbm>>) target(%dma_start3A_631 : memref<16x64xf32, #tpu.memory_space<vmem>>) offsets(%dma_start3A_634 : memref<16xi32, #tpu.memory_space<vmem>>) semaphore(%arg26 : memref<!tpu.dma_semaphore, #tpu.memory_space<semaphore_mem>>)
    }
    %scan3A_180 = arith.constant 79 : i32
    %dma_wait3A = arith.constant 158 : i32
    %dma_wait3A_181 = arith.constant 0 : i32
    %dma_wait3A_182 = arith.constant 0 : i32
    %dma_wait3A_183 = tpu.memref_slice %arg9[%dma_wait3A_181, %dma_wait3A_182] : memref<128x64xf32, #tpu.memory_space<vmem>> -> memref<16x64xf32, #tpu.memory_space<vmem>>
    %dma_wait3A_184 = arith.constant 0 : i32
    %dma_wait3A_185 = tpu.memref_slice %arg7[%dma_wait3A, %dma_wait3A_184] : memref<160x128xi32, #tpu.memory_space<vmem>> -> memref<1x16xi32, #tpu.memory_space<vmem>>
    %dma_wait3A_186 = tpu.memref_squeeze %dma_wait3A_185 : memref<1x16xi32, #tpu.memory_space<vmem>> -> memref<16xi32, #tpu.memory_space<vmem>>
    %dma_wait3A_187 = arith.constant 0 : i32
    %dma_wait3A_188 = arith.constant 0 : i32
    %dma_wait3A_189 = tpu.memref_slice %arg2[%dma_wait3A_187, %dma_wait3A_188] : memref<20000x64xf32, #tpu.memory_space<hbm>> -> memref<20000x64xf32, #tpu.memory_space<hbm>>
    tpu.wait_indirect_dma semaphore(%arg11 : memref<!tpu.dma_semaphore, #tpu.memory_space<semaphore_mem>>) src(%dma_wait3A_189 : memref<20000x64xf32, #tpu.memory_space<hbm>>) dst(%dma_wait3A_183 : memref<16x64xf32, #tpu.memory_space<vmem>>)
    %dma_wait3A_190 = arith.constant 158 : i32
    %dma_wait3A_191 = arith.constant 16 : i32
    %dma_wait3A_192 = arith.constant 0 : i32
    %dma_wait3A_193 = tpu.memref_slice %arg9[%dma_wait3A_191, %dma_wait3A_192] : memref<128x64xf32, #tpu.memory_space<vmem>> -> memref<16x64xf32, #tpu.memory_space<vmem>>
    %dma_wait3A_194 = arith.constant 16 : i32
    %dma_wait3A_195 = tpu.memref_slice %arg7[%dma_wait3A_190, %dma_wait3A_194] : memref<160x128xi32, #tpu.memory_space<vmem>> -> memref<1x16xi32, #tpu.memory_space<vmem>>
    %dma_wait3A_196 = tpu.memref_squeeze %dma_wait3A_195 : memref<1x16xi32, #tpu.memory_space<vmem>> -> memref<16xi32, #tpu.memory_space<vmem>>
    %dma_wait3A_197 = arith.constant 0 : i32
    %dma_wait3A_198 = arith.constant 0 : i32
    %dma_wait3A_199 = tpu.memref_slice %arg2[%dma_wait3A_197, %dma_wait3A_198] : memref<20000x64xf32, #tpu.memory_space<hbm>> -> memref<20000x64xf32, #tpu.memory_space<hbm>>
    tpu.wait_indirect_dma semaphore(%arg12 : memref<!tpu.dma_semaphore, #tpu.memory_space<semaphore_mem>>) src(%dma_wait3A_199 : memref<20000x64xf32, #tpu.memory_space<hbm>>) dst(%dma_wait3A_193 : memref<16x64xf32, #tpu.memory_space<vmem>>)
    %dma_wait3A_200 = arith.constant 158 : i32
    %dma_wait3A_201 = arith.constant 32 : i32
    %dma_wait3A_202 = arith.constant 0 : i32
    %dma_wait3A_203 = tpu.memref_slice %arg9[%dma_wait3A_201, %dma_wait3A_202] : memref<128x64xf32, #tpu.memory_space<vmem>> -> memref<16x64xf32, #tpu.memory_space<vmem>>
    %dma_wait3A_204 = arith.constant 32 : i32
    %dma_wait3A_205 = tpu.memref_slice %arg7[%dma_wait3A_200, %dma_wait3A_204] : memref<160x128xi32, #tpu.memory_space<vmem>> -> memref<1x16xi32, #tpu.memory_space<vmem>>
    %dma_wait3A_206 = tpu.memref_squeeze %dma_wait3A_205 : memref<1x16xi32, #tpu.memory_space<vmem>> -> memref<16xi32, #tpu.memory_space<vmem>>
    %dma_wait3A_207 = arith.constant 0 : i32
    %dma_wait3A_208 = arith.constant 0 : i32
    %dma_wait3A_209 = tpu.memref_slice %arg2[%dma_wait3A_207, %dma_wait3A_208] : memref<20000x64xf32, #tpu.memory_space<hbm>> -> memref<20000x64xf32, #tpu.memory_space<hbm>>
    tpu.wait_indirect_dma semaphore(%arg13 : memref<!tpu.dma_semaphore, #tpu.memory_space<semaphore_mem>>) src(%dma_wait3A_209 : memref<20000x64xf32, #tpu.memory_space<hbm>>) dst(%dma_wait3A_203 : memref<16x64xf32, #tpu.memory_space<vmem>>)
    %dma_wait3A_210 = arith.constant 158 : i32
    %dma_wait3A_211 = arith.constant 48 : i32
    %dma_wait3A_212 = arith.constant 0 : i32
    %dma_wait3A_213 = tpu.memref_slice %arg9[%dma_wait3A_211, %dma_wait3A_212] : memref<128x64xf32, #tpu.memory_space<vmem>> -> memref<16x64xf32, #tpu.memory_space<vmem>>
    %dma_wait3A_214 = arith.constant 48 : i32
    %dma_wait3A_215 = tpu.memref_slice %arg7[%dma_wait3A_210, %dma_wait3A_214] : memref<160x128xi32, #tpu.memory_space<vmem>> -> memref<1x16xi32, #tpu.memory_space<vmem>>
    %dma_wait3A_216 = tpu.memref_squeeze %dma_wait3A_215 : memref<1x16xi32, #tpu.memory_space<vmem>> -> memref<16xi32, #tpu.memory_space<vmem>>
    %dma_wait3A_217 = arith.constant 0 : i32
    %dma_wait3A_218 = arith.constant 0 : i32
    %dma_wait3A_219 = tpu.memref_slice %arg2[%dma_wait3A_217, %dma_wait3A_218] : memref<20000x64xf32, #tpu.memory_space<hbm>> -> memref<20000x64xf32, #tpu.memory_space<hbm>>
    tpu.wait_indirect_dma semaphore(%arg14 : memref<!tpu.dma_semaphore, #tpu.memory_space<semaphore_mem>>) src(%dma_wait3A_219 : memref<20000x64xf32, #tpu.memory_space<hbm>>) dst(%dma_wait3A_213 : memref<16x64xf32, #tpu.memory_space<vmem>>)
    %dma_wait3A_220 = arith.constant 158 : i32
    %dma_wait3A_221 = arith.constant 64 : i32
    %dma_wait3A_222 = arith.constant 0 : i32
    %dma_wait3A_223 = tpu.memref_slice %arg9[%dma_wait3A_221, %dma_wait3A_222] : memref<128x64xf32, #tpu.memory_space<vmem>> -> memref<16x64xf32, #tpu.memory_space<vmem>>
    %dma_wait3A_224 = arith.constant 64 : i32
    %dma_wait3A_225 = tpu.memref_slice %arg7[%dma_wait3A_220, %dma_wait3A_224] : memref<160x128xi32, #tpu.memory_space<vmem>> -> memref<1x16xi32, #tpu.memory_space<vmem>>
    %dma_wait3A_226 = tpu.memref_squeeze %dma_wait3A_225 : memref<1x16xi32, #tpu.memory_space<vmem>> -> memref<16xi32, #tpu.memory_space<vmem>>
    %dma_wait3A_227 = arith.constant 0 : i32
    %dma_wait3A_228 = arith.constant 0 : i32
    %dma_wait3A_229 = tpu.memref_slice %arg2[%dma_wait3A_227, %dma_wait3A_228] : memref<20000x64xf32, #tpu.memory_space<hbm>> -> memref<20000x64xf32, #tpu.memory_space<hbm>>
    tpu.wait_indirect_dma semaphore(%arg15 : memref<!tpu.dma_semaphore, #tpu.memory_space<semaphore_mem>>) src(%dma_wait3A_229 : memref<20000x64xf32, #tpu.memory_space<hbm>>) dst(%dma_wait3A_223 : memref<16x64xf32, #tpu.memory_space<vmem>>)
    %dma_wait3A_230 = arith.constant 158 : i32
    %dma_wait3A_231 = arith.constant 80 : i32
    %dma_wait3A_232 = arith.constant 0 : i32
    %dma_wait3A_233 = tpu.memref_slice %arg9[%dma_wait3A_231, %dma_wait3A_232] : memref<128x64xf32, #tpu.memory_space<vmem>> -> memref<16x64xf32, #tpu.memory_space<vmem>>
    %dma_wait3A_234 = arith.constant 80 : i32
    %dma_wait3A_235 = tpu.memref_slice %arg7[%dma_wait3A_230, %dma_wait3A_234] : memref<160x128xi32, #tpu.memory_space<vmem>> -> memref<1x16xi32, #tpu.memory_space<vmem>>
    %dma_wait3A_236 = tpu.memref_squeeze %dma_wait3A_235 : memref<1x16xi32, #tpu.memory_space<vmem>> -> memref<16xi32, #tpu.memory_space<vmem>>
    %dma_wait3A_237 = arith.constant 0 : i32
    %dma_wait3A_238 = arith.constant 0 : i32
    %dma_wait3A_239 = tpu.memref_slice %arg2[%dma_wait3A_237, %dma_wait3A_238] : memref<20000x64xf32, #tpu.memory_space<hbm>> -> memref<20000x64xf32, #tpu.memory_space<hbm>>
    tpu.wait_indirect_dma semaphore(%arg16 : memref<!tpu.dma_semaphore, #tpu.memory_space<semaphore_mem>>) src(%dma_wait3A_239 : memref<20000x64xf32, #tpu.memory_space<hbm>>) dst(%dma_wait3A_233 : memref<16x64xf32, #tpu.memory_space<vmem>>)
    %dma_wait3A_240 = arith.constant 158 : i32
    %dma_wait3A_241 = arith.constant 96 : i32
    %dma_wait3A_242 = arith.constant 0 : i32
    %dma_wait3A_243 = tpu.memref_slice %arg9[%dma_wait3A_241, %dma_wait3A_242] : memref<128x64xf32, #tpu.memory_space<vmem>> -> memref<16x64xf32, #tpu.memory_space<vmem>>
    %dma_wait3A_244 = arith.constant 96 : i32
    %dma_wait3A_245 = tpu.memref_slice %arg7[%dma_wait3A_240, %dma_wait3A_244] : memref<160x128xi32, #tpu.memory_space<vmem>> -> memref<1x16xi32, #tpu.memory_space<vmem>>
    %dma_wait3A_246 = tpu.memref_squeeze %dma_wait3A_245 : memref<1x16xi32, #tpu.memory_space<vmem>> -> memref<16xi32, #tpu.memory_space<vmem>>
    %dma_wait3A_247 = arith.constant 0 : i32
    %dma_wait3A_248 = arith.constant 0 : i32
    %dma_wait3A_249 = tpu.memref_slice %arg2[%dma_wait3A_247, %dma_wait3A_248] : memref<20000x64xf32, #tpu.memory_space<hbm>> -> memref<20000x64xf32, #tpu.memory_space<hbm>>
    tpu.wait_indirect_dma semaphore(%arg17 : memref<!tpu.dma_semaphore, #tpu.memory_space<semaphore_mem>>) src(%dma_wait3A_249 : memref<20000x64xf32, #tpu.memory_space<hbm>>) dst(%dma_wait3A_243 : memref<16x64xf32, #tpu.memory_space<vmem>>)
    %dma_wait3A_250 = arith.constant 158 : i32
    %dma_wait3A_251 = arith.constant 112 : i32
    %dma_wait3A_252 = arith.constant 0 : i32
    %dma_wait3A_253 = tpu.memref_slice %arg9[%dma_wait3A_251, %dma_wait3A_252] : memref<128x64xf32, #tpu.memory_space<vmem>> -> memref<16x64xf32, #tpu.memory_space<vmem>>
    %dma_wait3A_254 = arith.constant 112 : i32
    %dma_wait3A_255 = tpu.memref_slice %arg7[%dma_wait3A_250, %dma_wait3A_254] : memref<160x128xi32, #tpu.memory_space<vmem>> -> memref<1x16xi32, #tpu.memory_space<vmem>>
    %dma_wait3A_256 = tpu.memref_squeeze %dma_wait3A_255 : memref<1x16xi32, #tpu.memory_space<vmem>> -> memref<16xi32, #tpu.memory_space<vmem>>
    %dma_wait3A_257 = arith.constant 0 : i32
    %dma_wait3A_258 = arith.constant 0 : i32
    %dma_wait3A_259 = tpu.memref_slice %arg2[%dma_wait3A_257, %dma_wait3A_258] : memref<20000x64xf32, #tpu.memory_space<hbm>> -> memref<20000x64xf32, #tpu.memory_space<hbm>>
    tpu.wait_indirect_dma semaphore(%arg18 : memref<!tpu.dma_semaphore, #tpu.memory_space<semaphore_mem>>) src(%dma_wait3A_259 : memref<20000x64xf32, #tpu.memory_space<hbm>>) dst(%dma_wait3A_253 : memref<16x64xf32, #tpu.memory_space<vmem>>)
    %dma_wait3A_260 = arith.constant 159 : i32
    %dma_wait3A_261 = arith.constant 0 : i32
    %dma_wait3A_262 = arith.constant 0 : i32
    %dma_wait3A_263 = tpu.memref_slice %arg10[%dma_wait3A_261, %dma_wait3A_262] : memref<128x64xf32, #tpu.memory_space<vmem>> -> memref<16x64xf32, #tpu.memory_space<vmem>>
    %dma_wait3A_264 = arith.constant 0 : i32
    %dma_wait3A_265 = tpu.memref_slice %arg7[%dma_wait3A_260, %dma_wait3A_264] : memref<160x128xi32, #tpu.memory_space<vmem>> -> memref<1x16xi32, #tpu.memory_space<vmem>>
    %dma_wait3A_266 = tpu.memref_squeeze %dma_wait3A_265 : memref<1x16xi32, #tpu.memory_space<vmem>> -> memref<16xi32, #tpu.memory_space<vmem>>
    %dma_wait3A_267 = arith.constant 0 : i32
    %dma_wait3A_268 = arith.constant 0 : i32
    %dma_wait3A_269 = tpu.memref_slice %arg2[%dma_wait3A_267, %dma_wait3A_268] : memref<20000x64xf32, #tpu.memory_space<hbm>> -> memref<20000x64xf32, #tpu.memory_space<hbm>>
    tpu.wait_indirect_dma semaphore(%arg19 : memref<!tpu.dma_semaphore, #tpu.memory_space<semaphore_mem>>) src(%dma_wait3A_269 : memref<20000x64xf32, #tpu.memory_space<hbm>>) dst(%dma_wait3A_263 : memref<16x64xf32, #tpu.memory_space<vmem>>)
    %dma_wait3A_270 = arith.constant 159 : i32
    %dma_wait3A_271 = arith.constant 16 : i32
    %dma_wait3A_272 = arith.constant 0 : i32
    %dma_wait3A_273 = tpu.memref_slice %arg10[%dma_wait3A_271, %dma_wait3A_272] : memref<128x64xf32, #tpu.memory_space<vmem>> -> memref<16x64xf32, #tpu.memory_space<vmem>>
    %dma_wait3A_274 = arith.constant 16 : i32
    %dma_wait3A_275 = tpu.memref_slice %arg7[%dma_wait3A_270, %dma_wait3A_274] : memref<160x128xi32, #tpu.memory_space<vmem>> -> memref<1x16xi32, #tpu.memory_space<vmem>>
    %dma_wait3A_276 = tpu.memref_squeeze %dma_wait3A_275 : memref<1x16xi32, #tpu.memory_space<vmem>> -> memref<16xi32, #tpu.memory_space<vmem>>
    %dma_wait3A_277 = arith.constant 0 : i32
    %dma_wait3A_278 = arith.constant 0 : i32
    %dma_wait3A_279 = tpu.memref_slice %arg2[%dma_wait3A_277, %dma_wait3A_278] : memref<20000x64xf32, #tpu.memory_space<hbm>> -> memref<20000x64xf32, #tpu.memory_space<hbm>>
    tpu.wait_indirect_dma semaphore(%arg20 : memref<!tpu.dma_semaphore, #tpu.memory_space<semaphore_mem>>) src(%dma_wait3A_279 : memref<20000x64xf32, #tpu.memory_space<hbm>>) dst(%dma_wait3A_273 : memref<16x64xf32, #tpu.memory_space<vmem>>)
    %dma_wait3A_280 = arith.constant 159 : i32
    %dma_wait3A_281 = arith.constant 32 : i32
    %dma_wait3A_282 = arith.constant 0 : i32
    %dma_wait3A_283 = tpu.memref_slice %arg10[%dma_wait3A_281, %dma_wait3A_282] : memref<128x64xf32, #tpu.memory_space<vmem>> -> memref<16x64xf32, #tpu.memory_space<vmem>>
    %dma_wait3A_284 = arith.constant 32 : i32
    %dma_wait3A_285 = tpu.memref_slice %arg7[%dma_wait3A_280, %dma_wait3A_284] : memref<160x128xi32, #tpu.memory_space<vmem>> -> memref<1x16xi32, #tpu.memory_space<vmem>>
    %dma_wait3A_286 = tpu.memref_squeeze %dma_wait3A_285 : memref<1x16xi32, #tpu.memory_space<vmem>> -> memref<16xi32, #tpu.memory_space<vmem>>
    %dma_wait3A_287 = arith.constant 0 : i32
    %dma_wait3A_288 = arith.constant 0 : i32
    %dma_wait3A_289 = tpu.memref_slice %arg2[%dma_wait3A_287, %dma_wait3A_288] : memref<20000x64xf32, #tpu.memory_space<hbm>> -> memref<20000x64xf32, #tpu.memory_space<hbm>>
    tpu.wait_indirect_dma semaphore(%arg21 : memref<!tpu.dma_semaphore, #tpu.memory_space<semaphore_mem>>) src(%dma_wait3A_289 : memref<20000x64xf32, #tpu.memory_space<hbm>>) dst(%dma_wait3A_283 : memref<16x64xf32, #tpu.memory_space<vmem>>)
    %dma_wait3A_290 = arith.constant 159 : i32
    %dma_wait3A_291 = arith.constant 48 : i32
    %dma_wait3A_292 = arith.constant 0 : i32
    %dma_wait3A_293 = tpu.memref_slice %arg10[%dma_wait3A_291, %dma_wait3A_292] : memref<128x64xf32, #tpu.memory_space<vmem>> -> memref<16x64xf32, #tpu.memory_space<vmem>>
    %dma_wait3A_294 = arith.constant 48 : i32
    %dma_wait3A_295 = tpu.memref_slice %arg7[%dma_wait3A_290, %dma_wait3A_294] : memref<160x128xi32, #tpu.memory_space<vmem>> -> memref<1x16xi32, #tpu.memory_space<vmem>>
    %dma_wait3A_296 = tpu.memref_squeeze %dma_wait3A_295 : memref<1x16xi32, #tpu.memory_space<vmem>> -> memref<16xi32, #tpu.memory_space<vmem>>
    %dma_wait3A_297 = arith.constant 0 : i32
    %dma_wait3A_298 = arith.constant 0 : i32
    %dma_wait3A_299 = tpu.memref_slice %arg2[%dma_wait3A_297, %dma_wait3A_298] : memref<20000x64xf32, #tpu.memory_space<hbm>> -> memref<20000x64xf32, #tpu.memory_space<hbm>>
    tpu.wait_indirect_dma semaphore(%arg22 : memref<!tpu.dma_semaphore, #tpu.memory_space<semaphore_mem>>) src(%dma_wait3A_299 : memref<20000x64xf32, #tpu.memory_space<hbm>>) dst(%dma_wait3A_293 : memref<16x64xf32, #tpu.memory_space<vmem>>)
    %dma_wait3A_300 = arith.constant 159 : i32
    %dma_wait3A_301 = arith.constant 64 : i32
    %dma_wait3A_302 = arith.constant 0 : i32
    %dma_wait3A_303 = tpu.memref_slice %arg10[%dma_wait3A_301, %dma_wait3A_302] : memref<128x64xf32, #tpu.memory_space<vmem>> -> memref<16x64xf32, #tpu.memory_space<vmem>>
    %dma_wait3A_304 = arith.constant 64 : i32
    %dma_wait3A_305 = tpu.memref_slice %arg7[%dma_wait3A_300, %dma_wait3A_304] : memref<160x128xi32, #tpu.memory_space<vmem>> -> memref<1x16xi32, #tpu.memory_space<vmem>>
    %dma_wait3A_306 = tpu.memref_squeeze %dma_wait3A_305 : memref<1x16xi32, #tpu.memory_space<vmem>> -> memref<16xi32, #tpu.memory_space<vmem>>
    %dma_wait3A_307 = arith.constant 0 : i32
    %dma_wait3A_308 = arith.constant 0 : i32
    %dma_wait3A_309 = tpu.memref_slice %arg2[%dma_wait3A_307, %dma_wait3A_308] : memref<20000x64xf32, #tpu.memory_space<hbm>> -> memref<20000x64xf32, #tpu.memory_space<hbm>>
    tpu.wait_indirect_dma semaphore(%arg23 : memref<!tpu.dma_semaphore, #tpu.memory_space<semaphore_mem>>) src(%dma_wait3A_309 : memref<20000x64xf32, #tpu.memory_space<hbm>>) dst(%dma_wait3A_303 : memref<16x64xf32, #tpu.memory_space<vmem>>)
    %dma_wait3A_310 = arith.constant 159 : i32
    %dma_wait3A_311 = arith.constant 80 : i32
    %dma_wait3A_312 = arith.constant 0 : i32
    %dma_wait3A_313 = tpu.memref_slice %arg10[%dma_wait3A_311, %dma_wait3A_312] : memref<128x64xf32, #tpu.memory_space<vmem>> -> memref<16x64xf32, #tpu.memory_space<vmem>>
    %dma_wait3A_314 = arith.constant 80 : i32
    %dma_wait3A_315 = tpu.memref_slice %arg7[%dma_wait3A_310, %dma_wait3A_314] : memref<160x128xi32, #tpu.memory_space<vmem>> -> memref<1x16xi32, #tpu.memory_space<vmem>>
    %dma_wait3A_316 = tpu.memref_squeeze %dma_wait3A_315 : memref<1x16xi32, #tpu.memory_space<vmem>> -> memref<16xi32, #tpu.memory_space<vmem>>
    %dma_wait3A_317 = arith.constant 0 : i32
    %dma_wait3A_318 = arith.constant 0 : i32
    %dma_wait3A_319 = tpu.memref_slice %arg2[%dma_wait3A_317, %dma_wait3A_318] : memref<20000x64xf32, #tpu.memory_space<hbm>> -> memref<20000x64xf32, #tpu.memory_space<hbm>>
    tpu.wait_indirect_dma semaphore(%arg24 : memref<!tpu.dma_semaphore, #tpu.memory_space<semaphore_mem>>) src(%dma_wait3A_319 : memref<20000x64xf32, #tpu.memory_space<hbm>>) dst(%dma_wait3A_313 : memref<16x64xf32, #tpu.memory_space<vmem>>)
    %dma_wait3A_320 = arith.constant 159 : i32
    %dma_wait3A_321 = arith.constant 96 : i32
    %dma_wait3A_322 = arith.constant 0 : i32
    %dma_wait3A_323 = tpu.memref_slice %arg10[%dma_wait3A_321, %dma_wait3A_322] : memref<128x64xf32, #tpu.memory_space<vmem>> -> memref<16x64xf32, #tpu.memory_space<vmem>>
    %dma_wait3A_324 = arith.constant 96 : i32
    %dma_wait3A_325 = tpu.memref_slice %arg7[%dma_wait3A_320, %dma_wait3A_324] : memref<160x128xi32, #tpu.memory_space<vmem>> -> memref<1x16xi32, #tpu.memory_space<vmem>>
    %dma_wait3A_326 = tpu.memref_squeeze %dma_wait3A_325 : memref<1x16xi32, #tpu.memory_space<vmem>> -> memref<16xi32, #tpu.memory_space<vmem>>
    %dma_wait3A_327 = arith.constant 0 : i32
    %dma_wait3A_328 = arith.constant 0 : i32
    %dma_wait3A_329 = tpu.memref_slice %arg2[%dma_wait3A_327, %dma_wait3A_328] : memref<20000x64xf32, #tpu.memory_space<hbm>> -> memref<20000x64xf32, #tpu.memory_space<hbm>>
    tpu.wait_indirect_dma semaphore(%arg25 : memref<!tpu.dma_semaphore, #tpu.memory_space<semaphore_mem>>) src(%dma_wait3A_329 : memref<20000x64xf32, #tpu.memory_space<hbm>>) dst(%dma_wait3A_323 : memref<16x64xf32, #tpu.memory_space<vmem>>)
    %dma_wait3A_330 = arith.constant 159 : i32
    %dma_wait3A_331 = arith.constant 112 : i32
    %dma_wait3A_332 = arith.constant 0 : i32
    %dma_wait3A_333 = tpu.memref_slice %arg10[%dma_wait3A_331, %dma_wait3A_332] : memref<128x64xf32, #tpu.memory_space<vmem>> -> memref<16x64xf32, #tpu.memory_space<vmem>>
    %dma_wait3A_334 = arith.constant 112 : i32
    %dma_wait3A_335 = tpu.memref_slice %arg7[%dma_wait3A_330, %dma_wait3A_334] : memref<160x128xi32, #tpu.memory_space<vmem>> -> memref<1x16xi32, #tpu.memory_space<vmem>>
    %dma_wait3A_336 = tpu.memref_squeeze %dma_wait3A_335 : memref<1x16xi32, #tpu.memory_space<vmem>> -> memref<16xi32, #tpu.memory_space<vmem>>
    %dma_wait3A_337 = arith.constant 0 : i32
    %dma_wait3A_338 = arith.constant 0 : i32
    %dma_wait3A_339 = tpu.memref_slice %arg2[%dma_wait3A_337, %dma_wait3A_338] : memref<20000x64xf32, #tpu.memory_space<hbm>> -> memref<20000x64xf32, #tpu.memory_space<hbm>>
    tpu.wait_indirect_dma semaphore(%arg26 : memref<!tpu.dma_semaphore, #tpu.memory_space<semaphore_mem>>) src(%dma_wait3A_339 : memref<20000x64xf32, #tpu.memory_space<hbm>>) dst(%dma_wait3A_333 : memref<16x64xf32, #tpu.memory_space<vmem>>)
    %barrier3A_340 = arith.constant 0 : index
    tpu.barrier barrier_id(%barrier3A_340)
    "tpu.region"() ({
      %run_scoped3A = tpu.sem_alloc : memref<!tpu.dma_semaphore, #tpu.memory_space<semaphore_mem>>
      %dma_start3A_341 = arith.constant 0 : i32
      %dma_start3A_342 = tpu.memref_slice %arg5[%arg0, %mul3A_5, %dma_start3A_341] : memref<2x10112x64xf32, #tpu.memory_space<hbm>> -> memref<1x632x64xf32, #tpu.memory_space<hbm>>
      %dma_start3A_343 = tpu.memref_squeeze %dma_start3A_342 : memref<1x632x64xf32, #tpu.memory_space<hbm>> -> memref<632x64xf32, #tpu.memory_space<hbm>>
      %dma_start3A_344 = arith.constant 0 : i32
      %dma_start3A_345 = tpu.memref_slice %arg6[%mul3A_5, %dma_start3A_344] : memref<10112x64xf32, #tpu.memory_space<vmem_shared>> -> memref<632x64xf32, #tpu.memory_space<vmem_shared>>
      tpu.enqueue_dma source(%dma_start3A_345 : memref<632x64xf32, #tpu.memory_space<vmem_shared>>) target(%dma_start3A_343 : memref<632x64xf32, #tpu.memory_space<hbm>>) target_semaphore(%run_scoped3A : memref<!tpu.dma_semaphore, #tpu.memory_space<semaphore_mem>>)
      %dma_wait3A_346 = arith.constant 0 : i32
      %dma_wait3A_347 = tpu.memref_slice %arg5[%arg0, %mul3A_5, %dma_wait3A_346] : memref<2x10112x64xf32, #tpu.memory_space<hbm>> -> memref<1x632x64xf32, #tpu.memory_space<hbm>>
      %dma_wait3A_348 = tpu.memref_squeeze %dma_wait3A_347 : memref<1x632x64xf32, #tpu.memory_space<hbm>> -> memref<632x64xf32, #tpu.memory_space<hbm>>
      %dma_wait3A_349 = arith.constant 0 : i32
      %dma_wait3A_350 = tpu.memref_slice %arg6[%mul3A_5, %dma_wait3A_349] : memref<10112x64xf32, #tpu.memory_space<vmem_shared>> -> memref<632x64xf32, #tpu.memory_space<vmem_shared>>
      tpu.wait_dma2 semaphore(%run_scoped3A : memref<!tpu.dma_semaphore, #tpu.memory_space<semaphore_mem>>) src(%dma_wait3A_350 : memref<632x64xf32, #tpu.memory_space<vmem_shared>>) dst(%dma_wait3A_348 : memref<632x64xf32, #tpu.memory_space<hbm>>)
      tpu.yield
    }) : () -> ()
    return
  }
}

module attributes {stable_mosaic.version = 14 : i64} {
  func.func @_dense_body(%arg0: memref<10000x128xf32, #tpu.memory_space<vmem>>, %arg1: memref<2x10112x64xf32, #tpu.memory_space<vmem>>, %arg2: memref<128x128xf32, #tpu.memory_space<vmem>>, %arg3: memref<1x128xf32, #tpu.memory_space<vmem>>, %arg4: memref<1x128xf32, #tpu.memory_space<vmem>>, %arg5: memref<1x128xf32, #tpu.memory_space<vmem>>, %arg6: memref<10000x128xf32, #tpu.memory_space<vmem>>) attributes {dimension_semantics = [], scalar_prefetch = 0 : i64, scratch_operands = 0 : i64, tpu.core_type = #tpu.core_type<tc>} {
    %get3A = arith.constant 0 : index
    %get3A_0 = arith.constant 0 : index
    %get3A_1 = arith.constant 0 : index
    %get3A_2 = vector.load %arg1[%get3A, %get3A_0, %get3A_1] : memref<2x10112x64xf32, #tpu.memory_space<vmem>>, vector<1x10000x64xf32>
    %get3A_3 = vector.shape_cast %get3A_2 : vector<1x10000x64xf32> to vector<10000x64xf32>
    %get3A_4 = arith.constant 1 : index
    %get3A_5 = arith.constant 0 : index
    %get3A_6 = arith.constant 0 : index
    %get3A_7 = vector.load %arg1[%get3A_4, %get3A_5, %get3A_6] : memref<2x10112x64xf32, #tpu.memory_space<vmem>>, vector<1x10000x64xf32>
    %get3A_8 = vector.shape_cast %get3A_7 : vector<1x10000x64xf32> to vector<10000x64xf32>
    %concatenate3A = tpu.concatenate %get3A_3, %get3A_8 in 1 : vector<10000x64xf32>, vector<10000x64xf32> -> vector<10000x128xf32>
    %get3A_9 = arith.constant 0 : index
    %get3A_10 = arith.constant 0 : index
    %get3A_11 = vector.load %arg0[%get3A_9, %get3A_10] : memref<10000x128xf32, #tpu.memory_space<vmem>>, vector<10000x128xf32>
    %add3A = arith.addf %get3A_11, %concatenate3A : vector<10000x128xf32>
    %get3A_12 = arith.constant 0 : index
    %get3A_13 = arith.constant 0 : index
    %get3A_14 = vector.load %arg2[%get3A_12, %get3A_13] : memref<128x128xf32, #tpu.memory_space<vmem>>, vector<128x128xf32>
    %dot_general3A = arith.constant dense<0.000000e+00> : vector<10000x128xf32>
    %dot_general3A_15 = tpu.matmul %add3A, %get3A_14, %dot_general3A {dimension_numbers = #tpu.dot_dimension_numbers<[1], [0], [0], [1], [0, 0, 1, 1], [], []>, transpose_lhs_hint = false} : vector<10000x128xf32>, vector<128x128xf32>, vector<10000x128xf32> -> vector<10000x128xf32>
    %get3A_16 = arith.constant 0 : index
    %get3A_17 = arith.constant 0 : index
    %get3A_18 = vector.load %arg3[%get3A_16, %get3A_17] : memref<1x128xf32, #tpu.memory_space<vmem>>, vector<1x128xf32>
    %add3A_19 = vector.broadcast %get3A_18 : vector<1x128xf32> to vector<10000x128xf32>
    %add3A_20 = arith.addf %dot_general3A_15, %add3A_19 : vector<10000x128xf32>
    %reduce_sum3A = arith.constant dense<0.000000e+00> : vector<128xf32>
    %reduce_sum3A_21 = vector.multi_reduction <add>, %add3A_20, %reduce_sum3A [0] : vector<10000x128xf32> to vector<128xf32>
    %broadcast_in_dim3A = vector.shape_cast %reduce_sum3A_21 : vector<128xf32> to vector<1x128xf32>
    %div3A = arith.constant 1.000000e+04 : f32
    %div3A_22 = vector.broadcast %div3A : f32 to vector<1x128xf32>
    %div3A_23 = arith.divf %broadcast_in_dim3A, %div3A_22 : vector<1x128xf32>
    %sub3A = vector.broadcast %div3A_23 : vector<1x128xf32> to vector<10000x128xf32>
    %sub3A_24 = arith.subf %add3A_20, %sub3A : vector<10000x128xf32>
    %mul3A = arith.mulf %sub3A_24, %sub3A_24 : vector<10000x128xf32>
    %reduce_sum3A_25 = arith.constant dense<0.000000e+00> : vector<128xf32>
    %reduce_sum3A_26 = vector.multi_reduction <add>, %mul3A, %reduce_sum3A_25 [0] : vector<10000x128xf32> to vector<128xf32>
    %broadcast_in_dim3A_27 = vector.shape_cast %reduce_sum3A_26 : vector<128xf32> to vector<1x128xf32>
    %div3A_28 = arith.constant 1.000000e+04 : f32
    %div3A_29 = vector.broadcast %div3A_28 : f32 to vector<1x128xf32>
    %div3A_30 = arith.divf %broadcast_in_dim3A_27, %div3A_29 : vector<1x128xf32>
    %add3A_31 = arith.constant 9.99999974E-6 : f32
    %add3A_32 = vector.broadcast %add3A_31 : f32 to vector<1x128xf32>
    %add3A_33 = arith.addf %div3A_30, %add3A_32 : vector<1x128xf32>
    %rsqrt3A = math.rsqrt %add3A_33 : vector<1x128xf32>
    %mul3A_34 = vector.broadcast %rsqrt3A : vector<1x128xf32> to vector<10000x128xf32>
    %mul3A_35 = arith.mulf %sub3A_24, %mul3A_34 : vector<10000x128xf32>
    %get3A_36 = arith.constant 0 : index
    %get3A_37 = arith.constant 0 : index
    %get3A_38 = vector.load %arg4[%get3A_36, %get3A_37] : memref<1x128xf32, #tpu.memory_space<vmem>>, vector<1x128xf32>
    %mul3A_39 = vector.broadcast %get3A_38 : vector<1x128xf32> to vector<10000x128xf32>
    %mul3A_40 = arith.mulf %mul3A_35, %mul3A_39 : vector<10000x128xf32>
    %get3A_41 = arith.constant 0 : index
    %get3A_42 = arith.constant 0 : index
    %get3A_43 = vector.load %arg5[%get3A_41, %get3A_42] : memref<1x128xf32, #tpu.memory_space<vmem>>, vector<1x128xf32>
    %add3A_44 = vector.broadcast %get3A_43 : vector<1x128xf32> to vector<10000x128xf32>
    %add3A_45 = arith.addf %mul3A_40, %add3A_44 : vector<10000x128xf32>
    %max3A = arith.constant 0.000000e+00 : f32
    %max3A_46 = vector.broadcast %max3A : f32 to vector<10000x128xf32>
    %max3A_47 = arith.maximumf %add3A_45, %max3A_46 : vector<10000x128xf32>
    %swap3A = arith.constant 0 : index
    %swap3A_48 = arith.constant 0 : index
    %swap3A_49 = vector.load %arg6[%swap3A, %swap3A_48] : memref<10000x128xf32, #tpu.memory_space<vmem>>, vector<10000x128xf32>
    tpu.vector_store %arg6[%swap3A, %swap3A_48], %max3A_47 {strides = array<i32>} : memref<10000x128xf32, #tpu.memory_space<vmem>>, vector<10000x128xf32>,
    return
  }
}

module attributes {stable_mosaic.version = 14 : i64} {
  func.func @_dense_body(%arg0: memref<10000x128xf32, #tpu.memory_space<vmem>>, %arg1: memref<2x10112x64xf32, #tpu.memory_space<vmem>>, %arg2: memref<128x128xf32, #tpu.memory_space<vmem>>, %arg3: memref<1x128xf32, #tpu.memory_space<vmem>>, %arg4: memref<1x128xf32, #tpu.memory_space<vmem>>, %arg5: memref<1x128xf32, #tpu.memory_space<vmem>>, %arg6: memref<10000x128xf32, #tpu.memory_space<vmem>>) attributes {dimension_semantics = [], scalar_prefetch = 0 : i64, scratch_operands = 0 : i64, tpu.core_type = #tpu.core_type<tc>} {
    %get3A = arith.constant 0 : index
    %get3A_0 = arith.constant 0 : index
    %get3A_1 = arith.constant 0 : index
    %get3A_2 = vector.load %arg1[%get3A, %get3A_0, %get3A_1] : memref<2x10112x64xf32, #tpu.memory_space<vmem>>, vector<1x10000x64xf32>
    %get3A_3 = vector.shape_cast %get3A_2 : vector<1x10000x64xf32> to vector<10000x64xf32>
    %get3A_4 = arith.constant 1 : index
    %get3A_5 = arith.constant 0 : index
    %get3A_6 = arith.constant 0 : index
    %get3A_7 = vector.load %arg1[%get3A_4, %get3A_5, %get3A_6] : memref<2x10112x64xf32, #tpu.memory_space<vmem>>, vector<1x10000x64xf32>
    %get3A_8 = vector.shape_cast %get3A_7 : vector<1x10000x64xf32> to vector<10000x64xf32>
    %concatenate3A = tpu.concatenate %get3A_3, %get3A_8 in 1 : vector<10000x64xf32>, vector<10000x64xf32> -> vector<10000x128xf32>
    %get3A_9 = arith.constant 0 : index
    %get3A_10 = arith.constant 0 : index
    %get3A_11 = vector.load %arg0[%get3A_9, %get3A_10] : memref<10000x128xf32, #tpu.memory_space<vmem>>, vector<10000x128xf32>
    %add3A = arith.addf %get3A_11, %concatenate3A : vector<10000x128xf32>
    %get3A_12 = arith.constant 0 : index
    %get3A_13 = arith.constant 0 : index
    %get3A_14 = vector.load %arg2[%get3A_12, %get3A_13] : memref<128x128xf32, #tpu.memory_space<vmem>>, vector<128x128xf32>
    %dot_general3A = arith.constant dense<0.000000e+00> : vector<10000x128xf32>
    %dot_general3A_15 = tpu.matmul %add3A, %get3A_14, %dot_general3A {dimension_numbers = #tpu.dot_dimension_numbers<[1], [0], [0], [1], [0, 0, 1, 1], [], []>, transpose_lhs_hint = false} : vector<10000x128xf32>, vector<128x128xf32>, vector<10000x128xf32> -> vector<10000x128xf32>
    %get3A_16 = arith.constant 0 : index
    %get3A_17 = arith.constant 0 : index
    %get3A_18 = vector.load %arg3[%get3A_16, %get3A_17] : memref<1x128xf32, #tpu.memory_space<vmem>>, vector<1x128xf32>
    %add3A_19 = vector.broadcast %get3A_18 : vector<1x128xf32> to vector<10000x128xf32>
    %add3A_20 = arith.addf %dot_general3A_15, %add3A_19 : vector<10000x128xf32>
    %reduce_sum3A = arith.constant dense<0.000000e+00> : vector<128xf32>
    %reduce_sum3A_21 = vector.multi_reduction <add>, %add3A_20, %reduce_sum3A [0] : vector<10000x128xf32> to vector<128xf32>
    %broadcast_in_dim3A = vector.shape_cast %reduce_sum3A_21 : vector<128xf32> to vector<1x128xf32>
    %div3A = arith.constant 1.000000e+04 : f32
    %div3A_22 = vector.broadcast %div3A : f32 to vector<1x128xf32>
    %div3A_23 = arith.divf %broadcast_in_dim3A, %div3A_22 : vector<1x128xf32>
    %sub3A = vector.broadcast %div3A_23 : vector<1x128xf32> to vector<10000x128xf32>
    %sub3A_24 = arith.subf %add3A_20, %sub3A : vector<10000x128xf32>
    %mul3A = arith.mulf %sub3A_24, %sub3A_24 : vector<10000x128xf32>
    %reduce_sum3A_25 = arith.constant dense<0.000000e+00> : vector<128xf32>
    %reduce_sum3A_26 = vector.multi_reduction <add>, %mul3A, %reduce_sum3A_25 [0] : vector<10000x128xf32> to vector<128xf32>
    %broadcast_in_dim3A_27 = vector.shape_cast %reduce_sum3A_26 : vector<128xf32> to vector<1x128xf32>
    %div3A_28 = arith.constant 1.000000e+04 : f32
    %div3A_29 = vector.broadcast %div3A_28 : f32 to vector<1x128xf32>
    %div3A_30 = arith.divf %broadcast_in_dim3A_27, %div3A_29 : vector<1x128xf32>
    %add3A_31 = arith.constant 9.99999974E-6 : f32
    %add3A_32 = vector.broadcast %add3A_31 : f32 to vector<1x128xf32>
    %add3A_33 = arith.addf %div3A_30, %add3A_32 : vector<1x128xf32>
    %rsqrt3A = math.rsqrt %add3A_33 : vector<1x128xf32>
    %mul3A_34 = vector.broadcast %rsqrt3A : vector<1x128xf32> to vector<10000x128xf32>
    %mul3A_35 = arith.mulf %sub3A_24, %mul3A_34 : vector<10000x128xf32>
    %get3A_36 = arith.constant 0 : index
    %get3A_37 = arith.constant 0 : index
    %get3A_38 = vector.load %arg4[%get3A_36, %get3A_37] : memref<1x128xf32, #tpu.memory_space<vmem>>, vector<1x128xf32>
    %mul3A_39 = vector.broadcast %get3A_38 : vector<1x128xf32> to vector<10000x128xf32>
    %mul3A_40 = arith.mulf %mul3A_35, %mul3A_39 : vector<10000x128xf32>
    %get3A_41 = arith.constant 0 : index
    %get3A_42 = arith.constant 0 : index
    %get3A_43 = vector.load %arg5[%get3A_41, %get3A_42] : memref<1x128xf32, #tpu.memory_space<vmem>>, vector<1x128xf32>
    %add3A_44 = vector.broadcast %get3A_43 : vector<1x128xf32> to vector<10000x128xf32>
    %add3A_45 = arith.addf %mul3A_40, %add3A_44 : vector<10000x128xf32>
    %max3A = arith.constant 0.000000e+00 : f32
    %max3A_46 = vector.broadcast %max3A : f32 to vector<10000x128xf32>
    %max3A_47 = arith.maximumf %add3A_45, %max3A_46 : vector<10000x128xf32>
    %swap3A = arith.constant 0 : index
    %swap3A_48 = arith.constant 0 : index
    %swap3A_49 = vector.load %arg6[%swap3A, %swap3A_48] : memref<10000x128xf32, #tpu.memory_space<vmem>>, vector<10000x128xf32>
    tpu.vector_store %arg6[%swap3A, %swap3A_48], %max3A_47 {strides = array<i32>} : memref<10000x128xf32, #tpu.memory_space<vmem>>, vector<10000x128xf32>,
    return
  }
}

</mosaic_0001>

<sc_bundles>
// kernel: kernel.11.cloned.1.call-start
scs
__scs_entry_jumppad:
0x0: {  	(pc) =	sbr.rel $0x88, $3  }
0x1: {  	(tag) =	ssettag $0x0;
	lr =	simm.s32 $0x1  }
0x2: {  	[smem:$0x3F9B] =	sst lr;
	_ =	strace $0xD0000000  }
0x3: {  	_ = 	snop  }
0x4: {  	_ = 	snop  }
0x5: {  	_ = 	snop  }
0x6: {  	_ = 	snop  }
0x7: {  	_ = 	snop  }
__scs_overlays_trampoline_lowered:
0x8: {  	[smem:$0x3FAA] =	sst s0  }
0x9: {  	[smem:$0x3FAB] =	sst s1  }
0xa: {  	[smem:$0x3FAC] =	sst s2  }
0xb: {  	[smem:$0x3FAD] =	sst s3  }
0xc: {  	[smem:$0x3FAE] =	sst s4  }
0xd: {  	[smem:$0x3FAF] =	sst s5  }
0xe: {  	[smem:$0x3FB0] =	sst s6  }
0xf: {  	[smem:$0x3FB1] =	sst s7  }
0x10: {  	[smem:$0x3FB2] =	sst s8  }
0x11: {  	[smem:$0x3FB3] =	sst s9;
	s0 =	simm.s32 @!p0 $0x0  }
0x12: {  	s1 =	sld [smem:$0x3F99];
	s0 =	simm.s32 @p0 $0x1  }
0x13: {  	[smem:$0x3FB4] =	sst s0;
	s0 =	simm.s32 @!p1 $0x0  }
0x14: {  	s2 =	sld [smem:$0x3F98];
	s0 =	simm.s32 @p1 $0x1  }
0x15: {  	[smem:$0x3FB5] =	sst s0;
	s0 =	simm.s32 @!p2 $0x0  }
0x16: {  	s3 =	sld [smem:$0x3FDB];
	s0 =	simm.s32 @p2 $0x1  }
0x17: {  	s4 =	simm.s32 $0x1BF5;
	[smem:$0x3FB7] =	sst s0  }
0x18: {  	s0 =	sld [smem:$0x3F9A];
	_ =	swait.ge [sflag:s4], $0x0  }
0x19: {  	s7 =	sld [smem:$0x3F9B]  }
0x1a: {  	s8 =	sadd.s32 $0xFFFFE003, lr  }
0x1b: {  	s9 =	sadd.s32 $0xFFFFFEF7, lr;
	s5 =	simm.s32 $0xFFFFFFFF;
	p2 =	slt.u32 s8, $0xFFFFF086  }
0x1c: {  	p1 =	slt.u32 s9, $0xF7A;
	s5 =	simm.s32 @!p2 $0x0  }
0x1d: {  	s5 =	simm.s32 @p1 $0x1;
	p0 =	seq.s32 s7, s2  }
0x1e: {  	s7 =	smul.u32 @!p0 $0xF7A, s2;
	p2 =	seq.s32 @!p0 s5, $0x0  }
0x1f: {  	s9 =	smul.u32 $0xF7A, s1;
	s8 =	simm.s32 @!p0 $0x1BF5;
	p2 =	por !p2, p0  }
0x20: {  	[sflag:s8] =	ssyncset.s32 @!p0 $0xFFFFF086;
	s6 =	sadd.s32 @!p0 s3, s7;
	s7 =	simm.s32 @!p0 $0x108  }
0x21: {  	s3 =	sadd.s32 s3, s9;
	s6 =	sadd.s32 @!p0 $0x88, s6;
	s7 =	simm.s32 @p2 $0x1082  }
0x22: {  	[simem:s7], [sflag:s8] =	dma.local @!p0 [hbm:s6], $0xF7A  }
0x23: {  	s9 =	sor.u32 $0xD0000000, s2;
	s6 =	simm.s32 $0x108;
	_ =	swait.ge @!p0 [sflag:s8], $0x0  }
0x24: {  	s3 =	sadd.s32 $0x88, s3;
	s6 =	simm.s32 @!p1 $0x1082;
	[sflag:s4] =	ssyncset.s32 $0xFFFFF086  }
0x25: {  	[simem:s6], [sflag:s4] =	dma.local [hbm:s3], $0xF7A  }
0x26: {  	[smem:$0x3F9B] =	sst s1;
	(tag) =	ssettag s2;
	_ =	strace s9  }
0x27: {  	s1 =	sld [smem:$0x3FAB]  }
0x28: {  	s2 =	sld [smem:$0x3FAC]  }
0x29: {  	s4 =	sld [smem:$0x3FAE]  }
0x2a: {  	p0 =	seq.s32 s5, $0x0;
	s5 =	sld [smem:$0x3FAF]  }
0x2b: {  	s6 =	sld [smem:$0x3FB0]  }
0x2c: {  	s7 =	sld [smem:$0x3FB1]  }
0x2d: {  	s3 =	simm.s32 $0x108;
	s8 =	sld [smem:$0x3FB2]  }
0x2e: {  	s3 =	simm.s32 @!p0 $0x1082;
	s9 =	sld [smem:$0x3FB3]  }
0x2f: {  	lr =	sadd.s32 s0, s3;
	s0 =	sld [smem:$0x3FAA]  }
0x30: {  	s3 =	sld [smem:$0x3FAD]  }
0x31: {  	[smem:$0x3FB6] =	sst s10  }
0x32: {  	s10 =	sld [smem:$0x3FB4];
	_ =	sdelay $0x3  }
0x33: {  	p0 =	seq.s32 s10, $0x1;
	s10 =	sld [smem:$0x3FB6];
	_ =	sdelay $0x3  }
0x34: {  	[smem:$0x3FB6] =	sst s10  }
0x35: {  	s10 =	sld [smem:$0x3FB5];
	_ =	sdelay $0x3  }
0x36: {  	p1 =	seq.s32 s10, $0x1;
	s10 =	sld [smem:$0x3FB6];
	_ =	sdelay $0x3  }
0x37: {  	[smem:$0x3FB6] =	sst s10  }
0x38: {  	s10 =	sld [smem:$0x3FB7]  }
0x39: {  	_ = 	snop;
	(pc) =	sbr.ind lr, $3  }
0x3a: {  	_ = 	snop  }
0x3b: {  	_ = 	snop  }
0x3c: {  	p2 =	seq.s32 s10, $0x1;
	s10 =	sld [smem:$0x3FB6]  }
0x3d: {  	_ =	shalt  }
0x3e: {  	_ =	shalt  }
0x3f: {  	_ =	shalt  }
0x40: {  	_ =	shalt  }
0x41: {  	_ =	shalt  }
0x42: {  	_ =	shalt  }
0x43: {  	_ =	shalt  }
0x44: {  	_ =	shalt  }
0x45: {  	_ =	shalt  }
0x46: {  	_ =	shalt  }
0x47: {  	_ =	shalt  }
0x48: {  	_ =	shalt  }
0x49: {  	_ =	shalt  }
0x4a: {  	_ =	shalt  }
0x4b: {  	_ =	shalt  }
0x4c: {  	_ =	shalt  }
0x4d: {  	_ =	shalt  }
0x4e: {  	_ =	shalt  }
0x4f: {  	_ =	shalt  }
0x50: {  	_ =	shalt  }
0x51: {  	_ =	shalt  }
0x52: {  	_ =	shalt  }
0x53: {  	_ =	shalt  }
0x54: {  	_ =	shalt  }
0x55: {  	_ =	shalt  }
0x56: {  	_ =	shalt  }
0x57: {  	_ =	shalt  }
0x58: {  	_ =	shalt  }
0x59: {  	_ =	shalt  }
0x5a: {  	_ =	shalt  }
0x5b: {  	_ =	shalt  }
0x5c: {  	_ =	shalt  }
0x5d: {  	_ =	shalt  }
0x5e: {  	_ =	shalt  }
0x5f: {  	_ =	shalt  }
0x60: {  	_ =	shalt  }
0x61: {  	_ =	shalt  }
0x62: {  	_ =	shalt  }
0x63: {  	_ =	shalt  }
0x64: {  	_ =	shalt  }
0x65: {  	_ =	shalt  }
0x66: {  	_ =	shalt  }
0x67: {  	_ =	shalt  }
0x68: {  	_ =	shalt  }
0x69: {  	_ =	shalt  }
0x6a: {  	_ =	shalt  }
0x6b: {  	_ =	shalt  }
0x6c: {  	_ =	shalt  }
0x6d: {  	_ =	shalt  }
0x6e: {  	_ =	shalt  }
0x6f: {  	_ =	shalt  }
0x70: {  	_ =	shalt  }
0x71: {  	_ =	shalt  }
0x72: {  	_ =	shalt  }
0x73: {  	_ =	shalt  }
0x74: {  	_ =	shalt  }
0x75: {  	_ =	shalt  }
0x76: {  	_ =	shalt  }
0x77: {  	_ =	shalt  }
0x78: {  	_ =	shalt  }
0x79: {  	_ =	shalt  }
0x7a: {  	_ =	shalt  }
0x7b: {  	_ =	shalt  }
0x7c: {  	_ =	shalt  }
0x7d: {  	_ =	shalt  }
0x7e: {  	_ =	shalt  }
0x7f: {  	_ =	shalt  }
0x80: {  	_ =	shalt  }
0x81: {  	_ =	shalt  }
0x82: {  	_ =	shalt  }
0x83: {  	_ =	shalt  }
0x84: {  	_ =	shalt  }
0x85: {  	_ =	shalt  }
0x86: {  	_ =	shalt  }
0x87: {  	_ =	shalt  }
.Lfunc_end0:
.L_simem_size_0:
called_computation.1_lowered:
.L_overlay_start_0:
0x88: {  	s2 =	sld [smem:$0x3FD9]  }
0x89: {  	s3 =	sld [smem:$0x3FFE];
	_ =	sdelay $0x1  }
0x8a: {  	s1 =	srdreg.scid  }
0x8b: {  	s0 =	sand.u32 $0x1, s1  }
0x8c: {  	s17 =	sshll.u32 s0, $0xA;
	s2 =	sadd.s32 s3, s2  }
0x8d: {  	s2 =	sadd.s32 s2, s17  }
0x8e: {  	[smem:$0x3FC2] =	sst s2  }
0x8f: {  	_ = 	snop  }
0x90: {  	s2 =	sld [smem:$0x3FD0];
	(tm) =	ssettm $0x1  }
0x91: {  	s18 =	sld [smem:$0x3FFB];
	_ =	sdelay $0x3  }
0x92: {  	_ =	strace s18  }
0x93: {  	s3 =	sld [smem:$0x3FFC];
	_ =	sdelay $0x3  }
0x94: {  	_ =	strace s3  }
0x95: {  	s3 =	sld [smem:$0x3FFD];
	_ =	sdelay $0x3  }
0x96: {  	_ =	strace s3  }
0x97: {  	_ =	strace $0x8FFFFFFF  }
0x98: {  	s19 =	sld [smem:$0x3FDB];
	_ =	sdelay $0x1  }
0x99: {  	s4 =	simm.s32 $_scs_section_size  }
0x9a: {  	s5 =	simm.s32 $_size__tile_overlayer_lowered;
	s6 =	simm.s32 $_tile_overlayer_lowered  }
0x9b: {  	s22 =	simm.s32 $0x1BFF;
	s21 =	sshll.u32 s6, $0x1;
	s3 =	sadd.s32 s4, s19  }
0x9c: {  	s7 =	simm.s32 $0x0;
	s20 =	sshll.u32 s5, $0x1;
	s5 =	sadd.s32 s21, s3  }
0x9d: {  	[timem:s7], [sflag:s22] =	dma.local [hbm:s5], s20  }
0x9e: {  	_ =	swait.ge [sflag:s22], s20  }
0x9f: {  	s4 =	ssub.s32 $0x0, s20;
	[sflag:s22] =	ssyncset.done $0x0  }
0xa0: {  	[sflag:s22] =	ssyncadd.s32 s4;
	_ =	sdelay $0x1  }
0xa1: {  	s23 =	simm.s32 $0x1B8B  }
0xa2: {  	_ =	swait.ge [sflag:s23], $0x1  }
0xa3: {  	[sflag:s23] =	ssyncset.done $0x0  }
0xa4: {  	s25 =	simm.s32 $0x1B8E;
	s24 =	sld [smem:$0x3FFE];
	[sflag:s23] =	ssyncadd.s32 $0xFFFFFFFF  }
0xa5: {  	s26 =	simm.s32 $execute0_lowered;
	[smem:$0x3FD2] =	sst s25  }
0xa6: {  	s5 =	sshll.u32 s26, $0x1;
	_ =	strace $0x80000049;
	[dreg:$0x1] =	wrdreg $0xFFFFFFFF  }
0xa7: {  	s28 =	simm.s32 $_size_execute0_lowered;
	s3 =	sadd.s32 s3, s5;
	[dreg:$0x0] =	wrdreg $0x0  }
0xa8: {  	s5 =	sshll.u32 s28, $0x1;
	[dreg:$0x2] =	wrdreg s3  }
0xa9: {  	[dreg:$0x3] =	wrdreg s5  }
0xaa: {  	[dreg:$0x4] =	wrdreg $0xC0  }
0xab: {  	_ =	task [dreg:s7], $0x5FFFF  }
0xac: {  	[dreg:$0x1] =	wrdreg $0xFFFFFFFF  }
0xad: {  	[dreg:$0x0] =	wrdreg $0x60  }
0xae: {  	[dreg:$0x2] =	wrdreg s2  }
0xaf: {  	[dreg:$0x3] =	wrdreg s24  }
0xb0: {  	[dreg:$0x4] =	wrdreg $0x0  }
0xb1: {  	[dreg:$0x5] =	wrdreg $0x9  }
0xb2: {  	_ =	task.clear_ibuf [dreg:s7], $0x6FFFF;
	_ =	strace $0x90000049  }
0xb3: {  	s29 =	simm.s32 $0x9;
	_ =	strace $0x8000004B  }
0xb4: {  	_ =	swait.ge [sflag:s29], $0x1  }
0xb5: {  	[sflag:s29] =	ssyncadd.s32 $0xFFFFFFFF  }
0xb6: {  	_ =	strace $0x9000004B  }
0xb7: {  	_ =	sfence  }
0xb8: {  	s30 =	sld [smem:$0x0];
	_ =	sdelay $0x2  }
0xb9: {  	s31 =	sshll.u32 s1, $0xD;
	s1 =	sshrl.u32 s1, $0x2  }
0xba: {  	s3 =	sand.u32 $0x4000, s31;
	s1 =	sadd.s32 s1, s30  }
0xbb: {  	s0 =	sor.u32 s3, s0;
	s1 =	sshll.u32 s1, $0x11  }
0xbc: {  	s0 =	sor.u32 s1, s0  }
0xbd: {  	s0 =	sadd.s32 $0x8F2B, s0  }
0xbe: {  	[sflag:s0] =	ssyncadd.remote.s32 $0x1  }
0xbf: {  	_ =	sfence.sel $0xFFFF  }
0xc0: {  	[dreg:$0x0] =	wrdreg $0xFFFFFFFF;
	(pc) =	sbr.abs _section_cstart, $3  }
0xc1: {  	[dreg:$0x1] =	wrdreg $0xFFFFFFFF  }
0xc2: {  	_ =	task.clear_ibuf [dreg:s7], $0x2FFFF;
	_ =	strace $0x9FFFFFFF  }
0xc3: {  	(tm) =	ssettm $0x7FFFFFFF  }
tec
execute0_lowered:
.L_overlay_start_1:
0x0: {  	(tag) =	ssettag $0x1  }
0x1: {  	s1 =	rddreg [dreg:$0x0]  }
0x2: {  	s0 =	srdreg.scid;
	s2 =	rddreg [dreg:$0x1]  }
0x3: {  	s8 =	stileid.u32;
	s30 =	rddreg [dreg:$0x2];
	s7 =	simm.s32 $0x0  }
0x4: {  	s15 =	simm.s32 $0x11;
	s18 =	simm.s32 $0x10;
	s5 =	smul.u32 $0x5000, s8  }
0x5: {  	s3 =	simm.s32 $0x15D00;
	s14 =	simm.s32 $0x4;
	s6 =	smul.u32 $0x9E00, s8  }
0x6: {  	s9 =	simm.s32 $0x6;
	s10 =	simm.s32 $0x7;
	s21 =	smul.u32 $0x9E0, s8  }
0x7: {  	s11 =	simm.s32 $0x8;
	s0 =	sand.u32 $0x1, s0;
	s8 =	smul.u32 $0x27800, s8  }
0x8: {  	s12 =	simm.s32 $0x80;
	s13 =	simm.s32 $0x9;
	s4 =	smul.u32 $0x50000, s0  }
0x9: {  	s29 =	simm.s32 $0xF;
	[smem:$0x7FF] =	sst s7;
	s20 =	smul.u32 $0x9E000, s0  }
0xa: {  	_ =	strace $0x8000004A;
	s0 =	ssub.s32 $0x2, s0;
	s7 =	sadd.s32 s21, s2  }
0xb: {  	s22 =	sshrl.u32 s0, $0x1;
	s8 =	sshrl.u32 s8, $0x2;
	s25 =	sadd.s32 s6, s30  }
0xc: {  	s4 =	sadd.s32 s5, s4;
	s5 =	sadd.s32 s6, s20;
	s0 =	ssub.s32 s0, s22  }
0xd: {  	s23 =	sadd.s32 s8, s30;
	s24 =	sadd.s32 $0x3000, s7;
	[dreg:$0x6] =	wrdreg s25  }
0xe: {  	s6 =	simm.s32 $0x3;
	s8 =	simm.s32 $0x5;
	s7 =	simm.s32 $0xA  }
0xf: {  	s20 =	simm.s32 $0xB;
	s22 =	simm.s32 $0xC;
	s4 =	sshrl.u32 s4, $0x3  }
0x10: {  	s5 =	sshrl.u32 s5, $0x3;
	[dreg:$0x5] =	wrdreg s24;
	s26 =	sadd.s32 $0x2000, s23  }
0x11: {  	s28 =	sadd.s32 $0x4000, s23;
	s31 =	sadd.s32 $0x6000, s23;
	[dreg:$0x7] =	wrdreg s26  }
0x12: {  	s0 =	smax.u32 s0, $0x1;
	s24 =	simm.s32 $0xD;
	[dreg:$0x8] =	wrdreg s28  }
0x13: {  	s4 =	sadd.s32 s4, s2;
	s2 =	sadd.s32 s5, s2;
	[dreg:$0x9] =	wrdreg s31  }
0x14: {  	[dreg:$0xc] =	wrdreg s0;
	s5 =	simm.s32 $0x2;
	s4 =	sadd.s32 $0xCE00, s4  }
0x15: {  	s26 =	simm.s32 $0xE;
	s2 =	sadd.s32 $0x20E00, s2;
	[dreg:$0x4] =	wrdreg s4  }
0x16: {  	s0 =	simm.s32 $0x0;
	s4 =	sadd.s32 $0x8000, s23;
	[dreg:$0xb] =	wrdreg s2  }
0x17: {  	v0 =	vimm.f32 $0.0e+00;
	s2 =	simm.s32 $0x13D00;
	[dreg:$0xa] =	wrdreg s4;
	s4 =	simm.s32 $0x1  }
.LBB2_1:
0x18: {  	[dreg:$0xd] =	wrdreg s0  }
0x19: {  	s16 =	simm.s32 $0x0;
	s25 =	rddreg [dreg:$0x4];
	s31 =	simm.s32 $0x9E00  }
0x1a: {  	[tilespmem:s31], [sflag:$0x11] =	stream.linear.gather [hbm4b:s25+s16], $0x5000, $0x38;
	[tilespmem:$0x17D00] =	vst v63  }
0x1b: {  	_ =	swait.ge [sflag:s15], $0x5000  }
0x1c: {  	[sflag:s15] =	ssyncset.done $0x0  }
0x1d: {  	s31 =	simm.s32 $0xEE00;
	s28 =	rddreg [dreg:$0x5];
	[sflag:s15] =	ssyncadd.s32 $0xFFFFB000  }
0x1e: {  	[tilespmem:s31], [sflag:$0x11] =	stream.linear.gather [hbm4b:s28+s16], $0x4F00, $0x38;
	[tilespmem:$0x17D00] =	vst v63  }
0x1f: {  	_ =	swait.ge [sflag:s15], $0x4F00  }
0x20: {  	[sflag:s15] =	ssyncset.done $0x0  }
0x21: {  	s31 =	simm.s32 $0x100;
	s16 =	simm.s32 $0x0;
	[sflag:s15] =	ssyncadd.s32 $0xFFFFB100  }
.LBB2_2:
0x22: {  	p0 =	sne.s32 s31, $0x7F00;
	[tilespmem:s16+$0x13D30] =	vst v0;
	s25 =	smov.u32 s31;
	s31 =	sadd.s32 $0x100, s31  }
.Ltmp0:
0x23: {  	[tilespmem:s16+$0x13D20] =	vst v0;
	(pc) =	sbr.rel @p0 .LBB2_2-.Ltmp0, $3  }
0x24: {  	[tilespmem:s16+$0x13D00] =	vst v0  }
0x25: {  	[tilespmem:s16+$0x13D10] =	vst v0;
	_ =	sdelay $0x1  }
0x26: {  	s16 =	sshra.s32 s25, $0x2  }
0x27: {  	[tilespmem:s16+$0x13D30] =	vst v0  }
0x28: {  	[tilespmem:s16+$0x13D20] =	vst v0  }
0x29: {  	[tilespmem:s16+$0x13D00] =	vst v0  }
0x2a: {  	[tilespmem:s16+$0x13D10] =	vst v0;
	s19 =	rddreg [dreg:$0x6]  }
0x2b: {  	[spmem:s19] =	stream.linear.scatter [tilespmem:s2], [sflag:$0x11], $0x2000, $0x38;
	[tilespmem:$0x17D00] =	vst v63  }
0x2c: {  	_ =	swait.ge [sflag:s15], $0x2000  }
0x2d: {  	[sflag:s15] =	ssyncset.done $0x0  }
0x2e: {  	s21 =	rddreg [dreg:$0x7];
	[sflag:s15] =	ssyncadd.s32 $0xFFFFE000  }
0x2f: {  	[spmem:s21] =	stream.linear.scatter [tilespmem:s2], [sflag:$0x11], $0x2000, $0x38;
	[tilespmem:$0x17D00] =	vst v63  }
0x30: {  	_ =	swait.ge [sflag:s15], $0x2000  }
0x31: {  	[sflag:s15] =	ssyncset.done $0x0  }
0x32: {  	s23 =	rddreg [dreg:$0x8];
	[sflag:s15] =	ssyncadd.s32 $0xFFFFE000  }
0x33: {  	[spmem:s23] =	stream.linear.scatter [tilespmem:s2], [sflag:$0x11], $0x2000, $0x38;
	[tilespmem:$0x17D00] =	vst v63  }
0x34: {  	_ =	swait.ge [sflag:s15], $0x2000  }
0x35: {  	[sflag:s15] =	ssyncset.done $0x0  }
0x36: {  	s25 =	rddreg [dreg:$0x9];
	[sflag:s15] =	ssyncadd.s32 $0xFFFFE000  }
0x37: {  	[spmem:s25] =	stream.linear.scatter [tilespmem:s2], [sflag:$0x11], $0x2000, $0x38;
	[tilespmem:$0x17D00] =	vst v63  }
0x38: {  	_ =	swait.ge [sflag:s15], $0x2000  }
0x39: {  	[sflag:s15] =	ssyncset.done $0x0  }
0x3a: {  	s28 =	rddreg [dreg:$0xa];
	[sflag:s15] =	ssyncadd.s32 $0xFFFFE000  }
0x3b: {  	[spmem:s28] =	stream.linear.scatter [tilespmem:s2], [sflag:$0x11], $0x1E00, $0x38;
	[tilespmem:$0x17D00] =	vst v63  }
0x3c: {  	_ =	swait.ge [sflag:s15], $0x1E00  }
0x3d: {  	[sflag:s15] =	ssyncset.done $0x0  }
0x3e: {  	[sflag:s15] =	ssyncadd.s32 $0xFFFFE200  }
0x3f: {  	s0 =	simm.s32 $0x9E00;
	[bflag:$0x0] =	sbarrier.arrive $0xFFFF  }
0x40: {  	[tilespmem:s2], [sflag:$0x1] =	stream.indirect.gather [hbm4b:s1+s18], $0x40, s0, s18, $0xb8;
	[tilespmem:$0x17D00] =	vst v63  }
0x41: {  	s17 =	simm.s32 $0x9E10;
	s31 =	simm.s32 $0x14100  }
0x42: {  	[tilespmem:s31], [sflag:$0x2] =	stream.indirect.gather [hbm4b:s1+s18], $0x40, s17, s18, $0xb8;
	[tilespmem:$0x17D00] =	vst v63  }
0x43: {  	s19 =	simm.s32 $0x9E20;
	s0 =	simm.s32 $0x14500  }
0x44: {  	[tilespmem:s0], [sflag:$0x3] =	stream.indirect.gather [hbm4b:s1+s18], $0x40, s19, s18, $0xb8;
	[tilespmem:$0x17D00] =	vst v63  }
0x45: {  	s21 =	simm.s32 $0x9E30;
	s23 =	simm.s32 $0x14900  }
0x46: {  	[tilespmem:s23], [sflag:$0x4] =	stream.indirect.gather [hbm4b:s1+s18], $0x40, s21, s18, $0xb8;
	[tilespmem:$0x17D00] =	vst v63  }
0x47: {  	s25 =	simm.s32 $0x9E40;
	s28 =	simm.s32 $0x14D00  }
0x48: {  	[tilespmem:s28], [sflag:$0x5] =	stream.indirect.gather [hbm4b:s1+s18], $0x40, s25, s18, $0xb8;
	[tilespmem:$0x17D00] =	vst v63  }
0x49: {  	s21 =	simm.s32 $0x9E50;
	s23 =	simm.s32 $0x15100  }
0x4a: {  	[tilespmem:s23], [sflag:$0x6] =	stream.indirect.gather [hbm4b:s1+s18], $0x40, s21, s18, $0xb8;
	[tilespmem:$0x17D00] =	vst v63  }
0x4b: {  	s25 =	simm.s32 $0x9E60;
	s28 =	simm.s32 $0x15500  }
0x4c: {  	[tilespmem:s28], [sflag:$0x7] =	stream.indirect.gather [hbm4b:s1+s18], $0x40, s25, s18, $0xb8;
	[tilespmem:$0x17D00] =	vst v63  }
0x4d: {  	s21 =	simm.s32 $0x9E70;
	s28 =	simm.s32 $0x15900  }
0x4e: {  	[tilespmem:s28], [sflag:$0x8] =	stream.indirect.gather [hbm4b:s1+s18], $0x40, s21, s18, $0xb8;
	[tilespmem:$0x17D00] =	vst v63  }
0x4f: {  	s23 =	simm.s32 $0x9E80  }
0x50: {  	[tilespmem:s3], [sflag:$0x9] =	stream.indirect.gather [hbm4b:s1+s18], $0x40, s23, s18, $0xb8;
	[tilespmem:$0x17D00] =	vst v63  }
0x51: {  	s25 =	simm.s32 $0x9E90;
	s21 =	simm.s32 $0x16100  }
0x52: {  	[tilespmem:s21], [sflag:$0xA] =	stream.indirect.gather [hbm4b:s1+s18], $0x40, s25, s18, $0xb8;
	[tilespmem:$0x17D00] =	vst v63  }
0x53: {  	s0 =	simm.s32 $0x9EA0;
	s23 =	simm.s32 $0x16500  }
0x54: {  	[tilespmem:s23], [sflag:$0xB] =	stream.indirect.gather [hbm4b:s1+s18], $0x40, s0, s18, $0xb8;
	[tilespmem:$0x17D00] =	vst v63  }
0x55: {  	s25 =	simm.s32 $0x9EB0;
	s23 =	simm.s32 $0x16900  }
0x56: {  	[tilespmem:s23], [sflag:$0xC] =	stream.indirect.gather [hbm4b:s1+s18], $0x40, s25, s18, $0xb8;
	[tilespmem:$0x17D00] =	vst v63  }
0x57: {  	s0 =	simm.s32 $0x9EC0;
	s25 =	simm.s32 $0x16D00  }
0x58: {  	[tilespmem:s25], [sflag:$0xD] =	stream.indirect.gather [hbm4b:s1+s18], $0x40, s0, s18, $0xb8;
	[tilespmem:$0x17D00] =	vst v63  }
0x59: {  	s0 =	simm.s32 $0x9ED0;
	s25 =	simm.s32 $0x17100  }
0x5a: {  	[tilespmem:s25], [sflag:$0xE] =	stream.indirect.gather [hbm4b:s1+s18], $0x40, s0, s18, $0xb8;
	[tilespmem:$0x17D00] =	vst v63  }
0x5b: {  	s0 =	simm.s32 $0x9EE0;
	s25 =	simm.s32 $0x17500  }
0x5c: {  	[tilespmem:s25], [sflag:$0xF] =	stream.indirect.gather [hbm4b:s1+s18], $0x40, s0, s18, $0xb8;
	[tilespmem:$0x17D00] =	vst v63  }
0x5d: {  	s0 =	simm.s32 $0x9EF0;
	s25 =	simm.s32 $0x17900  }
0x5e: {  	[tilespmem:s25], [sflag:$0x10] =	stream.indirect.gather [hbm4b:s1+s18], $0x40, s0, s18, $0xb8;
	[tilespmem:$0x17D00] =	vst v63  }
0x5f: {  	_ =	swait.ge [sflag:s4], $0x400  }
0x60: {  	[sflag:s4] =	ssyncset.done $0x0  }
0x61: {  	[sflag:s4] =	ssyncadd.s32 $0xFFFFFC00  }
0x62: {  	_ =	swait.ge [sflag:s5], $0x400  }
0x63: {  	[sflag:s5] =	ssyncset.done $0x0  }
0x64: {  	[sflag:s5] =	ssyncadd.s32 $0xFFFFFC00  }
0x65: {  	_ =	swait.ge [sflag:s6], $0x400  }
0x66: {  	[sflag:s6] =	ssyncset.done $0x0  }
0x67: {  	[sflag:s6] =	ssyncadd.s32 $0xFFFFFC00  }
0x68: {  	_ =	swait.ge [sflag:s14], $0x400  }
0x69: {  	[sflag:s14] =	ssyncset.done $0x0  }
0x6a: {  	[sflag:s14] =	ssyncadd.s32 $0xFFFFFC00  }
0x6b: {  	_ =	swait.ge [sflag:s8], $0x400  }
0x6c: {  	[sflag:s8] =	ssyncset.done $0x0  }
0x6d: {  	[sflag:s8] =	ssyncadd.s32 $0xFFFFFC00  }
0x6e: {  	_ =	swait.ge [sflag:s9], $0x400  }
0x6f: {  	[sflag:s9] =	ssyncset.done $0x0  }
0x70: {  	[sflag:s9] =	ssyncadd.s32 $0xFFFFFC00  }
0x71: {  	_ =	swait.ge [sflag:s10], $0x400  }
0x72: {  	[sflag:s10] =	ssyncset.done $0x0  }
0x73: {  	[sflag:s10] =	ssyncadd.s32 $0xFFFFFC00  }
0x74: {  	_ =	swait.ge [sflag:s11], $0x400  }
0x75: {  	[sflag:s11] =	ssyncset.done $0x0  }
0x76: {  	s0 =	simm.s32 $0xEE00;
	[sflag:s11] =	ssyncadd.s32 $0xFFFFFC00  }
0x77: {  	[spmem:s30] =	stream.indirect.scatter.add.f32 [tilespmem:s2], [sflag:$0x11], $0x40, s0, s12, $0xb8;
	[tilespmem:$0x17D00] =	vst v63  }
0x78: {  	_ =	swait.ge [sflag:s15], $0x2000  }
0x79: {  	[sflag:s15] =	ssyncset.done $0x0  }
0x7a: {  	s0 =	simm.s32 $0x9F00;
	[sflag:s15] =	ssyncadd.s32 $0xFFFFE000  }
0x7b: {  	[tilespmem:s2], [sflag:$0x1] =	stream.indirect.gather [hbm4b:s1+s18], $0x40, s0, s18, $0xb8;
	[tilespmem:$0x17D00] =	vst v63  }
0x7c: {  	s2 =	simm.s32 $0x9F10  }
0x7d: {  	[tilespmem:s31], [sflag:$0x2] =	stream.indirect.gather [hbm4b:s1+s18], $0x40, s2, s18, $0xb8;
	[tilespmem:$0x17D00] =	vst v63  }
0x7e: {  	s17 =	simm.s32 $0x14500;
	s0 =	simm.s32 $0x9F20  }
0x7f: {  	[tilespmem:s17], [sflag:$0x3] =	stream.indirect.gather [hbm4b:s1+s18], $0x40, s0, s18, $0xb8;
	[tilespmem:$0x17D00] =	vst v63  }
0x80: {  	s19 =	simm.s32 $0x14900;
	s2 =	simm.s32 $0x9F30  }
0x81: {  	[tilespmem:s19], [sflag:$0x4] =	stream.indirect.gather [hbm4b:s1+s18], $0x40, s2, s18, $0xb8;
	[tilespmem:$0x17D00] =	vst v63  }
0x82: {  	s17 =	simm.s32 $0x9F40;
	s19 =	simm.s32 $0x14D00  }
0x83: {  	[tilespmem:s19], [sflag:$0x5] =	stream.indirect.gather [hbm4b:s1+s18], $0x40, s17, s18, $0xb8;
	[tilespmem:$0x17D00] =	vst v63  }
0x84: {  	s0 =	simm.s32 $0x9F50;
	s2 =	simm.s32 $0x15100  }
0x85: {  	[tilespmem:s2], [sflag:$0x6] =	stream.indirect.gather [hbm4b:s1+s18], $0x40, s0, s18, $0xb8;
	[tilespmem:$0x17D00] =	vst v63  }
0x86: {  	s17 =	simm.s32 $0x9F60;
	s19 =	simm.s32 $0x15500  }
0x87: {  	[tilespmem:s19], [sflag:$0x7] =	stream.indirect.gather [hbm4b:s1+s18], $0x40, s17, s18, $0xb8;
	[tilespmem:$0x17D00] =	vst v63  }
0x88: {  	s2 =	simm.s32 $0x9F70  }
0x89: {  	[tilespmem:s28], [sflag:$0x8] =	stream.indirect.gather [hbm4b:s1+s18], $0x40, s2, s18, $0xb8;
	[tilespmem:$0x17D00] =	vst v63  }
0x8a: {  	_ =	swait.ge [sflag:s13], $0x400  }
0x8b: {  	[sflag:s13] =	ssyncset.done $0x0  }
0x8c: {  	[sflag:s13] =	ssyncadd.s32 $0xFFFFFC00  }
0x8d: {  	_ =	swait.ge [sflag:s7], $0x400  }
0x8e: {  	[sflag:s7] =	ssyncset.done $0x0  }
0x8f: {  	[sflag:s7] =	ssyncadd.s32 $0xFFFFFC00  }
0x90: {  	_ =	swait.ge [sflag:s20], $0x400  }
0x91: {  	[sflag:s20] =	ssyncset.done $0x0  }
0x92: {  	[sflag:s20] =	ssyncadd.s32 $0xFFFFFC00  }
0x93: {  	_ =	swait.ge [sflag:s22], $0x400  }
0x94: {  	[sflag:s22] =	ssyncset.done $0x0  }
0x95: {  	[sflag:s22] =	ssyncadd.s32 $0xFFFFFC00  }
0x96: {  	_ =	swait.ge [sflag:s24], $0x400  }
0x97: {  	[sflag:s24] =	ssyncset.done $0x0  }
0x98: {  	[sflag:s24] =	ssyncadd.s32 $0xFFFFFC00  }
0x99: {  	_ =	swait.ge [sflag:s26], $0x400  }
0x9a: {  	[sflag:s26] =	ssyncset.done $0x0  }
0x9b: {  	[sflag:s26] =	ssyncadd.s32 $0xFFFFFC00  }
0x9c: {  	_ =	swait.ge [sflag:s29], $0x400  }
0x9d: {  	[sflag:s29] =	ssyncset.done $0x0  }
0x9e: {  	[sflag:s29] =	ssyncadd.s32 $0xFFFFFC00  }
0x9f: {  	_ =	swait.ge [sflag:s18], $0x400  }
0xa0: {  	[sflag:s18] =	ssyncset.done $0x0  }
0xa1: {  	s17 =	simm.s32 $0xEE80;
	[sflag:s18] =	ssyncadd.s32 $0xFFFFFC00  }
0xa2: {  	[spmem:s30] =	stream.indirect.scatter.add.f32 [tilespmem:s3], [sflag:$0x11], $0x40, s17, s12, $0xb8;
	[tilespmem:$0x17D00] =	vst v63  }
0xa3: {  	_ =	swait.ge [sflag:s15], $0x2000  }
0xa4: {  	[sflag:s15] =	ssyncset.done $0x0  }
0xa5: {  	s19 =	simm.s32 $0x9F80;
	[sflag:s15] =	ssyncadd.s32 $0xFFFFE000  }
0xa6: {  	[tilespmem:s3], [sflag:$0x9] =	stream.indirect.gather [hbm4b:s1+s18], $0x40, s19, s18, $0xb8;
	[tilespmem:$0x17D00] =	vst v63  }
0xa7: {  	s28 =	simm.s32 $0x9F90  }
0xa8: {  	[tilespmem:s21], [sflag:$0xA] =	stream.indirect.gather [hbm4b:s1+s18], $0x40, s28, s18, $0xb8;
	[tilespmem:$0x17D00] =	vst v63  }
0xa9: {  	s16 =	simm.s32 $0x9FE0;
	s0 =	simm.s32 $0x9FA0;
	s3 =	simm.s32 $0x16500  }
0xaa: {  	[tilespmem:s3], [sflag:$0xB] =	stream.indirect.gather [hbm4b:s1+s18], $0x40, s0, s18, $0xb8;
	[tilespmem:$0x17D00] =	vst v63  }
0xab: {  	s31 =	simm.s32 $0x400;
	s2 =	simm.s32 $0x16500;
	s17 =	simm.s32 $0x9FB0  }
0xac: {  	[tilespmem:s23], [sflag:$0xC] =	stream.indirect.gather [hbm4b:s1+s18], $0x40, s17, s18, $0xb8;
	[tilespmem:$0x17D00] =	vst v63  }
0xad: {  	s19 =	simm.s32 $0x9FC0;
	s21 =	simm.s32 $0x13D00;
	s28 =	simm.s32 $0x16D00  }
0xae: {  	[tilespmem:s28], [sflag:$0xD] =	stream.indirect.gather [hbm4b:s1+s18], $0x40, s19, s18, $0xb8;
	[tilespmem:$0x17D00] =	vst v63  }
0xaf: {  	s0 =	simm.s32 $0x16900;
	s17 =	simm.s32 $0x9FD0;
	s28 =	simm.s32 $0x17100  }
0xb0: {  	[tilespmem:s28], [sflag:$0xE] =	stream.indirect.gather [hbm4b:s1+s18], $0x40, s17, s18, $0xb8;
	[tilespmem:$0x17D00] =	vst v63  }
0xb1: {  	s3 =	simm.s32 $0x16D00;
	s23 =	simm.s32 $0x15D00;
	s28 =	simm.s32 $0x17500  }
0xb2: {  	[tilespmem:s28], [sflag:$0xF] =	stream.indirect.gather [hbm4b:s1+s18], $0x40, s16, s18, $0xb8;
	[tilespmem:$0x17D00] =	vst v63  }
0xb3: {  	s19 =	simm.s32 $0x17100;
	s17 =	simm.s32 $0x17500;
	s16 =	simm.s32 $0x9FF0  }
.LBB2_4:
0xb4: {  	[tilespmem:s25], [sflag:$0x10] =	stream.indirect.gather [hbm4b:s1+s18], $0x40, s16, s18, $0xb8;
	[tilespmem:$0x17D00] =	vst v63  }
0xb5: {  	s16 =	smov.u32 s31  }
0xb6: {  	p0 =	sne.s32 s31, $0x13800;
	s31 =	sadd.s32 $0x400, s31;
	_ =	swait.ge [sflag:s4], $0x400  }
0xb7: {  	[sflag:s4] =	ssyncset.done $0x0  }
0xb8: {  	[sflag:s4] =	ssyncadd.s32 $0xFFFFFC00  }
0xb9: {  	_ =	swait.ge [sflag:s5], $0x400  }
0xba: {  	[sflag:s5] =	ssyncset.done $0x0  }
0xbb: {  	[sflag:s5] =	ssyncadd.s32 $0xFFFFFC00  }
0xbc: {  	_ =	swait.ge [sflag:s6], $0x400  }
0xbd: {  	[sflag:s6] =	ssyncset.done $0x0  }
0xbe: {  	[sflag:s6] =	ssyncadd.s32 $0xFFFFFC00  }
0xbf: {  	_ =	swait.ge [sflag:s14], $0x400  }
0xc0: {  	[sflag:s14] =	ssyncset.done $0x0  }
0xc1: {  	[sflag:s14] =	ssyncadd.s32 $0xFFFFFC00  }
0xc2: {  	_ =	swait.ge [sflag:s8], $0x400  }
0xc3: {  	[sflag:s8] =	ssyncset.done $0x0  }
0xc4: {  	[sflag:s8] =	ssyncadd.s32 $0xFFFFFC00  }
0xc5: {  	_ =	swait.ge [sflag:s9], $0x400  }
0xc6: {  	[sflag:s9] =	ssyncset.done $0x0  }
0xc7: {  	[sflag:s9] =	ssyncadd.s32 $0xFFFFFC00  }
0xc8: {  	_ =	swait.ge [sflag:s10], $0x400  }
0xc9: {  	[sflag:s10] =	ssyncset.done $0x0  }
0xca: {  	[sflag:s10] =	ssyncadd.s32 $0xFFFFFC00  }
0xcb: {  	_ =	swait.ge [sflag:s11], $0x400  }
0xcc: {  	s16 =	sshra.s32 s16, $0x2;
	[sflag:s11] =	ssyncset.done $0x0  }
0xcd: {  	s25 =	sadd.s32 $0xEE00, s16;
	[sflag:s11] =	ssyncadd.s32 $0xFFFFFC00  }
0xce: {  	[spmem:s30] =	stream.indirect.scatter.add.f32 [tilespmem:s21], [sflag:$0x11], $0x40, s25, s12, $0xb8;
	[tilespmem:$0x17D00] =	vst v63  }
0xcf: {  	_ =	swait.ge [sflag:s15], $0x2000  }
0xd0: {  	[sflag:s15] =	ssyncset.done $0x0  }
0xd1: {  	s25 =	sadd.s32 $0x9F00, s16;
	[sflag:s15] =	ssyncadd.s32 $0xFFFFE000  }
0xd2: {  	[tilespmem:s21], [sflag:$0x1] =	stream.indirect.gather [hbm4b:s1+s18], $0x40, s25, s18, $0xb8;
	[tilespmem:$0x17D00] =	vst v63  }
0xd3: {  	s28 =	simm.s32 $0x14100;
	s25 =	sadd.s32 $0x9F10, s16  }
0xd4: {  	[tilespmem:s28], [sflag:$0x2] =	stream.indirect.gather [hbm4b:s1+s18], $0x40, s25, s18, $0xb8;
	[tilespmem:$0x17D00] =	vst v63  }
0xd5: {  	s25 =	sadd.s32 $0x9F20, s16;
	s28 =	simm.s32 $0x14500  }
0xd6: {  	[tilespmem:s28], [sflag:$0x3] =	stream.indirect.gather [hbm4b:s1+s18], $0x40, s25, s18, $0xb8;
	[tilespmem:$0x17D00] =	vst v63  }
0xd7: {  	s25 =	sadd.s32 $0x9F30, s16;
	s28 =	simm.s32 $0x14900  }
0xd8: {  	[tilespmem:s28], [sflag:$0x4] =	stream.indirect.gather [hbm4b:s1+s18], $0x40, s25, s18, $0xb8;
	[tilespmem:$0x17D00] =	vst v63  }
0xd9: {  	s25 =	sadd.s32 $0x9F40, s16;
	s28 =	simm.s32 $0x14D00  }
0xda: {  	[tilespmem:s28], [sflag:$0x5] =	stream.indirect.gather [hbm4b:s1+s18], $0x40, s25, s18, $0xb8;
	[tilespmem:$0x17D00] =	vst v63  }
0xdb: {  	s25 =	sadd.s32 $0x9F50, s16;
	s28 =	simm.s32 $0x15100  }
0xdc: {  	[tilespmem:s28], [sflag:$0x6] =	stream.indirect.gather [hbm4b:s1+s18], $0x40, s25, s18, $0xb8;
	[tilespmem:$0x17D00] =	vst v63  }
0xdd: {  	s25 =	sadd.s32 $0x9F60, s16;
	s28 =	simm.s32 $0x15500  }
0xde: {  	[tilespmem:s28], [sflag:$0x7] =	stream.indirect.gather [hbm4b:s1+s18], $0x40, s25, s18, $0xb8;
	[tilespmem:$0x17D00] =	vst v63  }
0xdf: {  	s25 =	sadd.s32 $0x9F70, s16;
	s28 =	simm.s32 $0x15900  }
0xe0: {  	[tilespmem:s28], [sflag:$0x8] =	stream.indirect.gather [hbm4b:s1+s18], $0x40, s25, s18, $0xb8;
	[tilespmem:$0x17D00] =	vst v63  }
0xe1: {  	_ =	swait.ge [sflag:s13], $0x400  }
0xe2: {  	[sflag:s13] =	ssyncset.done $0x0  }
0xe3: {  	[sflag:s13] =	ssyncadd.s32 $0xFFFFFC00  }
0xe4: {  	_ =	swait.ge [sflag:s7], $0x400  }
0xe5: {  	[sflag:s7] =	ssyncset.done $0x0  }
0xe6: {  	[sflag:s7] =	ssyncadd.s32 $0xFFFFFC00  }
0xe7: {  	_ =	swait.ge [sflag:s20], $0x400  }
0xe8: {  	[sflag:s20] =	ssyncset.done $0x0  }
0xe9: {  	[sflag:s20] =	ssyncadd.s32 $0xFFFFFC00  }
0xea: {  	_ =	swait.ge [sflag:s22], $0x400  }
0xeb: {  	[sflag:s22] =	ssyncset.done $0x0  }
0xec: {  	[sflag:s22] =	ssyncadd.s32 $0xFFFFFC00  }
0xed: {  	_ =	swait.ge [sflag:s24], $0x400  }
0xee: {  	[sflag:s24] =	ssyncset.done $0x0  }
0xef: {  	[sflag:s24] =	ssyncadd.s32 $0xFFFFFC00  }
0xf0: {  	_ =	swait.ge [sflag:s26], $0x400  }
0xf1: {  	[sflag:s26] =	ssyncset.done $0x0  }
0xf2: {  	[sflag:s26] =	ssyncadd.s32 $0xFFFFFC00  }
0xf3: {  	_ =	swait.ge [sflag:s29], $0x400  }
0xf4: {  	[sflag:s29] =	ssyncset.done $0x0  }
0xf5: {  	[sflag:s29] =	ssyncadd.s32 $0xFFFFFC00  }
0xf6: {  	_ =	swait.ge [sflag:s18], $0x400  }
0xf7: {  	[sflag:s18] =	ssyncset.done $0x0  }
0xf8: {  	s25 =	sadd.s32 $0xEE80, s16;
	[sflag:s18] =	ssyncadd.s32 $0xFFFFFC00  }
0xf9: {  	[spmem:s30] =	stream.indirect.scatter.add.f32 [tilespmem:s23], [sflag:$0x11], $0x40, s25, s12, $0xb8;
	[tilespmem:$0x17D00] =	vst v63  }
0xfa: {  	_ =	swait.ge [sflag:s15], $0x2000  }
0xfb: {  	[sflag:s15] =	ssyncset.done $0x0  }
0xfc: {  	s25 =	sadd.s32 $0x9F80, s16;
	[sflag:s15] =	ssyncadd.s32 $0xFFFFE000  }
0xfd: {  	[tilespmem:s23], [sflag:$0x9] =	stream.indirect.gather [hbm4b:s1+s18], $0x40, s25, s18, $0xb8;
	[tilespmem:$0x17D00] =	vst v63  }
0xfe: {  	s28 =	simm.s32 $0x16100;
	s25 =	sadd.s32 $0x9F90, s16  }
0xff: {  	[tilespmem:s28], [sflag:$0xA] =	stream.indirect.gather [hbm4b:s1+s18], $0x40, s25, s18, $0xb8;
	[tilespmem:$0x17D00] =	vst v63  }
0x100: {  	s25 =	sadd.s32 $0x9FA0, s16  }
0x101: {  	[tilespmem:s2], [sflag:$0xB] =	stream.indirect.gather [hbm4b:s1+s18], $0x40, s25, s18, $0xb8;
	[tilespmem:$0x17D00] =	vst v63  }
0x102: {  	s25 =	sadd.s32 $0x9FB0, s16  }
0x103: {  	[tilespmem:s0], [sflag:$0xC] =	stream.indirect.gather [hbm4b:s1+s18], $0x40, s25, s18, $0xb8;
	[tilespmem:$0x17D00] =	vst v63  }
0x104: {  	s25 =	sadd.s32 $0x9FC0, s16  }
0x105: {  	[tilespmem:s3], [sflag:$0xD] =	stream.indirect.gather [hbm4b:s1+s18], $0x40, s25, s18, $0xb8;
	[tilespmem:$0x17D00] =	vst v63  }
0x106: {  	s25 =	sadd.s32 $0x9FD0, s16  }
0x107: {  	[tilespmem:s19], [sflag:$0xE] =	stream.indirect.gather [hbm4b:s1+s18], $0x40, s25, s18, $0xb8;
	[tilespmem:$0x17D00] =	vst v63  }
.Ltmp1:
0x108: {  	_ = 	snop;
	(pc) =	sbr.rel @p0 .LBB2_4-.Ltmp1, $4  }
0x109: {  	s25 =	sadd.s32 $0x9FE0, s16  }
0x10a: {  	[tilespmem:s17], [sflag:$0xF] =	stream.indirect.gather [hbm4b:s1+s18], $0x40, s25, s18, $0xb8;
	[tilespmem:$0x17D00] =	vst v63  }
0x10b: {  	s25 =	simm.s32 $0x17900  }
0x10c: {  	s16 =	sadd.s32 $0x9FF0, s16  }
0x10d: {  	[tilespmem:s25], [sflag:$0x10] =	stream.indirect.gather [hbm4b:s1+s18], $0x40, s16, s18, $0xb8;
	[tilespmem:$0x17D00] =	vst v63  }
0x10e: {  	_ =	swait.ge [sflag:s4], $0x400  }
0x10f: {  	[sflag:s4] =	ssyncset.done $0x0  }
0x110: {  	[sflag:s4] =	ssyncadd.s32 $0xFFFFFC00  }
0x111: {  	_ =	swait.ge [sflag:s5], $0x400  }
0x112: {  	[sflag:s5] =	ssyncset.done $0x0  }
0x113: {  	[sflag:s5] =	ssyncadd.s32 $0xFFFFFC00  }
0x114: {  	_ =	swait.ge [sflag:s6], $0x400  }
0x115: {  	[sflag:s6] =	ssyncset.done $0x0  }
0x116: {  	[sflag:s6] =	ssyncadd.s32 $0xFFFFFC00  }
0x117: {  	_ =	swait.ge [sflag:s14], $0x400  }
0x118: {  	[sflag:s14] =	ssyncset.done $0x0  }
0x119: {  	[sflag:s14] =	ssyncadd.s32 $0xFFFFFC00  }
0x11a: {  	_ =	swait.ge [sflag:s8], $0x400  }
0x11b: {  	[sflag:s8] =	ssyncset.done $0x0  }
0x11c: {  	[sflag:s8] =	ssyncadd.s32 $0xFFFFFC00  }
0x11d: {  	_ =	swait.ge [sflag:s9], $0x400  }
0x11e: {  	[sflag:s9] =	ssyncset.done $0x0  }
0x11f: {  	[sflag:s9] =	ssyncadd.s32 $0xFFFFFC00  }
0x120: {  	_ =	swait.ge [sflag:s10], $0x400  }
0x121: {  	[sflag:s10] =	ssyncset.done $0x0  }
0x122: {  	[sflag:s10] =	ssyncadd.s32 $0xFFFFFC00  }
0x123: {  	_ =	swait.ge [sflag:s11], $0x400  }
0x124: {  	[sflag:s11] =	ssyncset.done $0x0  }
0x125: {  	[sflag:s11] =	ssyncadd.s32 $0xFFFFFC00  }
0x126: {  	_ =	swait.ge [sflag:s13], $0x400  }
0x127: {  	[sflag:s13] =	ssyncset.done $0x0  }
0x128: {  	[sflag:s13] =	ssyncadd.s32 $0xFFFFFC00  }
0x129: {  	_ =	swait.ge [sflag:s7], $0x400  }
0x12a: {  	[sflag:s7] =	ssyncset.done $0x0  }
0x12b: {  	[sflag:s7] =	ssyncadd.s32 $0xFFFFFC00  }
0x12c: {  	_ =	swait.ge [sflag:s20], $0x400  }
0x12d: {  	[sflag:s20] =	ssyncset.done $0x0  }
0x12e: {  	[sflag:s20] =	ssyncadd.s32 $0xFFFFFC00  }
0x12f: {  	_ =	swait.ge [sflag:s22], $0x400  }
0x130: {  	[sflag:s22] =	ssyncset.done $0x0  }
0x131: {  	[sflag:s22] =	ssyncadd.s32 $0xFFFFFC00  }
0x132: {  	_ =	swait.ge [sflag:s24], $0x400  }
0x133: {  	[sflag:s24] =	ssyncset.done $0x0  }
0x134: {  	[sflag:s24] =	ssyncadd.s32 $0xFFFFFC00  }
0x135: {  	_ =	swait.ge [sflag:s26], $0x400  }
0x136: {  	[sflag:s26] =	ssyncset.done $0x0  }
0x137: {  	[sflag:s26] =	ssyncadd.s32 $0xFFFFFC00  }
0x138: {  	_ =	swait.ge [sflag:s29], $0x400  }
0x139: {  	[sflag:s29] =	ssyncset.done $0x0  }
0x13a: {  	[sflag:s29] =	ssyncadd.s32 $0xFFFFFC00  }
0x13b: {  	_ =	swait.ge [sflag:s18], $0x400  }
0x13c: {  	[sflag:s18] =	ssyncset.done $0x0  }
0x13d: {  	[sflag:s18] =	ssyncadd.s32 $0xFFFFFC00  }
0x13e: {  	s25 =	stileid.u32;
	[bflag:$0x0] =	sbarrier.arrive $0xFFFF  }
0x13f: {  	s16 =	sshll.u32 s25, $0x6;
	s28 =	rddreg [dreg:$0x6]  }
0x140: {  	s16 =	sor.u32 $0x1C11, s16;
	s31 =	rddreg [dreg:$0xb];
	s25 =	sshrl.u32 s28, $0x3  }
0x141: {  	[hbm:s31], [sflag:s16] =	dma.local [spmem:s25], $0x13C0  }
0x142: {  	_ =	swait.ge [sflag:s15], $0x13C0  }
0x143: {  	s0 =	rddreg [dreg:$0xd]  }
0x144: {  	s31 =	rddreg [dreg:$0xc];
	s0 =	sadd.s32 $0x1, s0  }
0x145: {  	p0 =	sne.s32 s0, s31  }
.Ltmp2:
0x146: {  	_ = 	snop;
	(pc) =	sbr.rel @p0 .LBB2_1-.Ltmp2, $3  }
0x147: {  	_ =	sdelay $0x1  }
0x148: {  	[sflag:s15] =	ssyncset.done $0x0  }
0x149: {  	s2 =	simm.s32 $0x13D00;
	s3 =	simm.s32 $0x15D00;
	[sflag:s15] =	ssyncadd.s32 $0xFFFFEC40  }
0x14a: {  	_ =	sfence.sel $0x180000  }
0x14b: {  	[bflag:$0x0] =	sbarrier.arrive $0xFFFF  }
0x14c: {  	_ =	strace $0x9000004A  }
0x14d: {  	s0 =	stileid.u32;
	[bflag:$0x2] =	sbarrier.arrive $0xFFFF  }
0x14e: {  	p0 =	sne.s32 s0, $0x0;
	s0 =	rddreg [dreg:$0x3]  }
0x14f: {  	s0 =	sadd.s32 @!p0 $0x100000, s0  }
0x150: {  	[sflag:s0] =	ssyncadd.tile.s32 @!p0 $0x1;
	_ =	shalt  }
.Lfunc_end2:
_tile_overlayer_lowered:
.L_overlay_start_2:
0x151: {  	(tag) =	ssettag $0x2  }
0x152: {  	s0 =	rddreg [dreg:$0x0];
	s2 =	stileid.u32  }
0x153: {  	s1 =	rddreg [dreg:$0x1];
	p0 =	sne.s32 s2, $0x0  }
0x154: {  	s3 =	rddreg [dreg:$0x2];
	[bflag:$0x3] =	sbarrier.arrive $0xFFFF;
	s2 =	simm.s32 @!p0 $0x1C11  }
0x155: {  	[timem:s3], [sflag:s2] =	dma.local @!p0 [hbm:s0], s1  }
0x156: {  	s0 =	simm.s32 @!p0 $0x11  }
0x157: {  	_ =	swait.ge @!p0 [sflag:s0], s1  }
0x158: {  	s1 =	ssub.s32 @!p0 $0x0, s1;
	[sflag:s0] =	ssyncset.done @!p0 $0x0  }
0x159: {  	[sflag:s0] =	ssyncadd.s32 @!p0 s1  }
0x15a: {  	[bflag:$0x3] =	sbarrier.arrive $0xFFFF  }
0x15b: {  	_ =	shalt  }

// kernel: kernel.14.cloned.1.call-start
scs
__scs_entry_jumppad:
0x0: {  	(pc) =	sbr.rel $0x88, $3  }
0x1: {  	(tag) =	ssettag $0x0;
	lr =	simm.s32 $0x1  }
0x2: {  	[smem:$0x3F9B] =	sst lr;
	_ =	strace $0xD0000000  }
0x3: {  	_ = 	snop  }
0x4: {  	_ = 	snop  }
0x5: {  	_ = 	snop  }
0x6: {  	_ = 	snop  }
0x7: {  	_ = 	snop  }
__scs_overlays_trampoline_lowered:
0x8: {  	[smem:$0x3FAA] =	sst s0  }
0x9: {  	[smem:$0x3FAB] =	sst s1  }
0xa: {  	[smem:$0x3FAC] =	sst s2  }
0xb: {  	[smem:$0x3FAD] =	sst s3  }
0xc: {  	[smem:$0x3FAE] =	sst s4  }
0xd: {  	[smem:$0x3FAF] =	sst s5  }
0xe: {  	[smem:$0x3FB0] =	sst s6  }
0xf: {  	[smem:$0x3FB1] =	sst s7  }
0x10: {  	[smem:$0x3FB2] =	sst s8  }
0x11: {  	[smem:$0x3FB3] =	sst s9;
	s0 =	simm.s32 @!p0 $0x0  }
0x12: {  	s1 =	sld [smem:$0x3F99];
	s0 =	simm.s32 @p0 $0x1  }
0x13: {  	[smem:$0x3FB4] =	sst s0;
	s0 =	simm.s32 @!p1 $0x0  }
0x14: {  	s2 =	sld [smem:$0x3F98];
	s0 =	simm.s32 @p1 $0x1  }
0x15: {  	[smem:$0x3FB5] =	sst s0;
	s0 =	simm.s32 @!p2 $0x0  }
0x16: {  	s3 =	sld [smem:$0x3FDB];
	s0 =	simm.s32 @p2 $0x1  }
0x17: {  	s4 =	simm.s32 $0x1BF5;
	[smem:$0x3FB7] =	sst s0  }
0x18: {  	s0 =	sld [smem:$0x3F9A];
	_ =	swait.ge [sflag:s4], $0x0  }
0x19: {  	s7 =	sld [smem:$0x3F9B]  }
0x1a: {  	s8 =	sadd.s32 $0xFFFFE003, lr  }
0x1b: {  	s9 =	sadd.s32 $0xFFFFFEF7, lr;
	s5 =	simm.s32 $0xFFFFFFFF;
	p2 =	slt.u32 s8, $0xFFFFF086  }
0x1c: {  	p1 =	slt.u32 s9, $0xF7A;
	s5 =	simm.s32 @!p2 $0x0  }
0x1d: {  	s5 =	simm.s32 @p1 $0x1;
	p0 =	seq.s32 s7, s2  }
0x1e: {  	s7 =	smul.u32 @!p0 $0xF7A, s2;
	p2 =	seq.s32 @!p0 s5, $0x0  }
0x1f: {  	s9 =	smul.u32 $0xF7A, s1;
	s8 =	simm.s32 @!p0 $0x1BF5;
	p2 =	por !p2, p0  }
0x20: {  	[sflag:s8] =	ssyncset.s32 @!p0 $0xFFFFF086;
	s6 =	sadd.s32 @!p0 s3, s7;
	s7 =	simm.s32 @!p0 $0x108  }
0x21: {  	s3 =	sadd.s32 s3, s9;
	s6 =	sadd.s32 @!p0 $0x88, s6;
	s7 =	simm.s32 @p2 $0x1082  }
0x22: {  	[simem:s7], [sflag:s8] =	dma.local @!p0 [hbm:s6], $0xF7A  }
0x23: {  	s9 =	sor.u32 $0xD0000000, s2;
	s6 =	simm.s32 $0x108;
	_ =	swait.ge @!p0 [sflag:s8], $0x0  }
0x24: {  	s3 =	sadd.s32 $0x88, s3;
	s6 =	simm.s32 @!p1 $0x1082;
	[sflag:s4] =	ssyncset.s32 $0xFFFFF086  }
0x25: {  	[simem:s6], [sflag:s4] =	dma.local [hbm:s3], $0xF7A  }
0x26: {  	[smem:$0x3F9B] =	sst s1;
	(tag) =	ssettag s2;
	_ =	strace s9  }
0x27: {  	s1 =	sld [smem:$0x3FAB]  }
0x28: {  	s2 =	sld [smem:$0x3FAC]  }
0x29: {  	s4 =	sld [smem:$0x3FAE]  }
0x2a: {  	p0 =	seq.s32 s5, $0x0;
	s5 =	sld [smem:$0x3FAF]  }
0x2b: {  	s6 =	sld [smem:$0x3FB0]  }
0x2c: {  	s7 =	sld [smem:$0x3FB1]  }
0x2d: {  	s3 =	simm.s32 $0x108;
	s8 =	sld [smem:$0x3FB2]  }
0x2e: {  	s3 =	simm.s32 @!p0 $0x1082;
	s9 =	sld [smem:$0x3FB3]  }
0x2f: {  	lr =	sadd.s32 s0, s3;
	s0 =	sld [smem:$0x3FAA]  }
0x30: {  	s3 =	sld [smem:$0x3FAD]  }
0x31: {  	[smem:$0x3FB6] =	sst s10  }
0x32: {  	s10 =	sld [smem:$0x3FB4];
	_ =	sdelay $0x3  }
0x33: {  	p0 =	seq.s32 s10, $0x1;
	s10 =	sld [smem:$0x3FB6];
	_ =	sdelay $0x3  }
0x34: {  	[smem:$0x3FB6] =	sst s10  }
0x35: {  	s10 =	sld [smem:$0x3FB5];
	_ =	sdelay $0x3  }
0x36: {  	p1 =	seq.s32 s10, $0x1;
	s10 =	sld [smem:$0x3FB6];
	_ =	sdelay $0x3  }
0x37: {  	[smem:$0x3FB6] =	sst s10  }
0x38: {  	s10 =	sld [smem:$0x3FB7]  }
0x39: {  	_ = 	snop;
	(pc) =	sbr.ind lr, $3  }
0x3a: {  	_ = 	snop  }
0x3b: {  	_ = 	snop  }
0x3c: {  	p2 =	seq.s32 s10, $0x1;
	s10 =	sld [smem:$0x3FB6]  }
0x3d: {  	_ =	shalt  }
0x3e: {  	_ =	shalt  }
0x3f: {  	_ =	shalt  }
0x40: {  	_ =	shalt  }
0x41: {  	_ =	shalt  }
0x42: {  	_ =	shalt  }
0x43: {  	_ =	shalt  }
0x44: {  	_ =	shalt  }
0x45: {  	_ =	shalt  }
0x46: {  	_ =	shalt  }
0x47: {  	_ =	shalt  }
0x48: {  	_ =	shalt  }
0x49: {  	_ =	shalt  }
0x4a: {  	_ =	shalt  }
0x4b: {  	_ =	shalt  }
0x4c: {  	_ =	shalt  }
0x4d: {  	_ =	shalt  }
0x4e: {  	_ =	shalt  }
0x4f: {  	_ =	shalt  }
0x50: {  	_ =	shalt  }
0x51: {  	_ =	shalt  }
0x52: {  	_ =	shalt  }
0x53: {  	_ =	shalt  }
0x54: {  	_ =	shalt  }
0x55: {  	_ =	shalt  }
0x56: {  	_ =	shalt  }
0x57: {  	_ =	shalt  }
0x58: {  	_ =	shalt  }
0x59: {  	_ =	shalt  }
0x5a: {  	_ =	shalt  }
0x5b: {  	_ =	shalt  }
0x5c: {  	_ =	shalt  }
0x5d: {  	_ =	shalt  }
0x5e: {  	_ =	shalt  }
0x5f: {  	_ =	shalt  }
0x60: {  	_ =	shalt  }
0x61: {  	_ =	shalt  }
0x62: {  	_ =	shalt  }
0x63: {  	_ =	shalt  }
0x64: {  	_ =	shalt  }
0x65: {  	_ =	shalt  }
0x66: {  	_ =	shalt  }
0x67: {  	_ =	shalt  }
0x68: {  	_ =	shalt  }
0x69: {  	_ =	shalt  }
0x6a: {  	_ =	shalt  }
0x6b: {  	_ =	shalt  }
0x6c: {  	_ =	shalt  }
0x6d: {  	_ =	shalt  }
0x6e: {  	_ =	shalt  }
0x6f: {  	_ =	shalt  }
0x70: {  	_ =	shalt  }
0x71: {  	_ =	shalt  }
0x72: {  	_ =	shalt  }
0x73: {  	_ =	shalt  }
0x74: {  	_ =	shalt  }
0x75: {  	_ =	shalt  }
0x76: {  	_ =	shalt  }
0x77: {  	_ =	shalt  }
0x78: {  	_ =	shalt  }
0x79: {  	_ =	shalt  }
0x7a: {  	_ =	shalt  }
0x7b: {  	_ =	shalt  }
0x7c: {  	_ =	shalt  }
0x7d: {  	_ =	shalt  }
0x7e: {  	_ =	shalt  }
0x7f: {  	_ =	shalt  }
0x80: {  	_ =	shalt  }
0x81: {  	_ =	shalt  }
0x82: {  	_ =	shalt  }
0x83: {  	_ =	shalt  }
0x84: {  	_ =	shalt  }
0x85: {  	_ =	shalt  }
0x86: {  	_ =	shalt  }
0x87: {  	_ =	shalt  }
.Lfunc_end0:
.L_simem_size_0:
called_computation.2_lowered:
.L_overlay_start_0:
0x88: {  	s2 =	sld [smem:$0x3FD9]  }
0x89: {  	s3 =	sld [smem:$0x3FFE];
	_ =	sdelay $0x1  }
0x8a: {  	s1 =	srdreg.scid  }
0x8b: {  	s0 =	sand.u32 $0x1, s1  }
0x8c: {  	s17 =	sshll.u32 s0, $0xA;
	s2 =	sadd.s32 s3, s2  }
0x8d: {  	s2 =	sadd.s32 s2, s17  }
0x8e: {  	[smem:$0x3FC2] =	sst s2  }
0x8f: {  	_ = 	snop  }
0x90: {  	s2 =	sld [smem:$0x3FD0];
	(tm) =	ssettm $0x1  }
0x91: {  	s18 =	sld [smem:$0x3FFB];
	_ =	sdelay $0x3  }
0x92: {  	_ =	strace s18  }
0x93: {  	s3 =	sld [smem:$0x3FFC];
	_ =	sdelay $0x3  }
0x94: {  	_ =	strace s3  }
0x95: {  	s3 =	sld [smem:$0x3FFD];
	_ =	sdelay $0x3  }
0x96: {  	_ =	strace s3  }
0x97: {  	_ =	strace $0x8FFFFFFF  }
0x98: {  	s19 =	sld [smem:$0x3FDB];
	_ =	sdelay $0x1  }
0x99: {  	s4 =	simm.s32 $_scs_section_size  }
0x9a: {  	s5 =	simm.s32 $_size__tile_overlayer_lowered;
	s6 =	simm.s32 $_tile_overlayer_lowered  }
0x9b: {  	s22 =	simm.s32 $0x1BFF;
	s21 =	sshll.u32 s6, $0x1;
	s3 =	sadd.s32 s4, s19  }
0x9c: {  	s7 =	simm.s32 $0x0;
	s20 =	sshll.u32 s5, $0x1;
	s5 =	sadd.s32 s21, s3  }
0x9d: {  	[timem:s7], [sflag:s22] =	dma.local [hbm:s5], s20  }
0x9e: {  	_ =	swait.ge [sflag:s22], s20  }
0x9f: {  	s4 =	ssub.s32 $0x0, s20;
	[sflag:s22] =	ssyncset.done $0x0  }
0xa0: {  	[sflag:s22] =	ssyncadd.s32 s4;
	_ =	sdelay $0x1  }
0xa1: {  	s23 =	simm.s32 $0x1B8B  }
0xa2: {  	_ =	swait.ge [sflag:s23], $0x1  }
0xa3: {  	[sflag:s23] =	ssyncset.done $0x0  }
0xa4: {  	s25 =	simm.s32 $0x1B8E;
	s24 =	sld [smem:$0x3FFE];
	[sflag:s23] =	ssyncadd.s32 $0xFFFFFFFF  }
0xa5: {  	s26 =	simm.s32 $execute0_lowered;
	[smem:$0x3FD2] =	sst s25  }
0xa6: {  	s5 =	sshll.u32 s26, $0x1;
	_ =	strace $0x8000004C;
	[dreg:$0x1] =	wrdreg $0xFFFFFFFF  }
0xa7: {  	s28 =	simm.s32 $_size_execute0_lowered;
	s3 =	sadd.s32 s3, s5;
	[dreg:$0x0] =	wrdreg $0x0  }
0xa8: {  	s5 =	sshll.u32 s28, $0x1;
	[dreg:$0x2] =	wrdreg s3  }
0xa9: {  	[dreg:$0x3] =	wrdreg s5  }
0xaa: {  	[dreg:$0x4] =	wrdreg $0xC0  }
0xab: {  	_ =	task [dreg:s7], $0x5FFFF  }
0xac: {  	[dreg:$0x1] =	wrdreg $0xFFFFFFFF  }
0xad: {  	[dreg:$0x0] =	wrdreg $0x60  }
0xae: {  	[dreg:$0x2] =	wrdreg s2  }
0xaf: {  	[dreg:$0x3] =	wrdreg s24  }
0xb0: {  	[dreg:$0x4] =	wrdreg $0x0  }
0xb1: {  	[dreg:$0x5] =	wrdreg $0x9  }
0xb2: {  	_ =	task.clear_ibuf [dreg:s7], $0x6FFFF;
	_ =	strace $0x9000004C  }
0xb3: {  	s29 =	simm.s32 $0x9;
	_ =	strace $0x8000004E  }
0xb4: {  	_ =	swait.ge [sflag:s29], $0x1  }
0xb5: {  	[sflag:s29] =	ssyncadd.s32 $0xFFFFFFFF  }
0xb6: {  	_ =	strace $0x9000004E  }
0xb7: {  	_ =	sfence  }
0xb8: {  	s30 =	sld [smem:$0x0];
	_ =	sdelay $0x2  }
0xb9: {  	s31 =	sshll.u32 s1, $0xD;
	s1 =	sshrl.u32 s1, $0x2  }
0xba: {  	s3 =	sand.u32 $0x4000, s31;
	s1 =	sadd.s32 s1, s30  }
0xbb: {  	s0 =	sor.u32 s3, s0;
	s1 =	sshll.u32 s1, $0x11  }
0xbc: {  	s0 =	sor.u32 s1, s0  }
0xbd: {  	s0 =	sadd.s32 $0x8F2B, s0  }
0xbe: {  	[sflag:s0] =	ssyncadd.remote.s32 $0x1  }
0xbf: {  	_ =	sfence.sel $0xFFFF  }
0xc0: {  	[dreg:$0x0] =	wrdreg $0xFFFFFFFF;
	(pc) =	sbr.abs _section_cstart, $3  }
0xc1: {  	[dreg:$0x1] =	wrdreg $0xFFFFFFFF  }
0xc2: {  	_ =	task.clear_ibuf [dreg:s7], $0x2FFFF;
	_ =	strace $0x9FFFFFFF  }
0xc3: {  	(tm) =	ssettm $0x7FFFFFFF  }
tec
execute0_lowered:
.L_overlay_start_1:
0x0: {  	(tag) =	ssettag $0x1  }
0x1: {  	s1 =	rddreg [dreg:$0x0]  }
0x2: {  	s0 =	srdreg.scid;
	s2 =	rddreg [dreg:$0x1]  }
0x3: {  	s8 =	stileid.u32;
	s30 =	rddreg [dreg:$0x2];
	s7 =	simm.s32 $0x0  }
0x4: {  	s15 =	simm.s32 $0x11;
	s18 =	simm.s32 $0x10;
	s5 =	smul.u32 $0x5000, s8  }
0x5: {  	s3 =	simm.s32 $0x15D00;
	s14 =	simm.s32 $0x4;
	s6 =	smul.u32 $0x9E00, s8  }
0x6: {  	s9 =	simm.s32 $0x6;
	s10 =	simm.s32 $0x7;
	s21 =	smul.u32 $0x9E0, s8  }
0x7: {  	s11 =	simm.s32 $0x8;
	s0 =	sand.u32 $0x1, s0;
	s8 =	smul.u32 $0x27800, s8  }
0x8: {  	s12 =	simm.s32 $0x80;
	s13 =	simm.s32 $0x9;
	s4 =	smul.u32 $0x50000, s0  }
0x9: {  	s29 =	simm.s32 $0xF;
	[smem:$0x7FF] =	sst s7;
	s20 =	smul.u32 $0x9E000, s0  }
0xa: {  	_ =	strace $0x8000004D;
	s0 =	ssub.s32 $0x2, s0;
	s7 =	sadd.s32 s21, s2  }
0xb: {  	s22 =	sshrl.u32 s0, $0x1;
	s8 =	sshrl.u32 s8, $0x2;
	s25 =	sadd.s32 s6, s30  }
0xc: {  	s4 =	sadd.s32 s5, s4;
	s5 =	sadd.s32 s6, s20;
	s0 =	ssub.s32 s0, s22  }
0xd: {  	s23 =	sadd.s32 s8, s30;
	s24 =	sadd.s32 $0x3000, s7;
	[dreg:$0x6] =	wrdreg s25  }
0xe: {  	s6 =	simm.s32 $0x3;
	s8 =	simm.s32 $0x5;
	s7 =	simm.s32 $0xA  }
0xf: {  	s20 =	simm.s32 $0xB;
	s22 =	simm.s32 $0xC;
	s4 =	sshrl.u32 s4, $0x3  }
0x10: {  	s5 =	sshrl.u32 s5, $0x3;
	[dreg:$0x5] =	wrdreg s24;
	s26 =	sadd.s32 $0x2000, s23  }
0x11: {  	s28 =	sadd.s32 $0x4000, s23;
	s31 =	sadd.s32 $0x6000, s23;
	[dreg:$0x7] =	wrdreg s26  }
0x12: {  	s0 =	smax.u32 s0, $0x1;
	s24 =	simm.s32 $0xD;
	[dreg:$0x8] =	wrdreg s28  }
0x13: {  	s4 =	sadd.s32 s4, s2;
	s2 =	sadd.s32 s5, s2;
	[dreg:$0x9] =	wrdreg s31  }
0x14: {  	[dreg:$0xc] =	wrdreg s0;
	s5 =	simm.s32 $0x2;
	s4 =	sadd.s32 $0xCE00, s4  }
0x15: {  	s26 =	simm.s32 $0xE;
	s2 =	sadd.s32 $0x20E00, s2;
	[dreg:$0x4] =	wrdreg s4  }
0x16: {  	s0 =	simm.s32 $0x0;
	s4 =	sadd.s32 $0x8000, s23;
	[dreg:$0xb] =	wrdreg s2  }
0x17: {  	v0 =	vimm.f32 $0.0e+00;
	s2 =	simm.s32 $0x13D00;
	[dreg:$0xa] =	wrdreg s4;
	s4 =	simm.s32 $0x1  }
.LBB2_1:
0x18: {  	[dreg:$0xd] =	wrdreg s0  }
0x19: {  	s16 =	simm.s32 $0x0;
	s25 =	rddreg [dreg:$0x4];
	s31 =	simm.s32 $0x9E00  }
0x1a: {  	[tilespmem:s31], [sflag:$0x11] =	stream.linear.gather [hbm4b:s25+s16], $0x5000, $0x38;
	[tilespmem:$0x17D00] =	vst v63  }
0x1b: {  	_ =	swait.ge [sflag:s15], $0x5000  }
0x1c: {  	[sflag:s15] =	ssyncset.done $0x0  }
0x1d: {  	s31 =	simm.s32 $0xEE00;
	s28 =	rddreg [dreg:$0x5];
	[sflag:s15] =	ssyncadd.s32 $0xFFFFB000  }
0x1e: {  	[tilespmem:s31], [sflag:$0x11] =	stream.linear.gather [hbm4b:s28+s16], $0x4F00, $0x38;
	[tilespmem:$0x17D00] =	vst v63  }
0x1f: {  	_ =	swait.ge [sflag:s15], $0x4F00  }
0x20: {  	[sflag:s15] =	ssyncset.done $0x0  }
0x21: {  	s31 =	simm.s32 $0x100;
	s16 =	simm.s32 $0x0;
	[sflag:s15] =	ssyncadd.s32 $0xFFFFB100  }
.LBB2_2:
0x22: {  	p0 =	sne.s32 s31, $0x7F00;
	[tilespmem:s16+$0x13D30] =	vst v0;
	s25 =	smov.u32 s31;
	s31 =	sadd.s32 $0x100, s31  }
.Ltmp0:
0x23: {  	[tilespmem:s16+$0x13D20] =	vst v0;
	(pc) =	sbr.rel @p0 .LBB2_2-.Ltmp0, $3  }
0x24: {  	[tilespmem:s16+$0x13D00] =	vst v0  }
0x25: {  	[tilespmem:s16+$0x13D10] =	vst v0;
	_ =	sdelay $0x1  }
0x26: {  	s16 =	sshra.s32 s25, $0x2  }
0x27: {  	[tilespmem:s16+$0x13D30] =	vst v0  }
0x28: {  	[tilespmem:s16+$0x13D20] =	vst v0  }
0x29: {  	[tilespmem:s16+$0x13D00] =	vst v0  }
0x2a: {  	[tilespmem:s16+$0x13D10] =	vst v0;
	s19 =	rddreg [dreg:$0x6]  }
0x2b: {  	[spmem:s19] =	stream.linear.scatter [tilespmem:s2], [sflag:$0x11], $0x2000, $0x38;
	[tilespmem:$0x17D00] =	vst v63  }
0x2c: {  	_ =	swait.ge [sflag:s15], $0x2000  }
0x2d: {  	[sflag:s15] =	ssyncset.done $0x0  }
0x2e: {  	s21 =	rddreg [dreg:$0x7];
	[sflag:s15] =	ssyncadd.s32 $0xFFFFE000  }
0x2f: {  	[spmem:s21] =	stream.linear.scatter [tilespmem:s2], [sflag:$0x11], $0x2000, $0x38;
	[tilespmem:$0x17D00] =	vst v63  }
0x30: {  	_ =	swait.ge [sflag:s15], $0x2000  }
0x31: {  	[sflag:s15] =	ssyncset.done $0x0  }
0x32: {  	s23 =	rddreg [dreg:$0x8];
	[sflag:s15] =	ssyncadd.s32 $0xFFFFE000  }
0x33: {  	[spmem:s23] =	stream.linear.scatter [tilespmem:s2], [sflag:$0x11], $0x2000, $0x38;
	[tilespmem:$0x17D00] =	vst v63  }
0x34: {  	_ =	swait.ge [sflag:s15], $0x2000  }
0x35: {  	[sflag:s15] =	ssyncset.done $0x0  }
0x36: {  	s25 =	rddreg [dreg:$0x9];
	[sflag:s15] =	ssyncadd.s32 $0xFFFFE000  }
0x37: {  	[spmem:s25] =	stream.linear.scatter [tilespmem:s2], [sflag:$0x11], $0x2000, $0x38;
	[tilespmem:$0x17D00] =	vst v63  }
0x38: {  	_ =	swait.ge [sflag:s15], $0x2000  }
0x39: {  	[sflag:s15] =	ssyncset.done $0x0  }
0x3a: {  	s28 =	rddreg [dreg:$0xa];
	[sflag:s15] =	ssyncadd.s32 $0xFFFFE000  }
0x3b: {  	[spmem:s28] =	stream.linear.scatter [tilespmem:s2], [sflag:$0x11], $0x1E00, $0x38;
	[tilespmem:$0x17D00] =	vst v63  }
0x3c: {  	_ =	swait.ge [sflag:s15], $0x1E00  }
0x3d: {  	[sflag:s15] =	ssyncset.done $0x0  }
0x3e: {  	[sflag:s15] =	ssyncadd.s32 $0xFFFFE200  }
0x3f: {  	s0 =	simm.s32 $0x9E00;
	[bflag:$0x0] =	sbarrier.arrive $0xFFFF  }
0x40: {  	[tilespmem:s2], [sflag:$0x1] =	stream.indirect.gather [hbm4b:s1+s18], $0x40, s0, s18, $0xb8;
	[tilespmem:$0x17D00] =	vst v63  }
0x41: {  	s17 =	simm.s32 $0x9E10;
	s31 =	simm.s32 $0x14100  }
0x42: {  	[tilespmem:s31], [sflag:$0x2] =	stream.indirect.gather [hbm4b:s1+s18], $0x40, s17, s18, $0xb8;
	[tilespmem:$0x17D00] =	vst v63  }
0x43: {  	s19 =	simm.s32 $0x9E20;
	s0 =	simm.s32 $0x14500  }
0x44: {  	[tilespmem:s0], [sflag:$0x3] =	stream.indirect.gather [hbm4b:s1+s18], $0x40, s19, s18, $0xb8;
	[tilespmem:$0x17D00] =	vst v63  }
0x45: {  	s21 =	simm.s32 $0x9E30;
	s23 =	simm.s32 $0x14900  }
0x46: {  	[tilespmem:s23], [sflag:$0x4] =	stream.indirect.gather [hbm4b:s1+s18], $0x40, s21, s18, $0xb8;
	[tilespmem:$0x17D00] =	vst v63  }
0x47: {  	s25 =	simm.s32 $0x9E40;
	s28 =	simm.s32 $0x14D00  }
0x48: {  	[tilespmem:s28], [sflag:$0x5] =	stream.indirect.gather [hbm4b:s1+s18], $0x40, s25, s18, $0xb8;
	[tilespmem:$0x17D00] =	vst v63  }
0x49: {  	s21 =	simm.s32 $0x9E50;
	s23 =	simm.s32 $0x15100  }
0x4a: {  	[tilespmem:s23], [sflag:$0x6] =	stream.indirect.gather [hbm4b:s1+s18], $0x40, s21, s18, $0xb8;
	[tilespmem:$0x17D00] =	vst v63  }
0x4b: {  	s25 =	simm.s32 $0x9E60;
	s28 =	simm.s32 $0x15500  }
0x4c: {  	[tilespmem:s28], [sflag:$0x7] =	stream.indirect.gather [hbm4b:s1+s18], $0x40, s25, s18, $0xb8;
	[tilespmem:$0x17D00] =	vst v63  }
0x4d: {  	s21 =	simm.s32 $0x9E70;
	s28 =	simm.s32 $0x15900  }
0x4e: {  	[tilespmem:s28], [sflag:$0x8] =	stream.indirect.gather [hbm4b:s1+s18], $0x40, s21, s18, $0xb8;
	[tilespmem:$0x17D00] =	vst v63  }
0x4f: {  	s23 =	simm.s32 $0x9E80  }
0x50: {  	[tilespmem:s3], [sflag:$0x9] =	stream.indirect.gather [hbm4b:s1+s18], $0x40, s23, s18, $0xb8;
	[tilespmem:$0x17D00] =	vst v63  }
0x51: {  	s25 =	simm.s32 $0x9E90;
	s21 =	simm.s32 $0x16100  }
0x52: {  	[tilespmem:s21], [sflag:$0xA] =	stream.indirect.gather [hbm4b:s1+s18], $0x40, s25, s18, $0xb8;
	[tilespmem:$0x17D00] =	vst v63  }
0x53: {  	s0 =	simm.s32 $0x9EA0;
	s23 =	simm.s32 $0x16500  }
0x54: {  	[tilespmem:s23], [sflag:$0xB] =	stream.indirect.gather [hbm4b:s1+s18], $0x40, s0, s18, $0xb8;
	[tilespmem:$0x17D00] =	vst v63  }
0x55: {  	s25 =	simm.s32 $0x9EB0;
	s23 =	simm.s32 $0x16900  }
0x56: {  	[tilespmem:s23], [sflag:$0xC] =	stream.indirect.gather [hbm4b:s1+s18], $0x40, s25, s18, $0xb8;
	[tilespmem:$0x17D00] =	vst v63  }
0x57: {  	s0 =	simm.s32 $0x9EC0;
	s25 =	simm.s32 $0x16D00  }
0x58: {  	[tilespmem:s25], [sflag:$0xD] =	stream.indirect.gather [hbm4b:s1+s18], $0x40, s0, s18, $0xb8;
	[tilespmem:$0x17D00] =	vst v63  }
0x59: {  	s0 =	simm.s32 $0x9ED0;
	s25 =	simm.s32 $0x17100  }
0x5a: {  	[tilespmem:s25], [sflag:$0xE] =	stream.indirect.gather [hbm4b:s1+s18], $0x40, s0, s18, $0xb8;
	[tilespmem:$0x17D00] =	vst v63  }
0x5b: {  	s0 =	simm.s32 $0x9EE0;
	s25 =	simm.s32 $0x17500  }
0x5c: {  	[tilespmem:s25], [sflag:$0xF] =	stream.indirect.gather [hbm4b:s1+s18], $0x40, s0, s18, $0xb8;
	[tilespmem:$0x17D00] =	vst v63  }
0x5d: {  	s0 =	simm.s32 $0x9EF0;
	s25 =	simm.s32 $0x17900  }
0x5e: {  	[tilespmem:s25], [sflag:$0x10] =	stream.indirect.gather [hbm4b:s1+s18], $0x40, s0, s18, $0xb8;
	[tilespmem:$0x17D00] =	vst v63  }
0x5f: {  	_ =	swait.ge [sflag:s4], $0x400  }
0x60: {  	[sflag:s4] =	ssyncset.done $0x0  }
0x61: {  	[sflag:s4] =	ssyncadd.s32 $0xFFFFFC00  }
0x62: {  	_ =	swait.ge [sflag:s5], $0x400  }
0x63: {  	[sflag:s5] =	ssyncset.done $0x0  }
0x64: {  	[sflag:s5] =	ssyncadd.s32 $0xFFFFFC00  }
0x65: {  	_ =	swait.ge [sflag:s6], $0x400  }
0x66: {  	[sflag:s6] =	ssyncset.done $0x0  }
0x67: {  	[sflag:s6] =	ssyncadd.s32 $0xFFFFFC00  }
0x68: {  	_ =	swait.ge [sflag:s14], $0x400  }
0x69: {  	[sflag:s14] =	ssyncset.done $0x0  }
0x6a: {  	[sflag:s14] =	ssyncadd.s32 $0xFFFFFC00  }
0x6b: {  	_ =	swait.ge [sflag:s8], $0x400  }
0x6c: {  	[sflag:s8] =	ssyncset.done $0x0  }
0x6d: {  	[sflag:s8] =	ssyncadd.s32 $0xFFFFFC00  }
0x6e: {  	_ =	swait.ge [sflag:s9], $0x400  }
0x6f: {  	[sflag:s9] =	ssyncset.done $0x0  }
0x70: {  	[sflag:s9] =	ssyncadd.s32 $0xFFFFFC00  }
0x71: {  	_ =	swait.ge [sflag:s10], $0x400  }
0x72: {  	[sflag:s10] =	ssyncset.done $0x0  }
0x73: {  	[sflag:s10] =	ssyncadd.s32 $0xFFFFFC00  }
0x74: {  	_ =	swait.ge [sflag:s11], $0x400  }
0x75: {  	[sflag:s11] =	ssyncset.done $0x0  }
0x76: {  	s0 =	simm.s32 $0xEE00;
	[sflag:s11] =	ssyncadd.s32 $0xFFFFFC00  }
0x77: {  	[spmem:s30] =	stream.indirect.scatter.add.f32 [tilespmem:s2], [sflag:$0x11], $0x40, s0, s12, $0xb8;
	[tilespmem:$0x17D00] =	vst v63  }
0x78: {  	_ =	swait.ge [sflag:s15], $0x2000  }
0x79: {  	[sflag:s15] =	ssyncset.done $0x0  }
0x7a: {  	s0 =	simm.s32 $0x9F00;
	[sflag:s15] =	ssyncadd.s32 $0xFFFFE000  }
0x7b: {  	[tilespmem:s2], [sflag:$0x1] =	stream.indirect.gather [hbm4b:s1+s18], $0x40, s0, s18, $0xb8;
	[tilespmem:$0x17D00] =	vst v63  }
0x7c: {  	s2 =	simm.s32 $0x9F10  }
0x7d: {  	[tilespmem:s31], [sflag:$0x2] =	stream.indirect.gather [hbm4b:s1+s18], $0x40, s2, s18, $0xb8;
	[tilespmem:$0x17D00] =	vst v63  }
0x7e: {  	s17 =	simm.s32 $0x14500;
	s0 =	simm.s32 $0x9F20  }
0x7f: {  	[tilespmem:s17], [sflag:$0x3] =	stream.indirect.gather [hbm4b:s1+s18], $0x40, s0, s18, $0xb8;
	[tilespmem:$0x17D00] =	vst v63  }
0x80: {  	s19 =	simm.s32 $0x14900;
	s2 =	simm.s32 $0x9F30  }
0x81: {  	[tilespmem:s19], [sflag:$0x4] =	stream.indirect.gather [hbm4b:s1+s18], $0x40, s2, s18, $0xb8;
	[tilespmem:$0x17D00] =	vst v63  }
0x82: {  	s17 =	simm.s32 $0x9F40;
	s19 =	simm.s32 $0x14D00  }
0x83: {  	[tilespmem:s19], [sflag:$0x5] =	stream.indirect.gather [hbm4b:s1+s18], $0x40, s17, s18, $0xb8;
	[tilespmem:$0x17D00] =	vst v63  }
0x84: {  	s0 =	simm.s32 $0x9F50;
	s2 =	simm.s32 $0x15100  }
0x85: {  	[tilespmem:s2], [sflag:$0x6] =	stream.indirect.gather [hbm4b:s1+s18], $0x40, s0, s18, $0xb8;
	[tilespmem:$0x17D00] =	vst v63  }
0x86: {  	s17 =	simm.s32 $0x9F60;
	s19 =	simm.s32 $0x15500  }
0x87: {  	[tilespmem:s19], [sflag:$0x7] =	stream.indirect.gather [hbm4b:s1+s18], $0x40, s17, s18, $0xb8;
	[tilespmem:$0x17D00] =	vst v63  }
0x88: {  	s2 =	simm.s32 $0x9F70  }
0x89: {  	[tilespmem:s28], [sflag:$0x8] =	stream.indirect.gather [hbm4b:s1+s18], $0x40, s2, s18, $0xb8;
	[tilespmem:$0x17D00] =	vst v63  }
0x8a: {  	_ =	swait.ge [sflag:s13], $0x400  }
0x8b: {  	[sflag:s13] =	ssyncset.done $0x0  }
0x8c: {  	[sflag:s13] =	ssyncadd.s32 $0xFFFFFC00  }
0x8d: {  	_ =	swait.ge [sflag:s7], $0x400  }
0x8e: {  	[sflag:s7] =	ssyncset.done $0x0  }
0x8f: {  	[sflag:s7] =	ssyncadd.s32 $0xFFFFFC00  }
0x90: {  	_ =	swait.ge [sflag:s20], $0x400  }
0x91: {  	[sflag:s20] =	ssyncset.done $0x0  }
0x92: {  	[sflag:s20] =	ssyncadd.s32 $0xFFFFFC00  }
0x93: {  	_ =	swait.ge [sflag:s22], $0x400  }
0x94: {  	[sflag:s22] =	ssyncset.done $0x0  }
0x95: {  	[sflag:s22] =	ssyncadd.s32 $0xFFFFFC00  }
0x96: {  	_ =	swait.ge [sflag:s24], $0x400  }
0x97: {  	[sflag:s24] =	ssyncset.done $0x0  }
0x98: {  	[sflag:s24] =	ssyncadd.s32 $0xFFFFFC00  }
0x99: {  	_ =	swait.ge [sflag:s26], $0x400  }
0x9a: {  	[sflag:s26] =	ssyncset.done $0x0  }
0x9b: {  	[sflag:s26] =	ssyncadd.s32 $0xFFFFFC00  }
0x9c: {  	_ =	swait.ge [sflag:s29], $0x400  }
0x9d: {  	[sflag:s29] =	ssyncset.done $0x0  }
0x9e: {  	[sflag:s29] =	ssyncadd.s32 $0xFFFFFC00  }
0x9f: {  	_ =	swait.ge [sflag:s18], $0x400  }
0xa0: {  	[sflag:s18] =	ssyncset.done $0x0  }
0xa1: {  	s17 =	simm.s32 $0xEE80;
	[sflag:s18] =	ssyncadd.s32 $0xFFFFFC00  }
0xa2: {  	[spmem:s30] =	stream.indirect.scatter.add.f32 [tilespmem:s3], [sflag:$0x11], $0x40, s17, s12, $0xb8;
	[tilespmem:$0x17D00] =	vst v63  }
0xa3: {  	_ =	swait.ge [sflag:s15], $0x2000  }
0xa4: {  	[sflag:s15] =	ssyncset.done $0x0  }
0xa5: {  	s19 =	simm.s32 $0x9F80;
	[sflag:s15] =	ssyncadd.s32 $0xFFFFE000  }
0xa6: {  	[tilespmem:s3], [sflag:$0x9] =	stream.indirect.gather [hbm4b:s1+s18], $0x40, s19, s18, $0xb8;
	[tilespmem:$0x17D00] =	vst v63  }
0xa7: {  	s28 =	simm.s32 $0x9F90  }
0xa8: {  	[tilespmem:s21], [sflag:$0xA] =	stream.indirect.gather [hbm4b:s1+s18], $0x40, s28, s18, $0xb8;
	[tilespmem:$0x17D00] =	vst v63  }
0xa9: {  	s16 =	simm.s32 $0x9FE0;
	s0 =	simm.s32 $0x9FA0;
	s3 =	simm.s32 $0x16500  }
0xaa: {  	[tilespmem:s3], [sflag:$0xB] =	stream.indirect.gather [hbm4b:s1+s18], $0x40, s0, s18, $0xb8;
	[tilespmem:$0x17D00] =	vst v63  }
0xab: {  	s31 =	simm.s32 $0x400;
	s2 =	simm.s32 $0x16500;
	s17 =	simm.s32 $0x9FB0  }
0xac: {  	[tilespmem:s23], [sflag:$0xC] =	stream.indirect.gather [hbm4b:s1+s18], $0x40, s17, s18, $0xb8;
	[tilespmem:$0x17D00] =	vst v63  }
0xad: {  	s19 =	simm.s32 $0x9FC0;
	s21 =	simm.s32 $0x13D00;
	s28 =	simm.s32 $0x16D00  }
0xae: {  	[tilespmem:s28], [sflag:$0xD] =	stream.indirect.gather [hbm4b:s1+s18], $0x40, s19, s18, $0xb8;
	[tilespmem:$0x17D00] =	vst v63  }
0xaf: {  	s0 =	simm.s32 $0x16900;
	s17 =	simm.s32 $0x9FD0;
	s28 =	simm.s32 $0x17100  }
0xb0: {  	[tilespmem:s28], [sflag:$0xE] =	stream.indirect.gather [hbm4b:s1+s18], $0x40, s17, s18, $0xb8;
	[tilespmem:$0x17D00] =	vst v63  }
0xb1: {  	s3 =	simm.s32 $0x16D00;
	s23 =	simm.s32 $0x15D00;
	s28 =	simm.s32 $0x17500  }
0xb2: {  	[tilespmem:s28], [sflag:$0xF] =	stream.indirect.gather [hbm4b:s1+s18], $0x40, s16, s18, $0xb8;
	[tilespmem:$0x17D00] =	vst v63  }
0xb3: {  	s19 =	simm.s32 $0x17100;
	s17 =	simm.s32 $0x17500;
	s16 =	simm.s32 $0x9FF0  }
.LBB2_4:
0xb4: {  	[tilespmem:s25], [sflag:$0x10] =	stream.indirect.gather [hbm4b:s1+s18], $0x40, s16, s18, $0xb8;
	[tilespmem:$0x17D00] =	vst v63  }
0xb5: {  	s16 =	smov.u32 s31  }
0xb6: {  	p0 =	sne.s32 s31, $0x13800;
	s31 =	sadd.s32 $0x400, s31;
	_ =	swait.ge [sflag:s4], $0x400  }
0xb7: {  	[sflag:s4] =	ssyncset.done $0x0  }
0xb8: {  	[sflag:s4] =	ssyncadd.s32 $0xFFFFFC00  }
0xb9: {  	_ =	swait.ge [sflag:s5], $0x400  }
0xba: {  	[sflag:s5] =	ssyncset.done $0x0  }
0xbb: {  	[sflag:s5] =	ssyncadd.s32 $0xFFFFFC00  }
0xbc: {  	_ =	swait.ge [sflag:s6], $0x400  }
0xbd: {  	[sflag:s6] =	ssyncset.done $0x0  }
0xbe: {  	[sflag:s6] =	ssyncadd.s32 $0xFFFFFC00  }
0xbf: {  	_ =	swait.ge [sflag:s14], $0x400  }
0xc0: {  	[sflag:s14] =	ssyncset.done $0x0  }
0xc1: {  	[sflag:s14] =	ssyncadd.s32 $0xFFFFFC00  }
0xc2: {  	_ =	swait.ge [sflag:s8], $0x400  }
0xc3: {  	[sflag:s8] =	ssyncset.done $0x0  }
0xc4: {  	[sflag:s8] =	ssyncadd.s32 $0xFFFFFC00  }
0xc5: {  	_ =	swait.ge [sflag:s9], $0x400  }
0xc6: {  	[sflag:s9] =	ssyncset.done $0x0  }
0xc7: {  	[sflag:s9] =	ssyncadd.s32 $0xFFFFFC00  }
0xc8: {  	_ =	swait.ge [sflag:s10], $0x400  }
0xc9: {  	[sflag:s10] =	ssyncset.done $0x0  }
0xca: {  	[sflag:s10] =	ssyncadd.s32 $0xFFFFFC00  }
0xcb: {  	_ =	swait.ge [sflag:s11], $0x400  }
0xcc: {  	s16 =	sshra.s32 s16, $0x2;
	[sflag:s11] =	ssyncset.done $0x0  }
0xcd: {  	s25 =	sadd.s32 $0xEE00, s16;
	[sflag:s11] =	ssyncadd.s32 $0xFFFFFC00  }
0xce: {  	[spmem:s30] =	stream.indirect.scatter.add.f32 [tilespmem:s21], [sflag:$0x11], $0x40, s25, s12, $0xb8;
	[tilespmem:$0x17D00] =	vst v63  }
0xcf: {  	_ =	swait.ge [sflag:s15], $0x2000  }
0xd0: {  	[sflag:s15] =	ssyncset.done $0x0  }
0xd1: {  	s25 =	sadd.s32 $0x9F00, s16;
	[sflag:s15] =	ssyncadd.s32 $0xFFFFE000  }
0xd2: {  	[tilespmem:s21], [sflag:$0x1] =	stream.indirect.gather [hbm4b:s1+s18], $0x40, s25, s18, $0xb8;
	[tilespmem:$0x17D00] =	vst v63  }
0xd3: {  	s28 =	simm.s32 $0x14100;
	s25 =	sadd.s32 $0x9F10, s16  }
0xd4: {  	[tilespmem:s28], [sflag:$0x2] =	stream.indirect.gather [hbm4b:s1+s18], $0x40, s25, s18, $0xb8;
	[tilespmem:$0x17D00] =	vst v63  }
0xd5: {  	s25 =	sadd.s32 $0x9F20, s16;
	s28 =	simm.s32 $0x14500  }
0xd6: {  	[tilespmem:s28], [sflag:$0x3] =	stream.indirect.gather [hbm4b:s1+s18], $0x40, s25, s18, $0xb8;
	[tilespmem:$0x17D00] =	vst v63  }
0xd7: {  	s25 =	sadd.s32 $0x9F30, s16;
	s28 =	simm.s32 $0x14900  }
0xd8: {  	[tilespmem:s28], [sflag:$0x4] =	stream.indirect.gather [hbm4b:s1+s18], $0x40, s25, s18, $0xb8;
	[tilespmem:$0x17D00] =	vst v63  }
0xd9: {  	s25 =	sadd.s32 $0x9F40, s16;
	s28 =	simm.s32 $0x14D00  }
0xda: {  	[tilespmem:s28], [sflag:$0x5] =	stream.indirect.gather [hbm4b:s1+s18], $0x40, s25, s18, $0xb8;
	[tilespmem:$0x17D00] =	vst v63  }
0xdb: {  	s25 =	sadd.s32 $0x9F50, s16;
	s28 =	simm.s32 $0x15100  }
0xdc: {  	[tilespmem:s28], [sflag:$0x6] =	stream.indirect.gather [hbm4b:s1+s18], $0x40, s25, s18, $0xb8;
	[tilespmem:$0x17D00] =	vst v63  }
0xdd: {  	s25 =	sadd.s32 $0x9F60, s16;
	s28 =	simm.s32 $0x15500  }
0xde: {  	[tilespmem:s28], [sflag:$0x7] =	stream.indirect.gather [hbm4b:s1+s18], $0x40, s25, s18, $0xb8;
	[tilespmem:$0x17D00] =	vst v63  }
0xdf: {  	s25 =	sadd.s32 $0x9F70, s16;
	s28 =	simm.s32 $0x15900  }
0xe0: {  	[tilespmem:s28], [sflag:$0x8] =	stream.indirect.gather [hbm4b:s1+s18], $0x40, s25, s18, $0xb8;
	[tilespmem:$0x17D00] =	vst v63  }
0xe1: {  	_ =	swait.ge [sflag:s13], $0x400  }
0xe2: {  	[sflag:s13] =	ssyncset.done $0x0  }
0xe3: {  	[sflag:s13] =	ssyncadd.s32 $0xFFFFFC00  }
0xe4: {  	_ =	swait.ge [sflag:s7], $0x400  }
0xe5: {  	[sflag:s7] =	ssyncset.done $0x0  }
0xe6: {  	[sflag:s7] =	ssyncadd.s32 $0xFFFFFC00  }
0xe7: {  	_ =	swait.ge [sflag:s20], $0x400  }
0xe8: {  	[sflag:s20] =	ssyncset.done $0x0  }
0xe9: {  	[sflag:s20] =	ssyncadd.s32 $0xFFFFFC00  }
0xea: {  	_ =	swait.ge [sflag:s22], $0x400  }
0xeb: {  	[sflag:s22] =	ssyncset.done $0x0  }
0xec: {  	[sflag:s22] =	ssyncadd.s32 $0xFFFFFC00  }
0xed: {  	_ =	swait.ge [sflag:s24], $0x400  }
0xee: {  	[sflag:s24] =	ssyncset.done $0x0  }
0xef: {  	[sflag:s24] =	ssyncadd.s32 $0xFFFFFC00  }
0xf0: {  	_ =	swait.ge [sflag:s26], $0x400  }
0xf1: {  	[sflag:s26] =	ssyncset.done $0x0  }
0xf2: {  	[sflag:s26] =	ssyncadd.s32 $0xFFFFFC00  }
0xf3: {  	_ =	swait.ge [sflag:s29], $0x400  }
0xf4: {  	[sflag:s29] =	ssyncset.done $0x0  }
0xf5: {  	[sflag:s29] =	ssyncadd.s32 $0xFFFFFC00  }
0xf6: {  	_ =	swait.ge [sflag:s18], $0x400  }
0xf7: {  	[sflag:s18] =	ssyncset.done $0x0  }
0xf8: {  	s25 =	sadd.s32 $0xEE80, s16;
	[sflag:s18] =	ssyncadd.s32 $0xFFFFFC00  }
0xf9: {  	[spmem:s30] =	stream.indirect.scatter.add.f32 [tilespmem:s23], [sflag:$0x11], $0x40, s25, s12, $0xb8;
	[tilespmem:$0x17D00] =	vst v63  }
0xfa: {  	_ =	swait.ge [sflag:s15], $0x2000  }
0xfb: {  	[sflag:s15] =	ssyncset.done $0x0  }
0xfc: {  	s25 =	sadd.s32 $0x9F80, s16;
	[sflag:s15] =	ssyncadd.s32 $0xFFFFE000  }
0xfd: {  	[tilespmem:s23], [sflag:$0x9] =	stream.indirect.gather [hbm4b:s1+s18], $0x40, s25, s18, $0xb8;
	[tilespmem:$0x17D00] =	vst v63  }
0xfe: {  	s28 =	simm.s32 $0x16100;
	s25 =	sadd.s32 $0x9F90, s16  }
0xff: {  	[tilespmem:s28], [sflag:$0xA] =	stream.indirect.gather [hbm4b:s1+s18], $0x40, s25, s18, $0xb8;
	[tilespmem:$0x17D00] =	vst v63  }
0x100: {  	s25 =	sadd.s32 $0x9FA0, s16  }
0x101: {  	[tilespmem:s2], [sflag:$0xB] =	stream.indirect.gather [hbm4b:s1+s18], $0x40, s25, s18, $0xb8;
	[tilespmem:$0x17D00] =	vst v63  }
0x102: {  	s25 =	sadd.s32 $0x9FB0, s16  }
0x103: {  	[tilespmem:s0], [sflag:$0xC] =	stream.indirect.gather [hbm4b:s1+s18], $0x40, s25, s18, $0xb8;
	[tilespmem:$0x17D00] =	vst v63  }
0x104: {  	s25 =	sadd.s32 $0x9FC0, s16  }
0x105: {  	[tilespmem:s3], [sflag:$0xD] =	stream.indirect.gather [hbm4b:s1+s18], $0x40, s25, s18, $0xb8;
	[tilespmem:$0x17D00] =	vst v63  }
0x106: {  	s25 =	sadd.s32 $0x9FD0, s16  }
0x107: {  	[tilespmem:s19], [sflag:$0xE] =	stream.indirect.gather [hbm4b:s1+s18], $0x40, s25, s18, $0xb8;
	[tilespmem:$0x17D00] =	vst v63  }
.Ltmp1:
0x108: {  	_ = 	snop;
	(pc) =	sbr.rel @p0 .LBB2_4-.Ltmp1, $4  }
0x109: {  	s25 =	sadd.s32 $0x9FE0, s16  }
0x10a: {  	[tilespmem:s17], [sflag:$0xF] =	stream.indirect.gather [hbm4b:s1+s18], $0x40, s25, s18, $0xb8;
	[tilespmem:$0x17D00] =	vst v63  }
0x10b: {  	s25 =	simm.s32 $0x17900  }
0x10c: {  	s16 =	sadd.s32 $0x9FF0, s16  }
0x10d: {  	[tilespmem:s25], [sflag:$0x10] =	stream.indirect.gather [hbm4b:s1+s18], $0x40, s16, s18, $0xb8;
	[tilespmem:$0x17D00] =	vst v63  }
0x10e: {  	_ =	swait.ge [sflag:s4], $0x400  }
0x10f: {  	[sflag:s4] =	ssyncset.done $0x0  }
0x110: {  	[sflag:s4] =	ssyncadd.s32 $0xFFFFFC00  }
0x111: {  	_ =	swait.ge [sflag:s5], $0x400  }
0x112: {  	[sflag:s5] =	ssyncset.done $0x0  }
0x113: {  	[sflag:s5] =	ssyncadd.s32 $0xFFFFFC00  }
0x114: {  	_ =	swait.ge [sflag:s6], $0x400  }
0x115: {  	[sflag:s6] =	ssyncset.done $0x0  }
0x116: {  	[sflag:s6] =	ssyncadd.s32 $0xFFFFFC00  }
0x117: {  	_ =	swait.ge [sflag:s14], $0x400  }
0x118: {  	[sflag:s14] =	ssyncset.done $0x0  }
0x119: {  	[sflag:s14] =	ssyncadd.s32 $0xFFFFFC00  }
0x11a: {  	_ =	swait.ge [sflag:s8], $0x400  }
0x11b: {  	[sflag:s8] =	ssyncset.done $0x0  }
0x11c: {  	[sflag:s8] =	ssyncadd.s32 $0xFFFFFC00  }
0x11d: {  	_ =	swait.ge [sflag:s9], $0x400  }
0x11e: {  	[sflag:s9] =	ssyncset.done $0x0  }
0x11f: {  	[sflag:s9] =	ssyncadd.s32 $0xFFFFFC00  }
0x120: {  	_ =	swait.ge [sflag:s10], $0x400  }
0x121: {  	[sflag:s10] =	ssyncset.done $0x0  }
0x122: {  	[sflag:s10] =	ssyncadd.s32 $0xFFFFFC00  }
0x123: {  	_ =	swait.ge [sflag:s11], $0x400  }
0x124: {  	[sflag:s11] =	ssyncset.done $0x0  }
0x125: {  	[sflag:s11] =	ssyncadd.s32 $0xFFFFFC00  }
0x126: {  	_ =	swait.ge [sflag:s13], $0x400  }
0x127: {  	[sflag:s13] =	ssyncset.done $0x0  }
0x128: {  	[sflag:s13] =	ssyncadd.s32 $0xFFFFFC00  }
0x129: {  	_ =	swait.ge [sflag:s7], $0x400  }
0x12a: {  	[sflag:s7] =	ssyncset.done $0x0  }
0x12b: {  	[sflag:s7] =	ssyncadd.s32 $0xFFFFFC00  }
0x12c: {  	_ =	swait.ge [sflag:s20], $0x400  }
0x12d: {  	[sflag:s20] =	ssyncset.done $0x0  }
0x12e: {  	[sflag:s20] =	ssyncadd.s32 $0xFFFFFC00  }
0x12f: {  	_ =	swait.ge [sflag:s22], $0x400  }
0x130: {  	[sflag:s22] =	ssyncset.done $0x0  }
0x131: {  	[sflag:s22] =	ssyncadd.s32 $0xFFFFFC00  }
0x132: {  	_ =	swait.ge [sflag:s24], $0x400  }
0x133: {  	[sflag:s24] =	ssyncset.done $0x0  }
0x134: {  	[sflag:s24] =	ssyncadd.s32 $0xFFFFFC00  }
0x135: {  	_ =	swait.ge [sflag:s26], $0x400  }
0x136: {  	[sflag:s26] =	ssyncset.done $0x0  }
0x137: {  	[sflag:s26] =	ssyncadd.s32 $0xFFFFFC00  }
0x138: {  	_ =	swait.ge [sflag:s29], $0x400  }
0x139: {  	[sflag:s29] =	ssyncset.done $0x0  }
0x13a: {  	[sflag:s29] =	ssyncadd.s32 $0xFFFFFC00  }
0x13b: {  	_ =	swait.ge [sflag:s18], $0x400  }
0x13c: {  	[sflag:s18] =	ssyncset.done $0x0  }
0x13d: {  	[sflag:s18] =	ssyncadd.s32 $0xFFFFFC00  }
0x13e: {  	s25 =	stileid.u32;
	[bflag:$0x0] =	sbarrier.arrive $0xFFFF  }
0x13f: {  	s16 =	sshll.u32 s25, $0x6;
	s28 =	rddreg [dreg:$0x6]  }
0x140: {  	s16 =	sor.u32 $0x1C11, s16;
	s31 =	rddreg [dreg:$0xb];
	s25 =	sshrl.u32 s28, $0x3  }
0x141: {  	[hbm:s31], [sflag:s16] =	dma.local [spmem:s25], $0x13C0  }
0x142: {  	_ =	swait.ge [sflag:s15], $0x13C0  }
0x143: {  	s0 =	rddreg [dreg:$0xd]  }
0x144: {  	s31 =	rddreg [dreg:$0xc];
	s0 =	sadd.s32 $0x1, s0  }
0x145: {  	p0 =	sne.s32 s0, s31  }
.Ltmp2:
0x146: {  	_ = 	snop;
	(pc) =	sbr.rel @p0 .LBB2_1-.Ltmp2, $3  }
0x147: {  	_ =	sdelay $0x1  }
0x148: {  	[sflag:s15] =	ssyncset.done $0x0  }
0x149: {  	s2 =	simm.s32 $0x13D00;
	s3 =	simm.s32 $0x15D00;
	[sflag:s15] =	ssyncadd.s32 $0xFFFFEC40  }
0x14a: {  	_ =	sfence.sel $0x180000  }
0x14b: {  	[bflag:$0x0] =	sbarrier.arrive $0xFFFF  }
0x14c: {  	_ =	strace $0x9000004D  }
0x14d: {  	s0 =	stileid.u32;
	[bflag:$0x2] =	sbarrier.arrive $0xFFFF  }
0x14e: {  	p0 =	sne.s32 s0, $0x0;
	s0 =	rddreg [dreg:$0x3]  }
0x14f: {  	s0 =	sadd.s32 @!p0 $0x100000, s0  }
0x150: {  	[sflag:s0] =	ssyncadd.tile.s32 @!p0 $0x1;
	_ =	shalt  }
.Lfunc_end2:
_tile_overlayer_lowered:
.L_overlay_start_2:
0x151: {  	(tag) =	ssettag $0x2  }
0x152: {  	s0 =	rddreg [dreg:$0x0];
	s2 =	stileid.u32  }
0x153: {  	s1 =	rddreg [dreg:$0x1];
	p0 =	sne.s32 s2, $0x0  }
0x154: {  	s3 =	rddreg [dreg:$0x2];
	[bflag:$0x3] =	sbarrier.arrive $0xFFFF;
	s2 =	simm.s32 @!p0 $0x1C11  }
0x155: {  	[timem:s3], [sflag:s2] =	dma.local @!p0 [hbm:s0], s1  }
0x156: {  	s0 =	simm.s32 @!p0 $0x11  }
0x157: {  	_ =	swait.ge @!p0 [sflag:s0], s1  }
0x158: {  	s1 =	ssub.s32 @!p0 $0x0, s1;
	[sflag:s0] =	ssyncset.done @!p0 $0x0  }
0x159: {  	[sflag:s0] =	ssyncadd.s32 @!p0 s1  }
0x15a: {  	[bflag:$0x3] =	sbarrier.arrive $0xFFFF  }
0x15b: {  	_ =	shalt  }

// kernel: kernel.8.cloned.1.call-start
scs
__scs_entry_jumppad:
0x0: {  	(pc) =	sbr.rel $0x88, $3  }
0x1: {  	(tag) =	ssettag $0x0;
	lr =	simm.s32 $0x1  }
0x2: {  	[smem:$0x3F9B] =	sst lr;
	_ =	strace $0xD0000000  }
0x3: {  	_ = 	snop  }
0x4: {  	_ = 	snop  }
0x5: {  	_ = 	snop  }
0x6: {  	_ = 	snop  }
0x7: {  	_ = 	snop  }
__scs_overlays_trampoline_lowered:
0x8: {  	[smem:$0x3FAA] =	sst s0  }
0x9: {  	[smem:$0x3FAB] =	sst s1  }
0xa: {  	[smem:$0x3FAC] =	sst s2  }
0xb: {  	[smem:$0x3FAD] =	sst s3  }
0xc: {  	[smem:$0x3FAE] =	sst s4  }
0xd: {  	[smem:$0x3FAF] =	sst s5  }
0xe: {  	[smem:$0x3FB0] =	sst s6  }
0xf: {  	[smem:$0x3FB1] =	sst s7  }
0x10: {  	[smem:$0x3FB2] =	sst s8  }
0x11: {  	[smem:$0x3FB3] =	sst s9;
	s0 =	simm.s32 @!p0 $0x0  }
0x12: {  	s1 =	sld [smem:$0x3F99];
	s0 =	simm.s32 @p0 $0x1  }
0x13: {  	[smem:$0x3FB4] =	sst s0;
	s0 =	simm.s32 @!p1 $0x0  }
0x14: {  	s2 =	sld [smem:$0x3F98];
	s0 =	simm.s32 @p1 $0x1  }
0x15: {  	[smem:$0x3FB5] =	sst s0;
	s0 =	simm.s32 @!p2 $0x0  }
0x16: {  	s3 =	sld [smem:$0x3FDB];
	s0 =	simm.s32 @p2 $0x1  }
0x17: {  	s4 =	simm.s32 $0x1BF5;
	[smem:$0x3FB7] =	sst s0  }
0x18: {  	s0 =	sld [smem:$0x3F9A];
	_ =	swait.ge [sflag:s4], $0x0  }
0x19: {  	s7 =	sld [smem:$0x3F9B]  }
0x1a: {  	s8 =	sadd.s32 $0xFFFFE003, lr  }
0x1b: {  	s9 =	sadd.s32 $0xFFFFFEF7, lr;
	s5 =	simm.s32 $0xFFFFFFFF;
	p2 =	slt.u32 s8, $0xFFFFF086  }
0x1c: {  	p1 =	slt.u32 s9, $0xF7A;
	s5 =	simm.s32 @!p2 $0x0  }
0x1d: {  	s5 =	simm.s32 @p1 $0x1;
	p0 =	seq.s32 s7, s2  }
0x1e: {  	s7 =	smul.u32 @!p0 $0xF7A, s2;
	p2 =	seq.s32 @!p0 s5, $0x0  }
0x1f: {  	s9 =	smul.u32 $0xF7A, s1;
	s8 =	simm.s32 @!p0 $0x1BF5;
	p2 =	por !p2, p0  }
0x20: {  	[sflag:s8] =	ssyncset.s32 @!p0 $0xFFFFF086;
	s6 =	sadd.s32 @!p0 s3, s7;
	s7 =	simm.s32 @!p0 $0x108  }
0x21: {  	s3 =	sadd.s32 s3, s9;
	s6 =	sadd.s32 @!p0 $0x88, s6;
	s7 =	simm.s32 @p2 $0x1082  }
0x22: {  	[simem:s7], [sflag:s8] =	dma.local @!p0 [hbm:s6], $0xF7A  }
0x23: {  	s9 =	sor.u32 $0xD0000000, s2;
	s6 =	simm.s32 $0x108;
	_ =	swait.ge @!p0 [sflag:s8], $0x0  }
0x24: {  	s3 =	sadd.s32 $0x88, s3;
	s6 =	simm.s32 @!p1 $0x1082;
	[sflag:s4] =	ssyncset.s32 $0xFFFFF086  }
0x25: {  	[simem:s6], [sflag:s4] =	dma.local [hbm:s3], $0xF7A  }
0x26: {  	[smem:$0x3F9B] =	sst s1;
	(tag) =	ssettag s2;
	_ =	strace s9  }
0x27: {  	s1 =	sld [smem:$0x3FAB]  }
0x28: {  	s2 =	sld [smem:$0x3FAC]  }
0x29: {  	s4 =	sld [smem:$0x3FAE]  }
0x2a: {  	p0 =	seq.s32 s5, $0x0;
	s5 =	sld [smem:$0x3FAF]  }
0x2b: {  	s6 =	sld [smem:$0x3FB0]  }
0x2c: {  	s7 =	sld [smem:$0x3FB1]  }
0x2d: {  	s3 =	simm.s32 $0x108;
	s8 =	sld [smem:$0x3FB2]  }
0x2e: {  	s3 =	simm.s32 @!p0 $0x1082;
	s9 =	sld [smem:$0x3FB3]  }
0x2f: {  	lr =	sadd.s32 s0, s3;
	s0 =	sld [smem:$0x3FAA]  }
0x30: {  	s3 =	sld [smem:$0x3FAD]  }
0x31: {  	[smem:$0x3FB6] =	sst s10  }
0x32: {  	s10 =	sld [smem:$0x3FB4];
	_ =	sdelay $0x3  }
0x33: {  	p0 =	seq.s32 s10, $0x1;
	s10 =	sld [smem:$0x3FB6];
	_ =	sdelay $0x3  }
0x34: {  	[smem:$0x3FB6] =	sst s10  }
0x35: {  	s10 =	sld [smem:$0x3FB5];
	_ =	sdelay $0x3  }
0x36: {  	p1 =	seq.s32 s10, $0x1;
	s10 =	sld [smem:$0x3FB6];
	_ =	sdelay $0x3  }
0x37: {  	[smem:$0x3FB6] =	sst s10  }
0x38: {  	s10 =	sld [smem:$0x3FB7]  }
0x39: {  	_ = 	snop;
	(pc) =	sbr.ind lr, $3  }
0x3a: {  	_ = 	snop  }
0x3b: {  	_ = 	snop  }
0x3c: {  	p2 =	seq.s32 s10, $0x1;
	s10 =	sld [smem:$0x3FB6]  }
0x3d: {  	_ =	shalt  }
0x3e: {  	_ =	shalt  }
0x3f: {  	_ =	shalt  }
0x40: {  	_ =	shalt  }
0x41: {  	_ =	shalt  }
0x42: {  	_ =	shalt  }
0x43: {  	_ =	shalt  }
0x44: {  	_ =	shalt  }
0x45: {  	_ =	shalt  }
0x46: {  	_ =	shalt  }
0x47: {  	_ =	shalt  }
0x48: {  	_ =	shalt  }
0x49: {  	_ =	shalt  }
0x4a: {  	_ =	shalt  }
0x4b: {  	_ =	shalt  }
0x4c: {  	_ =	shalt  }
0x4d: {  	_ =	shalt  }
0x4e: {  	_ =	shalt  }
0x4f: {  	_ =	shalt  }
0x50: {  	_ =	shalt  }
0x51: {  	_ =	shalt  }
0x52: {  	_ =	shalt  }
0x53: {  	_ =	shalt  }
0x54: {  	_ =	shalt  }
0x55: {  	_ =	shalt  }
0x56: {  	_ =	shalt  }
0x57: {  	_ =	shalt  }
0x58: {  	_ =	shalt  }
0x59: {  	_ =	shalt  }
0x5a: {  	_ =	shalt  }
0x5b: {  	_ =	shalt  }
0x5c: {  	_ =	shalt  }
0x5d: {  	_ =	shalt  }
0x5e: {  	_ =	shalt  }
0x5f: {  	_ =	shalt  }
0x60: {  	_ =	shalt  }
0x61: {  	_ =	shalt  }
0x62: {  	_ =	shalt  }
0x63: {  	_ =	shalt  }
0x64: {  	_ =	shalt  }
0x65: {  	_ =	shalt  }
0x66: {  	_ =	shalt  }
0x67: {  	_ =	shalt  }
0x68: {  	_ =	shalt  }
0x69: {  	_ =	shalt  }
0x6a: {  	_ =	shalt  }
0x6b: {  	_ =	shalt  }
0x6c: {  	_ =	shalt  }
0x6d: {  	_ =	shalt  }
0x6e: {  	_ =	shalt  }
0x6f: {  	_ =	shalt  }
0x70: {  	_ =	shalt  }
0x71: {  	_ =	shalt  }
0x72: {  	_ =	shalt  }
0x73: {  	_ =	shalt  }
0x74: {  	_ =	shalt  }
0x75: {  	_ =	shalt  }
0x76: {  	_ =	shalt  }
0x77: {  	_ =	shalt  }
0x78: {  	_ =	shalt  }
0x79: {  	_ =	shalt  }
0x7a: {  	_ =	shalt  }
0x7b: {  	_ =	shalt  }
0x7c: {  	_ =	shalt  }
0x7d: {  	_ =	shalt  }
0x7e: {  	_ =	shalt  }
0x7f: {  	_ =	shalt  }
0x80: {  	_ =	shalt  }
0x81: {  	_ =	shalt  }
0x82: {  	_ =	shalt  }
0x83: {  	_ =	shalt  }
0x84: {  	_ =	shalt  }
0x85: {  	_ =	shalt  }
0x86: {  	_ =	shalt  }
0x87: {  	_ =	shalt  }
.Lfunc_end0:
.L_simem_size_0:
called_computation_lowered:
.L_overlay_start_0:
0x88: {  	s2 =	sld [smem:$0x3FD9]  }
0x89: {  	s3 =	sld [smem:$0x3FFE];
	_ =	sdelay $0x1  }
0x8a: {  	s1 =	srdreg.scid  }
0x8b: {  	s0 =	sand.u32 $0x1, s1  }
0x8c: {  	s17 =	sshll.u32 s0, $0xA;
	s2 =	sadd.s32 s3, s2  }
0x8d: {  	s2 =	sadd.s32 s2, s17  }
0x8e: {  	[smem:$0x3FC2] =	sst s2  }
0x8f: {  	_ = 	snop  }
0x90: {  	s2 =	sld [smem:$0x3FC9];
	(tm) =	ssettm $0x1  }
0x91: {  	s18 =	sld [smem:$0x3FFB];
	_ =	sdelay $0x3  }
0x92: {  	_ =	strace s18  }
0x93: {  	s3 =	sld [smem:$0x3FFC];
	_ =	sdelay $0x3  }
0x94: {  	_ =	strace s3  }
0x95: {  	s3 =	sld [smem:$0x3FFD];
	_ =	sdelay $0x3  }
0x96: {  	_ =	strace s3  }
0x97: {  	_ =	strace $0x8FFFFFFF  }
0x98: {  	s19 =	sld [smem:$0x3FDB];
	_ =	sdelay $0x1  }
0x99: {  	s4 =	simm.s32 $_scs_section_size  }
0x9a: {  	s5 =	simm.s32 $_size__tile_overlayer_lowered;
	s6 =	simm.s32 $_tile_overlayer_lowered  }
0x9b: {  	s22 =	simm.s32 $0x1BFF;
	s21 =	sshll.u32 s6, $0x1;
	s3 =	sadd.s32 s4, s19  }
0x9c: {  	s7 =	simm.s32 $0x0;
	s20 =	sshll.u32 s5, $0x1;
	s5 =	sadd.s32 s21, s3  }
0x9d: {  	[timem:s7], [sflag:s22] =	dma.local [hbm:s5], s20  }
0x9e: {  	_ =	swait.ge [sflag:s22], s20  }
0x9f: {  	s4 =	ssub.s32 $0x0, s20;
	[sflag:s22] =	ssyncset.done $0x0  }
0xa0: {  	[sflag:s22] =	ssyncadd.s32 s4;
	_ =	sdelay $0x1  }
0xa1: {  	s23 =	simm.s32 $0x1B8B  }
0xa2: {  	_ =	swait.ge [sflag:s23], $0x1  }
0xa3: {  	[sflag:s23] =	ssyncset.done $0x0  }
0xa4: {  	s25 =	simm.s32 $0x1B8E;
	s24 =	sld [smem:$0x3FFE];
	[sflag:s23] =	ssyncadd.s32 $0xFFFFFFFF  }
0xa5: {  	s26 =	simm.s32 $execute0_lowered;
	[smem:$0x3FD2] =	sst s25  }
0xa6: {  	s5 =	sshll.u32 s26, $0x1;
	_ =	strace $0x80000046;
	[dreg:$0x1] =	wrdreg $0xFFFFFFFF  }
0xa7: {  	s28 =	simm.s32 $_size_execute0_lowered;
	s3 =	sadd.s32 s3, s5;
	[dreg:$0x0] =	wrdreg $0x0  }
0xa8: {  	s5 =	sshll.u32 s28, $0x1;
	[dreg:$0x2] =	wrdreg s3  }
0xa9: {  	[dreg:$0x3] =	wrdreg s5  }
0xaa: {  	[dreg:$0x4] =	wrdreg $0xC0  }
0xab: {  	_ =	task [dreg:s7], $0x5FFFF  }
0xac: {  	[dreg:$0x1] =	wrdreg $0xFFFFFFFF  }
0xad: {  	[dreg:$0x0] =	wrdreg $0x60  }
0xae: {  	[dreg:$0x2] =	wrdreg s2  }
0xaf: {  	[dreg:$0x3] =	wrdreg s24  }
0xb0: {  	[dreg:$0x4] =	wrdreg $0x0  }
0xb1: {  	[dreg:$0x5] =	wrdreg $0x9  }
0xb2: {  	_ =	task.clear_ibuf [dreg:s7], $0x6FFFF;
	_ =	strace $0x90000046  }
0xb3: {  	s29 =	simm.s32 $0x9;
	_ =	strace $0x80000048  }
0xb4: {  	_ =	swait.ge [sflag:s29], $0x1  }
0xb5: {  	[sflag:s29] =	ssyncadd.s32 $0xFFFFFFFF  }
0xb6: {  	_ =	strace $0x90000048  }
0xb7: {  	_ =	sfence  }
0xb8: {  	s30 =	sld [smem:$0x0];
	_ =	sdelay $0x2  }
0xb9: {  	s31 =	sshll.u32 s1, $0xD;
	s1 =	sshrl.u32 s1, $0x2  }
0xba: {  	s3 =	sand.u32 $0x4000, s31;
	s1 =	sadd.s32 s1, s30  }
0xbb: {  	s0 =	sor.u32 s3, s0;
	s1 =	sshll.u32 s1, $0x11  }
0xbc: {  	s0 =	sor.u32 s1, s0  }
0xbd: {  	s0 =	sadd.s32 $0x8F2B, s0  }
0xbe: {  	[sflag:s0] =	ssyncadd.remote.s32 $0x1  }
0xbf: {  	_ =	sfence.sel $0xFFFF  }
0xc0: {  	[dreg:$0x0] =	wrdreg $0xFFFFFFFF;
	(pc) =	sbr.abs _section_cstart, $3  }
0xc1: {  	[dreg:$0x1] =	wrdreg $0xFFFFFFFF  }
0xc2: {  	_ =	task.clear_ibuf [dreg:s7], $0x2FFFF;
	_ =	strace $0x9FFFFFFF  }
0xc3: {  	(tm) =	ssettm $0x7FFFFFFF  }
tec
execute0_lowered:
.L_overlay_start_1:
0x0: {  	(tag) =	ssettag $0x1  }
0x1: {  	s1 =	rddreg [dreg:$0x0]  }
0x2: {  	s0 =	srdreg.scid;
	s2 =	rddreg [dreg:$0x1]  }
0x3: {  	s8 =	stileid.u32;
	s30 =	rddreg [dreg:$0x2];
	s7 =	simm.s32 $0x0  }
0x4: {  	s15 =	simm.s32 $0x11;
	s18 =	simm.s32 $0x10;
	s5 =	smul.u32 $0x5000, s8  }
0x5: {  	s3 =	simm.s32 $0x15D00;
	s14 =	simm.s32 $0x4;
	s6 =	smul.u32 $0x9E00, s8  }
0x6: {  	s9 =	simm.s32 $0x6;
	s10 =	simm.s32 $0x7;
	s21 =	smul.u32 $0x9E0, s8  }
0x7: {  	s11 =	simm.s32 $0x8;
	s0 =	sand.u32 $0x1, s0;
	s8 =	smul.u32 $0x27800, s8  }
0x8: {  	s12 =	simm.s32 $0x80;
	s13 =	simm.s32 $0x9;
	s4 =	smul.u32 $0x50000, s0  }
0x9: {  	s29 =	simm.s32 $0xF;
	[smem:$0x7FF] =	sst s7;
	s20 =	smul.u32 $0x9E000, s0  }
0xa: {  	_ =	strace $0x80000047;
	s0 =	ssub.s32 $0x2, s0;
	s7 =	sadd.s32 s21, s2  }
0xb: {  	s22 =	sshrl.u32 s0, $0x1;
	s8 =	sshrl.u32 s8, $0x2;
	s25 =	sadd.s32 s6, s30  }
0xc: {  	s4 =	sadd.s32 s5, s4;
	s5 =	sadd.s32 s6, s20;
	s0 =	ssub.s32 s0, s22  }
0xd: {  	s23 =	sadd.s32 s8, s30;
	s24 =	sadd.s32 $0x3000, s7;
	[dreg:$0x6] =	wrdreg s25  }
0xe: {  	s6 =	simm.s32 $0x3;
	s8 =	simm.s32 $0x5;
	s7 =	simm.s32 $0xA  }
0xf: {  	s20 =	simm.s32 $0xB;
	s22 =	simm.s32 $0xC;
	s4 =	sshrl.u32 s4, $0x3  }
0x10: {  	s5 =	sshrl.u32 s5, $0x3;
	[dreg:$0x5] =	wrdreg s24;
	s26 =	sadd.s32 $0x2000, s23  }
0x11: {  	s28 =	sadd.s32 $0x4000, s23;
	s31 =	sadd.s32 $0x6000, s23;
	[dreg:$0x7] =	wrdreg s26  }
0x12: {  	s0 =	smax.u32 s0, $0x1;
	s24 =	simm.s32 $0xD;
	[dreg:$0x8] =	wrdreg s28  }
0x13: {  	s4 =	sadd.s32 s4, s2;
	s2 =	sadd.s32 s5, s2;
	[dreg:$0x9] =	wrdreg s31  }
0x14: {  	[dreg:$0xc] =	wrdreg s0;
	s5 =	simm.s32 $0x2;
	s4 =	sadd.s32 $0xCE00, s4  }
0x15: {  	s26 =	simm.s32 $0xE;
	s2 =	sadd.s32 $0x20E00, s2;
	[dreg:$0x4] =	wrdreg s4  }
0x16: {  	s0 =	simm.s32 $0x0;
	s4 =	sadd.s32 $0x8000, s23;
	[dreg:$0xb] =	wrdreg s2  }
0x17: {  	v0 =	vimm.f32 $0.0e+00;
	s2 =	simm.s32 $0x13D00;
	[dreg:$0xa] =	wrdreg s4;
	s4 =	simm.s32 $0x1  }
.LBB2_1:
0x18: {  	[dreg:$0xd] =	wrdreg s0  }
0x19: {  	s16 =	simm.s32 $0x0;
	s25 =	rddreg [dreg:$0x4];
	s31 =	simm.s32 $0x9E00  }
0x1a: {  	[tilespmem:s31], [sflag:$0x11] =	stream.linear.gather [hbm4b:s25+s16], $0x5000, $0x38;
	[tilespmem:$0x17D00] =	vst v63  }
0x1b: {  	_ =	swait.ge [sflag:s15], $0x5000  }
0x1c: {  	[sflag:s15] =	ssyncset.done $0x0  }
0x1d: {  	s31 =	simm.s32 $0xEE00;
	s28 =	rddreg [dreg:$0x5];
	[sflag:s15] =	ssyncadd.s32 $0xFFFFB000  }
0x1e: {  	[tilespmem:s31], [sflag:$0x11] =	stream.linear.gather [hbm4b:s28+s16], $0x4F00, $0x38;
	[tilespmem:$0x17D00] =	vst v63  }
0x1f: {  	_ =	swait.ge [sflag:s15], $0x4F00  }
0x20: {  	[sflag:s15] =	ssyncset.done $0x0  }
0x21: {  	s31 =	simm.s32 $0x100;
	s16 =	simm.s32 $0x0;
	[sflag:s15] =	ssyncadd.s32 $0xFFFFB100  }
.LBB2_2:
0x22: {  	p0 =	sne.s32 s31, $0x7F00;
	[tilespmem:s16+$0x13D30] =	vst v0;
	s25 =	smov.u32 s31;
	s31 =	sadd.s32 $0x100, s31  }
.Ltmp0:
0x23: {  	[tilespmem:s16+$0x13D20] =	vst v0;
	(pc) =	sbr.rel @p0 .LBB2_2-.Ltmp0, $3  }
0x24: {  	[tilespmem:s16+$0x13D00] =	vst v0  }
0x25: {  	[tilespmem:s16+$0x13D10] =	vst v0;
	_ =	sdelay $0x1  }
0x26: {  	s16 =	sshra.s32 s25, $0x2  }
0x27: {  	[tilespmem:s16+$0x13D30] =	vst v0  }
0x28: {  	[tilespmem:s16+$0x13D20] =	vst v0  }
0x29: {  	[tilespmem:s16+$0x13D00] =	vst v0  }
0x2a: {  	[tilespmem:s16+$0x13D10] =	vst v0;
	s19 =	rddreg [dreg:$0x6]  }
0x2b: {  	[spmem:s19] =	stream.linear.scatter [tilespmem:s2], [sflag:$0x11], $0x2000, $0x38;
	[tilespmem:$0x17D00] =	vst v63  }
0x2c: {  	_ =	swait.ge [sflag:s15], $0x2000  }
0x2d: {  	[sflag:s15] =	ssyncset.done $0x0  }
0x2e: {  	s21 =	rddreg [dreg:$0x7];
	[sflag:s15] =	ssyncadd.s32 $0xFFFFE000  }
0x2f: {  	[spmem:s21] =	stream.linear.scatter [tilespmem:s2], [sflag:$0x11], $0x2000, $0x38;
	[tilespmem:$0x17D00] =	vst v63  }
0x30: {  	_ =	swait.ge [sflag:s15], $0x2000  }
0x31: {  	[sflag:s15] =	ssyncset.done $0x0  }
0x32: {  	s23 =	rddreg [dreg:$0x8];
	[sflag:s15] =	ssyncadd.s32 $0xFFFFE000  }
0x33: {  	[spmem:s23] =	stream.linear.scatter [tilespmem:s2], [sflag:$0x11], $0x2000, $0x38;
	[tilespmem:$0x17D00] =	vst v63  }
0x34: {  	_ =	swait.ge [sflag:s15], $0x2000  }
0x35: {  	[sflag:s15] =	ssyncset.done $0x0  }
0x36: {  	s25 =	rddreg [dreg:$0x9];
	[sflag:s15] =	ssyncadd.s32 $0xFFFFE000  }
0x37: {  	[spmem:s25] =	stream.linear.scatter [tilespmem:s2], [sflag:$0x11], $0x2000, $0x38;
	[tilespmem:$0x17D00] =	vst v63  }
0x38: {  	_ =	swait.ge [sflag:s15], $0x2000  }
0x39: {  	[sflag:s15] =	ssyncset.done $0x0  }
0x3a: {  	s28 =	rddreg [dreg:$0xa];
	[sflag:s15] =	ssyncadd.s32 $0xFFFFE000  }
0x3b: {  	[spmem:s28] =	stream.linear.scatter [tilespmem:s2], [sflag:$0x11], $0x1E00, $0x38;
	[tilespmem:$0x17D00] =	vst v63  }
0x3c: {  	_ =	swait.ge [sflag:s15], $0x1E00  }
0x3d: {  	[sflag:s15] =	ssyncset.done $0x0  }
0x3e: {  	[sflag:s15] =	ssyncadd.s32 $0xFFFFE200  }
0x3f: {  	s0 =	simm.s32 $0x9E00;
	[bflag:$0x0] =	sbarrier.arrive $0xFFFF  }
0x40: {  	[tilespmem:s2], [sflag:$0x1] =	stream.indirect.gather [hbm4b:s1+s18], $0x40, s0, s18, $0xb8;
	[tilespmem:$0x17D00] =	vst v63  }
0x41: {  	s17 =	simm.s32 $0x9E10;
	s31 =	simm.s32 $0x14100  }
0x42: {  	[tilespmem:s31], [sflag:$0x2] =	stream.indirect.gather [hbm4b:s1+s18], $0x40, s17, s18, $0xb8;
	[tilespmem:$0x17D00] =	vst v63  }
0x43: {  	s19 =	simm.s32 $0x9E20;
	s0 =	simm.s32 $0x14500  }
0x44: {  	[tilespmem:s0], [sflag:$0x3] =	stream.indirect.gather [hbm4b:s1+s18], $0x40, s19, s18, $0xb8;
	[tilespmem:$0x17D00] =	vst v63  }
0x45: {  	s21 =	simm.s32 $0x9E30;
	s23 =	simm.s32 $0x14900  }
0x46: {  	[tilespmem:s23], [sflag:$0x4] =	stream.indirect.gather [hbm4b:s1+s18], $0x40, s21, s18, $0xb8;
	[tilespmem:$0x17D00] =	vst v63  }
0x47: {  	s25 =	simm.s32 $0x9E40;
	s28 =	simm.s32 $0x14D00  }
0x48: {  	[tilespmem:s28], [sflag:$0x5] =	stream.indirect.gather [hbm4b:s1+s18], $0x40, s25, s18, $0xb8;
	[tilespmem:$0x17D00] =	vst v63  }
0x49: {  	s21 =	simm.s32 $0x9E50;
	s23 =	simm.s32 $0x15100  }
0x4a: {  	[tilespmem:s23], [sflag:$0x6] =	stream.indirect.gather [hbm4b:s1+s18], $0x40, s21, s18, $0xb8;
	[tilespmem:$0x17D00] =	vst v63  }
0x4b: {  	s25 =	simm.s32 $0x9E60;
	s28 =	simm.s32 $0x15500  }
0x4c: {  	[tilespmem:s28], [sflag:$0x7] =	stream.indirect.gather [hbm4b:s1+s18], $0x40, s25, s18, $0xb8;
	[tilespmem:$0x17D00] =	vst v63  }
0x4d: {  	s21 =	simm.s32 $0x9E70;
	s28 =	simm.s32 $0x15900  }
0x4e: {  	[tilespmem:s28], [sflag:$0x8] =	stream.indirect.gather [hbm4b:s1+s18], $0x40, s21, s18, $0xb8;
	[tilespmem:$0x17D00] =	vst v63  }
0x4f: {  	s23 =	simm.s32 $0x9E80  }
0x50: {  	[tilespmem:s3], [sflag:$0x9] =	stream.indirect.gather [hbm4b:s1+s18], $0x40, s23, s18, $0xb8;
	[tilespmem:$0x17D00] =	vst v63  }
0x51: {  	s25 =	simm.s32 $0x9E90;
	s21 =	simm.s32 $0x16100  }
0x52: {  	[tilespmem:s21], [sflag:$0xA] =	stream.indirect.gather [hbm4b:s1+s18], $0x40, s25, s18, $0xb8;
	[tilespmem:$0x17D00] =	vst v63  }
0x53: {  	s0 =	simm.s32 $0x9EA0;
	s23 =	simm.s32 $0x16500  }
0x54: {  	[tilespmem:s23], [sflag:$0xB] =	stream.indirect.gather [hbm4b:s1+s18], $0x40, s0, s18, $0xb8;
	[tilespmem:$0x17D00] =	vst v63  }
0x55: {  	s25 =	simm.s32 $0x9EB0;
	s23 =	simm.s32 $0x16900  }
0x56: {  	[tilespmem:s23], [sflag:$0xC] =	stream.indirect.gather [hbm4b:s1+s18], $0x40, s25, s18, $0xb8;
	[tilespmem:$0x17D00] =	vst v63  }
0x57: {  	s0 =	simm.s32 $0x9EC0;
	s25 =	simm.s32 $0x16D00  }
0x58: {  	[tilespmem:s25], [sflag:$0xD] =	stream.indirect.gather [hbm4b:s1+s18], $0x40, s0, s18, $0xb8;
	[tilespmem:$0x17D00] =	vst v63  }
0x59: {  	s0 =	simm.s32 $0x9ED0;
	s25 =	simm.s32 $0x17100  }
0x5a: {  	[tilespmem:s25], [sflag:$0xE] =	stream.indirect.gather [hbm4b:s1+s18], $0x40, s0, s18, $0xb8;
	[tilespmem:$0x17D00] =	vst v63  }
0x5b: {  	s0 =	simm.s32 $0x9EE0;
	s25 =	simm.s32 $0x17500  }
0x5c: {  	[tilespmem:s25], [sflag:$0xF] =	stream.indirect.gather [hbm4b:s1+s18], $0x40, s0, s18, $0xb8;
	[tilespmem:$0x17D00] =	vst v63  }
0x5d: {  	s0 =	simm.s32 $0x9EF0;
	s25 =	simm.s32 $0x17900  }
0x5e: {  	[tilespmem:s25], [sflag:$0x10] =	stream.indirect.gather [hbm4b:s1+s18], $0x40, s0, s18, $0xb8;
	[tilespmem:$0x17D00] =	vst v63  }
0x5f: {  	_ =	swait.ge [sflag:s4], $0x400  }
0x60: {  	[sflag:s4] =	ssyncset.done $0x0  }
0x61: {  	[sflag:s4] =	ssyncadd.s32 $0xFFFFFC00  }
0x62: {  	_ =	swait.ge [sflag:s5], $0x400  }
0x63: {  	[sflag:s5] =	ssyncset.done $0x0  }
0x64: {  	[sflag:s5] =	ssyncadd.s32 $0xFFFFFC00  }
0x65: {  	_ =	swait.ge [sflag:s6], $0x400  }
0x66: {  	[sflag:s6] =	ssyncset.done $0x0  }
0x67: {  	[sflag:s6] =	ssyncadd.s32 $0xFFFFFC00  }
0x68: {  	_ =	swait.ge [sflag:s14], $0x400  }
0x69: {  	[sflag:s14] =	ssyncset.done $0x0  }
0x6a: {  	[sflag:s14] =	ssyncadd.s32 $0xFFFFFC00  }
0x6b: {  	_ =	swait.ge [sflag:s8], $0x400  }
0x6c: {  	[sflag:s8] =	ssyncset.done $0x0  }
0x6d: {  	[sflag:s8] =	ssyncadd.s32 $0xFFFFFC00  }
0x6e: {  	_ =	swait.ge [sflag:s9], $0x400  }
0x6f: {  	[sflag:s9] =	ssyncset.done $0x0  }
0x70: {  	[sflag:s9] =	ssyncadd.s32 $0xFFFFFC00  }
0x71: {  	_ =	swait.ge [sflag:s10], $0x400  }
0x72: {  	[sflag:s10] =	ssyncset.done $0x0  }
0x73: {  	[sflag:s10] =	ssyncadd.s32 $0xFFFFFC00  }
0x74: {  	_ =	swait.ge [sflag:s11], $0x400  }
0x75: {  	[sflag:s11] =	ssyncset.done $0x0  }
0x76: {  	s0 =	simm.s32 $0xEE00;
	[sflag:s11] =	ssyncadd.s32 $0xFFFFFC00  }
0x77: {  	[spmem:s30] =	stream.indirect.scatter.add.f32 [tilespmem:s2], [sflag:$0x11], $0x40, s0, s12, $0xb8;
	[tilespmem:$0x17D00] =	vst v63  }
0x78: {  	_ =	swait.ge [sflag:s15], $0x2000  }
0x79: {  	[sflag:s15] =	ssyncset.done $0x0  }
0x7a: {  	s0 =	simm.s32 $0x9F00;
	[sflag:s15] =	ssyncadd.s32 $0xFFFFE000  }
0x7b: {  	[tilespmem:s2], [sflag:$0x1] =	stream.indirect.gather [hbm4b:s1+s18], $0x40, s0, s18, $0xb8;
	[tilespmem:$0x17D00] =	vst v63  }
0x7c: {  	s2 =	simm.s32 $0x9F10  }
0x7d: {  	[tilespmem:s31], [sflag:$0x2] =	stream.indirect.gather [hbm4b:s1+s18], $0x40, s2, s18, $0xb8;
	[tilespmem:$0x17D00] =	vst v63  }
0x7e: {  	s17 =	simm.s32 $0x14500;
	s0 =	simm.s32 $0x9F20  }
0x7f: {  	[tilespmem:s17], [sflag:$0x3] =	stream.indirect.gather [hbm4b:s1+s18], $0x40, s0, s18, $0xb8;
	[tilespmem:$0x17D00] =	vst v63  }
0x80: {  	s19 =	simm.s32 $0x14900;
	s2 =	simm.s32 $0x9F30  }
0x81: {  	[tilespmem:s19], [sflag:$0x4] =	stream.indirect.gather [hbm4b:s1+s18], $0x40, s2, s18, $0xb8;
	[tilespmem:$0x17D00] =	vst v63  }
0x82: {  	s17 =	simm.s32 $0x9F40;
	s19 =	simm.s32 $0x14D00  }
0x83: {  	[tilespmem:s19], [sflag:$0x5] =	stream.indirect.gather [hbm4b:s1+s18], $0x40, s17, s18, $0xb8;
	[tilespmem:$0x17D00] =	vst v63  }
0x84: {  	s0 =	simm.s32 $0x9F50;
	s2 =	simm.s32 $0x15100  }
0x85: {  	[tilespmem:s2], [sflag:$0x6] =	stream.indirect.gather [hbm4b:s1+s18], $0x40, s0, s18, $0xb8;
	[tilespmem:$0x17D00] =	vst v63  }
0x86: {  	s17 =	simm.s32 $0x9F60;
	s19 =	simm.s32 $0x15500  }
0x87: {  	[tilespmem:s19], [sflag:$0x7] =	stream.indirect.gather [hbm4b:s1+s18], $0x40, s17, s18, $0xb8;
	[tilespmem:$0x17D00] =	vst v63  }
0x88: {  	s2 =	simm.s32 $0x9F70  }
0x89: {  	[tilespmem:s28], [sflag:$0x8] =	stream.indirect.gather [hbm4b:s1+s18], $0x40, s2, s18, $0xb8;
	[tilespmem:$0x17D00] =	vst v63  }
0x8a: {  	_ =	swait.ge [sflag:s13], $0x400  }
0x8b: {  	[sflag:s13] =	ssyncset.done $0x0  }
0x8c: {  	[sflag:s13] =	ssyncadd.s32 $0xFFFFFC00  }
0x8d: {  	_ =	swait.ge [sflag:s7], $0x400  }
0x8e: {  	[sflag:s7] =	ssyncset.done $0x0  }
0x8f: {  	[sflag:s7] =	ssyncadd.s32 $0xFFFFFC00  }
0x90: {  	_ =	swait.ge [sflag:s20], $0x400  }
0x91: {  	[sflag:s20] =	ssyncset.done $0x0  }
0x92: {  	[sflag:s20] =	ssyncadd.s32 $0xFFFFFC00  }
0x93: {  	_ =	swait.ge [sflag:s22], $0x400  }
0x94: {  	[sflag:s22] =	ssyncset.done $0x0  }
0x95: {  	[sflag:s22] =	ssyncadd.s32 $0xFFFFFC00  }
0x96: {  	_ =	swait.ge [sflag:s24], $0x400  }
0x97: {  	[sflag:s24] =	ssyncset.done $0x0  }
0x98: {  	[sflag:s24] =	ssyncadd.s32 $0xFFFFFC00  }
0x99: {  	_ =	swait.ge [sflag:s26], $0x400  }
0x9a: {  	[sflag:s26] =	ssyncset.done $0x0  }
0x9b: {  	[sflag:s26] =	ssyncadd.s32 $0xFFFFFC00  }
0x9c: {  	_ =	swait.ge [sflag:s29], $0x400  }
0x9d: {  	[sflag:s29] =	ssyncset.done $0x0  }
0x9e: {  	[sflag:s29] =	ssyncadd.s32 $0xFFFFFC00  }
0x9f: {  	_ =	swait.ge [sflag:s18], $0x400  }
0xa0: {  	[sflag:s18] =	ssyncset.done $0x0  }
0xa1: {  	s17 =	simm.s32 $0xEE80;
	[sflag:s18] =	ssyncadd.s32 $0xFFFFFC00  }
0xa2: {  	[spmem:s30] =	stream.indirect.scatter.add.f32 [tilespmem:s3], [sflag:$0x11], $0x40, s17, s12, $0xb8;
	[tilespmem:$0x17D00] =	vst v63  }
0xa3: {  	_ =	swait.ge [sflag:s15], $0x2000  }
0xa4: {  	[sflag:s15] =	ssyncset.done $0x0  }
0xa5: {  	s19 =	simm.s32 $0x9F80;
	[sflag:s15] =	ssyncadd.s32 $0xFFFFE000  }
0xa6: {  	[tilespmem:s3], [sflag:$0x9] =	stream.indirect.gather [hbm4b:s1+s18], $0x40, s19, s18, $0xb8;
	[tilespmem:$0x17D00] =	vst v63  }
0xa7: {  	s28 =	simm.s32 $0x9F90  }
0xa8: {  	[tilespmem:s21], [sflag:$0xA] =	stream.indirect.gather [hbm4b:s1+s18], $0x40, s28, s18, $0xb8;
	[tilespmem:$0x17D00] =	vst v63  }
0xa9: {  	s16 =	simm.s32 $0x9FE0;
	s0 =	simm.s32 $0x9FA0;
	s3 =	simm.s32 $0x16500  }
0xaa: {  	[tilespmem:s3], [sflag:$0xB] =	stream.indirect.gather [hbm4b:s1+s18], $0x40, s0, s18, $0xb8;
	[tilespmem:$0x17D00] =	vst v63  }
0xab: {  	s31 =	simm.s32 $0x400;
	s2 =	simm.s32 $0x16500;
	s17 =	simm.s32 $0x9FB0  }
0xac: {  	[tilespmem:s23], [sflag:$0xC] =	stream.indirect.gather [hbm4b:s1+s18], $0x40, s17, s18, $0xb8;
	[tilespmem:$0x17D00] =	vst v63  }
0xad: {  	s19 =	simm.s32 $0x9FC0;
	s21 =	simm.s32 $0x13D00;
	s28 =	simm.s32 $0x16D00  }
0xae: {  	[tilespmem:s28], [sflag:$0xD] =	stream.indirect.gather [hbm4b:s1+s18], $0x40, s19, s18, $0xb8;
	[tilespmem:$0x17D00] =	vst v63  }
0xaf: {  	s0 =	simm.s32 $0x16900;
	s17 =	simm.s32 $0x9FD0;
	s28 =	simm.s32 $0x17100  }
0xb0: {  	[tilespmem:s28], [sflag:$0xE] =	stream.indirect.gather [hbm4b:s1+s18], $0x40, s17, s18, $0xb8;
	[tilespmem:$0x17D00] =	vst v63  }
0xb1: {  	s3 =	simm.s32 $0x16D00;
	s23 =	simm.s32 $0x15D00;
	s28 =	simm.s32 $0x17500  }
0xb2: {  	[tilespmem:s28], [sflag:$0xF] =	stream.indirect.gather [hbm4b:s1+s18], $0x40, s16, s18, $0xb8;
	[tilespmem:$0x17D00] =	vst v63  }
0xb3: {  	s19 =	simm.s32 $0x17100;
	s17 =	simm.s32 $0x17500;
	s16 =	simm.s32 $0x9FF0  }
.LBB2_4:
0xb4: {  	[tilespmem:s25], [sflag:$0x10] =	stream.indirect.gather [hbm4b:s1+s18], $0x40, s16, s18, $0xb8;
	[tilespmem:$0x17D00] =	vst v63  }
0xb5: {  	s16 =	smov.u32 s31  }
0xb6: {  	p0 =	sne.s32 s31, $0x13800;
	s31 =	sadd.s32 $0x400, s31;
	_ =	swait.ge [sflag:s4], $0x400  }
0xb7: {  	[sflag:s4] =	ssyncset.done $0x0  }
0xb8: {  	[sflag:s4] =	ssyncadd.s32 $0xFFFFFC00  }
0xb9: {  	_ =	swait.ge [sflag:s5], $0x400  }
0xba: {  	[sflag:s5] =	ssyncset.done $0x0  }
0xbb: {  	[sflag:s5] =	ssyncadd.s32 $0xFFFFFC00  }
0xbc: {  	_ =	swait.ge [sflag:s6], $0x400  }
0xbd: {  	[sflag:s6] =	ssyncset.done $0x0  }
0xbe: {  	[sflag:s6] =	ssyncadd.s32 $0xFFFFFC00  }
0xbf: {  	_ =	swait.ge [sflag:s14], $0x400  }
0xc0: {  	[sflag:s14] =	ssyncset.done $0x0  }
0xc1: {  	[sflag:s14] =	ssyncadd.s32 $0xFFFFFC00  }
0xc2: {  	_ =	swait.ge [sflag:s8], $0x400  }
0xc3: {  	[sflag:s8] =	ssyncset.done $0x0  }
0xc4: {  	[sflag:s8] =	ssyncadd.s32 $0xFFFFFC00  }
0xc5: {  	_ =	swait.ge [sflag:s9], $0x400  }
0xc6: {  	[sflag:s9] =	ssyncset.done $0x0  }
0xc7: {  	[sflag:s9] =	ssyncadd.s32 $0xFFFFFC00  }
0xc8: {  	_ =	swait.ge [sflag:s10], $0x400  }
0xc9: {  	[sflag:s10] =	ssyncset.done $0x0  }
0xca: {  	[sflag:s10] =	ssyncadd.s32 $0xFFFFFC00  }
0xcb: {  	_ =	swait.ge [sflag:s11], $0x400  }
0xcc: {  	s16 =	sshra.s32 s16, $0x2;
	[sflag:s11] =	ssyncset.done $0x0  }
0xcd: {  	s25 =	sadd.s32 $0xEE00, s16;
	[sflag:s11] =	ssyncadd.s32 $0xFFFFFC00  }
0xce: {  	[spmem:s30] =	stream.indirect.scatter.add.f32 [tilespmem:s21], [sflag:$0x11], $0x40, s25, s12, $0xb8;
	[tilespmem:$0x17D00] =	vst v63  }
0xcf: {  	_ =	swait.ge [sflag:s15], $0x2000  }
0xd0: {  	[sflag:s15] =	ssyncset.done $0x0  }
0xd1: {  	s25 =	sadd.s32 $0x9F00, s16;
	[sflag:s15] =	ssyncadd.s32 $0xFFFFE000  }
0xd2: {  	[tilespmem:s21], [sflag:$0x1] =	stream.indirect.gather [hbm4b:s1+s18], $0x40, s25, s18, $0xb8;
	[tilespmem:$0x17D00] =	vst v63  }
0xd3: {  	s28 =	simm.s32 $0x14100;
	s25 =	sadd.s32 $0x9F10, s16  }
0xd4: {  	[tilespmem:s28], [sflag:$0x2] =	stream.indirect.gather [hbm4b:s1+s18], $0x40, s25, s18, $0xb8;
	[tilespmem:$0x17D00] =	vst v63  }
0xd5: {  	s25 =	sadd.s32 $0x9F20, s16;
	s28 =	simm.s32 $0x14500  }
0xd6: {  	[tilespmem:s28], [sflag:$0x3] =	stream.indirect.gather [hbm4b:s1+s18], $0x40, s25, s18, $0xb8;
	[tilespmem:$0x17D00] =	vst v63  }
0xd7: {  	s25 =	sadd.s32 $0x9F30, s16;
	s28 =	simm.s32 $0x14900  }
0xd8: {  	[tilespmem:s28], [sflag:$0x4] =	stream.indirect.gather [hbm4b:s1+s18], $0x40, s25, s18, $0xb8;
	[tilespmem:$0x17D00] =	vst v63  }
0xd9: {  	s25 =	sadd.s32 $0x9F40, s16;
	s28 =	simm.s32 $0x14D00  }
0xda: {  	[tilespmem:s28], [sflag:$0x5] =	stream.indirect.gather [hbm4b:s1+s18], $0x40, s25, s18, $0xb8;
	[tilespmem:$0x17D00] =	vst v63  }
0xdb: {  	s25 =	sadd.s32 $0x9F50, s16;
	s28 =	simm.s32 $0x15100  }
0xdc: {  	[tilespmem:s28], [sflag:$0x6] =	stream.indirect.gather [hbm4b:s1+s18], $0x40, s25, s18, $0xb8;
	[tilespmem:$0x17D00] =	vst v63  }
0xdd: {  	s25 =	sadd.s32 $0x9F60, s16;
	s28 =	simm.s32 $0x15500  }
0xde: {  	[tilespmem:s28], [sflag:$0x7] =	stream.indirect.gather [hbm4b:s1+s18], $0x40, s25, s18, $0xb8;
	[tilespmem:$0x17D00] =	vst v63  }
0xdf: {  	s25 =	sadd.s32 $0x9F70, s16;
	s28 =	simm.s32 $0x15900  }
0xe0: {  	[tilespmem:s28], [sflag:$0x8] =	stream.indirect.gather [hbm4b:s1+s18], $0x40, s25, s18, $0xb8;
	[tilespmem:$0x17D00] =	vst v63  }
0xe1: {  	_ =	swait.ge [sflag:s13], $0x400  }
0xe2: {  	[sflag:s13] =	ssyncset.done $0x0  }
0xe3: {  	[sflag:s13] =	ssyncadd.s32 $0xFFFFFC00  }
0xe4: {  	_ =	swait.ge [sflag:s7], $0x400  }
0xe5: {  	[sflag:s7] =	ssyncset.done $0x0  }
0xe6: {  	[sflag:s7] =	ssyncadd.s32 $0xFFFFFC00  }
0xe7: {  	_ =	swait.ge [sflag:s20], $0x400  }
0xe8: {  	[sflag:s20] =	ssyncset.done $0x0  }
0xe9: {  	[sflag:s20] =	ssyncadd.s32 $0xFFFFFC00  }
0xea: {  	_ =	swait.ge [sflag:s22], $0x400  }
0xeb: {  	[sflag:s22] =	ssyncset.done $0x0  }
0xec: {  	[sflag:s22] =	ssyncadd.s32 $0xFFFFFC00  }
0xed: {  	_ =	swait.ge [sflag:s24], $0x400  }
0xee: {  	[sflag:s24] =	ssyncset.done $0x0  }
0xef: {  	[sflag:s24] =	ssyncadd.s32 $0xFFFFFC00  }
0xf0: {  	_ =	swait.ge [sflag:s26], $0x400  }
0xf1: {  	[sflag:s26] =	ssyncset.done $0x0  }
0xf2: {  	[sflag:s26] =	ssyncadd.s32 $0xFFFFFC00  }
0xf3: {  	_ =	swait.ge [sflag:s29], $0x400  }
0xf4: {  	[sflag:s29] =	ssyncset.done $0x0  }
0xf5: {  	[sflag:s29] =	ssyncadd.s32 $0xFFFFFC00  }
0xf6: {  	_ =	swait.ge [sflag:s18], $0x400  }
0xf7: {  	[sflag:s18] =	ssyncset.done $0x0  }
0xf8: {  	s25 =	sadd.s32 $0xEE80, s16;
	[sflag:s18] =	ssyncadd.s32 $0xFFFFFC00  }
0xf9: {  	[spmem:s30] =	stream.indirect.scatter.add.f32 [tilespmem:s23], [sflag:$0x11], $0x40, s25, s12, $0xb8;
	[tilespmem:$0x17D00] =	vst v63  }
0xfa: {  	_ =	swait.ge [sflag:s15], $0x2000  }
0xfb: {  	[sflag:s15] =	ssyncset.done $0x0  }
0xfc: {  	s25 =	sadd.s32 $0x9F80, s16;
	[sflag:s15] =	ssyncadd.s32 $0xFFFFE000  }
0xfd: {  	[tilespmem:s23], [sflag:$0x9] =	stream.indirect.gather [hbm4b:s1+s18], $0x40, s25, s18, $0xb8;
	[tilespmem:$0x17D00] =	vst v63  }
0xfe: {  	s28 =	simm.s32 $0x16100;
	s25 =	sadd.s32 $0x9F90, s16  }
0xff: {  	[tilespmem:s28], [sflag:$0xA] =	stream.indirect.gather [hbm4b:s1+s18], $0x40, s25, s18, $0xb8;
	[tilespmem:$0x17D00] =	vst v63  }
0x100: {  	s25 =	sadd.s32 $0x9FA0, s16  }
0x101: {  	[tilespmem:s2], [sflag:$0xB] =	stream.indirect.gather [hbm4b:s1+s18], $0x40, s25, s18, $0xb8;
	[tilespmem:$0x17D00] =	vst v63  }
0x102: {  	s25 =	sadd.s32 $0x9FB0, s16  }
0x103: {  	[tilespmem:s0], [sflag:$0xC] =	stream.indirect.gather [hbm4b:s1+s18], $0x40, s25, s18, $0xb8;
	[tilespmem:$0x17D00] =	vst v63  }
0x104: {  	s25 =	sadd.s32 $0x9FC0, s16  }
0x105: {  	[tilespmem:s3], [sflag:$0xD] =	stream.indirect.gather [hbm4b:s1+s18], $0x40, s25, s18, $0xb8;
	[tilespmem:$0x17D00] =	vst v63  }
0x106: {  	s25 =	sadd.s32 $0x9FD0, s16  }
0x107: {  	[tilespmem:s19], [sflag:$0xE] =	stream.indirect.gather [hbm4b:s1+s18], $0x40, s25, s18, $0xb8;
	[tilespmem:$0x17D00] =	vst v63  }
.Ltmp1:
0x108: {  	_ = 	snop;
	(pc) =	sbr.rel @p0 .LBB2_4-.Ltmp1, $4  }
0x109: {  	s25 =	sadd.s32 $0x9FE0, s16  }
0x10a: {  	[tilespmem:s17], [sflag:$0xF] =	stream.indirect.gather [hbm4b:s1+s18], $0x40, s25, s18, $0xb8;
	[tilespmem:$0x17D00] =	vst v63  }
0x10b: {  	s25 =	simm.s32 $0x17900  }
0x10c: {  	s16 =	sadd.s32 $0x9FF0, s16  }
0x10d: {  	[tilespmem:s25], [sflag:$0x10] =	stream.indirect.gather [hbm4b:s1+s18], $0x40, s16, s18, $0xb8;
	[tilespmem:$0x17D00] =	vst v63  }
0x10e: {  	_ =	swait.ge [sflag:s4], $0x400  }
0x10f: {  	[sflag:s4] =	ssyncset.done $0x0  }
0x110: {  	[sflag:s4] =	ssyncadd.s32 $0xFFFFFC00  }
0x111: {  	_ =	swait.ge [sflag:s5], $0x400  }
0x112: {  	[sflag:s5] =	ssyncset.done $0x0  }
0x113: {  	[sflag:s5] =	ssyncadd.s32 $0xFFFFFC00  }
0x114: {  	_ =	swait.ge [sflag:s6], $0x400  }
0x115: {  	[sflag:s6] =	ssyncset.done $0x0  }
0x116: {  	[sflag:s6] =	ssyncadd.s32 $0xFFFFFC00  }
0x117: {  	_ =	swait.ge [sflag:s14], $0x400  }
0x118: {  	[sflag:s14] =	ssyncset.done $0x0  }
0x119: {  	[sflag:s14] =	ssyncadd.s32 $0xFFFFFC00  }
0x11a: {  	_ =	swait.ge [sflag:s8], $0x400  }
0x11b: {  	[sflag:s8] =	ssyncset.done $0x0  }
0x11c: {  	[sflag:s8] =	ssyncadd.s32 $0xFFFFFC00  }
0x11d: {  	_ =	swait.ge [sflag:s9], $0x400  }
0x11e: {  	[sflag:s9] =	ssyncset.done $0x0  }
0x11f: {  	[sflag:s9] =	ssyncadd.s32 $0xFFFFFC00  }
0x120: {  	_ =	swait.ge [sflag:s10], $0x400  }
0x121: {  	[sflag:s10] =	ssyncset.done $0x0  }
0x122: {  	[sflag:s10] =	ssyncadd.s32 $0xFFFFFC00  }
0x123: {  	_ =	swait.ge [sflag:s11], $0x400  }
0x124: {  	[sflag:s11] =	ssyncset.done $0x0  }
0x125: {  	[sflag:s11] =	ssyncadd.s32 $0xFFFFFC00  }
0x126: {  	_ =	swait.ge [sflag:s13], $0x400  }
0x127: {  	[sflag:s13] =	ssyncset.done $0x0  }
0x128: {  	[sflag:s13] =	ssyncadd.s32 $0xFFFFFC00  }
0x129: {  	_ =	swait.ge [sflag:s7], $0x400  }
0x12a: {  	[sflag:s7] =	ssyncset.done $0x0  }
0x12b: {  	[sflag:s7] =	ssyncadd.s32 $0xFFFFFC00  }
0x12c: {  	_ =	swait.ge [sflag:s20], $0x400  }
0x12d: {  	[sflag:s20] =	ssyncset.done $0x0  }
0x12e: {  	[sflag:s20] =	ssyncadd.s32 $0xFFFFFC00  }
0x12f: {  	_ =	swait.ge [sflag:s22], $0x400  }
0x130: {  	[sflag:s22] =	ssyncset.done $0x0  }
0x131: {  	[sflag:s22] =	ssyncadd.s32 $0xFFFFFC00  }
0x132: {  	_ =	swait.ge [sflag:s24], $0x400  }
0x133: {  	[sflag:s24] =	ssyncset.done $0x0  }
0x134: {  	[sflag:s24] =	ssyncadd.s32 $0xFFFFFC00  }
0x135: {  	_ =	swait.ge [sflag:s26], $0x400  }
0x136: {  	[sflag:s26] =	ssyncset.done $0x0  }
0x137: {  	[sflag:s26] =	ssyncadd.s32 $0xFFFFFC00  }
0x138: {  	_ =	swait.ge [sflag:s29], $0x400  }
0x139: {  	[sflag:s29] =	ssyncset.done $0x0  }
0x13a: {  	[sflag:s29] =	ssyncadd.s32 $0xFFFFFC00  }
0x13b: {  	_ =	swait.ge [sflag:s18], $0x400  }
0x13c: {  	[sflag:s18] =	ssyncset.done $0x0  }
0x13d: {  	[sflag:s18] =	ssyncadd.s32 $0xFFFFFC00  }
0x13e: {  	s25 =	stileid.u32;
	[bflag:$0x0] =	sbarrier.arrive $0xFFFF  }
0x13f: {  	s16 =	sshll.u32 s25, $0x6;
	s28 =	rddreg [dreg:$0x6]  }
0x140: {  	s16 =	sor.u32 $0x1C11, s16;
	s31 =	rddreg [dreg:$0xb];
	s25 =	sshrl.u32 s28, $0x3  }
0x141: {  	[hbm:s31], [sflag:s16] =	dma.local [spmem:s25], $0x13C0  }
0x142: {  	_ =	swait.ge [sflag:s15], $0x13C0  }
0x143: {  	s0 =	rddreg [dreg:$0xd]  }
0x144: {  	s31 =	rddreg [dreg:$0xc];
	s0 =	sadd.s32 $0x1, s0  }
0x145: {  	p0 =	sne.s32 s0, s31  }
.Ltmp2:
0x146: {  	_ = 	snop;
	(pc) =	sbr.rel @p0 .LBB2_1-.Ltmp2, $3  }
0x147: {  	_ =	sdelay $0x1  }
0x148: {  	[sflag:s15] =	ssyncset.done $0x0  }
0x149: {  	s2 =	simm.s32 $0x13D00;
	s3 =	simm.s32 $0x15D00;
	[sflag:s15] =	ssyncadd.s32 $0xFFFFEC40  }
0x14a: {  	_ =	sfence.sel $0x180000  }
0x14b: {  	[bflag:$0x0] =	sbarrier.arrive $0xFFFF  }
0x14c: {  	_ =	strace $0x90000047  }
0x14d: {  	s0 =	stileid.u32;
	[bflag:$0x2] =	sbarrier.arrive $0xFFFF  }
0x14e: {  	p0 =	sne.s32 s0, $0x0;
	s0 =	rddreg [dreg:$0x3]  }
0x14f: {  	s0 =	sadd.s32 @!p0 $0x100000, s0  }
0x150: {  	[sflag:s0] =	ssyncadd.tile.s32 @!p0 $0x1;
	_ =	shalt  }
.Lfunc_end2:
_tile_overlayer_lowered:
.L_overlay_start_2:
0x151: {  	(tag) =	ssettag $0x2  }
0x152: {  	s0 =	rddreg [dreg:$0x0];
	s2 =	stileid.u32  }
0x153: {  	s1 =	rddreg [dreg:$0x1];
	p0 =	sne.s32 s2, $0x0  }
0x154: {  	s3 =	rddreg [dreg:$0x2];
	[bflag:$0x3] =	sbarrier.arrive $0xFFFF;
	s2 =	simm.s32 @!p0 $0x1C11  }
0x155: {  	[timem:s3], [sflag:s2] =	dma.local @!p0 [hbm:s0], s1  }
0x156: {  	s0 =	simm.s32 @!p0 $0x11  }
0x157: {  	_ =	swait.ge @!p0 [sflag:s0], s1  }
0x158: {  	s1 =	ssub.s32 @!p0 $0x0, s1;
	[sflag:s0] =	ssyncset.done @!p0 $0x0  }
0x159: {  	[sflag:s0] =	ssyncadd.s32 @!p0 s1  }
0x15a: {  	[bflag:$0x3] =	sbarrier.arrive $0xFFFF  }
0x15b: {  	_ =	shalt  }

</sc_bundles>
